<compile_context>
chip_gen: v7x
topology: tpu7x:2x2x1
jax: 0.10.2.dev20260603
libtpu: 0.0.44.dev20260713+nightly
codegen_flags: <defaults>
</compile_context>

<pallas_src>
import functools
import numpy as np
import jax
import jax.numpy as jnp
from jax import lax
from jax.experimental import pallas as pl
from jax.experimental.pallas import tpu as pltpu
from jax.experimental.pallas import tpu_sc as plsc

_LEVEL_SIZES = [64, 32, 16, 8, 4]
_STRIDES = [8, 16, 32, 64, 128]
_C = 80
_B = 8
_N = sum(hw * hw for hw in _LEVEL_SIZES)
_ROWS = _N * _C // 128

_NPAD = 5504
_CHUNK = _NPAD // 4
_NVEC = _CHUNK // 16
_GPAD = 1408
_LN2 = float(np.log(2.0))


def _coords_np():
    xs, ys = [], []
    for hw, s in zip(_LEVEL_SIZES, _STRIDES):
        ii, jj = np.meshgrid(np.arange(hw), np.arange(hw), indexing="ij")
        xs.append((jj.reshape(-1) + 0.5) * s)
        ys.append((ii.reshape(-1) + 0.5) * s)
    return (np.concatenate(xs).astype(np.float32),
            np.concatenate(ys).astype(np.float32))


_XC_NP, _YC_NP = _coords_np()



def _neg_body(conf_ref, out_ref):
    c = jnp.clip(conf_ref[0], 1e-08, 0.99999999)
    s = jnp.sum(-0.75 * c * c * jnp.log(1.0 - c))
    out_ref[0, pl.program_id(0)] = s


def _neg_sums(confs_r):
    return pl.pallas_call(
        _neg_body,
        grid=(_B,),
        in_specs=[pl.BlockSpec((1, _ROWS, 128), lambda b: (b, 0, 0))],
        out_specs=pl.BlockSpec((1, _B), lambda b: (0, 0),
                               memory_space=pltpu.SMEM),
        out_shape=jax.ShapeDtypeStruct((1, _B), jnp.float32),
    )(confs_r)



def _softlog(x):
    bits = lax.bitcast_convert_type(x, jnp.int32)
    e = ((bits >> 23) - 127).astype(jnp.float32)
    m = lax.bitcast_convert_type((bits & 0x7FFFFF) | 0x3F800000, jnp.float32)
    r = (m - 1.0) / (m + 1.0)
    r2 = r * r
    p = r * (2.0 + r2 * (2.0 / 3.0 + r2 * (2.0 / 5.0 + r2 * (2.0 / 7.0))))
    return e * _LN2 + p


def _sc_body(conf_hbm, box8_hbm, cen_hbm, ctg_hbm, cls_hbm,
             posm_hbm, x_hbm, y_hbm, out_hbm,
             box8_s, cen_s, ctg_s, cls_s, posm_s, x_s, y_s,
             idx_s, gath_s, row_s, sem_a, sem_b):
    cid = lax.axis_index("c")
    sid = lax.axis_index("s")
    wid = cid * 16 + sid
    b = wid // 4
    slot = wid % 4
    abase = b * _NPAD + slot * _CHUNK

    copies = [
        pltpu.async_copy(box8_hbm.at[pl.ds(k * _B * _NPAD + abase, _CHUNK)],
                         box8_s.at[pl.ds(k * _CHUNK, _CHUNK)], sem_a)
        for k in range(8)
    ] + [
        pltpu.async_copy(cen_hbm.at[pl.ds(abase, _CHUNK)], cen_s, sem_a),
        pltpu.async_copy(ctg_hbm.at[pl.ds(abase, _CHUNK)], ctg_s, sem_a),
        pltpu.async_copy(cls_hbm.at[pl.ds(abase, _CHUNK)], cls_s, sem_a),
        pltpu.async_copy(posm_hbm.at[pl.ds(abase, _CHUNK)], posm_s, sem_a),
        pltpu.async_copy(x_hbm.at[pl.ds(slot * _CHUNK, _CHUNK)], x_s, sem_a),
        pltpu.async_copy(y_hbm.at[pl.ds(slot * _CHUNK, _CHUNK)], y_s, sem_a),
    ]
    for cp in copies:
        cp.wait()

    iot = lax.iota(jnp.int32, 16)
    zero16i = jnp.zeros((16,), jnp.int32)
    ga0 = b * _N + slot * _CHUNK
    for j in range(_GPAD // 16):
        row = j // 8
        lane0 = (j % 8) * 16
        if j < _NVEC:
            clsv = cls_s[pl.ds(j * 16, 16)]
            ga = jnp.minimum(ga0 + j * 16 + iot, _B * _N - 1)
            idx_s[row, pl.ds(lane0, 16)] = ga * _C + jnp.minimum(clsv, _C - 1)
        else:
            idx_s[row, pl.ds(lane0, 16)] = zero16i

    gcopies = [
        pltpu.async_copy(conf_hbm.at[idx_s.at[j]],
                         gath_s.at[pl.ds(j * 128, 128)], sem_b)
        for j in range(_GPAD // 128)
    ]
    for cp in gcopies:
        cp.wait()

    def body(i, carry):
        acc_l, acc_c, acc_p, acc_corr = carry
        base = i * 16
        xv = x_s[pl.ds(base, 16)]
        yv = y_s[pl.ds(base, 16)]
        l_l = box8_s[pl.ds(0 * _CHUNK + base, 16)] * 64.0
        l_t = box8_s[pl.ds(1 * _CHUNK + base, 16)] * 64.0
        l_r = box8_s[pl.ds(2 * _CHUNK + base, 16)] * 64.0
        l_b = box8_s[pl.ds(3 * _CHUNK + base, 16)] * 64.0
        d_l = box8_s[pl.ds(4 * _CHUNK + base, 16)] * 64.0
        d_t = box8_s[pl.ds(5 * _CHUNK + base, 16)] * 64.0
        d_r = box8_s[pl.ds(6 * _CHUNK + base, 16)] * 64.0
        d_b = box8_s[pl.ds(7 * _CHUNK + base, 16)] * 64.0

        l1 = xv - l_l
        t1 = yv - l_t
        r1 = xv + l_r
        b1 = yv + l_b
        l2 = xv - d_l
        t2 = yv - d_t
        r2 = xv + d_r
        b2 = yv + d_b
        s1 = (b1 - t1 + 1.0) * (r1 - l1 + 1.0)
        s2 = (b2 - t2 + 1.0) * (r2 - l2 + 1.0)
        cl = jnp.maximum(l1, l2)
        cr = jnp.minimum(r1, r2)
        ct = jnp.maximum(t1, t2)
        cb = jnp.minimum(b1, b2)
        s_cross = (cr - cl + 1.0) * (cb - ct + 1.0)
        union = s1 + s2 - s_cross
        valid = (cl < cr) & (ct < cb) & (union > 0) & (s_cross > 0)
        ratio = jnp.where(valid, s_cross / jnp.where(valid, union, 1.0), 1.0)
        iou_l = jnp.where(valid, -_softlog(ratio), 0.0)

        posf = jnp.where(posm_s[pl.ds(base, 16)] == 1.0, 1.0, 0.0)

        p = jnp.clip(cen_s[pl.ds(base, 16)], 1e-07, 1.0 - 1e-07)
        tv = ctg_s[pl.ds(base, 16)]
        bce = -(tv * _softlog(p) + (1.0 - tv) * _softlog(1.0 - p))

        g = jnp.clip(gath_s[pl.ds(base, 16)], 1e-08, 0.99999999)
        one_m = 1.0 - g
        pos_t = -0.25 * one_m * one_m * _softlog(g)
        neg_t = -0.75 * g * g * _softlog(one_m)
        has_cls = cls_s[pl.ds(base, 16)] < _C
        corr = jnp.where(has_cls, pos_t - neg_t, 0.0)

        return (acc_l + iou_l * posf, acc_c + bce * posf,
                acc_p + posf, acc_corr + corr)

    z = jnp.zeros((16,), jnp.float32)
    acc_l, acc_c, acc_p, acc_corr = lax.fori_loop(0, _NVEC, body, (z, z, z, z))

    row_s[pl.ds(0, 16)] = acc_l
    row_s[pl.ds(16, 16)] = acc_c
    row_s[pl.ds(32, 16)] = acc_p
    row_s[pl.ds(48, 16)] = acc_corr
    pltpu.sync_copy(row_s, out_hbm.at[pl.ds(wid * 64, 64)])


def _sc_partials(conf_flat, box8_pad, cen_pad, ctg_pad, cls_pad,
                 posm_pad, x_pad, y_pad):
    mesh = plsc.VectorSubcoreMesh(core_axis_name="c", subcore_axis_name="s")
    f = functools.partial(
        pl.kernel,
        out_type=jax.ShapeDtypeStruct((32 * 64,), jnp.float32),
        mesh=mesh,
        scratch_types=[
            pltpu.VMEM((8 * _CHUNK,), jnp.float32),
            pltpu.VMEM((_CHUNK,), jnp.float32),
            pltpu.VMEM((_CHUNK,), jnp.float32),
            pltpu.VMEM((_CHUNK,), jnp.int32),
            pltpu.VMEM((_CHUNK,), jnp.float32),
            pltpu.VMEM((_CHUNK,), jnp.float32),
            pltpu.VMEM((_CHUNK,), jnp.float32),
            pltpu.VMEM((_GPAD // 128, 128), jnp.int32),
            pltpu.VMEM((_GPAD,), jnp.float32),
            pltpu.VMEM((64,), jnp.float32),
            pltpu.SemaphoreType.DMA,
            pltpu.SemaphoreType.DMA,
        ],
    )(_sc_body)
    return f(conf_flat, box8_pad, cen_pad, ctg_pad, cls_pad,
             posm_pad, x_pad, y_pad)



def kernel(confs, locs, centers, box_dists, center_targets, cls_targets,
           pos_mask):
    pad_n = _NPAD - _N
    conf_flat = confs.reshape(-1)
    confs_r = confs.reshape(_B, _ROWS, 128)
    box8 = jnp.concatenate([jnp.moveaxis(locs, -1, 0),
                            jnp.moveaxis(box_dists, -1, 0)])
    box8_pad = jnp.pad(box8, ((0, 0), (0, 0), (0, pad_n))).reshape(-1)
    cen_pad = jnp.pad(centers, ((0, 0), (0, pad_n))).reshape(-1)
    ctg_pad = jnp.pad(center_targets, ((0, 0), (0, pad_n))).reshape(-1)
    cls_pad = jnp.pad(cls_targets.astype(jnp.int32), ((0, 0), (0, pad_n)),
                      constant_values=_C).reshape(-1)
    posm_pad = jnp.pad(pos_mask.astype(jnp.float32),
                       ((0, 0), (0, pad_n))).reshape(-1)
    x_pad = jnp.pad(jnp.asarray(_XC_NP), (0, pad_n))
    y_pad = jnp.pad(jnp.asarray(_YC_NP), (0, pad_n))

    neg = _neg_sums(confs_r)[0]
    parts = _sc_partials(conf_flat, box8_pad, cen_pad, ctg_pad,
                         cls_pad, posm_pad, x_pad, y_pad)
    per_b = parts.reshape(_B, 4, 4, 16).sum(axis=(1, 3))
    loss_l = per_b[:, 0]
    loss_center = per_b[:, 1]
    poses = per_b[:, 2]
    corr = per_b[:, 3]
    loss_conf = neg + corr
    denom = jnp.where(poses > 0, poses, 1.0)
    per_img = jnp.where(poses > 0,
                        loss_center + (loss_conf + loss_l) / denom,
                        loss_center + loss_conf + loss_l)
    return per_img.sum() / _B

# --- scband reference (transcript-rebuilt; emitter-appended) ---
"""Pipeline reference for scband-fcosloss-62740882260765 (READ-ONLY COPY).

The authoritative reference and input builder live on the scoring server;
editing this copy changes nothing except your own understanding.
"""

import jax, jax.numpy as jnp
import numpy as np

LEVEL_SIZES = [64, 32, 16, 8, 4]
STRIDES = [8, 16, 32, 64, 128]
NUM_CLASSES = 80
B = 8
N = sum(hw * hw for hw in LEVEL_SIZES)  # 5456 anchor points across 5 FPN levels (512 input)


def _coords():
    xs, ys = [], []
    for hw, s in zip(LEVEL_SIZES, STRIDES):
        ii, jj = np.meshgrid(np.arange(hw), np.arange(hw), indexing='ij')
        xs.append((jj.reshape(-1) + 0.5) * s)
        ys.append((ii.reshape(-1) + 0.5) * s)
    return (jnp.asarray(np.concatenate(xs), dtype=jnp.float32),
            jnp.asarray(np.concatenate(ys), dtype=jnp.float32))

X_COORD, Y_COORD = _coords()


def setup_inputs(seed: int = 0):
    key = jax.random.key(seed)
    k1, k2, k3, k4, k5, k6, k7 = jax.random.split(key, 7)
    confs = jax.random.uniform(k1, (B, N, NUM_CLASSES), dtype=jnp.float32)
    locs = jax.random.uniform(k2, (B, N, 4), dtype=jnp.float32)
    centers = jax.random.uniform(k3, (B, N), dtype=jnp.float32)
    box_dists = jax.random.uniform(k4, (B, N, 4), dtype=jnp.float32)
    center_targets = jax.random.uniform(k5, (B, N), dtype=jnp.float32)
    cls_targets = jax.random.randint(k6, (B, N), 0, 81)
    pos_mask = jax.random.randint(k7, (B, N), 0, 2)
    return {"confs": confs, "locs": locs, "centers": centers,
            "box_dists": box_dists, "center_targets": center_targets,
            "cls_targets": cls_targets, "pos_mask": pos_mask}


def _iou_loss(l1, t1, r1, b1, l2, t2, r2, b2):
    # faithful to IOUloss: +1 area convention, 0 if no overlap / degenerate, else -log(iou)
    s1 = (b1 - t1 + 1.0) * (r1 - l1 + 1.0)
    s2 = (b2 - t2 + 1.0) * (r2 - l2 + 1.0)
    cl = jnp.maximum(l1, l2)
    cr = jnp.minimum(r1, r2)
    ct = jnp.maximum(t1, t2)
    cb = jnp.minimum(b1, b2)
    s_cross = (cr - cl + 1.0) * (cb - ct + 1.0)
    union = s1 + s2 - s_cross
    valid = (cl < cr) & (ct < cb) & (union > 0) & (s_cross > 0)
    ratio = jnp.where(valid, s_cross / jnp.where(valid, union, 1.0), 1.0)
    return jnp.where(valid, -jnp.log(ratio), 0.0)


def reference(confs, locs, centers, box_dists, center_targets, cls_targets, pos_mask):
    alpha, gamma = 0.25, 2.0
    # focal-style confidence loss
    conf = jnp.clip(confs, 1e-08, 0.99999999)
    neg_term = -(1.0 - alpha) * conf ** gamma * jnp.log(1.0 - conf)
    pos_term = -alpha * (1.0 - conf) ** gamma * jnp.log(conf)
    onehot = cls_targets[..., None] == jnp.arange(NUM_CLASSES)[None, None, :]
    loss_c = jnp.where(onehot, pos_term, neg_term)
    loss_conf = loss_c.sum(axis=(1, 2))  # [B]
    # iou loss for positive pixels (pixel.x/y are grid-center coords, ltrb distances)
    loc = locs * 64.0
    bd = box_dists * 64.0
    x = X_COORD[None, :]
    y = Y_COORD[None, :]
    l1 = x - loc[..., 0]
    t1 = y - loc[..., 1]
    r1 = x + loc[..., 2]
    b1 = y + loc[..., 3]
    l2 = x - bd[..., 0]
    t2 = y - bd[..., 1]
    r2 = x + bd[..., 2]
    b2 = y + bd[..., 3]
    iou_l = _iou_loss(l2, t2, r2, b2, l1, t1, r1, b1)
    posf = (pos_mask == 1).astype(jnp.float32)
    loss_l = (iou_l * posf).sum(axis=1)  # [B]
    # centerness BCE (per-positive-pixel BCELoss, summed like the python loop)
    p = jnp.clip(centers, 1e-07, 1.0 - 1e-07)
    bce = -(center_targets * jnp.log(p) + (1.0 - center_targets) * jnp.log(1.0 - p))
    loss_center = (bce * posf).sum(axis=1)  # [B]
    poses = posf.sum(axis=1)
    denom = jnp.where(poses > 0, poses, 1.0)
    per_img = jnp.where(poses > 0,
                        loss_center + (loss_conf + loss_l) / denom,
                        loss_center + loss_conf + loss_l)
    return per_img.sum() / B

if __name__ == "__main__":
    import jax
    _d = setup_inputs()
    print(jax.jit(kernel)(*tuple(_d.values())))

</pallas_src>

<mosaic_0001>
#map = affine_map<(d0, d1) -> (0)>
module attributes {stable_mosaic.version = 14 : i64} {
  func.func @_sc_body(%arg0: i32, %arg1: i32, %arg2: memref<3491840xf32, #tpu.memory_space<hbm>>, %arg3: memref<352256xf32, #tpu.memory_space<hbm>>, %arg4: memref<44032xf32, #tpu.memory_space<hbm>>, %arg5: memref<44032xf32, #tpu.memory_space<hbm>>, %arg6: memref<44032xi32, #tpu.memory_space<hbm>>, %arg7: memref<44032xf32, #tpu.memory_space<hbm>>, %arg8: memref<5504xf32, #tpu.memory_space<hbm>>, %arg9: memref<5504xf32, #tpu.memory_space<hbm>>, %arg10: memref<2048xf32, #tpu.memory_space<hbm>>, %arg11: memref<11008xf32, #tpu.memory_space<vmem>>, %arg12: memref<1376xf32, #tpu.memory_space<vmem>>, %arg13: memref<1376xf32, #tpu.memory_space<vmem>>, %arg14: memref<1376xi32, #tpu.memory_space<vmem>>, %arg15: memref<1376xf32, #tpu.memory_space<vmem>>, %arg16: memref<1376xf32, #tpu.memory_space<vmem>>, %arg17: memref<1376xf32, #tpu.memory_space<vmem>>, %arg18: memref<11x128xi32, #tpu.memory_space<vmem>>, %arg19: memref<1408xf32, #tpu.memory_space<vmem>>, %arg20: memref<64xf32, #tpu.memory_space<vmem>>, %arg21: memref<!tpu.dma_semaphore, #tpu.memory_space<semaphore_mem>>, %arg22: memref<!tpu.dma_semaphore, #tpu.memory_space<semaphore_mem>>) attributes {dimension_semantics = [#tpu.dimension_semantics<core_parallel>, #tpu.dimension_semantics<subcore_parallel>], iteration_bounds = array<i64: 2, 16>, scalar_prefetch = 0 : i64, scratch_operands = 12 : i64, tpu.core_type = #tpu.core_type<sc_vector_subcore>, window_params = [{transform_indices = #map}, {transform_indices = #map}, {transform_indices = #map}, {transform_indices = #map}, {transform_indices = #map}, {transform_indices = #map}, {transform_indices = #map}, {transform_indices = #map}, {transform_indices = #map}]} {
    %mul3A = arith.constant 16 : i32
    %mul3A_0 = arith.muli %arg0, %mul3A : i32
    %add3A = arith.addi %mul3A_0, %arg1 : i32
    %jit3A = arith.constant 4 : i32
    %div3A = arith.divsi %add3A, %jit3A : i32
    %sign3A = arith.constant 0 : i32
    %sign3A_1 = arith.cmpi sgt, %add3A, %sign3A : i32
    %sign3A_2 = arith.extui %sign3A_1 : i1 to i32
    %sign3A_3 = arith.constant 0 : i32
    %sign3A_4 = arith.cmpi slt, %add3A, %sign3A_3 : i32
    %sign3A_5 = arith.extui %sign3A_4 : i1 to i32
    %sign3A_6 = arith.subi %sign3A_2, %sign3A_5 : i32
    %sign3A_7 = arith.constant 0 : i32
    %sign3A_8 = arith.cmpi sgt, %jit3A, %sign3A_7 : i32
    %sign3A_9 = arith.extui %sign3A_8 : i1 to i32
    %sign3A_10 = arith.constant 0 : i32
    %sign3A_11 = arith.cmpi slt, %jit3A, %sign3A_10 : i32
    %sign3A_12 = arith.extui %sign3A_11 : i1 to i32
    %sign3A_13 = arith.subi %sign3A_9, %sign3A_12 : i32
    %ne3A = arith.cmpi ne, %sign3A_6, %sign3A_13 : i32
    %rem3A = arith.remsi %add3A, %jit3A : i32
    %ne3A_14 = arith.constant 0 : i32
    %ne3A_15 = arith.cmpi ne, %rem3A, %ne3A_14 : i32
    %and3A = arith.andi %ne3A, %ne3A_15 : i1
    %sub3A = arith.constant 1 : i32
    %sub3A_16 = arith.subi %div3A, %sub3A : i32
    %select_n3A = arith.select %and3A, %sub3A_16, %div3A : i32
    %jit3A_17 = arith.constant 4 : i32
    %eq3A = arith.constant 0 : i32
    %eq3A_18 = arith.cmpi eq, %jit3A_17, %eq3A : i32
    %jit3A_19 = arith.constant 1 : i32
    %select_n3A_20 = arith.select %eq3A_18, %jit3A_19, %jit3A_17 : i32
    %rem3A_21 = arith.remsi %add3A, %select_n3A_20 : i32
    %ne3A_22 = arith.constant 0 : i32
    %ne3A_23 = arith.cmpi ne, %rem3A_21, %ne3A_22 : i32
    %lt3A = arith.constant 0 : i32
    %lt3A_24 = arith.cmpi slt, %rem3A_21, %lt3A : i32
    %lt3A_25 = arith.constant 0 : i32
    %lt3A_26 = arith.cmpi slt, %select_n3A_20, %lt3A_25 : i32
    %ne3A_27 = arith.xori %lt3A_24, %lt3A_26 : i1
    %and3A_28 = arith.andi %ne3A_27, %ne3A_23 : i1
    %add3A_29 = arith.addi %rem3A_21, %select_n3A_20 : i32
    %select_n3A_30 = arith.select %and3A_28, %add3A_29, %rem3A_21 : i32
    %mul3A_31 = arith.constant 5504 : i32
    %mul3A_32 = arith.muli %select_n3A, %mul3A_31 : i32
    %mul3A_33 = arith.constant 1376 : i32
    %mul3A_34 = arith.muli %select_n3A_30, %mul3A_33 : i32
    %add3A_35 = arith.addi %mul3A_32, %mul3A_34 : i32
    %add3A_36 = arith.constant 0 : i32
    %add3A_37 = arith.addi %add3A_36, %add3A_35 : i32
    %dma_start3A = arith.constant 0 : i32
    %dma_start3A_38 = tpu.memref_slice %arg11[%dma_start3A] : memref<11008xf32, #tpu.memory_space<vmem>> -> memref<1376xf32, #tpu.memory_space<vmem>>
    %dma_start3A_39 = tpu.memref_slice %arg3[%add3A_37] : memref<352256xf32, #tpu.memory_space<hbm>> -> memref<1376xf32, #tpu.memory_space<hbm>>
    %dma_start3A_40 = arith.constant 0 : i32
    %dma_start3A_41 = tpu.memref_slice %arg11[%dma_start3A_40] : memref<11008xf32, #tpu.memory_space<vmem>> -> memref<1376xf32, #tpu.memory_space<vmem>>
    %dma_start3A_42 = tpu.memref_slice %arg3[%add3A_37] : memref<352256xf32, #tpu.memory_space<hbm>> -> memref<1376xf32, #tpu.memory_space<hbm>>
    tpu.enqueue_dma source(%dma_start3A_42 : memref<1376xf32, #tpu.memory_space<hbm>>) target(%dma_start3A_41 : memref<1376xf32, #tpu.memory_space<vmem>>) target_semaphore(%arg21 : memref<!tpu.dma_semaphore, #tpu.memory_space<semaphore_mem>>)
    %add3A_43 = arith.constant 44032 : i32
    %add3A_44 = arith.addi %add3A_43, %add3A_35 : i32
    %dma_start3A_45 = arith.constant 1376 : i32
    %dma_start3A_46 = tpu.memref_slice %arg11[%dma_start3A_45] : memref<11008xf32, #tpu.memory_space<vmem>> -> memref<1376xf32, #tpu.memory_space<vmem>>
    %dma_start3A_47 = tpu.memref_slice %arg3[%add3A_44] : memref<352256xf32, #tpu.memory_space<hbm>> -> memref<1376xf32, #tpu.memory_space<hbm>>
    %dma_start3A_48 = arith.constant 1376 : i32
    %dma_start3A_49 = tpu.memref_slice %arg11[%dma_start3A_48] : memref<11008xf32, #tpu.memory_space<vmem>> -> memref<1376xf32, #tpu.memory_space<vmem>>
    %dma_start3A_50 = tpu.memref_slice %arg3[%add3A_44] : memref<352256xf32, #tpu.memory_space<hbm>> -> memref<1376xf32, #tpu.memory_space<hbm>>
    tpu.enqueue_dma source(%dma_start3A_50 : memref<1376xf32, #tpu.memory_space<hbm>>) target(%dma_start3A_49 : memref<1376xf32, #tpu.memory_space<vmem>>) target_semaphore(%arg21 : memref<!tpu.dma_semaphore, #tpu.memory_space<semaphore_mem>>)
    %add3A_51 = arith.constant 88064 : i32
    %add3A_52 = arith.addi %add3A_51, %add3A_35 : i32
    %dma_start3A_53 = arith.constant 2752 : i32
    %dma_start3A_54 = tpu.memref_slice %arg11[%dma_start3A_53] : memref<11008xf32, #tpu.memory_space<vmem>> -> memref<1376xf32, #tpu.memory_space<vmem>>
    %dma_start3A_55 = tpu.memref_slice %arg3[%add3A_52] : memref<352256xf32, #tpu.memory_space<hbm>> -> memref<1376xf32, #tpu.memory_space<hbm>>
    %dma_start3A_56 = arith.constant 2752 : i32
    %dma_start3A_57 = tpu.memref_slice %arg11[%dma_start3A_56] : memref<11008xf32, #tpu.memory_space<vmem>> -> memref<1376xf32, #tpu.memory_space<vmem>>
    %dma_start3A_58 = tpu.memref_slice %arg3[%add3A_52] : memref<352256xf32, #tpu.memory_space<hbm>> -> memref<1376xf32, #tpu.memory_space<hbm>>
    tpu.enqueue_dma source(%dma_start3A_58 : memref<1376xf32, #tpu.memory_space<hbm>>) target(%dma_start3A_57 : memref<1376xf32, #tpu.memory_space<vmem>>) target_semaphore(%arg21 : memref<!tpu.dma_semaphore, #tpu.memory_space<semaphore_mem>>)
    %add3A_59 = arith.constant 132096 : i32
    %add3A_60 = arith.addi %add3A_59, %add3A_35 : i32
    %dma_start3A_61 = arith.constant 4128 : i32
    %dma_start3A_62 = tpu.memref_slice %arg11[%dma_start3A_61] : memref<11008xf32, #tpu.memory_space<vmem>> -> memref<1376xf32, #tpu.memory_space<vmem>>
    %dma_start3A_63 = tpu.memref_slice %arg3[%add3A_60] : memref<352256xf32, #tpu.memory_space<hbm>> -> memref<1376xf32, #tpu.memory_space<hbm>>
    %dma_start3A_64 = arith.constant 4128 : i32
    %dma_start3A_65 = tpu.memref_slice %arg11[%dma_start3A_64] : memref<11008xf32, #tpu.memory_space<vmem>> -> memref<1376xf32, #tpu.memory_space<vmem>>
    %dma_start3A_66 = tpu.memref_slice %arg3[%add3A_60] : memref<352256xf32, #tpu.memory_space<hbm>> -> memref<1376xf32, #tpu.memory_space<hbm>>
    tpu.enqueue_dma source(%dma_start3A_66 : memref<1376xf32, #tpu.memory_space<hbm>>) target(%dma_start3A_65 : memref<1376xf32, #tpu.memory_space<vmem>>) target_semaphore(%arg21 : memref<!tpu.dma_semaphore, #tpu.memory_space<semaphore_mem>>)
    %add3A_67 = arith.constant 176128 : i32
    %add3A_68 = arith.addi %add3A_67, %add3A_35 : i32
    %dma_start3A_69 = arith.constant 5504 : i32
    %dma_start3A_70 = tpu.memref_slice %arg11[%dma_start3A_69] : memref<11008xf32, #tpu.memory_space<vmem>> -> memref<1376xf32, #tpu.memory_space<vmem>>
    %dma_start3A_71 = tpu.memref_slice %arg3[%add3A_68] : memref<352256xf32, #tpu.memory_space<hbm>> -> memref<1376xf32, #tpu.memory_space<hbm>>
    %dma_start3A_72 = arith.constant 5504 : i32
    %dma_start3A_73 = tpu.memref_slice %arg11[%dma_start3A_72] : memref<11008xf32, #tpu.memory_space<vmem>> -> memref<1376xf32, #tpu.memory_space<vmem>>
    %dma_start3A_74 = tpu.memref_slice %arg3[%add3A_68] : memref<352256xf32, #tpu.memory_space<hbm>> -> memref<1376xf32, #tpu.memory_space<hbm>>
    tpu.enqueue_dma source(%dma_start3A_74 : memref<1376xf32, #tpu.memory_space<hbm>>) target(%dma_start3A_73 : memref<1376xf32, #tpu.memory_space<vmem>>) target_semaphore(%arg21 : memref<!tpu.dma_semaphore, #tpu.memory_space<semaphore_mem>>)
    %add3A_75 = arith.constant 220160 : i32
    %add3A_76 = arith.addi %add3A_75, %add3A_35 : i32
    %dma_start3A_77 = arith.constant 6880 : i32
    %dma_start3A_78 = tpu.memref_slice %arg11[%dma_start3A_77] : memref<11008xf32, #tpu.memory_space<vmem>> -> memref<1376xf32, #tpu.memory_space<vmem>>
    %dma_start3A_79 = tpu.memref_slice %arg3[%add3A_76] : memref<352256xf32, #tpu.memory_space<hbm>> -> memref<1376xf32, #tpu.memory_space<hbm>>
    %dma_start3A_80 = arith.constant 6880 : i32
    %dma_start3A_81 = tpu.memref_slice %arg11[%dma_start3A_80] : memref<11008xf32, #tpu.memory_space<vmem>> -> memref<1376xf32, #tpu.memory_space<vmem>>
    %dma_start3A_82 = tpu.memref_slice %arg3[%add3A_76] : memref<352256xf32, #tpu.memory_space<hbm>> -> memref<1376xf32, #tpu.memory_space<hbm>>
    tpu.enqueue_dma source(%dma_start3A_82 : memref<1376xf32, #tpu.memory_space<hbm>>) target(%dma_start3A_81 : memref<1376xf32, #tpu.memory_space<vmem>>) target_semaphore(%arg21 : memref<!tpu.dma_semaphore, #tpu.memory_space<semaphore_mem>>)
    %add3A_83 = arith.constant 264192 : i32
    %add3A_84 = arith.addi %add3A_83, %add3A_35 : i32
    %dma_start3A_85 = arith.constant 8256 : i32
    %dma_start3A_86 = tpu.memref_slice %arg11[%dma_start3A_85] : memref<11008xf32, #tpu.memory_space<vmem>> -> memref<1376xf32, #tpu.memory_space<vmem>>
    %dma_start3A_87 = tpu.memref_slice %arg3[%add3A_84] : memref<352256xf32, #tpu.memory_space<hbm>> -> memref<1376xf32, #tpu.memory_space<hbm>>
    %dma_start3A_88 = arith.constant 8256 : i32
    %dma_start3A_89 = tpu.memref_slice %arg11[%dma_start3A_88] : memref<11008xf32, #tpu.memory_space<vmem>> -> memref<1376xf32, #tpu.memory_space<vmem>>
    %dma_start3A_90 = tpu.memref_slice %arg3[%add3A_84] : memref<352256xf32, #tpu.memory_space<hbm>> -> memref<1376xf32, #tpu.memory_space<hbm>>
    tpu.enqueue_dma source(%dma_start3A_90 : memref<1376xf32, #tpu.memory_space<hbm>>) target(%dma_start3A_89 : memref<1376xf32, #tpu.memory_space<vmem>>) target_semaphore(%arg21 : memref<!tpu.dma_semaphore, #tpu.memory_space<semaphore_mem>>)
    %add3A_91 = arith.constant 308224 : i32
    %add3A_92 = arith.addi %add3A_91, %add3A_35 : i32
    %dma_start3A_93 = arith.constant 9632 : i32
    %dma_start3A_94 = tpu.memref_slice %arg11[%dma_start3A_93] : memref<11008xf32, #tpu.memory_space<vmem>> -> memref<1376xf32, #tpu.memory_space<vmem>>
    %dma_start3A_95 = tpu.memref_slice %arg3[%add3A_92] : memref<352256xf32, #tpu.memory_space<hbm>> -> memref<1376xf32, #tpu.memory_space<hbm>>
    %dma_start3A_96 = arith.constant 9632 : i32
    %dma_start3A_97 = tpu.memref_slice %arg11[%dma_start3A_96] : memref<11008xf32, #tpu.memory_space<vmem>> -> memref<1376xf32, #tpu.memory_space<vmem>>
    %dma_start3A_98 = tpu.memref_slice %arg3[%add3A_92] : memref<352256xf32, #tpu.memory_space<hbm>> -> memref<1376xf32, #tpu.memory_space<hbm>>
    tpu.enqueue_dma source(%dma_start3A_98 : memref<1376xf32, #tpu.memory_space<hbm>>) target(%dma_start3A_97 : memref<1376xf32, #tpu.memory_space<vmem>>) target_semaphore(%arg21 : memref<!tpu.dma_semaphore, #tpu.memory_space<semaphore_mem>>)
    %dma_start3A_99 = tpu.memref_slice %arg4[%add3A_35] : memref<44032xf32, #tpu.memory_space<hbm>> -> memref<1376xf32, #tpu.memory_space<hbm>>
    %dma_start3A_100 = tpu.memref_slice %arg4[%add3A_35] : memref<44032xf32, #tpu.memory_space<hbm>> -> memref<1376xf32, #tpu.memory_space<hbm>>
    tpu.enqueue_dma source(%dma_start3A_100 : memref<1376xf32, #tpu.memory_space<hbm>>) target(%arg12 : memref<1376xf32, #tpu.memory_space<vmem>>) target_semaphore(%arg21 : memref<!tpu.dma_semaphore, #tpu.memory_space<semaphore_mem>>)
    %dma_start3A_101 = tpu.memref_slice %arg5[%add3A_35] : memref<44032xf32, #tpu.memory_space<hbm>> -> memref<1376xf32, #tpu.memory_space<hbm>>
    %dma_start3A_102 = tpu.memref_slice %arg5[%add3A_35] : memref<44032xf32, #tpu.memory_space<hbm>> -> memref<1376xf32, #tpu.memory_space<hbm>>
    tpu.enqueue_dma source(%dma_start3A_102 : memref<1376xf32, #tpu.memory_space<hbm>>) target(%arg13 : memref<1376xf32, #tpu.memory_space<vmem>>) target_semaphore(%arg21 : memref<!tpu.dma_semaphore, #tpu.memory_space<semaphore_mem>>)
    %dma_start3A_103 = tpu.memref_slice %arg6[%add3A_35] : memref<44032xi32, #tpu.memory_space<hbm>> -> memref<1376xi32, #tpu.memory_space<hbm>>
    %dma_start3A_104 = tpu.memref_slice %arg6[%add3A_35] : memref<44032xi32, #tpu.memory_space<hbm>> -> memref<1376xi32, #tpu.memory_space<hbm>>
    tpu.enqueue_dma source(%dma_start3A_104 : memref<1376xi32, #tpu.memory_space<hbm>>) target(%arg14 : memref<1376xi32, #tpu.memory_space<vmem>>) target_semaphore(%arg21 : memref<!tpu.dma_semaphore, #tpu.memory_space<semaphore_mem>>)
    %dma_start3A_105 = tpu.memref_slice %arg7[%add3A_35] : memref<44032xf32, #tpu.memory_space<hbm>> -> memref<1376xf32, #tpu.memory_space<hbm>>
    %dma_start3A_106 = tpu.memref_slice %arg7[%add3A_35] : memref<44032xf32, #tpu.memory_space<hbm>> -> memref<1376xf32, #tpu.memory_space<hbm>>
    tpu.enqueue_dma source(%dma_start3A_106 : memref<1376xf32, #tpu.memory_space<hbm>>) target(%arg15 : memref<1376xf32, #tpu.memory_space<vmem>>) target_semaphore(%arg21 : memref<!tpu.dma_semaphore, #tpu.memory_space<semaphore_mem>>)
    %mul3A_107 = arith.constant 1376 : i32
    %mul3A_108 = arith.muli %select_n3A_30, %mul3A_107 : i32
    %dma_start3A_109 = tpu.memref_slice %arg8[%mul3A_108] : memref<5504xf32, #tpu.memory_space<hbm>> -> memref<1376xf32, #tpu.memory_space<hbm>>
    %dma_start3A_110 = tpu.memref_slice %arg8[%mul3A_108] : memref<5504xf32, #tpu.memory_space<hbm>> -> memref<1376xf32, #tpu.memory_space<hbm>>
    tpu.enqueue_dma source(%dma_start3A_110 : memref<1376xf32, #tpu.memory_space<hbm>>) target(%arg16 : memref<1376xf32, #tpu.memory_space<vmem>>) target_semaphore(%arg21 : memref<!tpu.dma_semaphore, #tpu.memory_space<semaphore_mem>>)
    %mul3A_111 = arith.constant 1376 : i32
    %mul3A_112 = arith.muli %select_n3A_30, %mul3A_111 : i32
    %dma_start3A_113 = tpu.memref_slice %arg9[%mul3A_112] : memref<5504xf32, #tpu.memory_space<hbm>> -> memref<1376xf32, #tpu.memory_space<hbm>>
    %dma_start3A_114 = tpu.memref_slice %arg9[%mul3A_112] : memref<5504xf32, #tpu.memory_space<hbm>> -> memref<1376xf32, #tpu.memory_space<hbm>>
    tpu.enqueue_dma source(%dma_start3A_114 : memref<1376xf32, #tpu.memory_space<hbm>>) target(%arg17 : memref<1376xf32, #tpu.memory_space<vmem>>) target_semaphore(%arg21 : memref<!tpu.dma_semaphore, #tpu.memory_space<semaphore_mem>>)
    %dma_wait3A = arith.constant 0 : i32
    %dma_wait3A_115 = tpu.memref_slice %arg11[%dma_wait3A] : memref<11008xf32, #tpu.memory_space<vmem>> -> memref<1376xf32, #tpu.memory_space<vmem>>
    %dma_wait3A_116 = tpu.memref_slice %arg3[%add3A_37] : memref<352256xf32, #tpu.memory_space<hbm>> -> memref<1376xf32, #tpu.memory_space<hbm>>
    %dma_wait3A_117 = arith.constant 0 : i32
    %dma_wait3A_118 = tpu.memref_slice %arg11[%dma_wait3A_117] : memref<11008xf32, #tpu.memory_space<vmem>> -> memref<1376xf32, #tpu.memory_space<vmem>>
    %dma_wait3A_119 = tpu.memref_slice %arg3[%add3A_37] : memref<352256xf32, #tpu.memory_space<hbm>> -> memref<1376xf32, #tpu.memory_space<hbm>>
    tpu.wait_dma2 semaphore(%arg21 : memref<!tpu.dma_semaphore, #tpu.memory_space<semaphore_mem>>) src(%dma_wait3A_119 : memref<1376xf32, #tpu.memory_space<hbm>>) dst(%dma_wait3A_118 : memref<1376xf32, #tpu.memory_space<vmem>>)
    %dma_wait3A_120 = arith.constant 1376 : i32
    %dma_wait3A_121 = tpu.memref_slice %arg11[%dma_wait3A_120] : memref<11008xf32, #tpu.memory_space<vmem>> -> memref<1376xf32, #tpu.memory_space<vmem>>
    %dma_wait3A_122 = tpu.memref_slice %arg3[%add3A_44] : memref<352256xf32, #tpu.memory_space<hbm>> -> memref<1376xf32, #tpu.memory_space<hbm>>
    %dma_wait3A_123 = arith.constant 1376 : i32
    %dma_wait3A_124 = tpu.memref_slice %arg11[%dma_wait3A_123] : memref<11008xf32, #tpu.memory_space<vmem>> -> memref<1376xf32, #tpu.memory_space<vmem>>
    %dma_wait3A_125 = tpu.memref_slice %arg3[%add3A_44] : memref<352256xf32, #tpu.memory_space<hbm>> -> memref<1376xf32, #tpu.memory_space<hbm>>
    tpu.wait_dma2 semaphore(%arg21 : memref<!tpu.dma_semaphore, #tpu.memory_space<semaphore_mem>>) src(%dma_wait3A_125 : memref<1376xf32, #tpu.memory_space<hbm>>) dst(%dma_wait3A_124 : memref<1376xf32, #tpu.memory_space<vmem>>)
    %dma_wait3A_126 = arith.constant 2752 : i32
    %dma_wait3A_127 = tpu.memref_slice %arg11[%dma_wait3A_126] : memref<11008xf32, #tpu.memory_space<vmem>> -> memref<1376xf32, #tpu.memory_space<vmem>>
    %dma_wait3A_128 = tpu.memref_slice %arg3[%add3A_52] : memref<352256xf32, #tpu.memory_space<hbm>> -> memref<1376xf32, #tpu.memory_space<hbm>>
    %dma_wait3A_129 = arith.constant 2752 : i32
    %dma_wait3A_130 = tpu.memref_slice %arg11[%dma_wait3A_129] : memref<11008xf32, #tpu.memory_space<vmem>> -> memref<1376xf32, #tpu.memory_space<vmem>>
    %dma_wait3A_131 = tpu.memref_slice %arg3[%add3A_52] : memref<352256xf32, #tpu.memory_space<hbm>> -> memref<1376xf32, #tpu.memory_space<hbm>>
    tpu.wait_dma2 semaphore(%arg21 : memref<!tpu.dma_semaphore, #tpu.memory_space<semaphore_mem>>) src(%dma_wait3A_131 : memref<1376xf32, #tpu.memory_space<hbm>>) dst(%dma_wait3A_130 : memref<1376xf32, #tpu.memory_space<vmem>>)
    %dma_wait3A_132 = arith.constant 4128 : i32
    %dma_wait3A_133 = tpu.memref_slice %arg11[%dma_wait3A_132] : memref<11008xf32, #tpu.memory_space<vmem>> -> memref<1376xf32, #tpu.memory_space<vmem>>
    %dma_wait3A_134 = tpu.memref_slice %arg3[%add3A_60] : memref<352256xf32, #tpu.memory_space<hbm>> -> memref<1376xf32, #tpu.memory_space<hbm>>
    %dma_wait3A_135 = arith.constant 4128 : i32
    %dma_wait3A_136 = tpu.memref_slice %arg11[%dma_wait3A_135] : memref<11008xf32, #tpu.memory_space<vmem>> -> memref<1376xf32, #tpu.memory_space<vmem>>
    %dma_wait3A_137 = tpu.memref_slice %arg3[%add3A_60] : memref<352256xf32, #tpu.memory_space<hbm>> -> memref<1376xf32, #tpu.memory_space<hbm>>
    tpu.wait_dma2 semaphore(%arg21 : memref<!tpu.dma_semaphore, #tpu.memory_space<semaphore_mem>>) src(%dma_wait3A_137 : memref<1376xf32, #tpu.memory_space<hbm>>) dst(%dma_wait3A_136 : memref<1376xf32, #tpu.memory_space<vmem>>)
    %dma_wait3A_138 = arith.constant 5504 : i32
    %dma_wait3A_139 = tpu.memref_slice %arg11[%dma_wait3A_138] : memref<11008xf32, #tpu.memory_space<vmem>> -> memref<1376xf32, #tpu.memory_space<vmem>>
    %dma_wait3A_140 = tpu.memref_slice %arg3[%add3A_68] : memref<352256xf32, #tpu.memory_space<hbm>> -> memref<1376xf32, #tpu.memory_space<hbm>>
    %dma_wait3A_141 = arith.constant 5504 : i32
    %dma_wait3A_142 = tpu.memref_slice %arg11[%dma_wait3A_141] : memref<11008xf32, #tpu.memory_space<vmem>> -> memref<1376xf32, #tpu.memory_space<vmem>>
    %dma_wait3A_143 = tpu.memref_slice %arg3[%add3A_68] : memref<352256xf32, #tpu.memory_space<hbm>> -> memref<1376xf32, #tpu.memory_space<hbm>>
    tpu.wait_dma2 semaphore(%arg21 : memref<!tpu.dma_semaphore, #tpu.memory_space<semaphore_mem>>) src(%dma_wait3A_143 : memref<1376xf32, #tpu.memory_space<hbm>>) dst(%dma_wait3A_142 : memref<1376xf32, #tpu.memory_space<vmem>>)
    %dma_wait3A_144 = arith.constant 6880 : i32
    %dma_wait3A_145 = tpu.memref_slice %arg11[%dma_wait3A_144] : memref<11008xf32, #tpu.memory_space<vmem>> -> memref<1376xf32, #tpu.memory_space<vmem>>
    %dma_wait3A_146 = tpu.memref_slice %arg3[%add3A_76] : memref<352256xf32, #tpu.memory_space<hbm>> -> memref<1376xf32, #tpu.memory_space<hbm>>
    %dma_wait3A_147 = arith.constant 6880 : i32
    %dma_wait3A_148 = tpu.memref_slice %arg11[%dma_wait3A_147] : memref<11008xf32, #tpu.memory_space<vmem>> -> memref<1376xf32, #tpu.memory_space<vmem>>
    %dma_wait3A_149 = tpu.memref_slice %arg3[%add3A_76] : memref<352256xf32, #tpu.memory_space<hbm>> -> memref<1376xf32, #tpu.memory_space<hbm>>
    tpu.wait_dma2 semaphore(%arg21 : memref<!tpu.dma_semaphore, #tpu.memory_space<semaphore_mem>>) src(%dma_wait3A_149 : memref<1376xf32, #tpu.memory_space<hbm>>) dst(%dma_wait3A_148 : memref<1376xf32, #tpu.memory_space<vmem>>)
    %dma_wait3A_150 = arith.constant 8256 : i32
    %dma_wait3A_151 = tpu.memref_slice %arg11[%dma_wait3A_150] : memref<11008xf32, #tpu.memory_space<vmem>> -> memref<1376xf32, #tpu.memory_space<vmem>>
    %dma_wait3A_152 = tpu.memref_slice %arg3[%add3A_84] : memref<352256xf32, #tpu.memory_space<hbm>> -> memref<1376xf32, #tpu.memory_space<hbm>>
    %dma_wait3A_153 = arith.constant 8256 : i32
    %dma_wait3A_154 = tpu.memref_slice %arg11[%dma_wait3A_153] : memref<11008xf32, #tpu.memory_space<vmem>> -> memref<1376xf32, #tpu.memory_space<vmem>>
    %dma_wait3A_155 = tpu.memref_slice %arg3[%add3A_84] : memref<352256xf32, #tpu.memory_space<hbm>> -> memref<1376xf32, #tpu.memory_space<hbm>>
    tpu.wait_dma2 semaphore(%arg21 : memref<!tpu.dma_semaphore, #tpu.memory_space<semaphore_mem>>) src(%dma_wait3A_155 : memref<1376xf32, #tpu.memory_space<hbm>>) dst(%dma_wait3A_154 : memref<1376xf32, #tpu.memory_space<vmem>>)
    %dma_wait3A_156 = arith.constant 9632 : i32
    %dma_wait3A_157 = tpu.memref_slice %arg11[%dma_wait3A_156] : memref<11008xf32, #tpu.memory_space<vmem>> -> memref<1376xf32, #tpu.memory_space<vmem>>
    %dma_wait3A_158 = tpu.memref_slice %arg3[%add3A_92] : memref<352256xf32, #tpu.memory_space<hbm>> -> memref<1376xf32, #tpu.memory_space<hbm>>
    %dma_wait3A_159 = arith.constant 9632 : i32
    %dma_wait3A_160 = tpu.memref_slice %arg11[%dma_wait3A_159] : memref<11008xf32, #tpu.memory_space<vmem>> -> memref<1376xf32, #tpu.memory_space<vmem>>
    %dma_wait3A_161 = tpu.memref_slice %arg3[%add3A_92] : memref<352256xf32, #tpu.memory_space<hbm>> -> memref<1376xf32, #tpu.memory_space<hbm>>
    tpu.wait_dma2 semaphore(%arg21 : memref<!tpu.dma_semaphore, #tpu.memory_space<semaphore_mem>>) src(%dma_wait3A_161 : memref<1376xf32, #tpu.memory_space<hbm>>) dst(%dma_wait3A_160 : memref<1376xf32, #tpu.memory_space<vmem>>)
    %dma_wait3A_162 = tpu.memref_slice %arg4[%add3A_35] : memref<44032xf32, #tpu.memory_space<hbm>> -> memref<1376xf32, #tpu.memory_space<hbm>>
    %dma_wait3A_163 = tpu.memref_slice %arg4[%add3A_35] : memref<44032xf32, #tpu.memory_space<hbm>> -> memref<1376xf32, #tpu.memory_space<hbm>>
    tpu.wait_dma2 semaphore(%arg21 : memref<!tpu.dma_semaphore, #tpu.memory_space<semaphore_mem>>) src(%dma_wait3A_163 : memref<1376xf32, #tpu.memory_space<hbm>>) dst(%arg12 : memref<1376xf32, #tpu.memory_space<vmem>>)
    %dma_wait3A_164 = tpu.memref_slice %arg5[%add3A_35] : memref<44032xf32, #tpu.memory_space<hbm>> -> memref<1376xf32, #tpu.memory_space<hbm>>
    %dma_wait3A_165 = tpu.memref_slice %arg5[%add3A_35] : memref<44032xf32, #tpu.memory_space<hbm>> -> memref<1376xf32, #tpu.memory_space<hbm>>
    tpu.wait_dma2 semaphore(%arg21 : memref<!tpu.dma_semaphore, #tpu.memory_space<semaphore_mem>>) src(%dma_wait3A_165 : memref<1376xf32, #tpu.memory_space<hbm>>) dst(%arg13 : memref<1376xf32, #tpu.memory_space<vmem>>)
    %dma_wait3A_166 = tpu.memref_slice %arg6[%add3A_35] : memref<44032xi32, #tpu.memory_space<hbm>> -> memref<1376xi32, #tpu.memory_space<hbm>>
    %dma_wait3A_167 = tpu.memref_slice %arg6[%add3A_35] : memref<44032xi32, #tpu.memory_space<hbm>> -> memref<1376xi32, #tpu.memory_space<hbm>>
    tpu.wait_dma2 semaphore(%arg21 : memref<!tpu.dma_semaphore, #tpu.memory_space<semaphore_mem>>) src(%dma_wait3A_167 : memref<1376xi32, #tpu.memory_space<hbm>>) dst(%arg14 : memref<1376xi32, #tpu.memory_space<vmem>>)
    %dma_wait3A_168 = tpu.memref_slice %arg7[%add3A_35] : memref<44032xf32, #tpu.memory_space<hbm>> -> memref<1376xf32, #tpu.memory_space<hbm>>
    %dma_wait3A_169 = tpu.memref_slice %arg7[%add3A_35] : memref<44032xf32, #tpu.memory_space<hbm>> -> memref<1376xf32, #tpu.memory_space<hbm>>
    tpu.wait_dma2 semaphore(%arg21 : memref<!tpu.dma_semaphore, #tpu.memory_space<semaphore_mem>>) src(%dma_wait3A_169 : memref<1376xf32, #tpu.memory_space<hbm>>) dst(%arg15 : memref<1376xf32, #tpu.memory_space<vmem>>)
    %dma_wait3A_170 = tpu.memref_slice %arg8[%mul3A_108] : memref<5504xf32, #tpu.memory_space<hbm>> -> memref<1376xf32, #tpu.memory_space<hbm>>
    %dma_wait3A_171 = tpu.memref_slice %arg8[%mul3A_108] : memref<5504xf32, #tpu.memory_space<hbm>> -> memref<1376xf32, #tpu.memory_space<hbm>>
    tpu.wait_dma2 semaphore(%arg21 : memref<!tpu.dma_semaphore, #tpu.memory_space<semaphore_mem>>) src(%dma_wait3A_171 : memref<1376xf32, #tpu.memory_space<hbm>>) dst(%arg16 : memref<1376xf32, #tpu.memory_space<vmem>>)
    %dma_wait3A_172 = tpu.memref_slice %arg9[%mul3A_112] : memref<5504xf32, #tpu.memory_space<hbm>> -> memref<1376xf32, #tpu.memory_space<hbm>>
    %dma_wait3A_173 = tpu.memref_slice %arg9[%mul3A_112] : memref<5504xf32, #tpu.memory_space<hbm>> -> memref<1376xf32, #tpu.memory_space<hbm>>
    tpu.wait_dma2 semaphore(%arg21 : memref<!tpu.dma_semaphore, #tpu.memory_space<semaphore_mem>>) src(%dma_wait3A_173 : memref<1376xf32, #tpu.memory_space<hbm>>) dst(%arg17 : memref<1376xf32, #tpu.memory_space<vmem>>)
    %iota3A = tpu.iota {dimensions = array<i32: 0>} : vector<16xi32>
    %broadcast_in_dim3A = arith.constant 0 : i32
    %broadcast_in_dim3A_174 = vector.broadcast %broadcast_in_dim3A : i32 to vector<16xi32>
    %mul3A_175 = arith.constant 5456 : i32
    %mul3A_176 = arith.muli %select_n3A, %mul3A_175 : i32
    %mul3A_177 = arith.constant 1376 : i32
    %mul3A_178 = arith.muli %select_n3A_30, %mul3A_177 : i32
    %add3A_179 = arith.addi %mul3A_176, %mul3A_178 : i32
    %get3A = arith.constant 0 : index
    %get3A_180 = tpu.vector_load %arg14[%get3A] {strides = array<i32>} : memref<1376xi32, #tpu.memory_space<vmem>>, vector<16xi32>,
    %get3A_181 = vector.shape_cast %get3A_180 : vector<16xi32> to vector<16xi32>
    %add3A_182 = arith.constant 0 : i32
    %add3A_183 = arith.addi %add3A_179, %add3A_182 : i32
    %add3A_184 = vector.broadcast %add3A_183 : i32 to vector<16xi32>
    %add3A_185 = arith.addi %add3A_184, %iota3A : vector<16xi32>
    %min3A = arith.constant 43647 : i32
    %min3A_186 = vector.broadcast %min3A : i32 to vector<16xi32>
    %min3A_187 = arith.minsi %add3A_185, %min3A_186 : vector<16xi32>
    %mul3A_188 = arith.constant 80 : i32
    %mul3A_189 = vector.broadcast %mul3A_188 : i32 to vector<16xi32>
    %mul3A_190 = arith.muli %min3A_187, %mul3A_189 : vector<16xi32>
    %min3A_191 = arith.constant 79 : i32
    %min3A_192 = vector.broadcast %min3A_191 : i32 to vector<16xi32>
    %min3A_193 = arith.minsi %get3A_181, %min3A_192 : vector<16xi32>
    %add3A_194 = arith.addi %mul3A_190, %min3A_193 : vector<16xi32>
    %swap3A = arith.constant 0 : i32
    %swap3A_195 = arith.index_cast %swap3A : i32 to index
    %swap3A_196 = arith.constant 0 : index
    %swap3A_197 = tpu.vector_load %arg18[%swap3A_195, %swap3A_196] {strides = array<i32>} : memref<11x128xi32, #tpu.memory_space<vmem>>, vector<1x16xi32>,
    %swap3A_198 = vector.shape_cast %swap3A_197 : vector<1x16xi32> to vector<16xi32>
    %swap3A_199 = vector.shape_cast %add3A_194 : vector<16xi32> to vector<1x16xi32>
    tpu.vector_store %arg18[%swap3A_195, %swap3A_196], %swap3A_199 {strides = array<i32>} : memref<11x128xi32, #tpu.memory_space<vmem>>, vector<1x16xi32>,
    %get3A_200 = arith.constant 16 : index
    %get3A_201 = tpu.vector_load %arg14[%get3A_200] {strides = array<i32>} : memref<1376xi32, #tpu.memory_space<vmem>>, vector<16xi32>,
    %get3A_202 = vector.shape_cast %get3A_201 : vector<16xi32> to vector<16xi32>
    %add3A_203 = arith.constant 16 : i32
    %add3A_204 = arith.addi %add3A_179, %add3A_203 : i32
    %add3A_205 = vector.broadcast %add3A_204 : i32 to vector<16xi32>
    %add3A_206 = arith.addi %add3A_205, %iota3A : vector<16xi32>
    %min3A_207 = arith.constant 43647 : i32
    %min3A_208 = vector.broadcast %min3A_207 : i32 to vector<16xi32>
    %min3A_209 = arith.minsi %add3A_206, %min3A_208 : vector<16xi32>
    %mul3A_210 = arith.constant 80 : i32
    %mul3A_211 = vector.broadcast %mul3A_210 : i32 to vector<16xi32>
    %mul3A_212 = arith.muli %min3A_209, %mul3A_211 : vector<16xi32>
    %min3A_213 = arith.constant 79 : i32
    %min3A_214 = vector.broadcast %min3A_213 : i32 to vector<16xi32>
    %min3A_215 = arith.minsi %get3A_202, %min3A_214 : vector<16xi32>
    %add3A_216 = arith.addi %mul3A_212, %min3A_215 : vector<16xi32>
    %swap3A_217 = arith.constant 0 : i32
    %swap3A_218 = arith.index_cast %swap3A_217 : i32 to index
    %swap3A_219 = arith.constant 16 : index
    %swap3A_220 = tpu.vector_load %arg18[%swap3A_218, %swap3A_219] {strides = array<i32>} : memref<11x128xi32, #tpu.memory_space<vmem>>, vector<1x16xi32>,
    %swap3A_221 = vector.shape_cast %swap3A_220 : vector<1x16xi32> to vector<16xi32>
    %swap3A_222 = vector.shape_cast %add3A_216 : vector<16xi32> to vector<1x16xi32>
    tpu.vector_store %arg18[%swap3A_218, %swap3A_219], %swap3A_222 {strides = array<i32>} : memref<11x128xi32, #tpu.memory_space<vmem>>, vector<1x16xi32>,
    %get3A_223 = arith.constant 32 : index
    %get3A_224 = tpu.vector_load %arg14[%get3A_223] {strides = array<i32>} : memref<1376xi32, #tpu.memory_space<vmem>>, vector<16xi32>,
    %get3A_225 = vector.shape_cast %get3A_224 : vector<16xi32> to vector<16xi32>
    %add3A_226 = arith.constant 32 : i32
    %add3A_227 = arith.addi %add3A_179, %add3A_226 : i32
    %add3A_228 = vector.broadcast %add3A_227 : i32 to vector<16xi32>
    %add3A_229 = arith.addi %add3A_228, %iota3A : vector<16xi32>
    %min3A_230 = arith.constant 43647 : i32
    %min3A_231 = vector.broadcast %min3A_230 : i32 to vector<16xi32>
    %min3A_232 = arith.minsi %add3A_229, %min3A_231 : vector<16xi32>
    %mul3A_233 = arith.constant 80 : i32
    %mul3A_234 = vector.broadcast %mul3A_233 : i32 to vector<16xi32>
    %mul3A_235 = arith.muli %min3A_232, %mul3A_234 : vector<16xi32>
    %min3A_236 = arith.constant 79 : i32
    %min3A_237 = vector.broadcast %min3A_236 : i32 to vector<16xi32>
    %min3A_238 = arith.minsi %get3A_225, %min3A_237 : vector<16xi32>
    %add3A_239 = arith.addi %mul3A_235, %min3A_238 : vector<16xi32>
    %swap3A_240 = arith.constant 0 : i32
    %swap3A_241 = arith.index_cast %swap3A_240 : i32 to index
    %swap3A_242 = arith.constant 32 : index
    %swap3A_243 = tpu.vector_load %arg18[%swap3A_241, %swap3A_242] {strides = array<i32>} : memref<11x128xi32, #tpu.memory_space<vmem>>, vector<1x16xi32>,
    %swap3A_244 = vector.shape_cast %swap3A_243 : vector<1x16xi32> to vector<16xi32>
    %swap3A_245 = vector.shape_cast %add3A_239 : vector<16xi32> to vector<1x16xi32>
    tpu.vector_store %arg18[%swap3A_241, %swap3A_242], %swap3A_245 {strides = array<i32>} : memref<11x128xi32, #tpu.memory_space<vmem>>, vector<1x16xi32>,
    %get3A_246 = arith.constant 48 : index
    %get3A_247 = tpu.vector_load %arg14[%get3A_246] {strides = array<i32>} : memref<1376xi32, #tpu.memory_space<vmem>>, vector<16xi32>,
    %get3A_248 = vector.shape_cast %get3A_247 : vector<16xi32> to vector<16xi32>
    %add3A_249 = arith.constant 48 : i32
    %add3A_250 = arith.addi %add3A_179, %add3A_249 : i32
    %add3A_251 = vector.broadcast %add3A_250 : i32 to vector<16xi32>
    %add3A_252 = arith.addi %add3A_251, %iota3A : vector<16xi32>
    %min3A_253 = arith.constant 43647 : i32
    %min3A_254 = vector.broadcast %min3A_253 : i32 to vector<16xi32>
    %min3A_255 = arith.minsi %add3A_252, %min3A_254 : vector<16xi32>
    %mul3A_256 = arith.constant 80 : i32
    %mul3A_257 = vector.broadcast %mul3A_256 : i32 to vector<16xi32>
    %mul3A_258 = arith.muli %min3A_255, %mul3A_257 : vector<16xi32>
    %min3A_259 = arith.constant 79 : i32
    %min3A_260 = vector.broadcast %min3A_259 : i32 to vector<16xi32>
    %min3A_261 = arith.minsi %get3A_248, %min3A_260 : vector<16xi32>
    %add3A_262 = arith.addi %mul3A_258, %min3A_261 : vector<16xi32>
    %swap3A_263 = arith.constant 0 : i32
    %swap3A_264 = arith.index_cast %swap3A_263 : i32 to index
    %swap3A_265 = arith.constant 48 : index
    %swap3A_266 = tpu.vector_load %arg18[%swap3A_264, %swap3A_265] {strides = array<i32>} : memref<11x128xi32, #tpu.memory_space<vmem>>, vector<1x16xi32>,
    %swap3A_267 = vector.shape_cast %swap3A_266 : vector<1x16xi32> to vector<16xi32>
    %swap3A_268 = vector.shape_cast %add3A_262 : vector<16xi32> to vector<1x16xi32>
    tpu.vector_store %arg18[%swap3A_264, %swap3A_265], %swap3A_268 {strides = array<i32>} : memref<11x128xi32, #tpu.memory_space<vmem>>, vector<1x16xi32>,
    %get3A_269 = arith.constant 64 : index
    %get3A_270 = tpu.vector_load %arg14[%get3A_269] {strides = array<i32>} : memref<1376xi32, #tpu.memory_space<vmem>>, vector<16xi32>,
    %get3A_271 = vector.shape_cast %get3A_270 : vector<16xi32> to vector<16xi32>
    %add3A_272 = arith.constant 64 : i32
    %add3A_273 = arith.addi %add3A_179, %add3A_272 : i32
    %add3A_274 = vector.broadcast %add3A_273 : i32 to vector<16xi32>
    %add3A_275 = arith.addi %add3A_274, %iota3A : vector<16xi32>
    %min3A_276 = arith.constant 43647 : i32
    %min3A_277 = vector.broadcast %min3A_276 : i32 to vector<16xi32>
    %min3A_278 = arith.minsi %add3A_275, %min3A_277 : vector<16xi32>
    %mul3A_279 = arith.constant 80 : i32
    %mul3A_280 = vector.broadcast %mul3A_279 : i32 to vector<16xi32>
    %mul3A_281 = arith.muli %min3A_278, %mul3A_280 : vector<16xi32>
    %min3A_282 = arith.constant 79 : i32
    %min3A_283 = vector.broadcast %min3A_282 : i32 to vector<16xi32>
    %min3A_284 = arith.minsi %get3A_271, %min3A_283 : vector<16xi32>
    %add3A_285 = arith.addi %mul3A_281, %min3A_284 : vector<16xi32>
    %swap3A_286 = arith.constant 0 : i32
    %swap3A_287 = arith.index_cast %swap3A_286 : i32 to index
    %swap3A_288 = arith.constant 64 : index
    %swap3A_289 = tpu.vector_load %arg18[%swap3A_287, %swap3A_288] {strides = array<i32>} : memref<11x128xi32, #tpu.memory_space<vmem>>, vector<1x16xi32>,
    %swap3A_290 = vector.shape_cast %swap3A_289 : vector<1x16xi32> to vector<16xi32>
    %swap3A_291 = vector.shape_cast %add3A_285 : vector<16xi32> to vector<1x16xi32>
    tpu.vector_store %arg18[%swap3A_287, %swap3A_288], %swap3A_291 {strides = array<i32>} : memref<11x128xi32, #tpu.memory_space<vmem>>, vector<1x16xi32>,
    %get3A_292 = arith.constant 80 : index
    %get3A_293 = tpu.vector_load %arg14[%get3A_292] {strides = array<i32>} : memref<1376xi32, #tpu.memory_space<vmem>>, vector<16xi32>,
    %get3A_294 = vector.shape_cast %get3A_293 : vector<16xi32> to vector<16xi32>
    %add3A_295 = arith.constant 80 : i32
    %add3A_296 = arith.addi %add3A_179, %add3A_295 : i32
    %add3A_297 = vector.broadcast %add3A_296 : i32 to vector<16xi32>
    %add3A_298 = arith.addi %add3A_297, %iota3A : vector<16xi32>
    %min3A_299 = arith.constant 43647 : i32
    %min3A_300 = vector.broadcast %min3A_299 : i32 to vector<16xi32>
    %min3A_301 = arith.minsi %add3A_298, %min3A_300 : vector<16xi32>
    %mul3A_302 = arith.constant 80 : i32
    %mul3A_303 = vector.broadcast %mul3A_302 : i32 to vector<16xi32>
    %mul3A_304 = arith.muli %min3A_301, %mul3A_303 : vector<16xi32>
    %min3A_305 = arith.constant 79 : i32
    %min3A_306 = vector.broadcast %min3A_305 : i32 to vector<16xi32>
    %min3A_307 = arith.minsi %get3A_294, %min3A_306 : vector<16xi32>
    %add3A_308 = arith.addi %mul3A_304, %min3A_307 : vector<16xi32>
    %swap3A_309 = arith.constant 0 : i32
    %swap3A_310 = arith.index_cast %swap3A_309 : i32 to index
    %swap3A_311 = arith.constant 80 : index
    %swap3A_312 = tpu.vector_load %arg18[%swap3A_310, %swap3A_311] {strides = array<i32>} : memref<11x128xi32, #tpu.memory_space<vmem>>, vector<1x16xi32>,
    %swap3A_313 = vector.shape_cast %swap3A_312 : vector<1x16xi32> to vector<16xi32>
    %swap3A_314 = vector.shape_cast %add3A_308 : vector<16xi32> to vector<1x16xi32>
    tpu.vector_store %arg18[%swap3A_310, %swap3A_311], %swap3A_314 {strides = array<i32>} : memref<11x128xi32, #tpu.memory_space<vmem>>, vector<1x16xi32>,
    %get3A_315 = arith.constant 96 : index
    %get3A_316 = tpu.vector_load %arg14[%get3A_315] {strides = array<i32>} : memref<1376xi32, #tpu.memory_space<vmem>>, vector<16xi32>,
    %get3A_317 = vector.shape_cast %get3A_316 : vector<16xi32> to vector<16xi32>
    %add3A_318 = arith.constant 96 : i32
    %add3A_319 = arith.addi %add3A_179, %add3A_318 : i32
    %add3A_320 = vector.broadcast %add3A_319 : i32 to vector<16xi32>
    %add3A_321 = arith.addi %add3A_320, %iota3A : vector<16xi32>
    %min3A_322 = arith.constant 43647 : i32
    %min3A_323 = vector.broadcast %min3A_322 : i32 to vector<16xi32>
    %min3A_324 = arith.minsi %add3A_321, %min3A_323 : vector<16xi32>
    %mul3A_325 = arith.constant 80 : i32
    %mul3A_326 = vector.broadcast %mul3A_325 : i32 to vector<16xi32>
    %mul3A_327 = arith.muli %min3A_324, %mul3A_326 : vector<16xi32>
    %min3A_328 = arith.constant 79 : i32
    %min3A_329 = vector.broadcast %min3A_328 : i32 to vector<16xi32>
    %min3A_330 = arith.minsi %get3A_317, %min3A_329 : vector<16xi32>
    %add3A_331 = arith.addi %mul3A_327, %min3A_330 : vector<16xi32>
    %swap3A_332 = arith.constant 0 : i32
    %swap3A_333 = arith.index_cast %swap3A_332 : i32 to index
    %swap3A_334 = arith.constant 96 : index
    %swap3A_335 = tpu.vector_load %arg18[%swap3A_333, %swap3A_334] {strides = array<i32>} : memref<11x128xi32, #tpu.memory_space<vmem>>, vector<1x16xi32>,
    %swap3A_336 = vector.shape_cast %swap3A_335 : vector<1x16xi32> to vector<16xi32>
    %swap3A_337 = vector.shape_cast %add3A_331 : vector<16xi32> to vector<1x16xi32>
    tpu.vector_store %arg18[%swap3A_333, %swap3A_334], %swap3A_337 {strides = array<i32>} : memref<11x128xi32, #tpu.memory_space<vmem>>, vector<1x16xi32>,
    %get3A_338 = arith.constant 112 : index
    %get3A_339 = tpu.vector_load %arg14[%get3A_338] {strides = array<i32>} : memref<1376xi32, #tpu.memory_space<vmem>>, vector<16xi32>,
    %get3A_340 = vector.shape_cast %get3A_339 : vector<16xi32> to vector<16xi32>
    %add3A_341 = arith.constant 112 : i32
    %add3A_342 = arith.addi %add3A_179, %add3A_341 : i32
    %add3A_343 = vector.broadcast %add3A_342 : i32 to vector<16xi32>
    %add3A_344 = arith.addi %add3A_343, %iota3A : vector<16xi32>
    %min3A_345 = arith.constant 43647 : i32
    %min3A_346 = vector.broadcast %min3A_345 : i32 to vector<16xi32>
    %min3A_347 = arith.minsi %add3A_344, %min3A_346 : vector<16xi32>
    %mul3A_348 = arith.constant 80 : i32
    %mul3A_349 = vector.broadcast %mul3A_348 : i32 to vector<16xi32>
    %mul3A_350 = arith.muli %min3A_347, %mul3A_349 : vector<16xi32>
    %min3A_351 = arith.constant 79 : i32
    %min3A_352 = vector.broadcast %min3A_351 : i32 to vector<16xi32>
    %min3A_353 = arith.minsi %get3A_340, %min3A_352 : vector<16xi32>
    %add3A_354 = arith.addi %mul3A_350, %min3A_353 : vector<16xi32>
    %swap3A_355 = arith.constant 0 : i32
    %swap3A_356 = arith.index_cast %swap3A_355 : i32 to index
    %swap3A_357 = arith.constant 112 : index
    %swap3A_358 = tpu.vector_load %arg18[%swap3A_356, %swap3A_357] {strides = array<i32>} : memref<11x128xi32, #tpu.memory_space<vmem>>, vector<1x16xi32>,
    %swap3A_359 = vector.shape_cast %swap3A_358 : vector<1x16xi32> to vector<16xi32>
    %swap3A_360 = vector.shape_cast %add3A_354 : vector<16xi32> to vector<1x16xi32>
    tpu.vector_store %arg18[%swap3A_356, %swap3A_357], %swap3A_360 {strides = array<i32>} : memref<11x128xi32, #tpu.memory_space<vmem>>, vector<1x16xi32>,
    %get3A_361 = arith.constant 128 : index
    %get3A_362 = tpu.vector_load %arg14[%get3A_361] {strides = array<i32>} : memref<1376xi32, #tpu.memory_space<vmem>>, vector<16xi32>,
    %get3A_363 = vector.shape_cast %get3A_362 : vector<16xi32> to vector<16xi32>
    %add3A_364 = arith.constant 128 : i32
    %add3A_365 = arith.addi %add3A_179, %add3A_364 : i32
    %add3A_366 = vector.broadcast %add3A_365 : i32 to vector<16xi32>
    %add3A_367 = arith.addi %add3A_366, %iota3A : vector<16xi32>
    %min3A_368 = arith.constant 43647 : i32
    %min3A_369 = vector.broadcast %min3A_368 : i32 to vector<16xi32>
    %min3A_370 = arith.minsi %add3A_367, %min3A_369 : vector<16xi32>
    %mul3A_371 = arith.constant 80 : i32
    %mul3A_372 = vector.broadcast %mul3A_371 : i32 to vector<16xi32>
    %mul3A_373 = arith.muli %min3A_370, %mul3A_372 : vector<16xi32>
    %min3A_374 = arith.constant 79 : i32
    %min3A_375 = vector.broadcast %min3A_374 : i32 to vector<16xi32>
    %min3A_376 = arith.minsi %get3A_363, %min3A_375 : vector<16xi32>
    %add3A_377 = arith.addi %mul3A_373, %min3A_376 : vector<16xi32>
    %swap3A_378 = arith.constant 1 : i32
    %swap3A_379 = arith.index_cast %swap3A_378 : i32 to index
    %swap3A_380 = arith.constant 0 : index
    %swap3A_381 = tpu.vector_load %arg18[%swap3A_379, %swap3A_380] {strides = array<i32>} : memref<11x128xi32, #tpu.memory_space<vmem>>, vector<1x16xi32>,
    %swap3A_382 = vector.shape_cast %swap3A_381 : vector<1x16xi32> to vector<16xi32>
    %swap3A_383 = vector.shape_cast %add3A_377 : vector<16xi32> to vector<1x16xi32>
    tpu.vector_store %arg18[%swap3A_379, %swap3A_380], %swap3A_383 {strides = array<i32>} : memref<11x128xi32, #tpu.memory_space<vmem>>, vector<1x16xi32>,
    %get3A_384 = arith.constant 144 : index
    %get3A_385 = tpu.vector_load %arg14[%get3A_384] {strides = array<i32>} : memref<1376xi32, #tpu.memory_space<vmem>>, vector<16xi32>,
    %get3A_386 = vector.shape_cast %get3A_385 : vector<16xi32> to vector<16xi32>
    %add3A_387 = arith.constant 144 : i32
    %add3A_388 = arith.addi %add3A_179, %add3A_387 : i32
    %add3A_389 = vector.broadcast %add3A_388 : i32 to vector<16xi32>
    %add3A_390 = arith.addi %add3A_389, %iota3A : vector<16xi32>
    %min3A_391 = arith.constant 43647 : i32
    %min3A_392 = vector.broadcast %min3A_391 : i32 to vector<16xi32>
    %min3A_393 = arith.minsi %add3A_390, %min3A_392 : vector<16xi32>
    %mul3A_394 = arith.constant 80 : i32
    %mul3A_395 = vector.broadcast %mul3A_394 : i32 to vector<16xi32>
    %mul3A_396 = arith.muli %min3A_393, %mul3A_395 : vector<16xi32>
    %min3A_397 = arith.constant 79 : i32
    %min3A_398 = vector.broadcast %min3A_397 : i32 to vector<16xi32>
    %min3A_399 = arith.minsi %get3A_386, %min3A_398 : vector<16xi32>
    %add3A_400 = arith.addi %mul3A_396, %min3A_399 : vector<16xi32>
    %swap3A_401 = arith.constant 1 : i32
    %swap3A_402 = arith.index_cast %swap3A_401 : i32 to index
    %swap3A_403 = arith.constant 16 : index
    %swap3A_404 = tpu.vector_load %arg18[%swap3A_402, %swap3A_403] {strides = array<i32>} : memref<11x128xi32, #tpu.memory_space<vmem>>, vector<1x16xi32>,
    %swap3A_405 = vector.shape_cast %swap3A_404 : vector<1x16xi32> to vector<16xi32>
    %swap3A_406 = vector.shape_cast %add3A_400 : vector<16xi32> to vector<1x16xi32>
    tpu.vector_store %arg18[%swap3A_402, %swap3A_403], %swap3A_406 {strides = array<i32>} : memref<11x128xi32, #tpu.memory_space<vmem>>, vector<1x16xi32>,
    %get3A_407 = arith.constant 160 : index
    %get3A_408 = tpu.vector_load %arg14[%get3A_407] {strides = array<i32>} : memref<1376xi32, #tpu.memory_space<vmem>>, vector<16xi32>,
    %get3A_409 = vector.shape_cast %get3A_408 : vector<16xi32> to vector<16xi32>
    %add3A_410 = arith.constant 160 : i32
    %add3A_411 = arith.addi %add3A_179, %add3A_410 : i32
    %add3A_412 = vector.broadcast %add3A_411 : i32 to vector<16xi32>
    %add3A_413 = arith.addi %add3A_412, %iota3A : vector<16xi32>
    %min3A_414 = arith.constant 43647 : i32
    %min3A_415 = vector.broadcast %min3A_414 : i32 to vector<16xi32>
    %min3A_416 = arith.minsi %add3A_413, %min3A_415 : vector<16xi32>
    %mul3A_417 = arith.constant 80 : i32
    %mul3A_418 = vector.broadcast %mul3A_417 : i32 to vector<16xi32>
    %mul3A_419 = arith.muli %min3A_416, %mul3A_418 : vector<16xi32>
    %min3A_420 = arith.constant 79 : i32
    %min3A_421 = vector.broadcast %min3A_420 : i32 to vector<16xi32>
    %min3A_422 = arith.minsi %get3A_409, %min3A_421 : vector<16xi32>
    %add3A_423 = arith.addi %mul3A_419, %min3A_422 : vector<16xi32>
    %swap3A_424 = arith.constant 1 : i32
    %swap3A_425 = arith.index_cast %swap3A_424 : i32 to index
    %swap3A_426 = arith.constant 32 : index
    %swap3A_427 = tpu.vector_load %arg18[%swap3A_425, %swap3A_426] {strides = array<i32>} : memref<11x128xi32, #tpu.memory_space<vmem>>, vector<1x16xi32>,
    %swap3A_428 = vector.shape_cast %swap3A_427 : vector<1x16xi32> to vector<16xi32>
    %swap3A_429 = vector.shape_cast %add3A_423 : vector<16xi32> to vector<1x16xi32>
    tpu.vector_store %arg18[%swap3A_425, %swap3A_426], %swap3A_429 {strides = array<i32>} : memref<11x128xi32, #tpu.memory_space<vmem>>, vector<1x16xi32>,
    %get3A_430 = arith.constant 176 : index
    %get3A_431 = tpu.vector_load %arg14[%get3A_430] {strides = array<i32>} : memref<1376xi32, #tpu.memory_space<vmem>>, vector<16xi32>,
    %get3A_432 = vector.shape_cast %get3A_431 : vector<16xi32> to vector<16xi32>
    %add3A_433 = arith.constant 176 : i32
    %add3A_434 = arith.addi %add3A_179, %add3A_433 : i32
    %add3A_435 = vector.broadcast %add3A_434 : i32 to vector<16xi32>
    %add3A_436 = arith.addi %add3A_435, %iota3A : vector<16xi32>
    %min3A_437 = arith.constant 43647 : i32
    %min3A_438 = vector.broadcast %min3A_437 : i32 to vector<16xi32>
    %min3A_439 = arith.minsi %add3A_436, %min3A_438 : vector<16xi32>
    %mul3A_440 = arith.constant 80 : i32
    %mul3A_441 = vector.broadcast %mul3A_440 : i32 to vector<16xi32>
    %mul3A_442 = arith.muli %min3A_439, %mul3A_441 : vector<16xi32>
    %min3A_443 = arith.constant 79 : i32
    %min3A_444 = vector.broadcast %min3A_443 : i32 to vector<16xi32>
    %min3A_445 = arith.minsi %get3A_432, %min3A_444 : vector<16xi32>
    %add3A_446 = arith.addi %mul3A_442, %min3A_445 : vector<16xi32>
    %swap3A_447 = arith.constant 1 : i32
    %swap3A_448 = arith.index_cast %swap3A_447 : i32 to index
    %swap3A_449 = arith.constant 48 : index
    %swap3A_450 = tpu.vector_load %arg18[%swap3A_448, %swap3A_449] {strides = array<i32>} : memref<11x128xi32, #tpu.memory_space<vmem>>, vector<1x16xi32>,
    %swap3A_451 = vector.shape_cast %swap3A_450 : vector<1x16xi32> to vector<16xi32>
    %swap3A_452 = vector.shape_cast %add3A_446 : vector<16xi32> to vector<1x16xi32>
    tpu.vector_store %arg18[%swap3A_448, %swap3A_449], %swap3A_452 {strides = array<i32>} : memref<11x128xi32, #tpu.memory_space<vmem>>, vector<1x16xi32>,
    %get3A_453 = arith.constant 192 : index
    %get3A_454 = tpu.vector_load %arg14[%get3A_453] {strides = array<i32>} : memref<1376xi32, #tpu.memory_space<vmem>>, vector<16xi32>,
    %get3A_455 = vector.shape_cast %get3A_454 : vector<16xi32> to vector<16xi32>
    %add3A_456 = arith.constant 192 : i32
    %add3A_457 = arith.addi %add3A_179, %add3A_456 : i32
    %add3A_458 = vector.broadcast %add3A_457 : i32 to vector<16xi32>
    %add3A_459 = arith.addi %add3A_458, %iota3A : vector<16xi32>
    %min3A_460 = arith.constant 43647 : i32
    %min3A_461 = vector.broadcast %min3A_460 : i32 to vector<16xi32>
    %min3A_462 = arith.minsi %add3A_459, %min3A_461 : vector<16xi32>
    %mul3A_463 = arith.constant 80 : i32
    %mul3A_464 = vector.broadcast %mul3A_463 : i32 to vector<16xi32>
    %mul3A_465 = arith.muli %min3A_462, %mul3A_464 : vector<16xi32>
    %min3A_466 = arith.constant 79 : i32
    %min3A_467 = vector.broadcast %min3A_466 : i32 to vector<16xi32>
    %min3A_468 = arith.minsi %get3A_455, %min3A_467 : vector<16xi32>
    %add3A_469 = arith.addi %mul3A_465, %min3A_468 : vector<16xi32>
    %swap3A_470 = arith.constant 1 : i32
    %swap3A_471 = arith.index_cast %swap3A_470 : i32 to index
    %swap3A_472 = arith.constant 64 : index
    %swap3A_473 = tpu.vector_load %arg18[%swap3A_471, %swap3A_472] {strides = array<i32>} : memref<11x128xi32, #tpu.memory_space<vmem>>, vector<1x16xi32>,
    %swap3A_474 = vector.shape_cast %swap3A_473 : vector<1x16xi32> to vector<16xi32>
    %swap3A_475 = vector.shape_cast %add3A_469 : vector<16xi32> to vector<1x16xi32>
    tpu.vector_store %arg18[%swap3A_471, %swap3A_472], %swap3A_475 {strides = array<i32>} : memref<11x128xi32, #tpu.memory_space<vmem>>, vector<1x16xi32>,
    %get3A_476 = arith.constant 208 : index
    %get3A_477 = tpu.vector_load %arg14[%get3A_476] {strides = array<i32>} : memref<1376xi32, #tpu.memory_space<vmem>>, vector<16xi32>,
    %get3A_478 = vector.shape_cast %get3A_477 : vector<16xi32> to vector<16xi32>
    %add3A_479 = arith.constant 208 : i32
    %add3A_480 = arith.addi %add3A_179, %add3A_479 : i32
    %add3A_481 = vector.broadcast %add3A_480 : i32 to vector<16xi32>
    %add3A_482 = arith.addi %add3A_481, %iota3A : vector<16xi32>
    %min3A_483 = arith.constant 43647 : i32
    %min3A_484 = vector.broadcast %min3A_483 : i32 to vector<16xi32>
    %min3A_485 = arith.minsi %add3A_482, %min3A_484 : vector<16xi32>
    %mul3A_486 = arith.constant 80 : i32
    %mul3A_487 = vector.broadcast %mul3A_486 : i32 to vector<16xi32>
    %mul3A_488 = arith.muli %min3A_485, %mul3A_487 : vector<16xi32>
    %min3A_489 = arith.constant 79 : i32
    %min3A_490 = vector.broadcast %min3A_489 : i32 to vector<16xi32>
    %min3A_491 = arith.minsi %get3A_478, %min3A_490 : vector<16xi32>
    %add3A_492 = arith.addi %mul3A_488, %min3A_491 : vector<16xi32>
    %swap3A_493 = arith.constant 1 : i32
    %swap3A_494 = arith.index_cast %swap3A_493 : i32 to index
    %swap3A_495 = arith.constant 80 : index
    %swap3A_496 = tpu.vector_load %arg18[%swap3A_494, %swap3A_495] {strides = array<i32>} : memref<11x128xi32, #tpu.memory_space<vmem>>, vector<1x16xi32>,
    %swap3A_497 = vector.shape_cast %swap3A_496 : vector<1x16xi32> to vector<16xi32>
    %swap3A_498 = vector.shape_cast %add3A_492 : vector<16xi32> to vector<1x16xi32>
    tpu.vector_store %arg18[%swap3A_494, %swap3A_495], %swap3A_498 {strides = array<i32>} : memref<11x128xi32, #tpu.memory_space<vmem>>, vector<1x16xi32>,
    %get3A_499 = arith.constant 224 : index
    %get3A_500 = tpu.vector_load %arg14[%get3A_499] {strides = array<i32>} : memref<1376xi32, #tpu.memory_space<vmem>>, vector<16xi32>,
    %get3A_501 = vector.shape_cast %get3A_500 : vector<16xi32> to vector<16xi32>
    %add3A_502 = arith.constant 224 : i32
    %add3A_503 = arith.addi %add3A_179, %add3A_502 : i32
    %add3A_504 = vector.broadcast %add3A_503 : i32 to vector<16xi32>
    %add3A_505 = arith.addi %add3A_504, %iota3A : vector<16xi32>
    %min3A_506 = arith.constant 43647 : i32
    %min3A_507 = vector.broadcast %min3A_506 : i32 to vector<16xi32>
    %min3A_508 = arith.minsi %add3A_505, %min3A_507 : vector<16xi32>
    %mul3A_509 = arith.constant 80 : i32
    %mul3A_510 = vector.broadcast %mul3A_509 : i32 to vector<16xi32>
    %mul3A_511 = arith.muli %min3A_508, %mul3A_510 : vector<16xi32>
    %min3A_512 = arith.constant 79 : i32
    %min3A_513 = vector.broadcast %min3A_512 : i32 to vector<16xi32>
    %min3A_514 = arith.minsi %get3A_501, %min3A_513 : vector<16xi32>
    %add3A_515 = arith.addi %mul3A_511, %min3A_514 : vector<16xi32>
    %swap3A_516 = arith.constant 1 : i32
    %swap3A_517 = arith.index_cast %swap3A_516 : i32 to index
    %swap3A_518 = arith.constant 96 : index
    %swap3A_519 = tpu.vector_load %arg18[%swap3A_517, %swap3A_518] {strides = array<i32>} : memref<11x128xi32, #tpu.memory_space<vmem>>, vector<1x16xi32>,
    %swap3A_520 = vector.shape_cast %swap3A_519 : vector<1x16xi32> to vector<16xi32>
    %swap3A_521 = vector.shape_cast %add3A_515 : vector<16xi32> to vector<1x16xi32>
    tpu.vector_store %arg18[%swap3A_517, %swap3A_518], %swap3A_521 {strides = array<i32>} : memref<11x128xi32, #tpu.memory_space<vmem>>, vector<1x16xi32>,
    %get3A_522 = arith.constant 240 : index
    %get3A_523 = tpu.vector_load %arg14[%get3A_522] {strides = array<i32>} : memref<1376xi32, #tpu.memory_space<vmem>>, vector<16xi32>,
    %get3A_524 = vector.shape_cast %get3A_523 : vector<16xi32> to vector<16xi32>
    %add3A_525 = arith.constant 240 : i32
    %add3A_526 = arith.addi %add3A_179, %add3A_525 : i32
    %add3A_527 = vector.broadcast %add3A_526 : i32 to vector<16xi32>
    %add3A_528 = arith.addi %add3A_527, %iota3A : vector<16xi32>
    %min3A_529 = arith.constant 43647 : i32
    %min3A_530 = vector.broadcast %min3A_529 : i32 to vector<16xi32>
    %min3A_531 = arith.minsi %add3A_528, %min3A_530 : vector<16xi32>
    %mul3A_532 = arith.constant 80 : i32
    %mul3A_533 = vector.broadcast %mul3A_532 : i32 to vector<16xi32>
    %mul3A_534 = arith.muli %min3A_531, %mul3A_533 : vector<16xi32>
    %min3A_535 = arith.constant 79 : i32
    %min3A_536 = vector.broadcast %min3A_535 : i32 to vector<16xi32>
    %min3A_537 = arith.minsi %get3A_524, %min3A_536 : vector<16xi32>
    %add3A_538 = arith.addi %mul3A_534, %min3A_537 : vector<16xi32>
    %swap3A_539 = arith.constant 1 : i32
    %swap3A_540 = arith.index_cast %swap3A_539 : i32 to index
    %swap3A_541 = arith.constant 112 : index
    %swap3A_542 = tpu.vector_load %arg18[%swap3A_540, %swap3A_541] {strides = array<i32>} : memref<11x128xi32, #tpu.memory_space<vmem>>, vector<1x16xi32>,
    %swap3A_543 = vector.shape_cast %swap3A_542 : vector<1x16xi32> to vector<16xi32>
    %swap3A_544 = vector.shape_cast %add3A_538 : vector<16xi32> to vector<1x16xi32>
    tpu.vector_store %arg18[%swap3A_540, %swap3A_541], %swap3A_544 {strides = array<i32>} : memref<11x128xi32, #tpu.memory_space<vmem>>, vector<1x16xi32>,
    %get3A_545 = arith.constant 256 : index
    %get3A_546 = tpu.vector_load %arg14[%get3A_545] {strides = array<i32>} : memref<1376xi32, #tpu.memory_space<vmem>>, vector<16xi32>,
    %get3A_547 = vector.shape_cast %get3A_546 : vector<16xi32> to vector<16xi32>
    %add3A_548 = arith.constant 256 : i32
    %add3A_549 = arith.addi %add3A_179, %add3A_548 : i32
    %add3A_550 = vector.broadcast %add3A_549 : i32 to vector<16xi32>
    %add3A_551 = arith.addi %add3A_550, %iota3A : vector<16xi32>
    %min3A_552 = arith.constant 43647 : i32
    %min3A_553 = vector.broadcast %min3A_552 : i32 to vector<16xi32>
    %min3A_554 = arith.minsi %add3A_551, %min3A_553 : vector<16xi32>
    %mul3A_555 = arith.constant 80 : i32
    %mul3A_556 = vector.broadcast %mul3A_555 : i32 to vector<16xi32>
    %mul3A_557 = arith.muli %min3A_554, %mul3A_556 : vector<16xi32>
    %min3A_558 = arith.constant 79 : i32
    %min3A_559 = vector.broadcast %min3A_558 : i32 to vector<16xi32>
    %min3A_560 = arith.minsi %get3A_547, %min3A_559 : vector<16xi32>
    %add3A_561 = arith.addi %mul3A_557, %min3A_560 : vector<16xi32>
    %swap3A_562 = arith.constant 2 : i32
    %swap3A_563 = arith.index_cast %swap3A_562 : i32 to index
    %swap3A_564 = arith.constant 0 : index
    %swap3A_565 = tpu.vector_load %arg18[%swap3A_563, %swap3A_564] {strides = array<i32>} : memref<11x128xi32, #tpu.memory_space<vmem>>, vector<1x16xi32>,
    %swap3A_566 = vector.shape_cast %swap3A_565 : vector<1x16xi32> to vector<16xi32>
    %swap3A_567 = vector.shape_cast %add3A_561 : vector<16xi32> to vector<1x16xi32>
    tpu.vector_store %arg18[%swap3A_563, %swap3A_564], %swap3A_567 {strides = array<i32>} : memref<11x128xi32, #tpu.memory_space<vmem>>, vector<1x16xi32>,
    %get3A_568 = arith.constant 272 : index
    %get3A_569 = tpu.vector_load %arg14[%get3A_568] {strides = array<i32>} : memref<1376xi32, #tpu.memory_space<vmem>>, vector<16xi32>,
    %get3A_570 = vector.shape_cast %get3A_569 : vector<16xi32> to vector<16xi32>
    %add3A_571 = arith.constant 272 : i32
    %add3A_572 = arith.addi %add3A_179, %add3A_571 : i32
    %add3A_573 = vector.broadcast %add3A_572 : i32 to vector<16xi32>
    %add3A_574 = arith.addi %add3A_573, %iota3A : vector<16xi32>
    %min3A_575 = arith.constant 43647 : i32
    %min3A_576 = vector.broadcast %min3A_575 : i32 to vector<16xi32>
    %min3A_577 = arith.minsi %add3A_574, %min3A_576 : vector<16xi32>
    %mul3A_578 = arith.constant 80 : i32
    %mul3A_579 = vector.broadcast %mul3A_578 : i32 to vector<16xi32>
    %mul3A_580 = arith.muli %min3A_577, %mul3A_579 : vector<16xi32>
    %min3A_581 = arith.constant 79 : i32
    %min3A_582 = vector.broadcast %min3A_581 : i32 to vector<16xi32>
    %min3A_583 = arith.minsi %get3A_570, %min3A_582 : vector<16xi32>
    %add3A_584 = arith.addi %mul3A_580, %min3A_583 : vector<16xi32>
    %swap3A_585 = arith.constant 2 : i32
    %swap3A_586 = arith.index_cast %swap3A_585 : i32 to index
    %swap3A_587 = arith.constant 16 : index
    %swap3A_588 = tpu.vector_load %arg18[%swap3A_586, %swap3A_587] {strides = array<i32>} : memref<11x128xi32, #tpu.memory_space<vmem>>, vector<1x16xi32>,
    %swap3A_589 = vector.shape_cast %swap3A_588 : vector<1x16xi32> to vector<16xi32>
    %swap3A_590 = vector.shape_cast %add3A_584 : vector<16xi32> to vector<1x16xi32>
    tpu.vector_store %arg18[%swap3A_586, %swap3A_587], %swap3A_590 {strides = array<i32>} : memref<11x128xi32, #tpu.memory_space<vmem>>, vector<1x16xi32>,
    %get3A_591 = arith.constant 288 : index
    %get3A_592 = tpu.vector_load %arg14[%get3A_591] {strides = array<i32>} : memref<1376xi32, #tpu.memory_space<vmem>>, vector<16xi32>,
    %get3A_593 = vector.shape_cast %get3A_592 : vector<16xi32> to vector<16xi32>
    %add3A_594 = arith.constant 288 : i32
    %add3A_595 = arith.addi %add3A_179, %add3A_594 : i32
    %add3A_596 = vector.broadcast %add3A_595 : i32 to vector<16xi32>
    %add3A_597 = arith.addi %add3A_596, %iota3A : vector<16xi32>
    %min3A_598 = arith.constant 43647 : i32
    %min3A_599 = vector.broadcast %min3A_598 : i32 to vector<16xi32>
    %min3A_600 = arith.minsi %add3A_597, %min3A_599 : vector<16xi32>
    %mul3A_601 = arith.constant 80 : i32
    %mul3A_602 = vector.broadcast %mul3A_601 : i32 to vector<16xi32>
    %mul3A_603 = arith.muli %min3A_600, %mul3A_602 : vector<16xi32>
    %min3A_604 = arith.constant 79 : i32
    %min3A_605 = vector.broadcast %min3A_604 : i32 to vector<16xi32>
    %min3A_606 = arith.minsi %get3A_593, %min3A_605 : vector<16xi32>
    %add3A_607 = arith.addi %mul3A_603, %min3A_606 : vector<16xi32>
    %swap3A_608 = arith.constant 2 : i32
    %swap3A_609 = arith.index_cast %swap3A_608 : i32 to index
    %swap3A_610 = arith.constant 32 : index
    %swap3A_611 = tpu.vector_load %arg18[%swap3A_609, %swap3A_610] {strides = array<i32>} : memref<11x128xi32, #tpu.memory_space<vmem>>, vector<1x16xi32>,
    %swap3A_612 = vector.shape_cast %swap3A_611 : vector<1x16xi32> to vector<16xi32>
    %swap3A_613 = vector.shape_cast %add3A_607 : vector<16xi32> to vector<1x16xi32>
    tpu.vector_store %arg18[%swap3A_609, %swap3A_610], %swap3A_613 {strides = array<i32>} : memref<11x128xi32, #tpu.memory_space<vmem>>, vector<1x16xi32>,
    %get3A_614 = arith.constant 304 : index
    %get3A_615 = tpu.vector_load %arg14[%get3A_614] {strides = array<i32>} : memref<1376xi32, #tpu.memory_space<vmem>>, vector<16xi32>,
    %get3A_616 = vector.shape_cast %get3A_615 : vector<16xi32> to vector<16xi32>
    %add3A_617 = arith.constant 304 : i32
    %add3A_618 = arith.addi %add3A_179, %add3A_617 : i32
    %add3A_619 = vector.broadcast %add3A_618 : i32 to vector<16xi32>
    %add3A_620 = arith.addi %add3A_619, %iota3A : vector<16xi32>
    %min3A_621 = arith.constant 43647 : i32
    %min3A_622 = vector.broadcast %min3A_621 : i32 to vector<16xi32>
    %min3A_623 = arith.minsi %add3A_620, %min3A_622 : vector<16xi32>
    %mul3A_624 = arith.constant 80 : i32
    %mul3A_625 = vector.broadcast %mul3A_624 : i32 to vector<16xi32>
    %mul3A_626 = arith.muli %min3A_623, %mul3A_625 : vector<16xi32>
    %min3A_627 = arith.constant 79 : i32
    %min3A_628 = vector.broadcast %min3A_627 : i32 to vector<16xi32>
    %min3A_629 = arith.minsi %get3A_616, %min3A_628 : vector<16xi32>
    %add3A_630 = arith.addi %mul3A_626, %min3A_629 : vector<16xi32>
    %swap3A_631 = arith.constant 2 : i32
    %swap3A_632 = arith.index_cast %swap3A_631 : i32 to index
    %swap3A_633 = arith.constant 48 : index
    %swap3A_634 = tpu.vector_load %arg18[%swap3A_632, %swap3A_633] {strides = array<i32>} : memref<11x128xi32, #tpu.memory_space<vmem>>, vector<1x16xi32>,
    %swap3A_635 = vector.shape_cast %swap3A_634 : vector<1x16xi32> to vector<16xi32>
    %swap3A_636 = vector.shape_cast %add3A_630 : vector<16xi32> to vector<1x16xi32>
    tpu.vector_store %arg18[%swap3A_632, %swap3A_633], %swap3A_636 {strides = array<i32>} : memref<11x128xi32, #tpu.memory_space<vmem>>, vector<1x16xi32>,
    %get3A_637 = arith.constant 320 : index
    %get3A_638 = tpu.vector_load %arg14[%get3A_637] {strides = array<i32>} : memref<1376xi32, #tpu.memory_space<vmem>>, vector<16xi32>,
    %get3A_639 = vector.shape_cast %get3A_638 : vector<16xi32> to vector<16xi32>
    %add3A_640 = arith.constant 320 : i32
    %add3A_641 = arith.addi %add3A_179, %add3A_640 : i32
    %add3A_642 = vector.broadcast %add3A_641 : i32 to vector<16xi32>
    %add3A_643 = arith.addi %add3A_642, %iota3A : vector<16xi32>
    %min3A_644 = arith.constant 43647 : i32
    %min3A_645 = vector.broadcast %min3A_644 : i32 to vector<16xi32>
    %min3A_646 = arith.minsi %add3A_643, %min3A_645 : vector<16xi32>
    %mul3A_647 = arith.constant 80 : i32
    %mul3A_648 = vector.broadcast %mul3A_647 : i32 to vector<16xi32>
    %mul3A_649 = arith.muli %min3A_646, %mul3A_648 : vector<16xi32>
    %min3A_650 = arith.constant 79 : i32
    %min3A_651 = vector.broadcast %min3A_650 : i32 to vector<16xi32>
    %min3A_652 = arith.minsi %get3A_639, %min3A_651 : vector<16xi32>
    %add3A_653 = arith.addi %mul3A_649, %min3A_652 : vector<16xi32>
    %swap3A_654 = arith.constant 2 : i32
    %swap3A_655 = arith.index_cast %swap3A_654 : i32 to index
    %swap3A_656 = arith.constant 64 : index
    %swap3A_657 = tpu.vector_load %arg18[%swap3A_655, %swap3A_656] {strides = array<i32>} : memref<11x128xi32, #tpu.memory_space<vmem>>, vector<1x16xi32>,
    %swap3A_658 = vector.shape_cast %swap3A_657 : vector<1x16xi32> to vector<16xi32>
    %swap3A_659 = vector.shape_cast %add3A_653 : vector<16xi32> to vector<1x16xi32>
    tpu.vector_store %arg18[%swap3A_655, %swap3A_656], %swap3A_659 {strides = array<i32>} : memref<11x128xi32, #tpu.memory_space<vmem>>, vector<1x16xi32>,
    %get3A_660 = arith.constant 336 : index
    %get3A_661 = tpu.vector_load %arg14[%get3A_660] {strides = array<i32>} : memref<1376xi32, #tpu.memory_space<vmem>>, vector<16xi32>,
    %get3A_662 = vector.shape_cast %get3A_661 : vector<16xi32> to vector<16xi32>
    %add3A_663 = arith.constant 336 : i32
    %add3A_664 = arith.addi %add3A_179, %add3A_663 : i32
    %add3A_665 = vector.broadcast %add3A_664 : i32 to vector<16xi32>
    %add3A_666 = arith.addi %add3A_665, %iota3A : vector<16xi32>
    %min3A_667 = arith.constant 43647 : i32
    %min3A_668 = vector.broadcast %min3A_667 : i32 to vector<16xi32>
    %min3A_669 = arith.minsi %add3A_666, %min3A_668 : vector<16xi32>
    %mul3A_670 = arith.constant 80 : i32
    %mul3A_671 = vector.broadcast %mul3A_670 : i32 to vector<16xi32>
    %mul3A_672 = arith.muli %min3A_669, %mul3A_671 : vector<16xi32>
    %min3A_673 = arith.constant 79 : i32
    %min3A_674 = vector.broadcast %min3A_673 : i32 to vector<16xi32>
    %min3A_675 = arith.minsi %get3A_662, %min3A_674 : vector<16xi32>
    %add3A_676 = arith.addi %mul3A_672, %min3A_675 : vector<16xi32>
    %swap3A_677 = arith.constant 2 : i32
    %swap3A_678 = arith.index_cast %swap3A_677 : i32 to index
    %swap3A_679 = arith.constant 80 : index
    %swap3A_680 = tpu.vector_load %arg18[%swap3A_678, %swap3A_679] {strides = array<i32>} : memref<11x128xi32, #tpu.memory_space<vmem>>, vector<1x16xi32>,
    %swap3A_681 = vector.shape_cast %swap3A_680 : vector<1x16xi32> to vector<16xi32>
    %swap3A_682 = vector.shape_cast %add3A_676 : vector<16xi32> to vector<1x16xi32>
    tpu.vector_store %arg18[%swap3A_678, %swap3A_679], %swap3A_682 {strides = array<i32>} : memref<11x128xi32, #tpu.memory_space<vmem>>, vector<1x16xi32>,
    %get3A_683 = arith.constant 352 : index
    %get3A_684 = tpu.vector_load %arg14[%get3A_683] {strides = array<i32>} : memref<1376xi32, #tpu.memory_space<vmem>>, vector<16xi32>,
    %get3A_685 = vector.shape_cast %get3A_684 : vector<16xi32> to vector<16xi32>
    %add3A_686 = arith.constant 352 : i32
    %add3A_687 = arith.addi %add3A_179, %add3A_686 : i32
    %add3A_688 = vector.broadcast %add3A_687 : i32 to vector<16xi32>
    %add3A_689 = arith.addi %add3A_688, %iota3A : vector<16xi32>
    %min3A_690 = arith.constant 43647 : i32
    %min3A_691 = vector.broadcast %min3A_690 : i32 to vector<16xi32>
    %min3A_692 = arith.minsi %add3A_689, %min3A_691 : vector<16xi32>
    %mul3A_693 = arith.constant 80 : i32
    %mul3A_694 = vector.broadcast %mul3A_693 : i32 to vector<16xi32>
    %mul3A_695 = arith.muli %min3A_692, %mul3A_694 : vector<16xi32>
    %min3A_696 = arith.constant 79 : i32
    %min3A_697 = vector.broadcast %min3A_696 : i32 to vector<16xi32>
    %min3A_698 = arith.minsi %get3A_685, %min3A_697 : vector<16xi32>
    %add3A_699 = arith.addi %mul3A_695, %min3A_698 : vector<16xi32>
    %swap3A_700 = arith.constant 2 : i32
    %swap3A_701 = arith.index_cast %swap3A_700 : i32 to index
    %swap3A_702 = arith.constant 96 : index
    %swap3A_703 = tpu.vector_load %arg18[%swap3A_701, %swap3A_702] {strides = array<i32>} : memref<11x128xi32, #tpu.memory_space<vmem>>, vector<1x16xi32>,
    %swap3A_704 = vector.shape_cast %swap3A_703 : vector<1x16xi32> to vector<16xi32>
    %swap3A_705 = vector.shape_cast %add3A_699 : vector<16xi32> to vector<1x16xi32>
    tpu.vector_store %arg18[%swap3A_701, %swap3A_702], %swap3A_705 {strides = array<i32>} : memref<11x128xi32, #tpu.memory_space<vmem>>, vector<1x16xi32>,
    %get3A_706 = arith.constant 368 : index
    %get3A_707 = tpu.vector_load %arg14[%get3A_706] {strides = array<i32>} : memref<1376xi32, #tpu.memory_space<vmem>>, vector<16xi32>,
    %get3A_708 = vector.shape_cast %get3A_707 : vector<16xi32> to vector<16xi32>
    %add3A_709 = arith.constant 368 : i32
    %add3A_710 = arith.addi %add3A_179, %add3A_709 : i32
    %add3A_711 = vector.broadcast %add3A_710 : i32 to vector<16xi32>
    %add3A_712 = arith.addi %add3A_711, %iota3A : vector<16xi32>
    %min3A_713 = arith.constant 43647 : i32
    %min3A_714 = vector.broadcast %min3A_713 : i32 to vector<16xi32>
    %min3A_715 = arith.minsi %add3A_712, %min3A_714 : vector<16xi32>
    %mul3A_716 = arith.constant 80 : i32
    %mul3A_717 = vector.broadcast %mul3A_716 : i32 to vector<16xi32>
    %mul3A_718 = arith.muli %min3A_715, %mul3A_717 : vector<16xi32>
    %min3A_719 = arith.constant 79 : i32
    %min3A_720 = vector.broadcast %min3A_719 : i32 to vector<16xi32>
    %min3A_721 = arith.minsi %get3A_708, %min3A_720 : vector<16xi32>
    %add3A_722 = arith.addi %mul3A_718, %min3A_721 : vector<16xi32>
    %swap3A_723 = arith.constant 2 : i32
    %swap3A_724 = arith.index_cast %swap3A_723 : i32 to index
    %swap3A_725 = arith.constant 112 : index
    %swap3A_726 = tpu.vector_load %arg18[%swap3A_724, %swap3A_725] {strides = array<i32>} : memref<11x128xi32, #tpu.memory_space<vmem>>, vector<1x16xi32>,
    %swap3A_727 = vector.shape_cast %swap3A_726 : vector<1x16xi32> to vector<16xi32>
    %swap3A_728 = vector.shape_cast %add3A_722 : vector<16xi32> to vector<1x16xi32>
    tpu.vector_store %arg18[%swap3A_724, %swap3A_725], %swap3A_728 {strides = array<i32>} : memref<11x128xi32, #tpu.memory_space<vmem>>, vector<1x16xi32>,
    %get3A_729 = arith.constant 384 : index
    %get3A_730 = tpu.vector_load %arg14[%get3A_729] {strides = array<i32>} : memref<1376xi32, #tpu.memory_space<vmem>>, vector<16xi32>,
    %get3A_731 = vector.shape_cast %get3A_730 : vector<16xi32> to vector<16xi32>
    %add3A_732 = arith.constant 384 : i32
    %add3A_733 = arith.addi %add3A_179, %add3A_732 : i32
    %add3A_734 = vector.broadcast %add3A_733 : i32 to vector<16xi32>
    %add3A_735 = arith.addi %add3A_734, %iota3A : vector<16xi32>
    %min3A_736 = arith.constant 43647 : i32
    %min3A_737 = vector.broadcast %min3A_736 : i32 to vector<16xi32>
    %min3A_738 = arith.minsi %add3A_735, %min3A_737 : vector<16xi32>
    %mul3A_739 = arith.constant 80 : i32
    %mul3A_740 = vector.broadcast %mul3A_739 : i32 to vector<16xi32>
    %mul3A_741 = arith.muli %min3A_738, %mul3A_740 : vector<16xi32>
    %min3A_742 = arith.constant 79 : i32
    %min3A_743 = vector.broadcast %min3A_742 : i32 to vector<16xi32>
    %min3A_744 = arith.minsi %get3A_731, %min3A_743 : vector<16xi32>
    %add3A_745 = arith.addi %mul3A_741, %min3A_744 : vector<16xi32>
    %swap3A_746 = arith.constant 3 : i32
    %swap3A_747 = arith.index_cast %swap3A_746 : i32 to index
    %swap3A_748 = arith.constant 0 : index
    %swap3A_749 = tpu.vector_load %arg18[%swap3A_747, %swap3A_748] {strides = array<i32>} : memref<11x128xi32, #tpu.memory_space<vmem>>, vector<1x16xi32>,
    %swap3A_750 = vector.shape_cast %swap3A_749 : vector<1x16xi32> to vector<16xi32>
    %swap3A_751 = vector.shape_cast %add3A_745 : vector<16xi32> to vector<1x16xi32>
    tpu.vector_store %arg18[%swap3A_747, %swap3A_748], %swap3A_751 {strides = array<i32>} : memref<11x128xi32, #tpu.memory_space<vmem>>, vector<1x16xi32>,
    %get3A_752 = arith.constant 400 : index
    %get3A_753 = tpu.vector_load %arg14[%get3A_752] {strides = array<i32>} : memref<1376xi32, #tpu.memory_space<vmem>>, vector<16xi32>,
    %get3A_754 = vector.shape_cast %get3A_753 : vector<16xi32> to vector<16xi32>
    %add3A_755 = arith.constant 400 : i32
    %add3A_756 = arith.addi %add3A_179, %add3A_755 : i32
    %add3A_757 = vector.broadcast %add3A_756 : i32 to vector<16xi32>
    %add3A_758 = arith.addi %add3A_757, %iota3A : vector<16xi32>
    %min3A_759 = arith.constant 43647 : i32
    %min3A_760 = vector.broadcast %min3A_759 : i32 to vector<16xi32>
    %min3A_761 = arith.minsi %add3A_758, %min3A_760 : vector<16xi32>
    %mul3A_762 = arith.constant 80 : i32
    %mul3A_763 = vector.broadcast %mul3A_762 : i32 to vector<16xi32>
    %mul3A_764 = arith.muli %min3A_761, %mul3A_763 : vector<16xi32>
    %min3A_765 = arith.constant 79 : i32
    %min3A_766 = vector.broadcast %min3A_765 : i32 to vector<16xi32>
    %min3A_767 = arith.minsi %get3A_754, %min3A_766 : vector<16xi32>
    %add3A_768 = arith.addi %mul3A_764, %min3A_767 : vector<16xi32>
    %swap3A_769 = arith.constant 3 : i32
    %swap3A_770 = arith.index_cast %swap3A_769 : i32 to index
    %swap3A_771 = arith.constant 16 : index
    %swap3A_772 = tpu.vector_load %arg18[%swap3A_770, %swap3A_771] {strides = array<i32>} : memref<11x128xi32, #tpu.memory_space<vmem>>, vector<1x16xi32>,
    %swap3A_773 = vector.shape_cast %swap3A_772 : vector<1x16xi32> to vector<16xi32>
    %swap3A_774 = vector.shape_cast %add3A_768 : vector<16xi32> to vector<1x16xi32>
    tpu.vector_store %arg18[%swap3A_770, %swap3A_771], %swap3A_774 {strides = array<i32>} : memref<11x128xi32, #tpu.memory_space<vmem>>, vector<1x16xi32>,
    %get3A_775 = arith.constant 416 : index
    %get3A_776 = tpu.vector_load %arg14[%get3A_775] {strides = array<i32>} : memref<1376xi32, #tpu.memory_space<vmem>>, vector<16xi32>,
    %get3A_777 = vector.shape_cast %get3A_776 : vector<16xi32> to vector<16xi32>
    %add3A_778 = arith.constant 416 : i32
    %add3A_779 = arith.addi %add3A_179, %add3A_778 : i32
    %add3A_780 = vector.broadcast %add3A_779 : i32 to vector<16xi32>
    %add3A_781 = arith.addi %add3A_780, %iota3A : vector<16xi32>
    %min3A_782 = arith.constant 43647 : i32
    %min3A_783 = vector.broadcast %min3A_782 : i32 to vector<16xi32>
    %min3A_784 = arith.minsi %add3A_781, %min3A_783 : vector<16xi32>
    %mul3A_785 = arith.constant 80 : i32
    %mul3A_786 = vector.broadcast %mul3A_785 : i32 to vector<16xi32>
    %mul3A_787 = arith.muli %min3A_784, %mul3A_786 : vector<16xi32>
    %min3A_788 = arith.constant 79 : i32
    %min3A_789 = vector.broadcast %min3A_788 : i32 to vector<16xi32>
    %min3A_790 = arith.minsi %get3A_777, %min3A_789 : vector<16xi32>
    %add3A_791 = arith.addi %mul3A_787, %min3A_790 : vector<16xi32>
    %swap3A_792 = arith.constant 3 : i32
    %swap3A_793 = arith.index_cast %swap3A_792 : i32 to index
    %swap3A_794 = arith.constant 32 : index
    %swap3A_795 = tpu.vector_load %arg18[%swap3A_793, %swap3A_794] {strides = array<i32>} : memref<11x128xi32, #tpu.memory_space<vmem>>, vector<1x16xi32>,
    %swap3A_796 = vector.shape_cast %swap3A_795 : vector<1x16xi32> to vector<16xi32>
    %swap3A_797 = vector.shape_cast %add3A_791 : vector<16xi32> to vector<1x16xi32>
    tpu.vector_store %arg18[%swap3A_793, %swap3A_794], %swap3A_797 {strides = array<i32>} : memref<11x128xi32, #tpu.memory_space<vmem>>, vector<1x16xi32>,
    %get3A_798 = arith.constant 432 : index
    %get3A_799 = tpu.vector_load %arg14[%get3A_798] {strides = array<i32>} : memref<1376xi32, #tpu.memory_space<vmem>>, vector<16xi32>,
    %get3A_800 = vector.shape_cast %get3A_799 : vector<16xi32> to vector<16xi32>
    %add3A_801 = arith.constant 432 : i32
    %add3A_802 = arith.addi %add3A_179, %add3A_801 : i32
    %add3A_803 = vector.broadcast %add3A_802 : i32 to vector<16xi32>
    %add3A_804 = arith.addi %add3A_803, %iota3A : vector<16xi32>
    %min3A_805 = arith.constant 43647 : i32
    %min3A_806 = vector.broadcast %min3A_805 : i32 to vector<16xi32>
    %min3A_807 = arith.minsi %add3A_804, %min3A_806 : vector<16xi32>
    %mul3A_808 = arith.constant 80 : i32
    %mul3A_809 = vector.broadcast %mul3A_808 : i32 to vector<16xi32>
    %mul3A_810 = arith.muli %min3A_807, %mul3A_809 : vector<16xi32>
    %min3A_811 = arith.constant 79 : i32
    %min3A_812 = vector.broadcast %min3A_811 : i32 to vector<16xi32>
    %min3A_813 = arith.minsi %get3A_800, %min3A_812 : vector<16xi32>
    %add3A_814 = arith.addi %mul3A_810, %min3A_813 : vector<16xi32>
    %swap3A_815 = arith.constant 3 : i32
    %swap3A_816 = arith.index_cast %swap3A_815 : i32 to index
    %swap3A_817 = arith.constant 48 : index
    %swap3A_818 = tpu.vector_load %arg18[%swap3A_816, %swap3A_817] {strides = array<i32>} : memref<11x128xi32, #tpu.memory_space<vmem>>, vector<1x16xi32>,
    %swap3A_819 = vector.shape_cast %swap3A_818 : vector<1x16xi32> to vector<16xi32>
    %swap3A_820 = vector.shape_cast %add3A_814 : vector<16xi32> to vector<1x16xi32>
    tpu.vector_store %arg18[%swap3A_816, %swap3A_817], %swap3A_820 {strides = array<i32>} : memref<11x128xi32, #tpu.memory_space<vmem>>, vector<1x16xi32>,
    %get3A_821 = arith.constant 448 : index
    %get3A_822 = tpu.vector_load %arg14[%get3A_821] {strides = array<i32>} : memref<1376xi32, #tpu.memory_space<vmem>>, vector<16xi32>,
    %get3A_823 = vector.shape_cast %get3A_822 : vector<16xi32> to vector<16xi32>
    %add3A_824 = arith.constant 448 : i32
    %add3A_825 = arith.addi %add3A_179, %add3A_824 : i32
    %add3A_826 = vector.broadcast %add3A_825 : i32 to vector<16xi32>
    %add3A_827 = arith.addi %add3A_826, %iota3A : vector<16xi32>
    %min3A_828 = arith.constant 43647 : i32
    %min3A_829 = vector.broadcast %min3A_828 : i32 to vector<16xi32>
    %min3A_830 = arith.minsi %add3A_827, %min3A_829 : vector<16xi32>
    %mul3A_831 = arith.constant 80 : i32
    %mul3A_832 = vector.broadcast %mul3A_831 : i32 to vector<16xi32>
    %mul3A_833 = arith.muli %min3A_830, %mul3A_832 : vector<16xi32>
    %min3A_834 = arith.constant 79 : i32
    %min3A_835 = vector.broadcast %min3A_834 : i32 to vector<16xi32>
    %min3A_836 = arith.minsi %get3A_823, %min3A_835 : vector<16xi32>
    %add3A_837 = arith.addi %mul3A_833, %min3A_836 : vector<16xi32>
    %swap3A_838 = arith.constant 3 : i32
    %swap3A_839 = arith.index_cast %swap3A_838 : i32 to index
    %swap3A_840 = arith.constant 64 : index
    %swap3A_841 = tpu.vector_load %arg18[%swap3A_839, %swap3A_840] {strides = array<i32>} : memref<11x128xi32, #tpu.memory_space<vmem>>, vector<1x16xi32>,
    %swap3A_842 = vector.shape_cast %swap3A_841 : vector<1x16xi32> to vector<16xi32>
    %swap3A_843 = vector.shape_cast %add3A_837 : vector<16xi32> to vector<1x16xi32>
    tpu.vector_store %arg18[%swap3A_839, %swap3A_840], %swap3A_843 {strides = array<i32>} : memref<11x128xi32, #tpu.memory_space<vmem>>, vector<1x16xi32>,
    %get3A_844 = arith.constant 464 : index
    %get3A_845 = tpu.vector_load %arg14[%get3A_844] {strides = array<i32>} : memref<1376xi32, #tpu.memory_space<vmem>>, vector<16xi32>,
    %get3A_846 = vector.shape_cast %get3A_845 : vector<16xi32> to vector<16xi32>
    %add3A_847 = arith.constant 464 : i32
    %add3A_848 = arith.addi %add3A_179, %add3A_847 : i32
    %add3A_849 = vector.broadcast %add3A_848 : i32 to vector<16xi32>
    %add3A_850 = arith.addi %add3A_849, %iota3A : vector<16xi32>
    %min3A_851 = arith.constant 43647 : i32
    %min3A_852 = vector.broadcast %min3A_851 : i32 to vector<16xi32>
    %min3A_853 = arith.minsi %add3A_850, %min3A_852 : vector<16xi32>
    %mul3A_854 = arith.constant 80 : i32
    %mul3A_855 = vector.broadcast %mul3A_854 : i32 to vector<16xi32>
    %mul3A_856 = arith.muli %min3A_853, %mul3A_855 : vector<16xi32>
    %min3A_857 = arith.constant 79 : i32
    %min3A_858 = vector.broadcast %min3A_857 : i32 to vector<16xi32>
    %min3A_859 = arith.minsi %get3A_846, %min3A_858 : vector<16xi32>
    %add3A_860 = arith.addi %mul3A_856, %min3A_859 : vector<16xi32>
    %swap3A_861 = arith.constant 3 : i32
    %swap3A_862 = arith.index_cast %swap3A_861 : i32 to index
    %swap3A_863 = arith.constant 80 : index
    %swap3A_864 = tpu.vector_load %arg18[%swap3A_862, %swap3A_863] {strides = array<i32>} : memref<11x128xi32, #tpu.memory_space<vmem>>, vector<1x16xi32>,
    %swap3A_865 = vector.shape_cast %swap3A_864 : vector<1x16xi32> to vector<16xi32>
    %swap3A_866 = vector.shape_cast %add3A_860 : vector<16xi32> to vector<1x16xi32>
    tpu.vector_store %arg18[%swap3A_862, %swap3A_863], %swap3A_866 {strides = array<i32>} : memref<11x128xi32, #tpu.memory_space<vmem>>, vector<1x16xi32>,
    %get3A_867 = arith.constant 480 : index
    %get3A_868 = tpu.vector_load %arg14[%get3A_867] {strides = array<i32>} : memref<1376xi32, #tpu.memory_space<vmem>>, vector<16xi32>,
    %get3A_869 = vector.shape_cast %get3A_868 : vector<16xi32> to vector<16xi32>
    %add3A_870 = arith.constant 480 : i32
    %add3A_871 = arith.addi %add3A_179, %add3A_870 : i32
    %add3A_872 = vector.broadcast %add3A_871 : i32 to vector<16xi32>
    %add3A_873 = arith.addi %add3A_872, %iota3A : vector<16xi32>
    %min3A_874 = arith.constant 43647 : i32
    %min3A_875 = vector.broadcast %min3A_874 : i32 to vector<16xi32>
    %min3A_876 = arith.minsi %add3A_873, %min3A_875 : vector<16xi32>
    %mul3A_877 = arith.constant 80 : i32
    %mul3A_878 = vector.broadcast %mul3A_877 : i32 to vector<16xi32>
    %mul3A_879 = arith.muli %min3A_876, %mul3A_878 : vector<16xi32>
    %min3A_880 = arith.constant 79 : i32
    %min3A_881 = vector.broadcast %min3A_880 : i32 to vector<16xi32>
    %min3A_882 = arith.minsi %get3A_869, %min3A_881 : vector<16xi32>
    %add3A_883 = arith.addi %mul3A_879, %min3A_882 : vector<16xi32>
    %swap3A_884 = arith.constant 3 : i32
    %swap3A_885 = arith.index_cast %swap3A_884 : i32 to index
    %swap3A_886 = arith.constant 96 : index
    %swap3A_887 = tpu.vector_load %arg18[%swap3A_885, %swap3A_886] {strides = array<i32>} : memref<11x128xi32, #tpu.memory_space<vmem>>, vector<1x16xi32>,
    %swap3A_888 = vector.shape_cast %swap3A_887 : vector<1x16xi32> to vector<16xi32>
    %swap3A_889 = vector.shape_cast %add3A_883 : vector<16xi32> to vector<1x16xi32>
    tpu.vector_store %arg18[%swap3A_885, %swap3A_886], %swap3A_889 {strides = array<i32>} : memref<11x128xi32, #tpu.memory_space<vmem>>, vector<1x16xi32>,
    %get3A_890 = arith.constant 496 : index
    %get3A_891 = tpu.vector_load %arg14[%get3A_890] {strides = array<i32>} : memref<1376xi32, #tpu.memory_space<vmem>>, vector<16xi32>,
    %get3A_892 = vector.shape_cast %get3A_891 : vector<16xi32> to vector<16xi32>
    %add3A_893 = arith.constant 496 : i32
    %add3A_894 = arith.addi %add3A_179, %add3A_893 : i32
    %add3A_895 = vector.broadcast %add3A_894 : i32 to vector<16xi32>
    %add3A_896 = arith.addi %add3A_895, %iota3A : vector<16xi32>
    %min3A_897 = arith.constant 43647 : i32
    %min3A_898 = vector.broadcast %min3A_897 : i32 to vector<16xi32>
    %min3A_899 = arith.minsi %add3A_896, %min3A_898 : vector<16xi32>
    %mul3A_900 = arith.constant 80 : i32
    %mul3A_901 = vector.broadcast %mul3A_900 : i32 to vector<16xi32>
    %mul3A_902 = arith.muli %min3A_899, %mul3A_901 : vector<16xi32>
    %min3A_903 = arith.constant 79 : i32
    %min3A_904 = vector.broadcast %min3A_903 : i32 to vector<16xi32>
    %min3A_905 = arith.minsi %get3A_892, %min3A_904 : vector<16xi32>
    %add3A_906 = arith.addi %mul3A_902, %min3A_905 : vector<16xi32>
    %swap3A_907 = arith.constant 3 : i32
    %swap3A_908 = arith.index_cast %swap3A_907 : i32 to index
    %swap3A_909 = arith.constant 112 : index
    %swap3A_910 = tpu.vector_load %arg18[%swap3A_908, %swap3A_909] {strides = array<i32>} : memref<11x128xi32, #tpu.memory_space<vmem>>, vector<1x16xi32>,
    %swap3A_911 = vector.shape_cast %swap3A_910 : vector<1x16xi32> to vector<16xi32>
    %swap3A_912 = vector.shape_cast %add3A_906 : vector<16xi32> to vector<1x16xi32>
    tpu.vector_store %arg18[%swap3A_908, %swap3A_909], %swap3A_912 {strides = array<i32>} : memref<11x128xi32, #tpu.memory_space<vmem>>, vector<1x16xi32>,
    %get3A_913 = arith.constant 512 : index
    %get3A_914 = tpu.vector_load %arg14[%get3A_913] {strides = array<i32>} : memref<1376xi32, #tpu.memory_space<vmem>>, vector<16xi32>,
    %get3A_915 = vector.shape_cast %get3A_914 : vector<16xi32> to vector<16xi32>
    %add3A_916 = arith.constant 512 : i32
    %add3A_917 = arith.addi %add3A_179, %add3A_916 : i32
    %add3A_918 = vector.broadcast %add3A_917 : i32 to vector<16xi32>
    %add3A_919 = arith.addi %add3A_918, %iota3A : vector<16xi32>
    %min3A_920 = arith.constant 43647 : i32
    %min3A_921 = vector.broadcast %min3A_920 : i32 to vector<16xi32>
    %min3A_922 = arith.minsi %add3A_919, %min3A_921 : vector<16xi32>
    %mul3A_923 = arith.constant 80 : i32
    %mul3A_924 = vector.broadcast %mul3A_923 : i32 to vector<16xi32>
    %mul3A_925 = arith.muli %min3A_922, %mul3A_924 : vector<16xi32>
    %min3A_926 = arith.constant 79 : i32
    %min3A_927 = vector.broadcast %min3A_926 : i32 to vector<16xi32>
    %min3A_928 = arith.minsi %get3A_915, %min3A_927 : vector<16xi32>
    %add3A_929 = arith.addi %mul3A_925, %min3A_928 : vector<16xi32>
    %swap3A_930 = arith.constant 4 : i32
    %swap3A_931 = arith.index_cast %swap3A_930 : i32 to index
    %swap3A_932 = arith.constant 0 : index
    %swap3A_933 = tpu.vector_load %arg18[%swap3A_931, %swap3A_932] {strides = array<i32>} : memref<11x128xi32, #tpu.memory_space<vmem>>, vector<1x16xi32>,
    %swap3A_934 = vector.shape_cast %swap3A_933 : vector<1x16xi32> to vector<16xi32>
    %swap3A_935 = vector.shape_cast %add3A_929 : vector<16xi32> to vector<1x16xi32>
    tpu.vector_store %arg18[%swap3A_931, %swap3A_932], %swap3A_935 {strides = array<i32>} : memref<11x128xi32, #tpu.memory_space<vmem>>, vector<1x16xi32>,
    %get3A_936 = arith.constant 528 : index
    %get3A_937 = tpu.vector_load %arg14[%get3A_936] {strides = array<i32>} : memref<1376xi32, #tpu.memory_space<vmem>>, vector<16xi32>,
    %get3A_938 = vector.shape_cast %get3A_937 : vector<16xi32> to vector<16xi32>
    %add3A_939 = arith.constant 528 : i32
    %add3A_940 = arith.addi %add3A_179, %add3A_939 : i32
    %add3A_941 = vector.broadcast %add3A_940 : i32 to vector<16xi32>
    %add3A_942 = arith.addi %add3A_941, %iota3A : vector<16xi32>
    %min3A_943 = arith.constant 43647 : i32
    %min3A_944 = vector.broadcast %min3A_943 : i32 to vector<16xi32>
    %min3A_945 = arith.minsi %add3A_942, %min3A_944 : vector<16xi32>
    %mul3A_946 = arith.constant 80 : i32
    %mul3A_947 = vector.broadcast %mul3A_946 : i32 to vector<16xi32>
    %mul3A_948 = arith.muli %min3A_945, %mul3A_947 : vector<16xi32>
    %min3A_949 = arith.constant 79 : i32
    %min3A_950 = vector.broadcast %min3A_949 : i32 to vector<16xi32>
    %min3A_951 = arith.minsi %get3A_938, %min3A_950 : vector<16xi32>
    %add3A_952 = arith.addi %mul3A_948, %min3A_951 : vector<16xi32>
    %swap3A_953 = arith.constant 4 : i32
    %swap3A_954 = arith.index_cast %swap3A_953 : i32 to index
    %swap3A_955 = arith.constant 16 : index
    %swap3A_956 = tpu.vector_load %arg18[%swap3A_954, %swap3A_955] {strides = array<i32>} : memref<11x128xi32, #tpu.memory_space<vmem>>, vector<1x16xi32>,
    %swap3A_957 = vector.shape_cast %swap3A_956 : vector<1x16xi32> to vector<16xi32>
    %swap3A_958 = vector.shape_cast %add3A_952 : vector<16xi32> to vector<1x16xi32>
    tpu.vector_store %arg18[%swap3A_954, %swap3A_955], %swap3A_958 {strides = array<i32>} : memref<11x128xi32, #tpu.memory_space<vmem>>, vector<1x16xi32>,
    %get3A_959 = arith.constant 544 : index
    %get3A_960 = tpu.vector_load %arg14[%get3A_959] {strides = array<i32>} : memref<1376xi32, #tpu.memory_space<vmem>>, vector<16xi32>,
    %get3A_961 = vector.shape_cast %get3A_960 : vector<16xi32> to vector<16xi32>
    %add3A_962 = arith.constant 544 : i32
    %add3A_963 = arith.addi %add3A_179, %add3A_962 : i32
    %add3A_964 = vector.broadcast %add3A_963 : i32 to vector<16xi32>
    %add3A_965 = arith.addi %add3A_964, %iota3A : vector<16xi32>
    %min3A_966 = arith.constant 43647 : i32
    %min3A_967 = vector.broadcast %min3A_966 : i32 to vector<16xi32>
    %min3A_968 = arith.minsi %add3A_965, %min3A_967 : vector<16xi32>
    %mul3A_969 = arith.constant 80 : i32
    %mul3A_970 = vector.broadcast %mul3A_969 : i32 to vector<16xi32>
    %mul3A_971 = arith.muli %min3A_968, %mul3A_970 : vector<16xi32>
    %min3A_972 = arith.constant 79 : i32
    %min3A_973 = vector.broadcast %min3A_972 : i32 to vector<16xi32>
    %min3A_974 = arith.minsi %get3A_961, %min3A_973 : vector<16xi32>
    %add3A_975 = arith.addi %mul3A_971, %min3A_974 : vector<16xi32>
    %swap3A_976 = arith.constant 4 : i32
    %swap3A_977 = arith.index_cast %swap3A_976 : i32 to index
    %swap3A_978 = arith.constant 32 : index
    %swap3A_979 = tpu.vector_load %arg18[%swap3A_977, %swap3A_978] {strides = array<i32>} : memref<11x128xi32, #tpu.memory_space<vmem>>, vector<1x16xi32>,
    %swap3A_980 = vector.shape_cast %swap3A_979 : vector<1x16xi32> to vector<16xi32>
    %swap3A_981 = vector.shape_cast %add3A_975 : vector<16xi32> to vector<1x16xi32>
    tpu.vector_store %arg18[%swap3A_977, %swap3A_978], %swap3A_981 {strides = array<i32>} : memref<11x128xi32, #tpu.memory_space<vmem>>, vector<1x16xi32>,
    %get3A_982 = arith.constant 560 : index
    %get3A_983 = tpu.vector_load %arg14[%get3A_982] {strides = array<i32>} : memref<1376xi32, #tpu.memory_space<vmem>>, vector<16xi32>,
    %get3A_984 = vector.shape_cast %get3A_983 : vector<16xi32> to vector<16xi32>
    %add3A_985 = arith.constant 560 : i32
    %add3A_986 = arith.addi %add3A_179, %add3A_985 : i32
    %add3A_987 = vector.broadcast %add3A_986 : i32 to vector<16xi32>
    %add3A_988 = arith.addi %add3A_987, %iota3A : vector<16xi32>
    %min3A_989 = arith.constant 43647 : i32
    %min3A_990 = vector.broadcast %min3A_989 : i32 to vector<16xi32>
    %min3A_991 = arith.minsi %add3A_988, %min3A_990 : vector<16xi32>
    %mul3A_992 = arith.constant 80 : i32
    %mul3A_993 = vector.broadcast %mul3A_992 : i32 to vector<16xi32>
    %mul3A_994 = arith.muli %min3A_991, %mul3A_993 : vector<16xi32>
    %min3A_995 = arith.constant 79 : i32
    %min3A_996 = vector.broadcast %min3A_995 : i32 to vector<16xi32>
    %min3A_997 = arith.minsi %get3A_984, %min3A_996 : vector<16xi32>
    %add3A_998 = arith.addi %mul3A_994, %min3A_997 : vector<16xi32>
    %swap3A_999 = arith.constant 4 : i32
    %swap3A_1000 = arith.index_cast %swap3A_999 : i32 to index
    %swap3A_1001 = arith.constant 48 : index
    %swap3A_1002 = tpu.vector_load %arg18[%swap3A_1000, %swap3A_1001] {strides = array<i32>} : memref<11x128xi32, #tpu.memory_space<vmem>>, vector<1x16xi32>,
    %swap3A_1003 = vector.shape_cast %swap3A_1002 : vector<1x16xi32> to vector<16xi32>
    %swap3A_1004 = vector.shape_cast %add3A_998 : vector<16xi32> to vector<1x16xi32>
    tpu.vector_store %arg18[%swap3A_1000, %swap3A_1001], %swap3A_1004 {strides = array<i32>} : memref<11x128xi32, #tpu.memory_space<vmem>>, vector<1x16xi32>,
    %get3A_1005 = arith.constant 576 : index
    %get3A_1006 = tpu.vector_load %arg14[%get3A_1005] {strides = array<i32>} : memref<1376xi32, #tpu.memory_space<vmem>>, vector<16xi32>,
    %get3A_1007 = vector.shape_cast %get3A_1006 : vector<16xi32> to vector<16xi32>
    %add3A_1008 = arith.constant 576 : i32
    %add3A_1009 = arith.addi %add3A_179, %add3A_1008 : i32
    %add3A_1010 = vector.broadcast %add3A_1009 : i32 to vector<16xi32>
    %add3A_1011 = arith.addi %add3A_1010, %iota3A : vector<16xi32>
    %min3A_1012 = arith.constant 43647 : i32
    %min3A_1013 = vector.broadcast %min3A_1012 : i32 to vector<16xi32>
    %min3A_1014 = arith.minsi %add3A_1011, %min3A_1013 : vector<16xi32>
    %mul3A_1015 = arith.constant 80 : i32
    %mul3A_1016 = vector.broadcast %mul3A_1015 : i32 to vector<16xi32>
    %mul3A_1017 = arith.muli %min3A_1014, %mul3A_1016 : vector<16xi32>
    %min3A_1018 = arith.constant 79 : i32
    %min3A_1019 = vector.broadcast %min3A_1018 : i32 to vector<16xi32>
    %min3A_1020 = arith.minsi %get3A_1007, %min3A_1019 : vector<16xi32>
    %add3A_1021 = arith.addi %mul3A_1017, %min3A_1020 : vector<16xi32>
    %swap3A_1022 = arith.constant 4 : i32
    %swap3A_1023 = arith.index_cast %swap3A_1022 : i32 to index
    %swap3A_1024 = arith.constant 64 : index
    %swap3A_1025 = tpu.vector_load %arg18[%swap3A_1023, %swap3A_1024] {strides = array<i32>} : memref<11x128xi32, #tpu.memory_space<vmem>>, vector<1x16xi32>,
    %swap3A_1026 = vector.shape_cast %swap3A_1025 : vector<1x16xi32> to vector<16xi32>
    %swap3A_1027 = vector.shape_cast %add3A_1021 : vector<16xi32> to vector<1x16xi32>
    tpu.vector_store %arg18[%swap3A_1023, %swap3A_1024], %swap3A_1027 {strides = array<i32>} : memref<11x128xi32, #tpu.memory_space<vmem>>, vector<1x16xi32>,
    %get3A_1028 = arith.constant 592 : index
    %get3A_1029 = tpu.vector_load %arg14[%get3A_1028] {strides = array<i32>} : memref<1376xi32, #tpu.memory_space<vmem>>, vector<16xi32>,
    %get3A_1030 = vector.shape_cast %get3A_1029 : vector<16xi32> to vector<16xi32>
    %add3A_1031 = arith.constant 592 : i32
    %add3A_1032 = arith.addi %add3A_179, %add3A_1031 : i32
    %add3A_1033 = vector.broadcast %add3A_1032 : i32 to vector<16xi32>
    %add3A_1034 = arith.addi %add3A_1033, %iota3A : vector<16xi32>
    %min3A_1035 = arith.constant 43647 : i32
    %min3A_1036 = vector.broadcast %min3A_1035 : i32 to vector<16xi32>
    %min3A_1037 = arith.minsi %add3A_1034, %min3A_1036 : vector<16xi32>
    %mul3A_1038 = arith.constant 80 : i32
    %mul3A_1039 = vector.broadcast %mul3A_1038 : i32 to vector<16xi32>
    %mul3A_1040 = arith.muli %min3A_1037, %mul3A_1039 : vector<16xi32>
    %min3A_1041 = arith.constant 79 : i32
    %min3A_1042 = vector.broadcast %min3A_1041 : i32 to vector<16xi32>
    %min3A_1043 = arith.minsi %get3A_1030, %min3A_1042 : vector<16xi32>
    %add3A_1044 = arith.addi %mul3A_1040, %min3A_1043 : vector<16xi32>
    %swap3A_1045 = arith.constant 4 : i32
    %swap3A_1046 = arith.index_cast %swap3A_1045 : i32 to index
    %swap3A_1047 = arith.constant 80 : index
    %swap3A_1048 = tpu.vector_load %arg18[%swap3A_1046, %swap3A_1047] {strides = array<i32>} : memref<11x128xi32, #tpu.memory_space<vmem>>, vector<1x16xi32>,
    %swap3A_1049 = vector.shape_cast %swap3A_1048 : vector<1x16xi32> to vector<16xi32>
    %swap3A_1050 = vector.shape_cast %add3A_1044 : vector<16xi32> to vector<1x16xi32>
    tpu.vector_store %arg18[%swap3A_1046, %swap3A_1047], %swap3A_1050 {strides = array<i32>} : memref<11x128xi32, #tpu.memory_space<vmem>>, vector<1x16xi32>,
    %get3A_1051 = arith.constant 608 : index
    %get3A_1052 = tpu.vector_load %arg14[%get3A_1051] {strides = array<i32>} : memref<1376xi32, #tpu.memory_space<vmem>>, vector<16xi32>,
    %get3A_1053 = vector.shape_cast %get3A_1052 : vector<16xi32> to vector<16xi32>
    %add3A_1054 = arith.constant 608 : i32
    %add3A_1055 = arith.addi %add3A_179, %add3A_1054 : i32
    %add3A_1056 = vector.broadcast %add3A_1055 : i32 to vector<16xi32>
    %add3A_1057 = arith.addi %add3A_1056, %iota3A : vector<16xi32>
    %min3A_1058 = arith.constant 43647 : i32
    %min3A_1059 = vector.broadcast %min3A_1058 : i32 to vector<16xi32>
    %min3A_1060 = arith.minsi %add3A_1057, %min3A_1059 : vector<16xi32>
    %mul3A_1061 = arith.constant 80 : i32
    %mul3A_1062 = vector.broadcast %mul3A_1061 : i32 to vector<16xi32>
    %mul3A_1063 = arith.muli %min3A_1060, %mul3A_1062 : vector<16xi32>
    %min3A_1064 = arith.constant 79 : i32
    %min3A_1065 = vector.broadcast %min3A_1064 : i32 to vector<16xi32>
    %min3A_1066 = arith.minsi %get3A_1053, %min3A_1065 : vector<16xi32>
    %add3A_1067 = arith.addi %mul3A_1063, %min3A_1066 : vector<16xi32>
    %swap3A_1068 = arith.constant 4 : i32
    %swap3A_1069 = arith.index_cast %swap3A_1068 : i32 to index
    %swap3A_1070 = arith.constant 96 : index
    %swap3A_1071 = tpu.vector_load %arg18[%swap3A_1069, %swap3A_1070] {strides = array<i32>} : memref<11x128xi32, #tpu.memory_space<vmem>>, vector<1x16xi32>,
    %swap3A_1072 = vector.shape_cast %swap3A_1071 : vector<1x16xi32> to vector<16xi32>
    %swap3A_1073 = vector.shape_cast %add3A_1067 : vector<16xi32> to vector<1x16xi32>
    tpu.vector_store %arg18[%swap3A_1069, %swap3A_1070], %swap3A_1073 {strides = array<i32>} : memref<11x128xi32, #tpu.memory_space<vmem>>, vector<1x16xi32>,
    %get3A_1074 = arith.constant 624 : index
    %get3A_1075 = tpu.vector_load %arg14[%get3A_1074] {strides = array<i32>} : memref<1376xi32, #tpu.memory_space<vmem>>, vector<16xi32>,
    %get3A_1076 = vector.shape_cast %get3A_1075 : vector<16xi32> to vector<16xi32>
    %add3A_1077 = arith.constant 624 : i32
    %add3A_1078 = arith.addi %add3A_179, %add3A_1077 : i32
    %add3A_1079 = vector.broadcast %add3A_1078 : i32 to vector<16xi32>
    %add3A_1080 = arith.addi %add3A_1079, %iota3A : vector<16xi32>
    %min3A_1081 = arith.constant 43647 : i32
    %min3A_1082 = vector.broadcast %min3A_1081 : i32 to vector<16xi32>
    %min3A_1083 = arith.minsi %add3A_1080, %min3A_1082 : vector<16xi32>
    %mul3A_1084 = arith.constant 80 : i32
    %mul3A_1085 = vector.broadcast %mul3A_1084 : i32 to vector<16xi32>
    %mul3A_1086 = arith.muli %min3A_1083, %mul3A_1085 : vector<16xi32>
    %min3A_1087 = arith.constant 79 : i32
    %min3A_1088 = vector.broadcast %min3A_1087 : i32 to vector<16xi32>
    %min3A_1089 = arith.minsi %get3A_1076, %min3A_1088 : vector<16xi32>
    %add3A_1090 = arith.addi %mul3A_1086, %min3A_1089 : vector<16xi32>
    %swap3A_1091 = arith.constant 4 : i32
    %swap3A_1092 = arith.index_cast %swap3A_1091 : i32 to index
    %swap3A_1093 = arith.constant 112 : index
    %swap3A_1094 = tpu.vector_load %arg18[%swap3A_1092, %swap3A_1093] {strides = array<i32>} : memref<11x128xi32, #tpu.memory_space<vmem>>, vector<1x16xi32>,
    %swap3A_1095 = vector.shape_cast %swap3A_1094 : vector<1x16xi32> to vector<16xi32>
    %swap3A_1096 = vector.shape_cast %add3A_1090 : vector<16xi32> to vector<1x16xi32>
    tpu.vector_store %arg18[%swap3A_1092, %swap3A_1093], %swap3A_1096 {strides = array<i32>} : memref<11x128xi32, #tpu.memory_space<vmem>>, vector<1x16xi32>,
    %get3A_1097 = arith.constant 640 : index
    %get3A_1098 = tpu.vector_load %arg14[%get3A_1097] {strides = array<i32>} : memref<1376xi32, #tpu.memory_space<vmem>>, vector<16xi32>,
    %get3A_1099 = vector.shape_cast %get3A_1098 : vector<16xi32> to vector<16xi32>
    %add3A_1100 = arith.constant 640 : i32
    %add3A_1101 = arith.addi %add3A_179, %add3A_1100 : i32
    %add3A_1102 = vector.broadcast %add3A_1101 : i32 to vector<16xi32>
    %add3A_1103 = arith.addi %add3A_1102, %iota3A : vector<16xi32>
    %min3A_1104 = arith.constant 43647 : i32
    %min3A_1105 = vector.broadcast %min3A_1104 : i32 to vector<16xi32>
    %min3A_1106 = arith.minsi %add3A_1103, %min3A_1105 : vector<16xi32>
    %mul3A_1107 = arith.constant 80 : i32
    %mul3A_1108 = vector.broadcast %mul3A_1107 : i32 to vector<16xi32>
    %mul3A_1109 = arith.muli %min3A_1106, %mul3A_1108 : vector<16xi32>
    %min3A_1110 = arith.constant 79 : i32
    %min3A_1111 = vector.broadcast %min3A_1110 : i32 to vector<16xi32>
    %min3A_1112 = arith.minsi %get3A_1099, %min3A_1111 : vector<16xi32>
    %add3A_1113 = arith.addi %mul3A_1109, %min3A_1112 : vector<16xi32>
    %swap3A_1114 = arith.constant 5 : i32
    %swap3A_1115 = arith.index_cast %swap3A_1114 : i32 to index
    %swap3A_1116 = arith.constant 0 : index
    %swap3A_1117 = tpu.vector_load %arg18[%swap3A_1115, %swap3A_1116] {strides = array<i32>} : memref<11x128xi32, #tpu.memory_space<vmem>>, vector<1x16xi32>,
    %swap3A_1118 = vector.shape_cast %swap3A_1117 : vector<1x16xi32> to vector<16xi32>
    %swap3A_1119 = vector.shape_cast %add3A_1113 : vector<16xi32> to vector<1x16xi32>
    tpu.vector_store %arg18[%swap3A_1115, %swap3A_1116], %swap3A_1119 {strides = array<i32>} : memref<11x128xi32, #tpu.memory_space<vmem>>, vector<1x16xi32>,
    %get3A_1120 = arith.constant 656 : index
    %get3A_1121 = tpu.vector_load %arg14[%get3A_1120] {strides = array<i32>} : memref<1376xi32, #tpu.memory_space<vmem>>, vector<16xi32>,
    %get3A_1122 = vector.shape_cast %get3A_1121 : vector<16xi32> to vector<16xi32>
    %add3A_1123 = arith.constant 656 : i32
    %add3A_1124 = arith.addi %add3A_179, %add3A_1123 : i32
    %add3A_1125 = vector.broadcast %add3A_1124 : i32 to vector<16xi32>
    %add3A_1126 = arith.addi %add3A_1125, %iota3A : vector<16xi32>
    %min3A_1127 = arith.constant 43647 : i32
    %min3A_1128 = vector.broadcast %min3A_1127 : i32 to vector<16xi32>
    %min3A_1129 = arith.minsi %add3A_1126, %min3A_1128 : vector<16xi32>
    %mul3A_1130 = arith.constant 80 : i32
    %mul3A_1131 = vector.broadcast %mul3A_1130 : i32 to vector<16xi32>
    %mul3A_1132 = arith.muli %min3A_1129, %mul3A_1131 : vector<16xi32>
    %min3A_1133 = arith.constant 79 : i32
    %min3A_1134 = vector.broadcast %min3A_1133 : i32 to vector<16xi32>
    %min3A_1135 = arith.minsi %get3A_1122, %min3A_1134 : vector<16xi32>
    %add3A_1136 = arith.addi %mul3A_1132, %min3A_1135 : vector<16xi32>
    %swap3A_1137 = arith.constant 5 : i32
    %swap3A_1138 = arith.index_cast %swap3A_1137 : i32 to index
    %swap3A_1139 = arith.constant 16 : index
    %swap3A_1140 = tpu.vector_load %arg18[%swap3A_1138, %swap3A_1139] {strides = array<i32>} : memref<11x128xi32, #tpu.memory_space<vmem>>, vector<1x16xi32>,
    %swap3A_1141 = vector.shape_cast %swap3A_1140 : vector<1x16xi32> to vector<16xi32>
    %swap3A_1142 = vector.shape_cast %add3A_1136 : vector<16xi32> to vector<1x16xi32>
    tpu.vector_store %arg18[%swap3A_1138, %swap3A_1139], %swap3A_1142 {strides = array<i32>} : memref<11x128xi32, #tpu.memory_space<vmem>>, vector<1x16xi32>,
    %get3A_1143 = arith.constant 672 : index
    %get3A_1144 = tpu.vector_load %arg14[%get3A_1143] {strides = array<i32>} : memref<1376xi32, #tpu.memory_space<vmem>>, vector<16xi32>,
    %get3A_1145 = vector.shape_cast %get3A_1144 : vector<16xi32> to vector<16xi32>
    %add3A_1146 = arith.constant 672 : i32
    %add3A_1147 = arith.addi %add3A_179, %add3A_1146 : i32
    %add3A_1148 = vector.broadcast %add3A_1147 : i32 to vector<16xi32>
    %add3A_1149 = arith.addi %add3A_1148, %iota3A : vector<16xi32>
    %min3A_1150 = arith.constant 43647 : i32
    %min3A_1151 = vector.broadcast %min3A_1150 : i32 to vector<16xi32>
    %min3A_1152 = arith.minsi %add3A_1149, %min3A_1151 : vector<16xi32>
    %mul3A_1153 = arith.constant 80 : i32
    %mul3A_1154 = vector.broadcast %mul3A_1153 : i32 to vector<16xi32>
    %mul3A_1155 = arith.muli %min3A_1152, %mul3A_1154 : vector<16xi32>
    %min3A_1156 = arith.constant 79 : i32
    %min3A_1157 = vector.broadcast %min3A_1156 : i32 to vector<16xi32>
    %min3A_1158 = arith.minsi %get3A_1145, %min3A_1157 : vector<16xi32>
    %add3A_1159 = arith.addi %mul3A_1155, %min3A_1158 : vector<16xi32>
    %swap3A_1160 = arith.constant 5 : i32
    %swap3A_1161 = arith.index_cast %swap3A_1160 : i32 to index
    %swap3A_1162 = arith.constant 32 : index
    %swap3A_1163 = tpu.vector_load %arg18[%swap3A_1161, %swap3A_1162] {strides = array<i32>} : memref<11x128xi32, #tpu.memory_space<vmem>>, vector<1x16xi32>,
    %swap3A_1164 = vector.shape_cast %swap3A_1163 : vector<1x16xi32> to vector<16xi32>
    %swap3A_1165 = vector.shape_cast %add3A_1159 : vector<16xi32> to vector<1x16xi32>
    tpu.vector_store %arg18[%swap3A_1161, %swap3A_1162], %swap3A_1165 {strides = array<i32>} : memref<11x128xi32, #tpu.memory_space<vmem>>, vector<1x16xi32>,
    %get3A_1166 = arith.constant 688 : index
    %get3A_1167 = tpu.vector_load %arg14[%get3A_1166] {strides = array<i32>} : memref<1376xi32, #tpu.memory_space<vmem>>, vector<16xi32>,
    %get3A_1168 = vector.shape_cast %get3A_1167 : vector<16xi32> to vector<16xi32>
    %add3A_1169 = arith.constant 688 : i32
    %add3A_1170 = arith.addi %add3A_179, %add3A_1169 : i32
    %add3A_1171 = vector.broadcast %add3A_1170 : i32 to vector<16xi32>
    %add3A_1172 = arith.addi %add3A_1171, %iota3A : vector<16xi32>
    %min3A_1173 = arith.constant 43647 : i32
    %min3A_1174 = vector.broadcast %min3A_1173 : i32 to vector<16xi32>
    %min3A_1175 = arith.minsi %add3A_1172, %min3A_1174 : vector<16xi32>
    %mul3A_1176 = arith.constant 80 : i32
    %mul3A_1177 = vector.broadcast %mul3A_1176 : i32 to vector<16xi32>
    %mul3A_1178 = arith.muli %min3A_1175, %mul3A_1177 : vector<16xi32>
    %min3A_1179 = arith.constant 79 : i32
    %min3A_1180 = vector.broadcast %min3A_1179 : i32 to vector<16xi32>
    %min3A_1181 = arith.minsi %get3A_1168, %min3A_1180 : vector<16xi32>
    %add3A_1182 = arith.addi %mul3A_1178, %min3A_1181 : vector<16xi32>
    %swap3A_1183 = arith.constant 5 : i32
    %swap3A_1184 = arith.index_cast %swap3A_1183 : i32 to index
    %swap3A_1185 = arith.constant 48 : index
    %swap3A_1186 = tpu.vector_load %arg18[%swap3A_1184, %swap3A_1185] {strides = array<i32>} : memref<11x128xi32, #tpu.memory_space<vmem>>, vector<1x16xi32>,
    %swap3A_1187 = vector.shape_cast %swap3A_1186 : vector<1x16xi32> to vector<16xi32>
    %swap3A_1188 = vector.shape_cast %add3A_1182 : vector<16xi32> to vector<1x16xi32>
    tpu.vector_store %arg18[%swap3A_1184, %swap3A_1185], %swap3A_1188 {strides = array<i32>} : memref<11x128xi32, #tpu.memory_space<vmem>>, vector<1x16xi32>,
    %get3A_1189 = arith.constant 704 : index
    %get3A_1190 = tpu.vector_load %arg14[%get3A_1189] {strides = array<i32>} : memref<1376xi32, #tpu.memory_space<vmem>>, vector<16xi32>,
    %get3A_1191 = vector.shape_cast %get3A_1190 : vector<16xi32> to vector<16xi32>
    %add3A_1192 = arith.constant 704 : i32
    %add3A_1193 = arith.addi %add3A_179, %add3A_1192 : i32
    %add3A_1194 = vector.broadcast %add3A_1193 : i32 to vector<16xi32>
    %add3A_1195 = arith.addi %add3A_1194, %iota3A : vector<16xi32>
    %min3A_1196 = arith.constant 43647 : i32
    %min3A_1197 = vector.broadcast %min3A_1196 : i32 to vector<16xi32>
    %min3A_1198 = arith.minsi %add3A_1195, %min3A_1197 : vector<16xi32>
    %mul3A_1199 = arith.constant 80 : i32
    %mul3A_1200 = vector.broadcast %mul3A_1199 : i32 to vector<16xi32>
    %mul3A_1201 = arith.muli %min3A_1198, %mul3A_1200 : vector<16xi32>
    %min3A_1202 = arith.constant 79 : i32
    %min3A_1203 = vector.broadcast %min3A_1202 : i32 to vector<16xi32>
    %min3A_1204 = arith.minsi %get3A_1191, %min3A_1203 : vector<16xi32>
    %add3A_1205 = arith.addi %mul3A_1201, %min3A_1204 : vector<16xi32>
    %swap3A_1206 = arith.constant 5 : i32
    %swap3A_1207 = arith.index_cast %swap3A_1206 : i32 to index
    %swap3A_1208 = arith.constant 64 : index
    %swap3A_1209 = tpu.vector_load %arg18[%swap3A_1207, %swap3A_1208] {strides = array<i32>} : memref<11x128xi32, #tpu.memory_space<vmem>>, vector<1x16xi32>,
    %swap3A_1210 = vector.shape_cast %swap3A_1209 : vector<1x16xi32> to vector<16xi32>
    %swap3A_1211 = vector.shape_cast %add3A_1205 : vector<16xi32> to vector<1x16xi32>
    tpu.vector_store %arg18[%swap3A_1207, %swap3A_1208], %swap3A_1211 {strides = array<i32>} : memref<11x128xi32, #tpu.memory_space<vmem>>, vector<1x16xi32>,
    %get3A_1212 = arith.constant 720 : index
    %get3A_1213 = tpu.vector_load %arg14[%get3A_1212] {strides = array<i32>} : memref<1376xi32, #tpu.memory_space<vmem>>, vector<16xi32>,
    %get3A_1214 = vector.shape_cast %get3A_1213 : vector<16xi32> to vector<16xi32>
    %add3A_1215 = arith.constant 720 : i32
    %add3A_1216 = arith.addi %add3A_179, %add3A_1215 : i32
    %add3A_1217 = vector.broadcast %add3A_1216 : i32 to vector<16xi32>
    %add3A_1218 = arith.addi %add3A_1217, %iota3A : vector<16xi32>
    %min3A_1219 = arith.constant 43647 : i32
    %min3A_1220 = vector.broadcast %min3A_1219 : i32 to vector<16xi32>
    %min3A_1221 = arith.minsi %add3A_1218, %min3A_1220 : vector<16xi32>
    %mul3A_1222 = arith.constant 80 : i32
    %mul3A_1223 = vector.broadcast %mul3A_1222 : i32 to vector<16xi32>
    %mul3A_1224 = arith.muli %min3A_1221, %mul3A_1223 : vector<16xi32>
    %min3A_1225 = arith.constant 79 : i32
    %min3A_1226 = vector.broadcast %min3A_1225 : i32 to vector<16xi32>
    %min3A_1227 = arith.minsi %get3A_1214, %min3A_1226 : vector<16xi32>
    %add3A_1228 = arith.addi %mul3A_1224, %min3A_1227 : vector<16xi32>
    %swap3A_1229 = arith.constant 5 : i32
    %swap3A_1230 = arith.index_cast %swap3A_1229 : i32 to index
    %swap3A_1231 = arith.constant 80 : index
    %swap3A_1232 = tpu.vector_load %arg18[%swap3A_1230, %swap3A_1231] {strides = array<i32>} : memref<11x128xi32, #tpu.memory_space<vmem>>, vector<1x16xi32>,
    %swap3A_1233 = vector.shape_cast %swap3A_1232 : vector<1x16xi32> to vector<16xi32>
    %swap3A_1234 = vector.shape_cast %add3A_1228 : vector<16xi32> to vector<1x16xi32>
    tpu.vector_store %arg18[%swap3A_1230, %swap3A_1231], %swap3A_1234 {strides = array<i32>} : memref<11x128xi32, #tpu.memory_space<vmem>>, vector<1x16xi32>,
    %get3A_1235 = arith.constant 736 : index
    %get3A_1236 = tpu.vector_load %arg14[%get3A_1235] {strides = array<i32>} : memref<1376xi32, #tpu.memory_space<vmem>>, vector<16xi32>,
    %get3A_1237 = vector.shape_cast %get3A_1236 : vector<16xi32> to vector<16xi32>
    %add3A_1238 = arith.constant 736 : i32
    %add3A_1239 = arith.addi %add3A_179, %add3A_1238 : i32
    %add3A_1240 = vector.broadcast %add3A_1239 : i32 to vector<16xi32>
    %add3A_1241 = arith.addi %add3A_1240, %iota3A : vector<16xi32>
    %min3A_1242 = arith.constant 43647 : i32
    %min3A_1243 = vector.broadcast %min3A_1242 : i32 to vector<16xi32>
    %min3A_1244 = arith.minsi %add3A_1241, %min3A_1243 : vector<16xi32>
    %mul3A_1245 = arith.constant 80 : i32
    %mul3A_1246 = vector.broadcast %mul3A_1245 : i32 to vector<16xi32>
    %mul3A_1247 = arith.muli %min3A_1244, %mul3A_1246 : vector<16xi32>
    %min3A_1248 = arith.constant 79 : i32
    %min3A_1249 = vector.broadcast %min3A_1248 : i32 to vector<16xi32>
    %min3A_1250 = arith.minsi %get3A_1237, %min3A_1249 : vector<16xi32>
    %add3A_1251 = arith.addi %mul3A_1247, %min3A_1250 : vector<16xi32>
    %swap3A_1252 = arith.constant 5 : i32
    %swap3A_1253 = arith.index_cast %swap3A_1252 : i32 to index
    %swap3A_1254 = arith.constant 96 : index
    %swap3A_1255 = tpu.vector_load %arg18[%swap3A_1253, %swap3A_1254] {strides = array<i32>} : memref<11x128xi32, #tpu.memory_space<vmem>>, vector<1x16xi32>,
    %swap3A_1256 = vector.shape_cast %swap3A_1255 : vector<1x16xi32> to vector<16xi32>
    %swap3A_1257 = vector.shape_cast %add3A_1251 : vector<16xi32> to vector<1x16xi32>
    tpu.vector_store %arg18[%swap3A_1253, %swap3A_1254], %swap3A_1257 {strides = array<i32>} : memref<11x128xi32, #tpu.memory_space<vmem>>, vector<1x16xi32>,
    %get3A_1258 = arith.constant 752 : index
    %get3A_1259 = tpu.vector_load %arg14[%get3A_1258] {strides = array<i32>} : memref<1376xi32, #tpu.memory_space<vmem>>, vector<16xi32>,
    %get3A_1260 = vector.shape_cast %get3A_1259 : vector<16xi32> to vector<16xi32>
    %add3A_1261 = arith.constant 752 : i32
    %add3A_1262 = arith.addi %add3A_179, %add3A_1261 : i32
    %add3A_1263 = vector.broadcast %add3A_1262 : i32 to vector<16xi32>
    %add3A_1264 = arith.addi %add3A_1263, %iota3A : vector<16xi32>
    %min3A_1265 = arith.constant 43647 : i32
    %min3A_1266 = vector.broadcast %min3A_1265 : i32 to vector<16xi32>
    %min3A_1267 = arith.minsi %add3A_1264, %min3A_1266 : vector<16xi32>
    %mul3A_1268 = arith.constant 80 : i32
    %mul3A_1269 = vector.broadcast %mul3A_1268 : i32 to vector<16xi32>
    %mul3A_1270 = arith.muli %min3A_1267, %mul3A_1269 : vector<16xi32>
    %min3A_1271 = arith.constant 79 : i32
    %min3A_1272 = vector.broadcast %min3A_1271 : i32 to vector<16xi32>
    %min3A_1273 = arith.minsi %get3A_1260, %min3A_1272 : vector<16xi32>
    %add3A_1274 = arith.addi %mul3A_1270, %min3A_1273 : vector<16xi32>
    %swap3A_1275 = arith.constant 5 : i32
    %swap3A_1276 = arith.index_cast %swap3A_1275 : i32 to index
    %swap3A_1277 = arith.constant 112 : index
    %swap3A_1278 = tpu.vector_load %arg18[%swap3A_1276, %swap3A_1277] {strides = array<i32>} : memref<11x128xi32, #tpu.memory_space<vmem>>, vector<1x16xi32>,
    %swap3A_1279 = vector.shape_cast %swap3A_1278 : vector<1x16xi32> to vector<16xi32>
    %swap3A_1280 = vector.shape_cast %add3A_1274 : vector<16xi32> to vector<1x16xi32>
    tpu.vector_store %arg18[%swap3A_1276, %swap3A_1277], %swap3A_1280 {strides = array<i32>} : memref<11x128xi32, #tpu.memory_space<vmem>>, vector<1x16xi32>,
    %get3A_1281 = arith.constant 768 : index
    %get3A_1282 = tpu.vector_load %arg14[%get3A_1281] {strides = array<i32>} : memref<1376xi32, #tpu.memory_space<vmem>>, vector<16xi32>,
    %get3A_1283 = vector.shape_cast %get3A_1282 : vector<16xi32> to vector<16xi32>
    %add3A_1284 = arith.constant 768 : i32
    %add3A_1285 = arith.addi %add3A_179, %add3A_1284 : i32
    %add3A_1286 = vector.broadcast %add3A_1285 : i32 to vector<16xi32>
    %add3A_1287 = arith.addi %add3A_1286, %iota3A : vector<16xi32>
    %min3A_1288 = arith.constant 43647 : i32
    %min3A_1289 = vector.broadcast %min3A_1288 : i32 to vector<16xi32>
    %min3A_1290 = arith.minsi %add3A_1287, %min3A_1289 : vector<16xi32>
    %mul3A_1291 = arith.constant 80 : i32
    %mul3A_1292 = vector.broadcast %mul3A_1291 : i32 to vector<16xi32>
    %mul3A_1293 = arith.muli %min3A_1290, %mul3A_1292 : vector<16xi32>
    %min3A_1294 = arith.constant 79 : i32
    %min3A_1295 = vector.broadcast %min3A_1294 : i32 to vector<16xi32>
    %min3A_1296 = arith.minsi %get3A_1283, %min3A_1295 : vector<16xi32>
    %add3A_1297 = arith.addi %mul3A_1293, %min3A_1296 : vector<16xi32>
    %swap3A_1298 = arith.constant 6 : i32
    %swap3A_1299 = arith.index_cast %swap3A_1298 : i32 to index
    %swap3A_1300 = arith.constant 0 : index
    %swap3A_1301 = tpu.vector_load %arg18[%swap3A_1299, %swap3A_1300] {strides = array<i32>} : memref<11x128xi32, #tpu.memory_space<vmem>>, vector<1x16xi32>,
    %swap3A_1302 = vector.shape_cast %swap3A_1301 : vector<1x16xi32> to vector<16xi32>
    %swap3A_1303 = vector.shape_cast %add3A_1297 : vector<16xi32> to vector<1x16xi32>
    tpu.vector_store %arg18[%swap3A_1299, %swap3A_1300], %swap3A_1303 {strides = array<i32>} : memref<11x128xi32, #tpu.memory_space<vmem>>, vector<1x16xi32>,
    %get3A_1304 = arith.constant 784 : index
    %get3A_1305 = tpu.vector_load %arg14[%get3A_1304] {strides = array<i32>} : memref<1376xi32, #tpu.memory_space<vmem>>, vector<16xi32>,
    %get3A_1306 = vector.shape_cast %get3A_1305 : vector<16xi32> to vector<16xi32>
    %add3A_1307 = arith.constant 784 : i32
    %add3A_1308 = arith.addi %add3A_179, %add3A_1307 : i32
    %add3A_1309 = vector.broadcast %add3A_1308 : i32 to vector<16xi32>
    %add3A_1310 = arith.addi %add3A_1309, %iota3A : vector<16xi32>
    %min3A_1311 = arith.constant 43647 : i32
    %min3A_1312 = vector.broadcast %min3A_1311 : i32 to vector<16xi32>
    %min3A_1313 = arith.minsi %add3A_1310, %min3A_1312 : vector<16xi32>
    %mul3A_1314 = arith.constant 80 : i32
    %mul3A_1315 = vector.broadcast %mul3A_1314 : i32 to vector<16xi32>
    %mul3A_1316 = arith.muli %min3A_1313, %mul3A_1315 : vector<16xi32>
    %min3A_1317 = arith.constant 79 : i32
    %min3A_1318 = vector.broadcast %min3A_1317 : i32 to vector<16xi32>
    %min3A_1319 = arith.minsi %get3A_1306, %min3A_1318 : vector<16xi32>
    %add3A_1320 = arith.addi %mul3A_1316, %min3A_1319 : vector<16xi32>
    %swap3A_1321 = arith.constant 6 : i32
    %swap3A_1322 = arith.index_cast %swap3A_1321 : i32 to index
    %swap3A_1323 = arith.constant 16 : index
    %swap3A_1324 = tpu.vector_load %arg18[%swap3A_1322, %swap3A_1323] {strides = array<i32>} : memref<11x128xi32, #tpu.memory_space<vmem>>, vector<1x16xi32>,
    %swap3A_1325 = vector.shape_cast %swap3A_1324 : vector<1x16xi32> to vector<16xi32>
    %swap3A_1326 = vector.shape_cast %add3A_1320 : vector<16xi32> to vector<1x16xi32>
    tpu.vector_store %arg18[%swap3A_1322, %swap3A_1323], %swap3A_1326 {strides = array<i32>} : memref<11x128xi32, #tpu.memory_space<vmem>>, vector<1x16xi32>,
    %get3A_1327 = arith.constant 800 : index
    %get3A_1328 = tpu.vector_load %arg14[%get3A_1327] {strides = array<i32>} : memref<1376xi32, #tpu.memory_space<vmem>>, vector<16xi32>,
    %get3A_1329 = vector.shape_cast %get3A_1328 : vector<16xi32> to vector<16xi32>
    %add3A_1330 = arith.constant 800 : i32
    %add3A_1331 = arith.addi %add3A_179, %add3A_1330 : i32
    %add3A_1332 = vector.broadcast %add3A_1331 : i32 to vector<16xi32>
    %add3A_1333 = arith.addi %add3A_1332, %iota3A : vector<16xi32>
    %min3A_1334 = arith.constant 43647 : i32
    %min3A_1335 = vector.broadcast %min3A_1334 : i32 to vector<16xi32>
    %min3A_1336 = arith.minsi %add3A_1333, %min3A_1335 : vector<16xi32>
    %mul3A_1337 = arith.constant 80 : i32
    %mul3A_1338 = vector.broadcast %mul3A_1337 : i32 to vector<16xi32>
    %mul3A_1339 = arith.muli %min3A_1336, %mul3A_1338 : vector<16xi32>
    %min3A_1340 = arith.constant 79 : i32
    %min3A_1341 = vector.broadcast %min3A_1340 : i32 to vector<16xi32>
    %min3A_1342 = arith.minsi %get3A_1329, %min3A_1341 : vector<16xi32>
    %add3A_1343 = arith.addi %mul3A_1339, %min3A_1342 : vector<16xi32>
    %swap3A_1344 = arith.constant 6 : i32
    %swap3A_1345 = arith.index_cast %swap3A_1344 : i32 to index
    %swap3A_1346 = arith.constant 32 : index
    %swap3A_1347 = tpu.vector_load %arg18[%swap3A_1345, %swap3A_1346] {strides = array<i32>} : memref<11x128xi32, #tpu.memory_space<vmem>>, vector<1x16xi32>,
    %swap3A_1348 = vector.shape_cast %swap3A_1347 : vector<1x16xi32> to vector<16xi32>
    %swap3A_1349 = vector.shape_cast %add3A_1343 : vector<16xi32> to vector<1x16xi32>
    tpu.vector_store %arg18[%swap3A_1345, %swap3A_1346], %swap3A_1349 {strides = array<i32>} : memref<11x128xi32, #tpu.memory_space<vmem>>, vector<1x16xi32>,
    %get3A_1350 = arith.constant 816 : index
    %get3A_1351 = tpu.vector_load %arg14[%get3A_1350] {strides = array<i32>} : memref<1376xi32, #tpu.memory_space<vmem>>, vector<16xi32>,
    %get3A_1352 = vector.shape_cast %get3A_1351 : vector<16xi32> to vector<16xi32>
    %add3A_1353 = arith.constant 816 : i32
    %add3A_1354 = arith.addi %add3A_179, %add3A_1353 : i32
    %add3A_1355 = vector.broadcast %add3A_1354 : i32 to vector<16xi32>
    %add3A_1356 = arith.addi %add3A_1355, %iota3A : vector<16xi32>
    %min3A_1357 = arith.constant 43647 : i32
    %min3A_1358 = vector.broadcast %min3A_1357 : i32 to vector<16xi32>
    %min3A_1359 = arith.minsi %add3A_1356, %min3A_1358 : vector<16xi32>
    %mul3A_1360 = arith.constant 80 : i32
    %mul3A_1361 = vector.broadcast %mul3A_1360 : i32 to vector<16xi32>
    %mul3A_1362 = arith.muli %min3A_1359, %mul3A_1361 : vector<16xi32>
    %min3A_1363 = arith.constant 79 : i32
    %min3A_1364 = vector.broadcast %min3A_1363 : i32 to vector<16xi32>
    %min3A_1365 = arith.minsi %get3A_1352, %min3A_1364 : vector<16xi32>
    %add3A_1366 = arith.addi %mul3A_1362, %min3A_1365 : vector<16xi32>
    %swap3A_1367 = arith.constant 6 : i32
    %swap3A_1368 = arith.index_cast %swap3A_1367 : i32 to index
    %swap3A_1369 = arith.constant 48 : index
    %swap3A_1370 = tpu.vector_load %arg18[%swap3A_1368, %swap3A_1369] {strides = array<i32>} : memref<11x128xi32, #tpu.memory_space<vmem>>, vector<1x16xi32>,
    %swap3A_1371 = vector.shape_cast %swap3A_1370 : vector<1x16xi32> to vector<16xi32>
    %swap3A_1372 = vector.shape_cast %add3A_1366 : vector<16xi32> to vector<1x16xi32>
    tpu.vector_store %arg18[%swap3A_1368, %swap3A_1369], %swap3A_1372 {strides = array<i32>} : memref<11x128xi32, #tpu.memory_space<vmem>>, vector<1x16xi32>,
    %get3A_1373 = arith.constant 832 : index
    %get3A_1374 = tpu.vector_load %arg14[%get3A_1373] {strides = array<i32>} : memref<1376xi32, #tpu.memory_space<vmem>>, vector<16xi32>,
    %get3A_1375 = vector.shape_cast %get3A_1374 : vector<16xi32> to vector<16xi32>
    %add3A_1376 = arith.constant 832 : i32
    %add3A_1377 = arith.addi %add3A_179, %add3A_1376 : i32
    %add3A_1378 = vector.broadcast %add3A_1377 : i32 to vector<16xi32>
    %add3A_1379 = arith.addi %add3A_1378, %iota3A : vector<16xi32>
    %min3A_1380 = arith.constant 43647 : i32
    %min3A_1381 = vector.broadcast %min3A_1380 : i32 to vector<16xi32>
    %min3A_1382 = arith.minsi %add3A_1379, %min3A_1381 : vector<16xi32>
    %mul3A_1383 = arith.constant 80 : i32
    %mul3A_1384 = vector.broadcast %mul3A_1383 : i32 to vector<16xi32>
    %mul3A_1385 = arith.muli %min3A_1382, %mul3A_1384 : vector<16xi32>
    %min3A_1386 = arith.constant 79 : i32
    %min3A_1387 = vector.broadcast %min3A_1386 : i32 to vector<16xi32>
    %min3A_1388 = arith.minsi %get3A_1375, %min3A_1387 : vector<16xi32>
    %add3A_1389 = arith.addi %mul3A_1385, %min3A_1388 : vector<16xi32>
    %swap3A_1390 = arith.constant 6 : i32
    %swap3A_1391 = arith.index_cast %swap3A_1390 : i32 to index
    %swap3A_1392 = arith.constant 64 : index
    %swap3A_1393 = tpu.vector_load %arg18[%swap3A_1391, %swap3A_1392] {strides = array<i32>} : memref<11x128xi32, #tpu.memory_space<vmem>>, vector<1x16xi32>,
    %swap3A_1394 = vector.shape_cast %swap3A_1393 : vector<1x16xi32> to vector<16xi32>
    %swap3A_1395 = vector.shape_cast %add3A_1389 : vector<16xi32> to vector<1x16xi32>
    tpu.vector_store %arg18[%swap3A_1391, %swap3A_1392], %swap3A_1395 {strides = array<i32>} : memref<11x128xi32, #tpu.memory_space<vmem>>, vector<1x16xi32>,
    %get3A_1396 = arith.constant 848 : index
    %get3A_1397 = tpu.vector_load %arg14[%get3A_1396] {strides = array<i32>} : memref<1376xi32, #tpu.memory_space<vmem>>, vector<16xi32>,
    %get3A_1398 = vector.shape_cast %get3A_1397 : vector<16xi32> to vector<16xi32>
    %add3A_1399 = arith.constant 848 : i32
    %add3A_1400 = arith.addi %add3A_179, %add3A_1399 : i32
    %add3A_1401 = vector.broadcast %add3A_1400 : i32 to vector<16xi32>
    %add3A_1402 = arith.addi %add3A_1401, %iota3A : vector<16xi32>
    %min3A_1403 = arith.constant 43647 : i32
    %min3A_1404 = vector.broadcast %min3A_1403 : i32 to vector<16xi32>
    %min3A_1405 = arith.minsi %add3A_1402, %min3A_1404 : vector<16xi32>
    %mul3A_1406 = arith.constant 80 : i32
    %mul3A_1407 = vector.broadcast %mul3A_1406 : i32 to vector<16xi32>
    %mul3A_1408 = arith.muli %min3A_1405, %mul3A_1407 : vector<16xi32>
    %min3A_1409 = arith.constant 79 : i32
    %min3A_1410 = vector.broadcast %min3A_1409 : i32 to vector<16xi32>
    %min3A_1411 = arith.minsi %get3A_1398, %min3A_1410 : vector<16xi32>
    %add3A_1412 = arith.addi %mul3A_1408, %min3A_1411 : vector<16xi32>
    %swap3A_1413 = arith.constant 6 : i32
    %swap3A_1414 = arith.index_cast %swap3A_1413 : i32 to index
    %swap3A_1415 = arith.constant 80 : index
    %swap3A_1416 = tpu.vector_load %arg18[%swap3A_1414, %swap3A_1415] {strides = array<i32>} : memref<11x128xi32, #tpu.memory_space<vmem>>, vector<1x16xi32>,
    %swap3A_1417 = vector.shape_cast %swap3A_1416 : vector<1x16xi32> to vector<16xi32>
    %swap3A_1418 = vector.shape_cast %add3A_1412 : vector<16xi32> to vector<1x16xi32>
    tpu.vector_store %arg18[%swap3A_1414, %swap3A_1415], %swap3A_1418 {strides = array<i32>} : memref<11x128xi32, #tpu.memory_space<vmem>>, vector<1x16xi32>,
    %get3A_1419 = arith.constant 864 : index
    %get3A_1420 = tpu.vector_load %arg14[%get3A_1419] {strides = array<i32>} : memref<1376xi32, #tpu.memory_space<vmem>>, vector<16xi32>,
    %get3A_1421 = vector.shape_cast %get3A_1420 : vector<16xi32> to vector<16xi32>
    %add3A_1422 = arith.constant 864 : i32
    %add3A_1423 = arith.addi %add3A_179, %add3A_1422 : i32
    %add3A_1424 = vector.broadcast %add3A_1423 : i32 to vector<16xi32>
    %add3A_1425 = arith.addi %add3A_1424, %iota3A : vector<16xi32>
    %min3A_1426 = arith.constant 43647 : i32
    %min3A_1427 = vector.broadcast %min3A_1426 : i32 to vector<16xi32>
    %min3A_1428 = arith.minsi %add3A_1425, %min3A_1427 : vector<16xi32>
    %mul3A_1429 = arith.constant 80 : i32
    %mul3A_1430 = vector.broadcast %mul3A_1429 : i32 to vector<16xi32>
    %mul3A_1431 = arith.muli %min3A_1428, %mul3A_1430 : vector<16xi32>
    %min3A_1432 = arith.constant 79 : i32
    %min3A_1433 = vector.broadcast %min3A_1432 : i32 to vector<16xi32>
    %min3A_1434 = arith.minsi %get3A_1421, %min3A_1433 : vector<16xi32>
    %add3A_1435 = arith.addi %mul3A_1431, %min3A_1434 : vector<16xi32>
    %swap3A_1436 = arith.constant 6 : i32
    %swap3A_1437 = arith.index_cast %swap3A_1436 : i32 to index
    %swap3A_1438 = arith.constant 96 : index
    %swap3A_1439 = tpu.vector_load %arg18[%swap3A_1437, %swap3A_1438] {strides = array<i32>} : memref<11x128xi32, #tpu.memory_space<vmem>>, vector<1x16xi32>,
    %swap3A_1440 = vector.shape_cast %swap3A_1439 : vector<1x16xi32> to vector<16xi32>
    %swap3A_1441 = vector.shape_cast %add3A_1435 : vector<16xi32> to vector<1x16xi32>
    tpu.vector_store %arg18[%swap3A_1437, %swap3A_1438], %swap3A_1441 {strides = array<i32>} : memref<11x128xi32, #tpu.memory_space<vmem>>, vector<1x16xi32>,
    %get3A_1442 = arith.constant 880 : index
    %get3A_1443 = tpu.vector_load %arg14[%get3A_1442] {strides = array<i32>} : memref<1376xi32, #tpu.memory_space<vmem>>, vector<16xi32>,
    %get3A_1444 = vector.shape_cast %get3A_1443 : vector<16xi32> to vector<16xi32>
    %add3A_1445 = arith.constant 880 : i32
    %add3A_1446 = arith.addi %add3A_179, %add3A_1445 : i32
    %add3A_1447 = vector.broadcast %add3A_1446 : i32 to vector<16xi32>
    %add3A_1448 = arith.addi %add3A_1447, %iota3A : vector<16xi32>
    %min3A_1449 = arith.constant 43647 : i32
    %min3A_1450 = vector.broadcast %min3A_1449 : i32 to vector<16xi32>
    %min3A_1451 = arith.minsi %add3A_1448, %min3A_1450 : vector<16xi32>
    %mul3A_1452 = arith.constant 80 : i32
    %mul3A_1453 = vector.broadcast %mul3A_1452 : i32 to vector<16xi32>
    %mul3A_1454 = arith.muli %min3A_1451, %mul3A_1453 : vector<16xi32>
    %min3A_1455 = arith.constant 79 : i32
    %min3A_1456 = vector.broadcast %min3A_1455 : i32 to vector<16xi32>
    %min3A_1457 = arith.minsi %get3A_1444, %min3A_1456 : vector<16xi32>
    %add3A_1458 = arith.addi %mul3A_1454, %min3A_1457 : vector<16xi32>
    %swap3A_1459 = arith.constant 6 : i32
    %swap3A_1460 = arith.index_cast %swap3A_1459 : i32 to index
    %swap3A_1461 = arith.constant 112 : index
    %swap3A_1462 = tpu.vector_load %arg18[%swap3A_1460, %swap3A_1461] {strides = array<i32>} : memref<11x128xi32, #tpu.memory_space<vmem>>, vector<1x16xi32>,
    %swap3A_1463 = vector.shape_cast %swap3A_1462 : vector<1x16xi32> to vector<16xi32>
    %swap3A_1464 = vector.shape_cast %add3A_1458 : vector<16xi32> to vector<1x16xi32>
    tpu.vector_store %arg18[%swap3A_1460, %swap3A_1461], %swap3A_1464 {strides = array<i32>} : memref<11x128xi32, #tpu.memory_space<vmem>>, vector<1x16xi32>,
    %get3A_1465 = arith.constant 896 : index
    %get3A_1466 = tpu.vector_load %arg14[%get3A_1465] {strides = array<i32>} : memref<1376xi32, #tpu.memory_space<vmem>>, vector<16xi32>,
    %get3A_1467 = vector.shape_cast %get3A_1466 : vector<16xi32> to vector<16xi32>
    %add3A_1468 = arith.constant 896 : i32
    %add3A_1469 = arith.addi %add3A_179, %add3A_1468 : i32
    %add3A_1470 = vector.broadcast %add3A_1469 : i32 to vector<16xi32>
    %add3A_1471 = arith.addi %add3A_1470, %iota3A : vector<16xi32>
    %min3A_1472 = arith.constant 43647 : i32
    %min3A_1473 = vector.broadcast %min3A_1472 : i32 to vector<16xi32>
    %min3A_1474 = arith.minsi %add3A_1471, %min3A_1473 : vector<16xi32>
    %mul3A_1475 = arith.constant 80 : i32
    %mul3A_1476 = vector.broadcast %mul3A_1475 : i32 to vector<16xi32>
    %mul3A_1477 = arith.muli %min3A_1474, %mul3A_1476 : vector<16xi32>
    %min3A_1478 = arith.constant 79 : i32
    %min3A_1479 = vector.broadcast %min3A_1478 : i32 to vector<16xi32>
    %min3A_1480 = arith.minsi %get3A_1467, %min3A_1479 : vector<16xi32>
    %add3A_1481 = arith.addi %mul3A_1477, %min3A_1480 : vector<16xi32>
    %swap3A_1482 = arith.constant 7 : i32
    %swap3A_1483 = arith.index_cast %swap3A_1482 : i32 to index
    %swap3A_1484 = arith.constant 0 : index
    %swap3A_1485 = tpu.vector_load %arg18[%swap3A_1483, %swap3A_1484] {strides = array<i32>} : memref<11x128xi32, #tpu.memory_space<vmem>>, vector<1x16xi32>,
    %swap3A_1486 = vector.shape_cast %swap3A_1485 : vector<1x16xi32> to vector<16xi32>
    %swap3A_1487 = vector.shape_cast %add3A_1481 : vector<16xi32> to vector<1x16xi32>
    tpu.vector_store %arg18[%swap3A_1483, %swap3A_1484], %swap3A_1487 {strides = array<i32>} : memref<11x128xi32, #tpu.memory_space<vmem>>, vector<1x16xi32>,
    %get3A_1488 = arith.constant 912 : index
    %get3A_1489 = tpu.vector_load %arg14[%get3A_1488] {strides = array<i32>} : memref<1376xi32, #tpu.memory_space<vmem>>, vector<16xi32>,
    %get3A_1490 = vector.shape_cast %get3A_1489 : vector<16xi32> to vector<16xi32>
    %add3A_1491 = arith.constant 912 : i32
    %add3A_1492 = arith.addi %add3A_179, %add3A_1491 : i32
    %add3A_1493 = vector.broadcast %add3A_1492 : i32 to vector<16xi32>
    %add3A_1494 = arith.addi %add3A_1493, %iota3A : vector<16xi32>
    %min3A_1495 = arith.constant 43647 : i32
    %min3A_1496 = vector.broadcast %min3A_1495 : i32 to vector<16xi32>
    %min3A_1497 = arith.minsi %add3A_1494, %min3A_1496 : vector<16xi32>
    %mul3A_1498 = arith.constant 80 : i32
    %mul3A_1499 = vector.broadcast %mul3A_1498 : i32 to vector<16xi32>
    %mul3A_1500 = arith.muli %min3A_1497, %mul3A_1499 : vector<16xi32>
    %min3A_1501 = arith.constant 79 : i32
    %min3A_1502 = vector.broadcast %min3A_1501 : i32 to vector<16xi32>
    %min3A_1503 = arith.minsi %get3A_1490, %min3A_1502 : vector<16xi32>
    %add3A_1504 = arith.addi %mul3A_1500, %min3A_1503 : vector<16xi32>
    %swap3A_1505 = arith.constant 7 : i32
    %swap3A_1506 = arith.index_cast %swap3A_1505 : i32 to index
    %swap3A_1507 = arith.constant 16 : index
    %swap3A_1508 = tpu.vector_load %arg18[%swap3A_1506, %swap3A_1507] {strides = array<i32>} : memref<11x128xi32, #tpu.memory_space<vmem>>, vector<1x16xi32>,
    %swap3A_1509 = vector.shape_cast %swap3A_1508 : vector<1x16xi32> to vector<16xi32>
    %swap3A_1510 = vector.shape_cast %add3A_1504 : vector<16xi32> to vector<1x16xi32>
    tpu.vector_store %arg18[%swap3A_1506, %swap3A_1507], %swap3A_1510 {strides = array<i32>} : memref<11x128xi32, #tpu.memory_space<vmem>>, vector<1x16xi32>,
    %get3A_1511 = arith.constant 928 : index
    %get3A_1512 = tpu.vector_load %arg14[%get3A_1511] {strides = array<i32>} : memref<1376xi32, #tpu.memory_space<vmem>>, vector<16xi32>,
    %get3A_1513 = vector.shape_cast %get3A_1512 : vector<16xi32> to vector<16xi32>
    %add3A_1514 = arith.constant 928 : i32
    %add3A_1515 = arith.addi %add3A_179, %add3A_1514 : i32
    %add3A_1516 = vector.broadcast %add3A_1515 : i32 to vector<16xi32>
    %add3A_1517 = arith.addi %add3A_1516, %iota3A : vector<16xi32>
    %min3A_1518 = arith.constant 43647 : i32
    %min3A_1519 = vector.broadcast %min3A_1518 : i32 to vector<16xi32>
    %min3A_1520 = arith.minsi %add3A_1517, %min3A_1519 : vector<16xi32>
    %mul3A_1521 = arith.constant 80 : i32
    %mul3A_1522 = vector.broadcast %mul3A_1521 : i32 to vector<16xi32>
    %mul3A_1523 = arith.muli %min3A_1520, %mul3A_1522 : vector<16xi32>
    %min3A_1524 = arith.constant 79 : i32
    %min3A_1525 = vector.broadcast %min3A_1524 : i32 to vector<16xi32>
    %min3A_1526 = arith.minsi %get3A_1513, %min3A_1525 : vector<16xi32>
    %add3A_1527 = arith.addi %mul3A_1523, %min3A_1526 : vector<16xi32>
    %swap3A_1528 = arith.constant 7 : i32
    %swap3A_1529 = arith.index_cast %swap3A_1528 : i32 to index
    %swap3A_1530 = arith.constant 32 : index
    %swap3A_1531 = tpu.vector_load %arg18[%swap3A_1529, %swap3A_1530] {strides = array<i32>} : memref<11x128xi32, #tpu.memory_space<vmem>>, vector<1x16xi32>,
    %swap3A_1532 = vector.shape_cast %swap3A_1531 : vector<1x16xi32> to vector<16xi32>
    %swap3A_1533 = vector.shape_cast %add3A_1527 : vector<16xi32> to vector<1x16xi32>
    tpu.vector_store %arg18[%swap3A_1529, %swap3A_1530], %swap3A_1533 {strides = array<i32>} : memref<11x128xi32, #tpu.memory_space<vmem>>, vector<1x16xi32>,
    %get3A_1534 = arith.constant 944 : index
    %get3A_1535 = tpu.vector_load %arg14[%get3A_1534] {strides = array<i32>} : memref<1376xi32, #tpu.memory_space<vmem>>, vector<16xi32>,
    %get3A_1536 = vector.shape_cast %get3A_1535 : vector<16xi32> to vector<16xi32>
    %add3A_1537 = arith.constant 944 : i32
    %add3A_1538 = arith.addi %add3A_179, %add3A_1537 : i32
    %add3A_1539 = vector.broadcast %add3A_1538 : i32 to vector<16xi32>
    %add3A_1540 = arith.addi %add3A_1539, %iota3A : vector<16xi32>
    %min3A_1541 = arith.constant 43647 : i32
    %min3A_1542 = vector.broadcast %min3A_1541 : i32 to vector<16xi32>
    %min3A_1543 = arith.minsi %add3A_1540, %min3A_1542 : vector<16xi32>
    %mul3A_1544 = arith.constant 80 : i32
    %mul3A_1545 = vector.broadcast %mul3A_1544 : i32 to vector<16xi32>
    %mul3A_1546 = arith.muli %min3A_1543, %mul3A_1545 : vector<16xi32>
    %min3A_1547 = arith.constant 79 : i32
    %min3A_1548 = vector.broadcast %min3A_1547 : i32 to vector<16xi32>
    %min3A_1549 = arith.minsi %get3A_1536, %min3A_1548 : vector<16xi32>
    %add3A_1550 = arith.addi %mul3A_1546, %min3A_1549 : vector<16xi32>
    %swap3A_1551 = arith.constant 7 : i32
    %swap3A_1552 = arith.index_cast %swap3A_1551 : i32 to index
    %swap3A_1553 = arith.constant 48 : index
    %swap3A_1554 = tpu.vector_load %arg18[%swap3A_1552, %swap3A_1553] {strides = array<i32>} : memref<11x128xi32, #tpu.memory_space<vmem>>, vector<1x16xi32>,
    %swap3A_1555 = vector.shape_cast %swap3A_1554 : vector<1x16xi32> to vector<16xi32>
    %swap3A_1556 = vector.shape_cast %add3A_1550 : vector<16xi32> to vector<1x16xi32>
    tpu.vector_store %arg18[%swap3A_1552, %swap3A_1553], %swap3A_1556 {strides = array<i32>} : memref<11x128xi32, #tpu.memory_space<vmem>>, vector<1x16xi32>,
    %get3A_1557 = arith.constant 960 : index
    %get3A_1558 = tpu.vector_load %arg14[%get3A_1557] {strides = array<i32>} : memref<1376xi32, #tpu.memory_space<vmem>>, vector<16xi32>,
    %get3A_1559 = vector.shape_cast %get3A_1558 : vector<16xi32> to vector<16xi32>
    %add3A_1560 = arith.constant 960 : i32
    %add3A_1561 = arith.addi %add3A_179, %add3A_1560 : i32
    %add3A_1562 = vector.broadcast %add3A_1561 : i32 to vector<16xi32>
    %add3A_1563 = arith.addi %add3A_1562, %iota3A : vector<16xi32>
    %min3A_1564 = arith.constant 43647 : i32
    %min3A_1565 = vector.broadcast %min3A_1564 : i32 to vector<16xi32>
    %min3A_1566 = arith.minsi %add3A_1563, %min3A_1565 : vector<16xi32>
    %mul3A_1567 = arith.constant 80 : i32
    %mul3A_1568 = vector.broadcast %mul3A_1567 : i32 to vector<16xi32>
    %mul3A_1569 = arith.muli %min3A_1566, %mul3A_1568 : vector<16xi32>
    %min3A_1570 = arith.constant 79 : i32
    %min3A_1571 = vector.broadcast %min3A_1570 : i32 to vector<16xi32>
    %min3A_1572 = arith.minsi %get3A_1559, %min3A_1571 : vector<16xi32>
    %add3A_1573 = arith.addi %mul3A_1569, %min3A_1572 : vector<16xi32>
    %swap3A_1574 = arith.constant 7 : i32
    %swap3A_1575 = arith.index_cast %swap3A_1574 : i32 to index
    %swap3A_1576 = arith.constant 64 : index
    %swap3A_1577 = tpu.vector_load %arg18[%swap3A_1575, %swap3A_1576] {strides = array<i32>} : memref<11x128xi32, #tpu.memory_space<vmem>>, vector<1x16xi32>,
    %swap3A_1578 = vector.shape_cast %swap3A_1577 : vector<1x16xi32> to vector<16xi32>
    %swap3A_1579 = vector.shape_cast %add3A_1573 : vector<16xi32> to vector<1x16xi32>
    tpu.vector_store %arg18[%swap3A_1575, %swap3A_1576], %swap3A_1579 {strides = array<i32>} : memref<11x128xi32, #tpu.memory_space<vmem>>, vector<1x16xi32>,
    %get3A_1580 = arith.constant 976 : index
    %get3A_1581 = tpu.vector_load %arg14[%get3A_1580] {strides = array<i32>} : memref<1376xi32, #tpu.memory_space<vmem>>, vector<16xi32>,
    %get3A_1582 = vector.shape_cast %get3A_1581 : vector<16xi32> to vector<16xi32>
    %add3A_1583 = arith.constant 976 : i32
    %add3A_1584 = arith.addi %add3A_179, %add3A_1583 : i32
    %add3A_1585 = vector.broadcast %add3A_1584 : i32 to vector<16xi32>
    %add3A_1586 = arith.addi %add3A_1585, %iota3A : vector<16xi32>
    %min3A_1587 = arith.constant 43647 : i32
    %min3A_1588 = vector.broadcast %min3A_1587 : i32 to vector<16xi32>
    %min3A_1589 = arith.minsi %add3A_1586, %min3A_1588 : vector<16xi32>
    %mul3A_1590 = arith.constant 80 : i32
    %mul3A_1591 = vector.broadcast %mul3A_1590 : i32 to vector<16xi32>
    %mul3A_1592 = arith.muli %min3A_1589, %mul3A_1591 : vector<16xi32>
    %min3A_1593 = arith.constant 79 : i32
    %min3A_1594 = vector.broadcast %min3A_1593 : i32 to vector<16xi32>
    %min3A_1595 = arith.minsi %get3A_1582, %min3A_1594 : vector<16xi32>
    %add3A_1596 = arith.addi %mul3A_1592, %min3A_1595 : vector<16xi32>
    %swap3A_1597 = arith.constant 7 : i32
    %swap3A_1598 = arith.index_cast %swap3A_1597 : i32 to index
    %swap3A_1599 = arith.constant 80 : index
    %swap3A_1600 = tpu.vector_load %arg18[%swap3A_1598, %swap3A_1599] {strides = array<i32>} : memref<11x128xi32, #tpu.memory_space<vmem>>, vector<1x16xi32>,
    %swap3A_1601 = vector.shape_cast %swap3A_1600 : vector<1x16xi32> to vector<16xi32>
    %swap3A_1602 = vector.shape_cast %add3A_1596 : vector<16xi32> to vector<1x16xi32>
    tpu.vector_store %arg18[%swap3A_1598, %swap3A_1599], %swap3A_1602 {strides = array<i32>} : memref<11x128xi32, #tpu.memory_space<vmem>>, vector<1x16xi32>,
    %get3A_1603 = arith.constant 992 : index
    %get3A_1604 = tpu.vector_load %arg14[%get3A_1603] {strides = array<i32>} : memref<1376xi32, #tpu.memory_space<vmem>>, vector<16xi32>,
    %get3A_1605 = vector.shape_cast %get3A_1604 : vector<16xi32> to vector<16xi32>
    %add3A_1606 = arith.constant 992 : i32
    %add3A_1607 = arith.addi %add3A_179, %add3A_1606 : i32
    %add3A_1608 = vector.broadcast %add3A_1607 : i32 to vector<16xi32>
    %add3A_1609 = arith.addi %add3A_1608, %iota3A : vector<16xi32>
    %min3A_1610 = arith.constant 43647 : i32
    %min3A_1611 = vector.broadcast %min3A_1610 : i32 to vector<16xi32>
    %min3A_1612 = arith.minsi %add3A_1609, %min3A_1611 : vector<16xi32>
    %mul3A_1613 = arith.constant 80 : i32
    %mul3A_1614 = vector.broadcast %mul3A_1613 : i32 to vector<16xi32>
    %mul3A_1615 = arith.muli %min3A_1612, %mul3A_1614 : vector<16xi32>
    %min3A_1616 = arith.constant 79 : i32
    %min3A_1617 = vector.broadcast %min3A_1616 : i32 to vector<16xi32>
    %min3A_1618 = arith.minsi %get3A_1605, %min3A_1617 : vector<16xi32>
    %add3A_1619 = arith.addi %mul3A_1615, %min3A_1618 : vector<16xi32>
    %swap3A_1620 = arith.constant 7 : i32
    %swap3A_1621 = arith.index_cast %swap3A_1620 : i32 to index
    %swap3A_1622 = arith.constant 96 : index
    %swap3A_1623 = tpu.vector_load %arg18[%swap3A_1621, %swap3A_1622] {strides = array<i32>} : memref<11x128xi32, #tpu.memory_space<vmem>>, vector<1x16xi32>,
    %swap3A_1624 = vector.shape_cast %swap3A_1623 : vector<1x16xi32> to vector<16xi32>
    %swap3A_1625 = vector.shape_cast %add3A_1619 : vector<16xi32> to vector<1x16xi32>
    tpu.vector_store %arg18[%swap3A_1621, %swap3A_1622], %swap3A_1625 {strides = array<i32>} : memref<11x128xi32, #tpu.memory_space<vmem>>, vector<1x16xi32>,
    %get3A_1626 = arith.constant 1008 : index
    %get3A_1627 = tpu.vector_load %arg14[%get3A_1626] {strides = array<i32>} : memref<1376xi32, #tpu.memory_space<vmem>>, vector<16xi32>,
    %get3A_1628 = vector.shape_cast %get3A_1627 : vector<16xi32> to vector<16xi32>
    %add3A_1629 = arith.constant 1008 : i32
    %add3A_1630 = arith.addi %add3A_179, %add3A_1629 : i32
    %add3A_1631 = vector.broadcast %add3A_1630 : i32 to vector<16xi32>
    %add3A_1632 = arith.addi %add3A_1631, %iota3A : vector<16xi32>
    %min3A_1633 = arith.constant 43647 : i32
    %min3A_1634 = vector.broadcast %min3A_1633 : i32 to vector<16xi32>
    %min3A_1635 = arith.minsi %add3A_1632, %min3A_1634 : vector<16xi32>
    %mul3A_1636 = arith.constant 80 : i32
    %mul3A_1637 = vector.broadcast %mul3A_1636 : i32 to vector<16xi32>
    %mul3A_1638 = arith.muli %min3A_1635, %mul3A_1637 : vector<16xi32>
    %min3A_1639 = arith.constant 79 : i32
    %min3A_1640 = vector.broadcast %min3A_1639 : i32 to vector<16xi32>
    %min3A_1641 = arith.minsi %get3A_1628, %min3A_1640 : vector<16xi32>
    %add3A_1642 = arith.addi %mul3A_1638, %min3A_1641 : vector<16xi32>
    %swap3A_1643 = arith.constant 7 : i32
    %swap3A_1644 = arith.index_cast %swap3A_1643 : i32 to index
    %swap3A_1645 = arith.constant 112 : index
    %swap3A_1646 = tpu.vector_load %arg18[%swap3A_1644, %swap3A_1645] {strides = array<i32>} : memref<11x128xi32, #tpu.memory_space<vmem>>, vector<1x16xi32>,
    %swap3A_1647 = vector.shape_cast %swap3A_1646 : vector<1x16xi32> to vector<16xi32>
    %swap3A_1648 = vector.shape_cast %add3A_1642 : vector<16xi32> to vector<1x16xi32>
    tpu.vector_store %arg18[%swap3A_1644, %swap3A_1645], %swap3A_1648 {strides = array<i32>} : memref<11x128xi32, #tpu.memory_space<vmem>>, vector<1x16xi32>,
    %get3A_1649 = arith.constant 1024 : index
    %get3A_1650 = tpu.vector_load %arg14[%get3A_1649] {strides = array<i32>} : memref<1376xi32, #tpu.memory_space<vmem>>, vector<16xi32>,
    %get3A_1651 = vector.shape_cast %get3A_1650 : vector<16xi32> to vector<16xi32>
    %add3A_1652 = arith.constant 1024 : i32
    %add3A_1653 = arith.addi %add3A_179, %add3A_1652 : i32
    %add3A_1654 = vector.broadcast %add3A_1653 : i32 to vector<16xi32>
    %add3A_1655 = arith.addi %add3A_1654, %iota3A : vector<16xi32>
    %min3A_1656 = arith.constant 43647 : i32
    %min3A_1657 = vector.broadcast %min3A_1656 : i32 to vector<16xi32>
    %min3A_1658 = arith.minsi %add3A_1655, %min3A_1657 : vector<16xi32>
    %mul3A_1659 = arith.constant 80 : i32
    %mul3A_1660 = vector.broadcast %mul3A_1659 : i32 to vector<16xi32>
    %mul3A_1661 = arith.muli %min3A_1658, %mul3A_1660 : vector<16xi32>
    %min3A_1662 = arith.constant 79 : i32
    %min3A_1663 = vector.broadcast %min3A_1662 : i32 to vector<16xi32>
    %min3A_1664 = arith.minsi %get3A_1651, %min3A_1663 : vector<16xi32>
    %add3A_1665 = arith.addi %mul3A_1661, %min3A_1664 : vector<16xi32>
    %swap3A_1666 = arith.constant 8 : i32
    %swap3A_1667 = arith.index_cast %swap3A_1666 : i32 to index
    %swap3A_1668 = arith.constant 0 : index
    %swap3A_1669 = tpu.vector_load %arg18[%swap3A_1667, %swap3A_1668] {strides = array<i32>} : memref<11x128xi32, #tpu.memory_space<vmem>>, vector<1x16xi32>,
    %swap3A_1670 = vector.shape_cast %swap3A_1669 : vector<1x16xi32> to vector<16xi32>
    %swap3A_1671 = vector.shape_cast %add3A_1665 : vector<16xi32> to vector<1x16xi32>
    tpu.vector_store %arg18[%swap3A_1667, %swap3A_1668], %swap3A_1671 {strides = array<i32>} : memref<11x128xi32, #tpu.memory_space<vmem>>, vector<1x16xi32>,
    %get3A_1672 = arith.constant 1040 : index
    %get3A_1673 = tpu.vector_load %arg14[%get3A_1672] {strides = array<i32>} : memref<1376xi32, #tpu.memory_space<vmem>>, vector<16xi32>,
    %get3A_1674 = vector.shape_cast %get3A_1673 : vector<16xi32> to vector<16xi32>
    %add3A_1675 = arith.constant 1040 : i32
    %add3A_1676 = arith.addi %add3A_179, %add3A_1675 : i32
    %add3A_1677 = vector.broadcast %add3A_1676 : i32 to vector<16xi32>
    %add3A_1678 = arith.addi %add3A_1677, %iota3A : vector<16xi32>
    %min3A_1679 = arith.constant 43647 : i32
    %min3A_1680 = vector.broadcast %min3A_1679 : i32 to vector<16xi32>
    %min3A_1681 = arith.minsi %add3A_1678, %min3A_1680 : vector<16xi32>
    %mul3A_1682 = arith.constant 80 : i32
    %mul3A_1683 = vector.broadcast %mul3A_1682 : i32 to vector<16xi32>
    %mul3A_1684 = arith.muli %min3A_1681, %mul3A_1683 : vector<16xi32>
    %min3A_1685 = arith.constant 79 : i32
    %min3A_1686 = vector.broadcast %min3A_1685 : i32 to vector<16xi32>
    %min3A_1687 = arith.minsi %get3A_1674, %min3A_1686 : vector<16xi32>
    %add3A_1688 = arith.addi %mul3A_1684, %min3A_1687 : vector<16xi32>
    %swap3A_1689 = arith.constant 8 : i32
    %swap3A_1690 = arith.index_cast %swap3A_1689 : i32 to index
    %swap3A_1691 = arith.constant 16 : index
    %swap3A_1692 = tpu.vector_load %arg18[%swap3A_1690, %swap3A_1691] {strides = array<i32>} : memref<11x128xi32, #tpu.memory_space<vmem>>, vector<1x16xi32>,
    %swap3A_1693 = vector.shape_cast %swap3A_1692 : vector<1x16xi32> to vector<16xi32>
    %swap3A_1694 = vector.shape_cast %add3A_1688 : vector<16xi32> to vector<1x16xi32>
    tpu.vector_store %arg18[%swap3A_1690, %swap3A_1691], %swap3A_1694 {strides = array<i32>} : memref<11x128xi32, #tpu.memory_space<vmem>>, vector<1x16xi32>,
    %get3A_1695 = arith.constant 1056 : index
    %get3A_1696 = tpu.vector_load %arg14[%get3A_1695] {strides = array<i32>} : memref<1376xi32, #tpu.memory_space<vmem>>, vector<16xi32>,
    %get3A_1697 = vector.shape_cast %get3A_1696 : vector<16xi32> to vector<16xi32>
    %add3A_1698 = arith.constant 1056 : i32
    %add3A_1699 = arith.addi %add3A_179, %add3A_1698 : i32
    %add3A_1700 = vector.broadcast %add3A_1699 : i32 to vector<16xi32>
    %add3A_1701 = arith.addi %add3A_1700, %iota3A : vector<16xi32>
    %min3A_1702 = arith.constant 43647 : i32
    %min3A_1703 = vector.broadcast %min3A_1702 : i32 to vector<16xi32>
    %min3A_1704 = arith.minsi %add3A_1701, %min3A_1703 : vector<16xi32>
    %mul3A_1705 = arith.constant 80 : i32
    %mul3A_1706 = vector.broadcast %mul3A_1705 : i32 to vector<16xi32>
    %mul3A_1707 = arith.muli %min3A_1704, %mul3A_1706 : vector<16xi32>
    %min3A_1708 = arith.constant 79 : i32
    %min3A_1709 = vector.broadcast %min3A_1708 : i32 to vector<16xi32>
    %min3A_1710 = arith.minsi %get3A_1697, %min3A_1709 : vector<16xi32>
    %add3A_1711 = arith.addi %mul3A_1707, %min3A_1710 : vector<16xi32>
    %swap3A_1712 = arith.constant 8 : i32
    %swap3A_1713 = arith.index_cast %swap3A_1712 : i32 to index
    %swap3A_1714 = arith.constant 32 : index
    %swap3A_1715 = tpu.vector_load %arg18[%swap3A_1713, %swap3A_1714] {strides = array<i32>} : memref<11x128xi32, #tpu.memory_space<vmem>>, vector<1x16xi32>,
    %swap3A_1716 = vector.shape_cast %swap3A_1715 : vector<1x16xi32> to vector<16xi32>
    %swap3A_1717 = vector.shape_cast %add3A_1711 : vector<16xi32> to vector<1x16xi32>
    tpu.vector_store %arg18[%swap3A_1713, %swap3A_1714], %swap3A_1717 {strides = array<i32>} : memref<11x128xi32, #tpu.memory_space<vmem>>, vector<1x16xi32>,
    %get3A_1718 = arith.constant 1072 : index
    %get3A_1719 = tpu.vector_load %arg14[%get3A_1718] {strides = array<i32>} : memref<1376xi32, #tpu.memory_space<vmem>>, vector<16xi32>,
    %get3A_1720 = vector.shape_cast %get3A_1719 : vector<16xi32> to vector<16xi32>
    %add3A_1721 = arith.constant 1072 : i32
    %add3A_1722 = arith.addi %add3A_179, %add3A_1721 : i32
    %add3A_1723 = vector.broadcast %add3A_1722 : i32 to vector<16xi32>
    %add3A_1724 = arith.addi %add3A_1723, %iota3A : vector<16xi32>
    %min3A_1725 = arith.constant 43647 : i32
    %min3A_1726 = vector.broadcast %min3A_1725 : i32 to vector<16xi32>
    %min3A_1727 = arith.minsi %add3A_1724, %min3A_1726 : vector<16xi32>
    %mul3A_1728 = arith.constant 80 : i32
    %mul3A_1729 = vector.broadcast %mul3A_1728 : i32 to vector<16xi32>
    %mul3A_1730 = arith.muli %min3A_1727, %mul3A_1729 : vector<16xi32>
    %min3A_1731 = arith.constant 79 : i32
    %min3A_1732 = vector.broadcast %min3A_1731 : i32 to vector<16xi32>
    %min3A_1733 = arith.minsi %get3A_1720, %min3A_1732 : vector<16xi32>
    %add3A_1734 = arith.addi %mul3A_1730, %min3A_1733 : vector<16xi32>
    %swap3A_1735 = arith.constant 8 : i32
    %swap3A_1736 = arith.index_cast %swap3A_1735 : i32 to index
    %swap3A_1737 = arith.constant 48 : index
    %swap3A_1738 = tpu.vector_load %arg18[%swap3A_1736, %swap3A_1737] {strides = array<i32>} : memref<11x128xi32, #tpu.memory_space<vmem>>, vector<1x16xi32>,
    %swap3A_1739 = vector.shape_cast %swap3A_1738 : vector<1x16xi32> to vector<16xi32>
    %swap3A_1740 = vector.shape_cast %add3A_1734 : vector<16xi32> to vector<1x16xi32>
    tpu.vector_store %arg18[%swap3A_1736, %swap3A_1737], %swap3A_1740 {strides = array<i32>} : memref<11x128xi32, #tpu.memory_space<vmem>>, vector<1x16xi32>,
    %get3A_1741 = arith.constant 1088 : index
    %get3A_1742 = tpu.vector_load %arg14[%get3A_1741] {strides = array<i32>} : memref<1376xi32, #tpu.memory_space<vmem>>, vector<16xi32>,
    %get3A_1743 = vector.shape_cast %get3A_1742 : vector<16xi32> to vector<16xi32>
    %add3A_1744 = arith.constant 1088 : i32
    %add3A_1745 = arith.addi %add3A_179, %add3A_1744 : i32
    %add3A_1746 = vector.broadcast %add3A_1745 : i32 to vector<16xi32>
    %add3A_1747 = arith.addi %add3A_1746, %iota3A : vector<16xi32>
    %min3A_1748 = arith.constant 43647 : i32
    %min3A_1749 = vector.broadcast %min3A_1748 : i32 to vector<16xi32>
    %min3A_1750 = arith.minsi %add3A_1747, %min3A_1749 : vector<16xi32>
    %mul3A_1751 = arith.constant 80 : i32
    %mul3A_1752 = vector.broadcast %mul3A_1751 : i32 to vector<16xi32>
    %mul3A_1753 = arith.muli %min3A_1750, %mul3A_1752 : vector<16xi32>
    %min3A_1754 = arith.constant 79 : i32
    %min3A_1755 = vector.broadcast %min3A_1754 : i32 to vector<16xi32>
    %min3A_1756 = arith.minsi %get3A_1743, %min3A_1755 : vector<16xi32>
    %add3A_1757 = arith.addi %mul3A_1753, %min3A_1756 : vector<16xi32>
    %swap3A_1758 = arith.constant 8 : i32
    %swap3A_1759 = arith.index_cast %swap3A_1758 : i32 to index
    %swap3A_1760 = arith.constant 64 : index
    %swap3A_1761 = tpu.vector_load %arg18[%swap3A_1759, %swap3A_1760] {strides = array<i32>} : memref<11x128xi32, #tpu.memory_space<vmem>>, vector<1x16xi32>,
    %swap3A_1762 = vector.shape_cast %swap3A_1761 : vector<1x16xi32> to vector<16xi32>
    %swap3A_1763 = vector.shape_cast %add3A_1757 : vector<16xi32> to vector<1x16xi32>
    tpu.vector_store %arg18[%swap3A_1759, %swap3A_1760], %swap3A_1763 {strides = array<i32>} : memref<11x128xi32, #tpu.memory_space<vmem>>, vector<1x16xi32>,
    %get3A_1764 = arith.constant 1104 : index
    %get3A_1765 = tpu.vector_load %arg14[%get3A_1764] {strides = array<i32>} : memref<1376xi32, #tpu.memory_space<vmem>>, vector<16xi32>,
    %get3A_1766 = vector.shape_cast %get3A_1765 : vector<16xi32> to vector<16xi32>
    %add3A_1767 = arith.constant 1104 : i32
    %add3A_1768 = arith.addi %add3A_179, %add3A_1767 : i32
    %add3A_1769 = vector.broadcast %add3A_1768 : i32 to vector<16xi32>
    %add3A_1770 = arith.addi %add3A_1769, %iota3A : vector<16xi32>
    %min3A_1771 = arith.constant 43647 : i32
    %min3A_1772 = vector.broadcast %min3A_1771 : i32 to vector<16xi32>
    %min3A_1773 = arith.minsi %add3A_1770, %min3A_1772 : vector<16xi32>
    %mul3A_1774 = arith.constant 80 : i32
    %mul3A_1775 = vector.broadcast %mul3A_1774 : i32 to vector<16xi32>
    %mul3A_1776 = arith.muli %min3A_1773, %mul3A_1775 : vector<16xi32>
    %min3A_1777 = arith.constant 79 : i32
    %min3A_1778 = vector.broadcast %min3A_1777 : i32 to vector<16xi32>
    %min3A_1779 = arith.minsi %get3A_1766, %min3A_1778 : vector<16xi32>
    %add3A_1780 = arith.addi %mul3A_1776, %min3A_1779 : vector<16xi32>
    %swap3A_1781 = arith.constant 8 : i32
    %swap3A_1782 = arith.index_cast %swap3A_1781 : i32 to index
    %swap3A_1783 = arith.constant 80 : index
    %swap3A_1784 = tpu.vector_load %arg18[%swap3A_1782, %swap3A_1783] {strides = array<i32>} : memref<11x128xi32, #tpu.memory_space<vmem>>, vector<1x16xi32>,
    %swap3A_1785 = vector.shape_cast %swap3A_1784 : vector<1x16xi32> to vector<16xi32>
    %swap3A_1786 = vector.shape_cast %add3A_1780 : vector<16xi32> to vector<1x16xi32>
    tpu.vector_store %arg18[%swap3A_1782, %swap3A_1783], %swap3A_1786 {strides = array<i32>} : memref<11x128xi32, #tpu.memory_space<vmem>>, vector<1x16xi32>,
    %get3A_1787 = arith.constant 1120 : index
    %get3A_1788 = tpu.vector_load %arg14[%get3A_1787] {strides = array<i32>} : memref<1376xi32, #tpu.memory_space<vmem>>, vector<16xi32>,
    %get3A_1789 = vector.shape_cast %get3A_1788 : vector<16xi32> to vector<16xi32>
    %add3A_1790 = arith.constant 1120 : i32
    %add3A_1791 = arith.addi %add3A_179, %add3A_1790 : i32
    %add3A_1792 = vector.broadcast %add3A_1791 : i32 to vector<16xi32>
    %add3A_1793 = arith.addi %add3A_1792, %iota3A : vector<16xi32>
    %min3A_1794 = arith.constant 43647 : i32
    %min3A_1795 = vector.broadcast %min3A_1794 : i32 to vector<16xi32>
    %min3A_1796 = arith.minsi %add3A_1793, %min3A_1795 : vector<16xi32>
    %mul3A_1797 = arith.constant 80 : i32
    %mul3A_1798 = vector.broadcast %mul3A_1797 : i32 to vector<16xi32>
    %mul3A_1799 = arith.muli %min3A_1796, %mul3A_1798 : vector<16xi32>
    %min3A_1800 = arith.constant 79 : i32
    %min3A_1801 = vector.broadcast %min3A_1800 : i32 to vector<16xi32>
    %min3A_1802 = arith.minsi %get3A_1789, %min3A_1801 : vector<16xi32>
    %add3A_1803 = arith.addi %mul3A_1799, %min3A_1802 : vector<16xi32>
    %swap3A_1804 = arith.constant 8 : i32
    %swap3A_1805 = arith.index_cast %swap3A_1804 : i32 to index
    %swap3A_1806 = arith.constant 96 : index
    %swap3A_1807 = tpu.vector_load %arg18[%swap3A_1805, %swap3A_1806] {strides = array<i32>} : memref<11x128xi32, #tpu.memory_space<vmem>>, vector<1x16xi32>,
    %swap3A_1808 = vector.shape_cast %swap3A_1807 : vector<1x16xi32> to vector<16xi32>
    %swap3A_1809 = vector.shape_cast %add3A_1803 : vector<16xi32> to vector<1x16xi32>
    tpu.vector_store %arg18[%swap3A_1805, %swap3A_1806], %swap3A_1809 {strides = array<i32>} : memref<11x128xi32, #tpu.memory_space<vmem>>, vector<1x16xi32>,
    %get3A_1810 = arith.constant 1136 : index
    %get3A_1811 = tpu.vector_load %arg14[%get3A_1810] {strides = array<i32>} : memref<1376xi32, #tpu.memory_space<vmem>>, vector<16xi32>,
    %get3A_1812 = vector.shape_cast %get3A_1811 : vector<16xi32> to vector<16xi32>
    %add3A_1813 = arith.constant 1136 : i32
    %add3A_1814 = arith.addi %add3A_179, %add3A_1813 : i32
    %add3A_1815 = vector.broadcast %add3A_1814 : i32 to vector<16xi32>
    %add3A_1816 = arith.addi %add3A_1815, %iota3A : vector<16xi32>
    %min3A_1817 = arith.constant 43647 : i32
    %min3A_1818 = vector.broadcast %min3A_1817 : i32 to vector<16xi32>
    %min3A_1819 = arith.minsi %add3A_1816, %min3A_1818 : vector<16xi32>
    %mul3A_1820 = arith.constant 80 : i32
    %mul3A_1821 = vector.broadcast %mul3A_1820 : i32 to vector<16xi32>
    %mul3A_1822 = arith.muli %min3A_1819, %mul3A_1821 : vector<16xi32>
    %min3A_1823 = arith.constant 79 : i32
    %min3A_1824 = vector.broadcast %min3A_1823 : i32 to vector<16xi32>
    %min3A_1825 = arith.minsi %get3A_1812, %min3A_1824 : vector<16xi32>
    %add3A_1826 = arith.addi %mul3A_1822, %min3A_1825 : vector<16xi32>
    %swap3A_1827 = arith.constant 8 : i32
    %swap3A_1828 = arith.index_cast %swap3A_1827 : i32 to index
    %swap3A_1829 = arith.constant 112 : index
    %swap3A_1830 = tpu.vector_load %arg18[%swap3A_1828, %swap3A_1829] {strides = array<i32>} : memref<11x128xi32, #tpu.memory_space<vmem>>, vector<1x16xi32>,
    %swap3A_1831 = vector.shape_cast %swap3A_1830 : vector<1x16xi32> to vector<16xi32>
    %swap3A_1832 = vector.shape_cast %add3A_1826 : vector<16xi32> to vector<1x16xi32>
    tpu.vector_store %arg18[%swap3A_1828, %swap3A_1829], %swap3A_1832 {strides = array<i32>} : memref<11x128xi32, #tpu.memory_space<vmem>>, vector<1x16xi32>,
    %get3A_1833 = arith.constant 1152 : index
    %get3A_1834 = tpu.vector_load %arg14[%get3A_1833] {strides = array<i32>} : memref<1376xi32, #tpu.memory_space<vmem>>, vector<16xi32>,
    %get3A_1835 = vector.shape_cast %get3A_1834 : vector<16xi32> to vector<16xi32>
    %add3A_1836 = arith.constant 1152 : i32
    %add3A_1837 = arith.addi %add3A_179, %add3A_1836 : i32
    %add3A_1838 = vector.broadcast %add3A_1837 : i32 to vector<16xi32>
    %add3A_1839 = arith.addi %add3A_1838, %iota3A : vector<16xi32>
    %min3A_1840 = arith.constant 43647 : i32
    %min3A_1841 = vector.broadcast %min3A_1840 : i32 to vector<16xi32>
    %min3A_1842 = arith.minsi %add3A_1839, %min3A_1841 : vector<16xi32>
    %mul3A_1843 = arith.constant 80 : i32
    %mul3A_1844 = vector.broadcast %mul3A_1843 : i32 to vector<16xi32>
    %mul3A_1845 = arith.muli %min3A_1842, %mul3A_1844 : vector<16xi32>
    %min3A_1846 = arith.constant 79 : i32
    %min3A_1847 = vector.broadcast %min3A_1846 : i32 to vector<16xi32>
    %min3A_1848 = arith.minsi %get3A_1835, %min3A_1847 : vector<16xi32>
    %add3A_1849 = arith.addi %mul3A_1845, %min3A_1848 : vector<16xi32>
    %swap3A_1850 = arith.constant 9 : i32
    %swap3A_1851 = arith.index_cast %swap3A_1850 : i32 to index
    %swap3A_1852 = arith.constant 0 : index
    %swap3A_1853 = tpu.vector_load %arg18[%swap3A_1851, %swap3A_1852] {strides = array<i32>} : memref<11x128xi32, #tpu.memory_space<vmem>>, vector<1x16xi32>,
    %swap3A_1854 = vector.shape_cast %swap3A_1853 : vector<1x16xi32> to vector<16xi32>
    %swap3A_1855 = vector.shape_cast %add3A_1849 : vector<16xi32> to vector<1x16xi32>
    tpu.vector_store %arg18[%swap3A_1851, %swap3A_1852], %swap3A_1855 {strides = array<i32>} : memref<11x128xi32, #tpu.memory_space<vmem>>, vector<1x16xi32>,
    %get3A_1856 = arith.constant 1168 : index
    %get3A_1857 = tpu.vector_load %arg14[%get3A_1856] {strides = array<i32>} : memref<1376xi32, #tpu.memory_space<vmem>>, vector<16xi32>,
    %get3A_1858 = vector.shape_cast %get3A_1857 : vector<16xi32> to vector<16xi32>
    %add3A_1859 = arith.constant 1168 : i32
    %add3A_1860 = arith.addi %add3A_179, %add3A_1859 : i32
    %add3A_1861 = vector.broadcast %add3A_1860 : i32 to vector<16xi32>
    %add3A_1862 = arith.addi %add3A_1861, %iota3A : vector<16xi32>
    %min3A_1863 = arith.constant 43647 : i32
    %min3A_1864 = vector.broadcast %min3A_1863 : i32 to vector<16xi32>
    %min3A_1865 = arith.minsi %add3A_1862, %min3A_1864 : vector<16xi32>
    %mul3A_1866 = arith.constant 80 : i32
    %mul3A_1867 = vector.broadcast %mul3A_1866 : i32 to vector<16xi32>
    %mul3A_1868 = arith.muli %min3A_1865, %mul3A_1867 : vector<16xi32>
    %min3A_1869 = arith.constant 79 : i32
    %min3A_1870 = vector.broadcast %min3A_1869 : i32 to vector<16xi32>
    %min3A_1871 = arith.minsi %get3A_1858, %min3A_1870 : vector<16xi32>
    %add3A_1872 = arith.addi %mul3A_1868, %min3A_1871 : vector<16xi32>
    %swap3A_1873 = arith.constant 9 : i32
    %swap3A_1874 = arith.index_cast %swap3A_1873 : i32 to index
    %swap3A_1875 = arith.constant 16 : index
    %swap3A_1876 = tpu.vector_load %arg18[%swap3A_1874, %swap3A_1875] {strides = array<i32>} : memref<11x128xi32, #tpu.memory_space<vmem>>, vector<1x16xi32>,
    %swap3A_1877 = vector.shape_cast %swap3A_1876 : vector<1x16xi32> to vector<16xi32>
    %swap3A_1878 = vector.shape_cast %add3A_1872 : vector<16xi32> to vector<1x16xi32>
    tpu.vector_store %arg18[%swap3A_1874, %swap3A_1875], %swap3A_1878 {strides = array<i32>} : memref<11x128xi32, #tpu.memory_space<vmem>>, vector<1x16xi32>,
    %get3A_1879 = arith.constant 1184 : index
    %get3A_1880 = tpu.vector_load %arg14[%get3A_1879] {strides = array<i32>} : memref<1376xi32, #tpu.memory_space<vmem>>, vector<16xi32>,
    %get3A_1881 = vector.shape_cast %get3A_1880 : vector<16xi32> to vector<16xi32>
    %add3A_1882 = arith.constant 1184 : i32
    %add3A_1883 = arith.addi %add3A_179, %add3A_1882 : i32
    %add3A_1884 = vector.broadcast %add3A_1883 : i32 to vector<16xi32>
    %add3A_1885 = arith.addi %add3A_1884, %iota3A : vector<16xi32>
    %min3A_1886 = arith.constant 43647 : i32
    %min3A_1887 = vector.broadcast %min3A_1886 : i32 to vector<16xi32>
    %min3A_1888 = arith.minsi %add3A_1885, %min3A_1887 : vector<16xi32>
    %mul3A_1889 = arith.constant 80 : i32
    %mul3A_1890 = vector.broadcast %mul3A_1889 : i32 to vector<16xi32>
    %mul3A_1891 = arith.muli %min3A_1888, %mul3A_1890 : vector<16xi32>
    %min3A_1892 = arith.constant 79 : i32
    %min3A_1893 = vector.broadcast %min3A_1892 : i32 to vector<16xi32>
    %min3A_1894 = arith.minsi %get3A_1881, %min3A_1893 : vector<16xi32>
    %add3A_1895 = arith.addi %mul3A_1891, %min3A_1894 : vector<16xi32>
    %swap3A_1896 = arith.constant 9 : i32
    %swap3A_1897 = arith.index_cast %swap3A_1896 : i32 to index
    %swap3A_1898 = arith.constant 32 : index
    %swap3A_1899 = tpu.vector_load %arg18[%swap3A_1897, %swap3A_1898] {strides = array<i32>} : memref<11x128xi32, #tpu.memory_space<vmem>>, vector<1x16xi32>,
    %swap3A_1900 = vector.shape_cast %swap3A_1899 : vector<1x16xi32> to vector<16xi32>
    %swap3A_1901 = vector.shape_cast %add3A_1895 : vector<16xi32> to vector<1x16xi32>
    tpu.vector_store %arg18[%swap3A_1897, %swap3A_1898], %swap3A_1901 {strides = array<i32>} : memref<11x128xi32, #tpu.memory_space<vmem>>, vector<1x16xi32>,
    %get3A_1902 = arith.constant 1200 : index
    %get3A_1903 = tpu.vector_load %arg14[%get3A_1902] {strides = array<i32>} : memref<1376xi32, #tpu.memory_space<vmem>>, vector<16xi32>,
    %get3A_1904 = vector.shape_cast %get3A_1903 : vector<16xi32> to vector<16xi32>
    %add3A_1905 = arith.constant 1200 : i32
    %add3A_1906 = arith.addi %add3A_179, %add3A_1905 : i32
    %add3A_1907 = vector.broadcast %add3A_1906 : i32 to vector<16xi32>
    %add3A_1908 = arith.addi %add3A_1907, %iota3A : vector<16xi32>
    %min3A_1909 = arith.constant 43647 : i32
    %min3A_1910 = vector.broadcast %min3A_1909 : i32 to vector<16xi32>
    %min3A_1911 = arith.minsi %add3A_1908, %min3A_1910 : vector<16xi32>
    %mul3A_1912 = arith.constant 80 : i32
    %mul3A_1913 = vector.broadcast %mul3A_1912 : i32 to vector<16xi32>
    %mul3A_1914 = arith.muli %min3A_1911, %mul3A_1913 : vector<16xi32>
    %min3A_1915 = arith.constant 79 : i32
    %min3A_1916 = vector.broadcast %min3A_1915 : i32 to vector<16xi32>
    %min3A_1917 = arith.minsi %get3A_1904, %min3A_1916 : vector<16xi32>
    %add3A_1918 = arith.addi %mul3A_1914, %min3A_1917 : vector<16xi32>
    %swap3A_1919 = arith.constant 9 : i32
    %swap3A_1920 = arith.index_cast %swap3A_1919 : i32 to index
    %swap3A_1921 = arith.constant 48 : index
    %swap3A_1922 = tpu.vector_load %arg18[%swap3A_1920, %swap3A_1921] {strides = array<i32>} : memref<11x128xi32, #tpu.memory_space<vmem>>, vector<1x16xi32>,
    %swap3A_1923 = vector.shape_cast %swap3A_1922 : vector<1x16xi32> to vector<16xi32>
    %swap3A_1924 = vector.shape_cast %add3A_1918 : vector<16xi32> to vector<1x16xi32>
    tpu.vector_store %arg18[%swap3A_1920, %swap3A_1921], %swap3A_1924 {strides = array<i32>} : memref<11x128xi32, #tpu.memory_space<vmem>>, vector<1x16xi32>,
    %get3A_1925 = arith.constant 1216 : index
    %get3A_1926 = tpu.vector_load %arg14[%get3A_1925] {strides = array<i32>} : memref<1376xi32, #tpu.memory_space<vmem>>, vector<16xi32>,
    %get3A_1927 = vector.shape_cast %get3A_1926 : vector<16xi32> to vector<16xi32>
    %add3A_1928 = arith.constant 1216 : i32
    %add3A_1929 = arith.addi %add3A_179, %add3A_1928 : i32
    %add3A_1930 = vector.broadcast %add3A_1929 : i32 to vector<16xi32>
    %add3A_1931 = arith.addi %add3A_1930, %iota3A : vector<16xi32>
    %min3A_1932 = arith.constant 43647 : i32
    %min3A_1933 = vector.broadcast %min3A_1932 : i32 to vector<16xi32>
    %min3A_1934 = arith.minsi %add3A_1931, %min3A_1933 : vector<16xi32>
    %mul3A_1935 = arith.constant 80 : i32
    %mul3A_1936 = vector.broadcast %mul3A_1935 : i32 to vector<16xi32>
    %mul3A_1937 = arith.muli %min3A_1934, %mul3A_1936 : vector<16xi32>
    %min3A_1938 = arith.constant 79 : i32
    %min3A_1939 = vector.broadcast %min3A_1938 : i32 to vector<16xi32>
    %min3A_1940 = arith.minsi %get3A_1927, %min3A_1939 : vector<16xi32>
    %add3A_1941 = arith.addi %mul3A_1937, %min3A_1940 : vector<16xi32>
    %swap3A_1942 = arith.constant 9 : i32
    %swap3A_1943 = arith.index_cast %swap3A_1942 : i32 to index
    %swap3A_1944 = arith.constant 64 : index
    %swap3A_1945 = tpu.vector_load %arg18[%swap3A_1943, %swap3A_1944] {strides = array<i32>} : memref<11x128xi32, #tpu.memory_space<vmem>>, vector<1x16xi32>,
    %swap3A_1946 = vector.shape_cast %swap3A_1945 : vector<1x16xi32> to vector<16xi32>
    %swap3A_1947 = vector.shape_cast %add3A_1941 : vector<16xi32> to vector<1x16xi32>
    tpu.vector_store %arg18[%swap3A_1943, %swap3A_1944], %swap3A_1947 {strides = array<i32>} : memref<11x128xi32, #tpu.memory_space<vmem>>, vector<1x16xi32>,
    %get3A_1948 = arith.constant 1232 : index
    %get3A_1949 = tpu.vector_load %arg14[%get3A_1948] {strides = array<i32>} : memref<1376xi32, #tpu.memory_space<vmem>>, vector<16xi32>,
    %get3A_1950 = vector.shape_cast %get3A_1949 : vector<16xi32> to vector<16xi32>
    %add3A_1951 = arith.constant 1232 : i32
    %add3A_1952 = arith.addi %add3A_179, %add3A_1951 : i32
    %add3A_1953 = vector.broadcast %add3A_1952 : i32 to vector<16xi32>
    %add3A_1954 = arith.addi %add3A_1953, %iota3A : vector<16xi32>
    %min3A_1955 = arith.constant 43647 : i32
    %min3A_1956 = vector.broadcast %min3A_1955 : i32 to vector<16xi32>
    %min3A_1957 = arith.minsi %add3A_1954, %min3A_1956 : vector<16xi32>
    %mul3A_1958 = arith.constant 80 : i32
    %mul3A_1959 = vector.broadcast %mul3A_1958 : i32 to vector<16xi32>
    %mul3A_1960 = arith.muli %min3A_1957, %mul3A_1959 : vector<16xi32>
    %min3A_1961 = arith.constant 79 : i32
    %min3A_1962 = vector.broadcast %min3A_1961 : i32 to vector<16xi32>
    %min3A_1963 = arith.minsi %get3A_1950, %min3A_1962 : vector<16xi32>
    %add3A_1964 = arith.addi %mul3A_1960, %min3A_1963 : vector<16xi32>
    %swap3A_1965 = arith.constant 9 : i32
    %swap3A_1966 = arith.index_cast %swap3A_1965 : i32 to index
    %swap3A_1967 = arith.constant 80 : index
    %swap3A_1968 = tpu.vector_load %arg18[%swap3A_1966, %swap3A_1967] {strides = array<i32>} : memref<11x128xi32, #tpu.memory_space<vmem>>, vector<1x16xi32>,
    %swap3A_1969 = vector.shape_cast %swap3A_1968 : vector<1x16xi32> to vector<16xi32>
    %swap3A_1970 = vector.shape_cast %add3A_1964 : vector<16xi32> to vector<1x16xi32>
    tpu.vector_store %arg18[%swap3A_1966, %swap3A_1967], %swap3A_1970 {strides = array<i32>} : memref<11x128xi32, #tpu.memory_space<vmem>>, vector<1x16xi32>,
    %get3A_1971 = arith.constant 1248 : index
    %get3A_1972 = tpu.vector_load %arg14[%get3A_1971] {strides = array<i32>} : memref<1376xi32, #tpu.memory_space<vmem>>, vector<16xi32>,
    %get3A_1973 = vector.shape_cast %get3A_1972 : vector<16xi32> to vector<16xi32>
    %add3A_1974 = arith.constant 1248 : i32
    %add3A_1975 = arith.addi %add3A_179, %add3A_1974 : i32
    %add3A_1976 = vector.broadcast %add3A_1975 : i32 to vector<16xi32>
    %add3A_1977 = arith.addi %add3A_1976, %iota3A : vector<16xi32>
    %min3A_1978 = arith.constant 43647 : i32
    %min3A_1979 = vector.broadcast %min3A_1978 : i32 to vector<16xi32>
    %min3A_1980 = arith.minsi %add3A_1977, %min3A_1979 : vector<16xi32>
    %mul3A_1981 = arith.constant 80 : i32
    %mul3A_1982 = vector.broadcast %mul3A_1981 : i32 to vector<16xi32>
    %mul3A_1983 = arith.muli %min3A_1980, %mul3A_1982 : vector<16xi32>
    %min3A_1984 = arith.constant 79 : i32
    %min3A_1985 = vector.broadcast %min3A_1984 : i32 to vector<16xi32>
    %min3A_1986 = arith.minsi %get3A_1973, %min3A_1985 : vector<16xi32>
    %add3A_1987 = arith.addi %mul3A_1983, %min3A_1986 : vector<16xi32>
    %swap3A_1988 = arith.constant 9 : i32
    %swap3A_1989 = arith.index_cast %swap3A_1988 : i32 to index
    %swap3A_1990 = arith.constant 96 : index
    %swap3A_1991 = tpu.vector_load %arg18[%swap3A_1989, %swap3A_1990] {strides = array<i32>} : memref<11x128xi32, #tpu.memory_space<vmem>>, vector<1x16xi32>,
    %swap3A_1992 = vector.shape_cast %swap3A_1991 : vector<1x16xi32> to vector<16xi32>
    %swap3A_1993 = vector.shape_cast %add3A_1987 : vector<16xi32> to vector<1x16xi32>
    tpu.vector_store %arg18[%swap3A_1989, %swap3A_1990], %swap3A_1993 {strides = array<i32>} : memref<11x128xi32, #tpu.memory_space<vmem>>, vector<1x16xi32>,
    %get3A_1994 = arith.constant 1264 : index
    %get3A_1995 = tpu.vector_load %arg14[%get3A_1994] {strides = array<i32>} : memref<1376xi32, #tpu.memory_space<vmem>>, vector<16xi32>,
    %get3A_1996 = vector.shape_cast %get3A_1995 : vector<16xi32> to vector<16xi32>
    %add3A_1997 = arith.constant 1264 : i32
    %add3A_1998 = arith.addi %add3A_179, %add3A_1997 : i32
    %add3A_1999 = vector.broadcast %add3A_1998 : i32 to vector<16xi32>
    %add3A_2000 = arith.addi %add3A_1999, %iota3A : vector<16xi32>
    %min3A_2001 = arith.constant 43647 : i32
    %min3A_2002 = vector.broadcast %min3A_2001 : i32 to vector<16xi32>
    %min3A_2003 = arith.minsi %add3A_2000, %min3A_2002 : vector<16xi32>
    %mul3A_2004 = arith.constant 80 : i32
    %mul3A_2005 = vector.broadcast %mul3A_2004 : i32 to vector<16xi32>
    %mul3A_2006 = arith.muli %min3A_2003, %mul3A_2005 : vector<16xi32>
    %min3A_2007 = arith.constant 79 : i32
    %min3A_2008 = vector.broadcast %min3A_2007 : i32 to vector<16xi32>
    %min3A_2009 = arith.minsi %get3A_1996, %min3A_2008 : vector<16xi32>
    %add3A_2010 = arith.addi %mul3A_2006, %min3A_2009 : vector<16xi32>
    %swap3A_2011 = arith.constant 9 : i32
    %swap3A_2012 = arith.index_cast %swap3A_2011 : i32 to index
    %swap3A_2013 = arith.constant 112 : index
    %swap3A_2014 = tpu.vector_load %arg18[%swap3A_2012, %swap3A_2013] {strides = array<i32>} : memref<11x128xi32, #tpu.memory_space<vmem>>, vector<1x16xi32>,
    %swap3A_2015 = vector.shape_cast %swap3A_2014 : vector<1x16xi32> to vector<16xi32>
    %swap3A_2016 = vector.shape_cast %add3A_2010 : vector<16xi32> to vector<1x16xi32>
    tpu.vector_store %arg18[%swap3A_2012, %swap3A_2013], %swap3A_2016 {strides = array<i32>} : memref<11x128xi32, #tpu.memory_space<vmem>>, vector<1x16xi32>,
    %get3A_2017 = arith.constant 1280 : index
    %get3A_2018 = tpu.vector_load %arg14[%get3A_2017] {strides = array<i32>} : memref<1376xi32, #tpu.memory_space<vmem>>, vector<16xi32>,
    %get3A_2019 = vector.shape_cast %get3A_2018 : vector<16xi32> to vector<16xi32>
    %add3A_2020 = arith.constant 1280 : i32
    %add3A_2021 = arith.addi %add3A_179, %add3A_2020 : i32
    %add3A_2022 = vector.broadcast %add3A_2021 : i32 to vector<16xi32>
    %add3A_2023 = arith.addi %add3A_2022, %iota3A : vector<16xi32>
    %min3A_2024 = arith.constant 43647 : i32
    %min3A_2025 = vector.broadcast %min3A_2024 : i32 to vector<16xi32>
    %min3A_2026 = arith.minsi %add3A_2023, %min3A_2025 : vector<16xi32>
    %mul3A_2027 = arith.constant 80 : i32
    %mul3A_2028 = vector.broadcast %mul3A_2027 : i32 to vector<16xi32>
    %mul3A_2029 = arith.muli %min3A_2026, %mul3A_2028 : vector<16xi32>
    %min3A_2030 = arith.constant 79 : i32
    %min3A_2031 = vector.broadcast %min3A_2030 : i32 to vector<16xi32>
    %min3A_2032 = arith.minsi %get3A_2019, %min3A_2031 : vector<16xi32>
    %add3A_2033 = arith.addi %mul3A_2029, %min3A_2032 : vector<16xi32>
    %swap3A_2034 = arith.constant 10 : i32
    %swap3A_2035 = arith.index_cast %swap3A_2034 : i32 to index
    %swap3A_2036 = arith.constant 0 : index
    %swap3A_2037 = tpu.vector_load %arg18[%swap3A_2035, %swap3A_2036] {strides = array<i32>} : memref<11x128xi32, #tpu.memory_space<vmem>>, vector<1x16xi32>,
    %swap3A_2038 = vector.shape_cast %swap3A_2037 : vector<1x16xi32> to vector<16xi32>
    %swap3A_2039 = vector.shape_cast %add3A_2033 : vector<16xi32> to vector<1x16xi32>
    tpu.vector_store %arg18[%swap3A_2035, %swap3A_2036], %swap3A_2039 {strides = array<i32>} : memref<11x128xi32, #tpu.memory_space<vmem>>, vector<1x16xi32>,
    %get3A_2040 = arith.constant 1296 : index
    %get3A_2041 = tpu.vector_load %arg14[%get3A_2040] {strides = array<i32>} : memref<1376xi32, #tpu.memory_space<vmem>>, vector<16xi32>,
    %get3A_2042 = vector.shape_cast %get3A_2041 : vector<16xi32> to vector<16xi32>
    %add3A_2043 = arith.constant 1296 : i32
    %add3A_2044 = arith.addi %add3A_179, %add3A_2043 : i32
    %add3A_2045 = vector.broadcast %add3A_2044 : i32 to vector<16xi32>
    %add3A_2046 = arith.addi %add3A_2045, %iota3A : vector<16xi32>
    %min3A_2047 = arith.constant 43647 : i32
    %min3A_2048 = vector.broadcast %min3A_2047 : i32 to vector<16xi32>
    %min3A_2049 = arith.minsi %add3A_2046, %min3A_2048 : vector<16xi32>
    %mul3A_2050 = arith.constant 80 : i32
    %mul3A_2051 = vector.broadcast %mul3A_2050 : i32 to vector<16xi32>
    %mul3A_2052 = arith.muli %min3A_2049, %mul3A_2051 : vector<16xi32>
    %min3A_2053 = arith.constant 79 : i32
    %min3A_2054 = vector.broadcast %min3A_2053 : i32 to vector<16xi32>
    %min3A_2055 = arith.minsi %get3A_2042, %min3A_2054 : vector<16xi32>
    %add3A_2056 = arith.addi %mul3A_2052, %min3A_2055 : vector<16xi32>
    %swap3A_2057 = arith.constant 10 : i32
    %swap3A_2058 = arith.index_cast %swap3A_2057 : i32 to index
    %swap3A_2059 = arith.constant 16 : index
    %swap3A_2060 = tpu.vector_load %arg18[%swap3A_2058, %swap3A_2059] {strides = array<i32>} : memref<11x128xi32, #tpu.memory_space<vmem>>, vector<1x16xi32>,
    %swap3A_2061 = vector.shape_cast %swap3A_2060 : vector<1x16xi32> to vector<16xi32>
    %swap3A_2062 = vector.shape_cast %add3A_2056 : vector<16xi32> to vector<1x16xi32>
    tpu.vector_store %arg18[%swap3A_2058, %swap3A_2059], %swap3A_2062 {strides = array<i32>} : memref<11x128xi32, #tpu.memory_space<vmem>>, vector<1x16xi32>,
    %get3A_2063 = arith.constant 1312 : index
    %get3A_2064 = tpu.vector_load %arg14[%get3A_2063] {strides = array<i32>} : memref<1376xi32, #tpu.memory_space<vmem>>, vector<16xi32>,
    %get3A_2065 = vector.shape_cast %get3A_2064 : vector<16xi32> to vector<16xi32>
    %add3A_2066 = arith.constant 1312 : i32
    %add3A_2067 = arith.addi %add3A_179, %add3A_2066 : i32
    %add3A_2068 = vector.broadcast %add3A_2067 : i32 to vector<16xi32>
    %add3A_2069 = arith.addi %add3A_2068, %iota3A : vector<16xi32>
    %min3A_2070 = arith.constant 43647 : i32
    %min3A_2071 = vector.broadcast %min3A_2070 : i32 to vector<16xi32>
    %min3A_2072 = arith.minsi %add3A_2069, %min3A_2071 : vector<16xi32>
    %mul3A_2073 = arith.constant 80 : i32
    %mul3A_2074 = vector.broadcast %mul3A_2073 : i32 to vector<16xi32>
    %mul3A_2075 = arith.muli %min3A_2072, %mul3A_2074 : vector<16xi32>
    %min3A_2076 = arith.constant 79 : i32
    %min3A_2077 = vector.broadcast %min3A_2076 : i32 to vector<16xi32>
    %min3A_2078 = arith.minsi %get3A_2065, %min3A_2077 : vector<16xi32>
    %add3A_2079 = arith.addi %mul3A_2075, %min3A_2078 : vector<16xi32>
    %swap3A_2080 = arith.constant 10 : i32
    %swap3A_2081 = arith.index_cast %swap3A_2080 : i32 to index
    %swap3A_2082 = arith.constant 32 : index
    %swap3A_2083 = tpu.vector_load %arg18[%swap3A_2081, %swap3A_2082] {strides = array<i32>} : memref<11x128xi32, #tpu.memory_space<vmem>>, vector<1x16xi32>,
    %swap3A_2084 = vector.shape_cast %swap3A_2083 : vector<1x16xi32> to vector<16xi32>
    %swap3A_2085 = vector.shape_cast %add3A_2079 : vector<16xi32> to vector<1x16xi32>
    tpu.vector_store %arg18[%swap3A_2081, %swap3A_2082], %swap3A_2085 {strides = array<i32>} : memref<11x128xi32, #tpu.memory_space<vmem>>, vector<1x16xi32>,
    %get3A_2086 = arith.constant 1328 : index
    %get3A_2087 = tpu.vector_load %arg14[%get3A_2086] {strides = array<i32>} : memref<1376xi32, #tpu.memory_space<vmem>>, vector<16xi32>,
    %get3A_2088 = vector.shape_cast %get3A_2087 : vector<16xi32> to vector<16xi32>
    %add3A_2089 = arith.constant 1328 : i32
    %add3A_2090 = arith.addi %add3A_179, %add3A_2089 : i32
    %add3A_2091 = vector.broadcast %add3A_2090 : i32 to vector<16xi32>
    %add3A_2092 = arith.addi %add3A_2091, %iota3A : vector<16xi32>
    %min3A_2093 = arith.constant 43647 : i32
    %min3A_2094 = vector.broadcast %min3A_2093 : i32 to vector<16xi32>
    %min3A_2095 = arith.minsi %add3A_2092, %min3A_2094 : vector<16xi32>
    %mul3A_2096 = arith.constant 80 : i32
    %mul3A_2097 = vector.broadcast %mul3A_2096 : i32 to vector<16xi32>
    %mul3A_2098 = arith.muli %min3A_2095, %mul3A_2097 : vector<16xi32>
    %min3A_2099 = arith.constant 79 : i32
    %min3A_2100 = vector.broadcast %min3A_2099 : i32 to vector<16xi32>
    %min3A_2101 = arith.minsi %get3A_2088, %min3A_2100 : vector<16xi32>
    %add3A_2102 = arith.addi %mul3A_2098, %min3A_2101 : vector<16xi32>
    %swap3A_2103 = arith.constant 10 : i32
    %swap3A_2104 = arith.index_cast %swap3A_2103 : i32 to index
    %swap3A_2105 = arith.constant 48 : index
    %swap3A_2106 = tpu.vector_load %arg18[%swap3A_2104, %swap3A_2105] {strides = array<i32>} : memref<11x128xi32, #tpu.memory_space<vmem>>, vector<1x16xi32>,
    %swap3A_2107 = vector.shape_cast %swap3A_2106 : vector<1x16xi32> to vector<16xi32>
    %swap3A_2108 = vector.shape_cast %add3A_2102 : vector<16xi32> to vector<1x16xi32>
    tpu.vector_store %arg18[%swap3A_2104, %swap3A_2105], %swap3A_2108 {strides = array<i32>} : memref<11x128xi32, #tpu.memory_space<vmem>>, vector<1x16xi32>,
    %get3A_2109 = arith.constant 1344 : index
    %get3A_2110 = tpu.vector_load %arg14[%get3A_2109] {strides = array<i32>} : memref<1376xi32, #tpu.memory_space<vmem>>, vector<16xi32>,
    %get3A_2111 = vector.shape_cast %get3A_2110 : vector<16xi32> to vector<16xi32>
    %add3A_2112 = arith.constant 1344 : i32
    %add3A_2113 = arith.addi %add3A_179, %add3A_2112 : i32
    %add3A_2114 = vector.broadcast %add3A_2113 : i32 to vector<16xi32>
    %add3A_2115 = arith.addi %add3A_2114, %iota3A : vector<16xi32>
    %min3A_2116 = arith.constant 43647 : i32
    %min3A_2117 = vector.broadcast %min3A_2116 : i32 to vector<16xi32>
    %min3A_2118 = arith.minsi %add3A_2115, %min3A_2117 : vector<16xi32>
    %mul3A_2119 = arith.constant 80 : i32
    %mul3A_2120 = vector.broadcast %mul3A_2119 : i32 to vector<16xi32>
    %mul3A_2121 = arith.muli %min3A_2118, %mul3A_2120 : vector<16xi32>
    %min3A_2122 = arith.constant 79 : i32
    %min3A_2123 = vector.broadcast %min3A_2122 : i32 to vector<16xi32>
    %min3A_2124 = arith.minsi %get3A_2111, %min3A_2123 : vector<16xi32>
    %add3A_2125 = arith.addi %mul3A_2121, %min3A_2124 : vector<16xi32>
    %swap3A_2126 = arith.constant 10 : i32
    %swap3A_2127 = arith.index_cast %swap3A_2126 : i32 to index
    %swap3A_2128 = arith.constant 64 : index
    %swap3A_2129 = tpu.vector_load %arg18[%swap3A_2127, %swap3A_2128] {strides = array<i32>} : memref<11x128xi32, #tpu.memory_space<vmem>>, vector<1x16xi32>,
    %swap3A_2130 = vector.shape_cast %swap3A_2129 : vector<1x16xi32> to vector<16xi32>
    %swap3A_2131 = vector.shape_cast %add3A_2125 : vector<16xi32> to vector<1x16xi32>
    tpu.vector_store %arg18[%swap3A_2127, %swap3A_2128], %swap3A_2131 {strides = array<i32>} : memref<11x128xi32, #tpu.memory_space<vmem>>, vector<1x16xi32>,
    %get3A_2132 = arith.constant 1360 : index
    %get3A_2133 = tpu.vector_load %arg14[%get3A_2132] {strides = array<i32>} : memref<1376xi32, #tpu.memory_space<vmem>>, vector<16xi32>,
    %get3A_2134 = vector.shape_cast %get3A_2133 : vector<16xi32> to vector<16xi32>
    %add3A_2135 = arith.constant 1360 : i32
    %add3A_2136 = arith.addi %add3A_179, %add3A_2135 : i32
    %add3A_2137 = vector.broadcast %add3A_2136 : i32 to vector<16xi32>
    %add3A_2138 = arith.addi %add3A_2137, %iota3A : vector<16xi32>
    %min3A_2139 = arith.constant 43647 : i32
    %min3A_2140 = vector.broadcast %min3A_2139 : i32 to vector<16xi32>
    %min3A_2141 = arith.minsi %add3A_2138, %min3A_2140 : vector<16xi32>
    %mul3A_2142 = arith.constant 80 : i32
    %mul3A_2143 = vector.broadcast %mul3A_2142 : i32 to vector<16xi32>
    %mul3A_2144 = arith.muli %min3A_2141, %mul3A_2143 : vector<16xi32>
    %min3A_2145 = arith.constant 79 : i32
    %min3A_2146 = vector.broadcast %min3A_2145 : i32 to vector<16xi32>
    %min3A_2147 = arith.minsi %get3A_2134, %min3A_2146 : vector<16xi32>
    %add3A_2148 = arith.addi %mul3A_2144, %min3A_2147 : vector<16xi32>
    %swap3A_2149 = arith.constant 10 : i32
    %swap3A_2150 = arith.index_cast %swap3A_2149 : i32 to index
    %swap3A_2151 = arith.constant 80 : index
    %swap3A_2152 = tpu.vector_load %arg18[%swap3A_2150, %swap3A_2151] {strides = array<i32>} : memref<11x128xi32, #tpu.memory_space<vmem>>, vector<1x16xi32>,
    %swap3A_2153 = vector.shape_cast %swap3A_2152 : vector<1x16xi32> to vector<16xi32>
    %swap3A_2154 = vector.shape_cast %add3A_2148 : vector<16xi32> to vector<1x16xi32>
    tpu.vector_store %arg18[%swap3A_2150, %swap3A_2151], %swap3A_2154 {strides = array<i32>} : memref<11x128xi32, #tpu.memory_space<vmem>>, vector<1x16xi32>,
    %swap3A_2155 = arith.constant 10 : i32
    %swap3A_2156 = arith.index_cast %swap3A_2155 : i32 to index
    %swap3A_2157 = arith.constant 96 : index
    %swap3A_2158 = tpu.vector_load %arg18[%swap3A_2156, %swap3A_2157] {strides = array<i32>} : memref<11x128xi32, #tpu.memory_space<vmem>>, vector<1x16xi32>,
    %swap3A_2159 = vector.shape_cast %swap3A_2158 : vector<1x16xi32> to vector<16xi32>
    %swap3A_2160 = vector.shape_cast %broadcast_in_dim3A_174 : vector<16xi32> to vector<1x16xi32>
    tpu.vector_store %arg18[%swap3A_2156, %swap3A_2157], %swap3A_2160 {strides = array<i32>} : memref<11x128xi32, #tpu.memory_space<vmem>>, vector<1x16xi32>,
    %swap3A_2161 = arith.constant 10 : i32
    %swap3A_2162 = arith.index_cast %swap3A_2161 : i32 to index
    %swap3A_2163 = arith.constant 112 : index
    %swap3A_2164 = tpu.vector_load %arg18[%swap3A_2162, %swap3A_2163] {strides = array<i32>} : memref<11x128xi32, #tpu.memory_space<vmem>>, vector<1x16xi32>,
    %swap3A_2165 = vector.shape_cast %swap3A_2164 : vector<1x16xi32> to vector<16xi32>
    %swap3A_2166 = vector.shape_cast %broadcast_in_dim3A_174 : vector<16xi32> to vector<1x16xi32>
    tpu.vector_store %arg18[%swap3A_2162, %swap3A_2163], %swap3A_2166 {strides = array<i32>} : memref<11x128xi32, #tpu.memory_space<vmem>>, vector<1x16xi32>,
    %dma_start3A_2167 = arith.constant 0 : i32
    %dma_start3A_2168 = arith.constant 0 : i32
    %dma_start3A_2169 = tpu.memref_slice %arg19[%dma_start3A_2168] : memref<1408xf32, #tpu.memory_space<vmem>> -> memref<128xf32, #tpu.memory_space<vmem>>
    %dma_start3A_2170 = arith.constant 0 : i32
    %dma_start3A_2171 = tpu.memref_slice %arg18[%dma_start3A_2167, %dma_start3A_2170] : memref<11x128xi32, #tpu.memory_space<vmem>> -> memref<1x128xi32, #tpu.memory_space<vmem>>
    %dma_start3A_2172 = tpu.memref_squeeze %dma_start3A_2171 : memref<1x128xi32, #tpu.memory_space<vmem>> -> memref<128xi32, #tpu.memory_space<vmem>>
    %dma_start3A_2173 = arith.constant 0 : i32
    %dma_start3A_2174 = tpu.memref_slice %arg2[%dma_start3A_2173] : memref<3491840xf32, #tpu.memory_space<hbm>> -> memref<3491840xf32, #tpu.memory_space<hbm>>
    tpu.enqueue_indirect_dma source(%dma_start3A_2174 : memref<3491840xf32, #tpu.memory_space<hbm>>) target(%dma_start3A_2169 : memref<128xf32, #tpu.memory_space<vmem>>) offsets(%dma_start3A_2172 : memref<128xi32, #tpu.memory_space<vmem>>) semaphore(%arg22 : memref<!tpu.dma_semaphore, #tpu.memory_space<semaphore_mem>>)
    %dma_start3A_2175 = arith.constant 1 : i32
    %dma_start3A_2176 = arith.constant 128 : i32
    %dma_start3A_2177 = tpu.memref_slice %arg19[%dma_start3A_2176] : memref<1408xf32, #tpu.memory_space<vmem>> -> memref<128xf32, #tpu.memory_space<vmem>>
    %dma_start3A_2178 = arith.constant 0 : i32
    %dma_start3A_2179 = tpu.memref_slice %arg18[%dma_start3A_2175, %dma_start3A_2178] : memref<11x128xi32, #tpu.memory_space<vmem>> -> memref<1x128xi32, #tpu.memory_space<vmem>>
    %dma_start3A_2180 = tpu.memref_squeeze %dma_start3A_2179 : memref<1x128xi32, #tpu.memory_space<vmem>> -> memref<128xi32, #tpu.memory_space<vmem>>
    %dma_start3A_2181 = arith.constant 0 : i32
    %dma_start3A_2182 = tpu.memref_slice %arg2[%dma_start3A_2181] : memref<3491840xf32, #tpu.memory_space<hbm>> -> memref<3491840xf32, #tpu.memory_space<hbm>>
    tpu.enqueue_indirect_dma source(%dma_start3A_2182 : memref<3491840xf32, #tpu.memory_space<hbm>>) target(%dma_start3A_2177 : memref<128xf32, #tpu.memory_space<vmem>>) offsets(%dma_start3A_2180 : memref<128xi32, #tpu.memory_space<vmem>>) semaphore(%arg22 : memref<!tpu.dma_semaphore, #tpu.memory_space<semaphore_mem>>)
    %dma_start3A_2183 = arith.constant 2 : i32
    %dma_start3A_2184 = arith.constant 256 : i32
    %dma_start3A_2185 = tpu.memref_slice %arg19[%dma_start3A_2184] : memref<1408xf32, #tpu.memory_space<vmem>> -> memref<128xf32, #tpu.memory_space<vmem>>
    %dma_start3A_2186 = arith.constant 0 : i32
    %dma_start3A_2187 = tpu.memref_slice %arg18[%dma_start3A_2183, %dma_start3A_2186] : memref<11x128xi32, #tpu.memory_space<vmem>> -> memref<1x128xi32, #tpu.memory_space<vmem>>
    %dma_start3A_2188 = tpu.memref_squeeze %dma_start3A_2187 : memref<1x128xi32, #tpu.memory_space<vmem>> -> memref<128xi32, #tpu.memory_space<vmem>>
    %dma_start3A_2189 = arith.constant 0 : i32
    %dma_start3A_2190 = tpu.memref_slice %arg2[%dma_start3A_2189] : memref<3491840xf32, #tpu.memory_space<hbm>> -> memref<3491840xf32, #tpu.memory_space<hbm>>
    tpu.enqueue_indirect_dma source(%dma_start3A_2190 : memref<3491840xf32, #tpu.memory_space<hbm>>) target(%dma_start3A_2185 : memref<128xf32, #tpu.memory_space<vmem>>) offsets(%dma_start3A_2188 : memref<128xi32, #tpu.memory_space<vmem>>) semaphore(%arg22 : memref<!tpu.dma_semaphore, #tpu.memory_space<semaphore_mem>>)
    %dma_start3A_2191 = arith.constant 3 : i32
    %dma_start3A_2192 = arith.constant 384 : i32
    %dma_start3A_2193 = tpu.memref_slice %arg19[%dma_start3A_2192] : memref<1408xf32, #tpu.memory_space<vmem>> -> memref<128xf32, #tpu.memory_space<vmem>>
    %dma_start3A_2194 = arith.constant 0 : i32
    %dma_start3A_2195 = tpu.memref_slice %arg18[%dma_start3A_2191, %dma_start3A_2194] : memref<11x128xi32, #tpu.memory_space<vmem>> -> memref<1x128xi32, #tpu.memory_space<vmem>>
    %dma_start3A_2196 = tpu.memref_squeeze %dma_start3A_2195 : memref<1x128xi32, #tpu.memory_space<vmem>> -> memref<128xi32, #tpu.memory_space<vmem>>
    %dma_start3A_2197 = arith.constant 0 : i32
    %dma_start3A_2198 = tpu.memref_slice %arg2[%dma_start3A_2197] : memref<3491840xf32, #tpu.memory_space<hbm>> -> memref<3491840xf32, #tpu.memory_space<hbm>>
    tpu.enqueue_indirect_dma source(%dma_start3A_2198 : memref<3491840xf32, #tpu.memory_space<hbm>>) target(%dma_start3A_2193 : memref<128xf32, #tpu.memory_space<vmem>>) offsets(%dma_start3A_2196 : memref<128xi32, #tpu.memory_space<vmem>>) semaphore(%arg22 : memref<!tpu.dma_semaphore, #tpu.memory_space<semaphore_mem>>)
    %dma_start3A_2199 = arith.constant 4 : i32
    %dma_start3A_2200 = arith.constant 512 : i32
    %dma_start3A_2201 = tpu.memref_slice %arg19[%dma_start3A_2200] : memref<1408xf32, #tpu.memory_space<vmem>> -> memref<128xf32, #tpu.memory_space<vmem>>
    %dma_start3A_2202 = arith.constant 0 : i32
    %dma_start3A_2203 = tpu.memref_slice %arg18[%dma_start3A_2199, %dma_start3A_2202] : memref<11x128xi32, #tpu.memory_space<vmem>> -> memref<1x128xi32, #tpu.memory_space<vmem>>
    %dma_start3A_2204 = tpu.memref_squeeze %dma_start3A_2203 : memref<1x128xi32, #tpu.memory_space<vmem>> -> memref<128xi32, #tpu.memory_space<vmem>>
    %dma_start3A_2205 = arith.constant 0 : i32
    %dma_start3A_2206 = tpu.memref_slice %arg2[%dma_start3A_2205] : memref<3491840xf32, #tpu.memory_space<hbm>> -> memref<3491840xf32, #tpu.memory_space<hbm>>
    tpu.enqueue_indirect_dma source(%dma_start3A_2206 : memref<3491840xf32, #tpu.memory_space<hbm>>) target(%dma_start3A_2201 : memref<128xf32, #tpu.memory_space<vmem>>) offsets(%dma_start3A_2204 : memref<128xi32, #tpu.memory_space<vmem>>) semaphore(%arg22 : memref<!tpu.dma_semaphore, #tpu.memory_space<semaphore_mem>>)
    %dma_start3A_2207 = arith.constant 5 : i32
    %dma_start3A_2208 = arith.constant 640 : i32
    %dma_start3A_2209 = tpu.memref_slice %arg19[%dma_start3A_2208] : memref<1408xf32, #tpu.memory_space<vmem>> -> memref<128xf32, #tpu.memory_space<vmem>>
    %dma_start3A_2210 = arith.constant 0 : i32
    %dma_start3A_2211 = tpu.memref_slice %arg18[%dma_start3A_2207, %dma_start3A_2210] : memref<11x128xi32, #tpu.memory_space<vmem>> -> memref<1x128xi32, #tpu.memory_space<vmem>>
    %dma_start3A_2212 = tpu.memref_squeeze %dma_start3A_2211 : memref<1x128xi32, #tpu.memory_space<vmem>> -> memref<128xi32, #tpu.memory_space<vmem>>
    %dma_start3A_2213 = arith.constant 0 : i32
    %dma_start3A_2214 = tpu.memref_slice %arg2[%dma_start3A_2213] : memref<3491840xf32, #tpu.memory_space<hbm>> -> memref<3491840xf32, #tpu.memory_space<hbm>>
    tpu.enqueue_indirect_dma source(%dma_start3A_2214 : memref<3491840xf32, #tpu.memory_space<hbm>>) target(%dma_start3A_2209 : memref<128xf32, #tpu.memory_space<vmem>>) offsets(%dma_start3A_2212 : memref<128xi32, #tpu.memory_space<vmem>>) semaphore(%arg22 : memref<!tpu.dma_semaphore, #tpu.memory_space<semaphore_mem>>)
    %dma_start3A_2215 = arith.constant 6 : i32
    %dma_start3A_2216 = arith.constant 768 : i32
    %dma_start3A_2217 = tpu.memref_slice %arg19[%dma_start3A_2216] : memref<1408xf32, #tpu.memory_space<vmem>> -> memref<128xf32, #tpu.memory_space<vmem>>
    %dma_start3A_2218 = arith.constant 0 : i32
    %dma_start3A_2219 = tpu.memref_slice %arg18[%dma_start3A_2215, %dma_start3A_2218] : memref<11x128xi32, #tpu.memory_space<vmem>> -> memref<1x128xi32, #tpu.memory_space<vmem>>
    %dma_start3A_2220 = tpu.memref_squeeze %dma_start3A_2219 : memref<1x128xi32, #tpu.memory_space<vmem>> -> memref<128xi32, #tpu.memory_space<vmem>>
    %dma_start3A_2221 = arith.constant 0 : i32
    %dma_start3A_2222 = tpu.memref_slice %arg2[%dma_start3A_2221] : memref<3491840xf32, #tpu.memory_space<hbm>> -> memref<3491840xf32, #tpu.memory_space<hbm>>
    tpu.enqueue_indirect_dma source(%dma_start3A_2222 : memref<3491840xf32, #tpu.memory_space<hbm>>) target(%dma_start3A_2217 : memref<128xf32, #tpu.memory_space<vmem>>) offsets(%dma_start3A_2220 : memref<128xi32, #tpu.memory_space<vmem>>) semaphore(%arg22 : memref<!tpu.dma_semaphore, #tpu.memory_space<semaphore_mem>>)
    %dma_start3A_2223 = arith.constant 7 : i32
    %dma_start3A_2224 = arith.constant 896 : i32
    %dma_start3A_2225 = tpu.memref_slice %arg19[%dma_start3A_2224] : memref<1408xf32, #tpu.memory_space<vmem>> -> memref<128xf32, #tpu.memory_space<vmem>>
    %dma_start3A_2226 = arith.constant 0 : i32
    %dma_start3A_2227 = tpu.memref_slice %arg18[%dma_start3A_2223, %dma_start3A_2226] : memref<11x128xi32, #tpu.memory_space<vmem>> -> memref<1x128xi32, #tpu.memory_space<vmem>>
    %dma_start3A_2228 = tpu.memref_squeeze %dma_start3A_2227 : memref<1x128xi32, #tpu.memory_space<vmem>> -> memref<128xi32, #tpu.memory_space<vmem>>
    %dma_start3A_2229 = arith.constant 0 : i32
    %dma_start3A_2230 = tpu.memref_slice %arg2[%dma_start3A_2229] : memref<3491840xf32, #tpu.memory_space<hbm>> -> memref<3491840xf32, #tpu.memory_space<hbm>>
    tpu.enqueue_indirect_dma source(%dma_start3A_2230 : memref<3491840xf32, #tpu.memory_space<hbm>>) target(%dma_start3A_2225 : memref<128xf32, #tpu.memory_space<vmem>>) offsets(%dma_start3A_2228 : memref<128xi32, #tpu.memory_space<vmem>>) semaphore(%arg22 : memref<!tpu.dma_semaphore, #tpu.memory_space<semaphore_mem>>)
    %dma_start3A_2231 = arith.constant 8 : i32
    %dma_start3A_2232 = arith.constant 1024 : i32
    %dma_start3A_2233 = tpu.memref_slice %arg19[%dma_start3A_2232] : memref<1408xf32, #tpu.memory_space<vmem>> -> memref<128xf32, #tpu.memory_space<vmem>>
    %dma_start3A_2234 = arith.constant 0 : i32
    %dma_start3A_2235 = tpu.memref_slice %arg18[%dma_start3A_2231, %dma_start3A_2234] : memref<11x128xi32, #tpu.memory_space<vmem>> -> memref<1x128xi32, #tpu.memory_space<vmem>>
    %dma_start3A_2236 = tpu.memref_squeeze %dma_start3A_2235 : memref<1x128xi32, #tpu.memory_space<vmem>> -> memref<128xi32, #tpu.memory_space<vmem>>
    %dma_start3A_2237 = arith.constant 0 : i32
    %dma_start3A_2238 = tpu.memref_slice %arg2[%dma_start3A_2237] : memref<3491840xf32, #tpu.memory_space<hbm>> -> memref<3491840xf32, #tpu.memory_space<hbm>>
    tpu.enqueue_indirect_dma source(%dma_start3A_2238 : memref<3491840xf32, #tpu.memory_space<hbm>>) target(%dma_start3A_2233 : memref<128xf32, #tpu.memory_space<vmem>>) offsets(%dma_start3A_2236 : memref<128xi32, #tpu.memory_space<vmem>>) semaphore(%arg22 : memref<!tpu.dma_semaphore, #tpu.memory_space<semaphore_mem>>)
    %dma_start3A_2239 = arith.constant 9 : i32
    %dma_start3A_2240 = arith.constant 1152 : i32
    %dma_start3A_2241 = tpu.memref_slice %arg19[%dma_start3A_2240] : memref<1408xf32, #tpu.memory_space<vmem>> -> memref<128xf32, #tpu.memory_space<vmem>>
    %dma_start3A_2242 = arith.constant 0 : i32
    %dma_start3A_2243 = tpu.memref_slice %arg18[%dma_start3A_2239, %dma_start3A_2242] : memref<11x128xi32, #tpu.memory_space<vmem>> -> memref<1x128xi32, #tpu.memory_space<vmem>>
    %dma_start3A_2244 = tpu.memref_squeeze %dma_start3A_2243 : memref<1x128xi32, #tpu.memory_space<vmem>> -> memref<128xi32, #tpu.memory_space<vmem>>
    %dma_start3A_2245 = arith.constant 0 : i32
    %dma_start3A_2246 = tpu.memref_slice %arg2[%dma_start3A_2245] : memref<3491840xf32, #tpu.memory_space<hbm>> -> memref<3491840xf32, #tpu.memory_space<hbm>>
    tpu.enqueue_indirect_dma source(%dma_start3A_2246 : memref<3491840xf32, #tpu.memory_space<hbm>>) target(%dma_start3A_2241 : memref<128xf32, #tpu.memory_space<vmem>>) offsets(%dma_start3A_2244 : memref<128xi32, #tpu.memory_space<vmem>>) semaphore(%arg22 : memref<!tpu.dma_semaphore, #tpu.memory_space<semaphore_mem>>)
    %dma_start3A_2247 = arith.constant 10 : i32
    %dma_start3A_2248 = arith.constant 1280 : i32
    %dma_start3A_2249 = tpu.memref_slice %arg19[%dma_start3A_2248] : memref<1408xf32, #tpu.memory_space<vmem>> -> memref<128xf32, #tpu.memory_space<vmem>>
    %dma_start3A_2250 = arith.constant 0 : i32
    %dma_start3A_2251 = tpu.memref_slice %arg18[%dma_start3A_2247, %dma_start3A_2250] : memref<11x128xi32, #tpu.memory_space<vmem>> -> memref<1x128xi32, #tpu.memory_space<vmem>>
    %dma_start3A_2252 = tpu.memref_squeeze %dma_start3A_2251 : memref<1x128xi32, #tpu.memory_space<vmem>> -> memref<128xi32, #tpu.memory_space<vmem>>
    %dma_start3A_2253 = arith.constant 0 : i32
    %dma_start3A_2254 = tpu.memref_slice %arg2[%dma_start3A_2253] : memref<3491840xf32, #tpu.memory_space<hbm>> -> memref<3491840xf32, #tpu.memory_space<hbm>>
    tpu.enqueue_indirect_dma source(%dma_start3A_2254 : memref<3491840xf32, #tpu.memory_space<hbm>>) target(%dma_start3A_2249 : memref<128xf32, #tpu.memory_space<vmem>>) offsets(%dma_start3A_2252 : memref<128xi32, #tpu.memory_space<vmem>>) semaphore(%arg22 : memref<!tpu.dma_semaphore, #tpu.memory_space<semaphore_mem>>)
    %dma_wait3A_2255 = arith.constant 0 : i32
    %dma_wait3A_2256 = arith.constant 0 : i32
    %dma_wait3A_2257 = tpu.memref_slice %arg19[%dma_wait3A_2256] : memref<1408xf32, #tpu.memory_space<vmem>> -> memref<128xf32, #tpu.memory_space<vmem>>
    %dma_wait3A_2258 = arith.constant 0 : i32
    %dma_wait3A_2259 = tpu.memref_slice %arg18[%dma_wait3A_2255, %dma_wait3A_2258] : memref<11x128xi32, #tpu.memory_space<vmem>> -> memref<1x128xi32, #tpu.memory_space<vmem>>
    %dma_wait3A_2260 = tpu.memref_squeeze %dma_wait3A_2259 : memref<1x128xi32, #tpu.memory_space<vmem>> -> memref<128xi32, #tpu.memory_space<vmem>>
    %dma_wait3A_2261 = arith.constant 0 : i32
    %dma_wait3A_2262 = tpu.memref_slice %arg2[%dma_wait3A_2261] : memref<3491840xf32, #tpu.memory_space<hbm>> -> memref<3491840xf32, #tpu.memory_space<hbm>>
    tpu.wait_indirect_dma semaphore(%arg22 : memref<!tpu.dma_semaphore, #tpu.memory_space<semaphore_mem>>) src(%dma_wait3A_2262 : memref<3491840xf32, #tpu.memory_space<hbm>>) dst(%dma_wait3A_2257 : memref<128xf32, #tpu.memory_space<vmem>>)
    %dma_wait3A_2263 = arith.constant 1 : i32
    %dma_wait3A_2264 = arith.constant 128 : i32
    %dma_wait3A_2265 = tpu.memref_slice %arg19[%dma_wait3A_2264] : memref<1408xf32, #tpu.memory_space<vmem>> -> memref<128xf32, #tpu.memory_space<vmem>>
    %dma_wait3A_2266 = arith.constant 0 : i32
    %dma_wait3A_2267 = tpu.memref_slice %arg18[%dma_wait3A_2263, %dma_wait3A_2266] : memref<11x128xi32, #tpu.memory_space<vmem>> -> memref<1x128xi32, #tpu.memory_space<vmem>>
    %dma_wait3A_2268 = tpu.memref_squeeze %dma_wait3A_2267 : memref<1x128xi32, #tpu.memory_space<vmem>> -> memref<128xi32, #tpu.memory_space<vmem>>
    %dma_wait3A_2269 = arith.constant 0 : i32
    %dma_wait3A_2270 = tpu.memref_slice %arg2[%dma_wait3A_2269] : memref<3491840xf32, #tpu.memory_space<hbm>> -> memref<3491840xf32, #tpu.memory_space<hbm>>
    tpu.wait_indirect_dma semaphore(%arg22 : memref<!tpu.dma_semaphore, #tpu.memory_space<semaphore_mem>>) src(%dma_wait3A_2270 : memref<3491840xf32, #tpu.memory_space<hbm>>) dst(%dma_wait3A_2265 : memref<128xf32, #tpu.memory_space<vmem>>)
    %dma_wait3A_2271 = arith.constant 2 : i32
    %dma_wait3A_2272 = arith.constant 256 : i32
    %dma_wait3A_2273 = tpu.memref_slice %arg19[%dma_wait3A_2272] : memref<1408xf32, #tpu.memory_space<vmem>> -> memref<128xf32, #tpu.memory_space<vmem>>
    %dma_wait3A_2274 = arith.constant 0 : i32
    %dma_wait3A_2275 = tpu.memref_slice %arg18[%dma_wait3A_2271, %dma_wait3A_2274] : memref<11x128xi32, #tpu.memory_space<vmem>> -> memref<1x128xi32, #tpu.memory_space<vmem>>
    %dma_wait3A_2276 = tpu.memref_squeeze %dma_wait3A_2275 : memref<1x128xi32, #tpu.memory_space<vmem>> -> memref<128xi32, #tpu.memory_space<vmem>>
    %dma_wait3A_2277 = arith.constant 0 : i32
    %dma_wait3A_2278 = tpu.memref_slice %arg2[%dma_wait3A_2277] : memref<3491840xf32, #tpu.memory_space<hbm>> -> memref<3491840xf32, #tpu.memory_space<hbm>>
    tpu.wait_indirect_dma semaphore(%arg22 : memref<!tpu.dma_semaphore, #tpu.memory_space<semaphore_mem>>) src(%dma_wait3A_2278 : memref<3491840xf32, #tpu.memory_space<hbm>>) dst(%dma_wait3A_2273 : memref<128xf32, #tpu.memory_space<vmem>>)
    %dma_wait3A_2279 = arith.constant 3 : i32
    %dma_wait3A_2280 = arith.constant 384 : i32
    %dma_wait3A_2281 = tpu.memref_slice %arg19[%dma_wait3A_2280] : memref<1408xf32, #tpu.memory_space<vmem>> -> memref<128xf32, #tpu.memory_space<vmem>>
    %dma_wait3A_2282 = arith.constant 0 : i32
    %dma_wait3A_2283 = tpu.memref_slice %arg18[%dma_wait3A_2279, %dma_wait3A_2282] : memref<11x128xi32, #tpu.memory_space<vmem>> -> memref<1x128xi32, #tpu.memory_space<vmem>>
    %dma_wait3A_2284 = tpu.memref_squeeze %dma_wait3A_2283 : memref<1x128xi32, #tpu.memory_space<vmem>> -> memref<128xi32, #tpu.memory_space<vmem>>
    %dma_wait3A_2285 = arith.constant 0 : i32
    %dma_wait3A_2286 = tpu.memref_slice %arg2[%dma_wait3A_2285] : memref<3491840xf32, #tpu.memory_space<hbm>> -> memref<3491840xf32, #tpu.memory_space<hbm>>
    tpu.wait_indirect_dma semaphore(%arg22 : memref<!tpu.dma_semaphore, #tpu.memory_space<semaphore_mem>>) src(%dma_wait3A_2286 : memref<3491840xf32, #tpu.memory_space<hbm>>) dst(%dma_wait3A_2281 : memref<128xf32, #tpu.memory_space<vmem>>)
    %dma_wait3A_2287 = arith.constant 4 : i32
    %dma_wait3A_2288 = arith.constant 512 : i32
    %dma_wait3A_2289 = tpu.memref_slice %arg19[%dma_wait3A_2288] : memref<1408xf32, #tpu.memory_space<vmem>> -> memref<128xf32, #tpu.memory_space<vmem>>
    %dma_wait3A_2290 = arith.constant 0 : i32
    %dma_wait3A_2291 = tpu.memref_slice %arg18[%dma_wait3A_2287, %dma_wait3A_2290] : memref<11x128xi32, #tpu.memory_space<vmem>> -> memref<1x128xi32, #tpu.memory_space<vmem>>
    %dma_wait3A_2292 = tpu.memref_squeeze %dma_wait3A_2291 : memref<1x128xi32, #tpu.memory_space<vmem>> -> memref<128xi32, #tpu.memory_space<vmem>>
    %dma_wait3A_2293 = arith.constant 0 : i32
    %dma_wait3A_2294 = tpu.memref_slice %arg2[%dma_wait3A_2293] : memref<3491840xf32, #tpu.memory_space<hbm>> -> memref<3491840xf32, #tpu.memory_space<hbm>>
    tpu.wait_indirect_dma semaphore(%arg22 : memref<!tpu.dma_semaphore, #tpu.memory_space<semaphore_mem>>) src(%dma_wait3A_2294 : memref<3491840xf32, #tpu.memory_space<hbm>>) dst(%dma_wait3A_2289 : memref<128xf32, #tpu.memory_space<vmem>>)
    %dma_wait3A_2295 = arith.constant 5 : i32
    %dma_wait3A_2296 = arith.constant 640 : i32
    %dma_wait3A_2297 = tpu.memref_slice %arg19[%dma_wait3A_2296] : memref<1408xf32, #tpu.memory_space<vmem>> -> memref<128xf32, #tpu.memory_space<vmem>>
    %dma_wait3A_2298 = arith.constant 0 : i32
    %dma_wait3A_2299 = tpu.memref_slice %arg18[%dma_wait3A_2295, %dma_wait3A_2298] : memref<11x128xi32, #tpu.memory_space<vmem>> -> memref<1x128xi32, #tpu.memory_space<vmem>>
    %dma_wait3A_2300 = tpu.memref_squeeze %dma_wait3A_2299 : memref<1x128xi32, #tpu.memory_space<vmem>> -> memref<128xi32, #tpu.memory_space<vmem>>
    %dma_wait3A_2301 = arith.constant 0 : i32
    %dma_wait3A_2302 = tpu.memref_slice %arg2[%dma_wait3A_2301] : memref<3491840xf32, #tpu.memory_space<hbm>> -> memref<3491840xf32, #tpu.memory_space<hbm>>
    tpu.wait_indirect_dma semaphore(%arg22 : memref<!tpu.dma_semaphore, #tpu.memory_space<semaphore_mem>>) src(%dma_wait3A_2302 : memref<3491840xf32, #tpu.memory_space<hbm>>) dst(%dma_wait3A_2297 : memref<128xf32, #tpu.memory_space<vmem>>)
    %dma_wait3A_2303 = arith.constant 6 : i32
    %dma_wait3A_2304 = arith.constant 768 : i32
    %dma_wait3A_2305 = tpu.memref_slice %arg19[%dma_wait3A_2304] : memref<1408xf32, #tpu.memory_space<vmem>> -> memref<128xf32, #tpu.memory_space<vmem>>
    %dma_wait3A_2306 = arith.constant 0 : i32
    %dma_wait3A_2307 = tpu.memref_slice %arg18[%dma_wait3A_2303, %dma_wait3A_2306] : memref<11x128xi32, #tpu.memory_space<vmem>> -> memref<1x128xi32, #tpu.memory_space<vmem>>
    %dma_wait3A_2308 = tpu.memref_squeeze %dma_wait3A_2307 : memref<1x128xi32, #tpu.memory_space<vmem>> -> memref<128xi32, #tpu.memory_space<vmem>>
    %dma_wait3A_2309 = arith.constant 0 : i32
    %dma_wait3A_2310 = tpu.memref_slice %arg2[%dma_wait3A_2309] : memref<3491840xf32, #tpu.memory_space<hbm>> -> memref<3491840xf32, #tpu.memory_space<hbm>>
    tpu.wait_indirect_dma semaphore(%arg22 : memref<!tpu.dma_semaphore, #tpu.memory_space<semaphore_mem>>) src(%dma_wait3A_2310 : memref<3491840xf32, #tpu.memory_space<hbm>>) dst(%dma_wait3A_2305 : memref<128xf32, #tpu.memory_space<vmem>>)
    %dma_wait3A_2311 = arith.constant 7 : i32
    %dma_wait3A_2312 = arith.constant 896 : i32
    %dma_wait3A_2313 = tpu.memref_slice %arg19[%dma_wait3A_2312] : memref<1408xf32, #tpu.memory_space<vmem>> -> memref<128xf32, #tpu.memory_space<vmem>>
    %dma_wait3A_2314 = arith.constant 0 : i32
    %dma_wait3A_2315 = tpu.memref_slice %arg18[%dma_wait3A_2311, %dma_wait3A_2314] : memref<11x128xi32, #tpu.memory_space<vmem>> -> memref<1x128xi32, #tpu.memory_space<vmem>>
    %dma_wait3A_2316 = tpu.memref_squeeze %dma_wait3A_2315 : memref<1x128xi32, #tpu.memory_space<vmem>> -> memref<128xi32, #tpu.memory_space<vmem>>
    %dma_wait3A_2317 = arith.constant 0 : i32
    %dma_wait3A_2318 = tpu.memref_slice %arg2[%dma_wait3A_2317] : memref<3491840xf32, #tpu.memory_space<hbm>> -> memref<3491840xf32, #tpu.memory_space<hbm>>
    tpu.wait_indirect_dma semaphore(%arg22 : memref<!tpu.dma_semaphore, #tpu.memory_space<semaphore_mem>>) src(%dma_wait3A_2318 : memref<3491840xf32, #tpu.memory_space<hbm>>) dst(%dma_wait3A_2313 : memref<128xf32, #tpu.memory_space<vmem>>)
    %dma_wait3A_2319 = arith.constant 8 : i32
    %dma_wait3A_2320 = arith.constant 1024 : i32
    %dma_wait3A_2321 = tpu.memref_slice %arg19[%dma_wait3A_2320] : memref<1408xf32, #tpu.memory_space<vmem>> -> memref<128xf32, #tpu.memory_space<vmem>>
    %dma_wait3A_2322 = arith.constant 0 : i32
    %dma_wait3A_2323 = tpu.memref_slice %arg18[%dma_wait3A_2319, %dma_wait3A_2322] : memref<11x128xi32, #tpu.memory_space<vmem>> -> memref<1x128xi32, #tpu.memory_space<vmem>>
    %dma_wait3A_2324 = tpu.memref_squeeze %dma_wait3A_2323 : memref<1x128xi32, #tpu.memory_space<vmem>> -> memref<128xi32, #tpu.memory_space<vmem>>
    %dma_wait3A_2325 = arith.constant 0 : i32
    %dma_wait3A_2326 = tpu.memref_slice %arg2[%dma_wait3A_2325] : memref<3491840xf32, #tpu.memory_space<hbm>> -> memref<3491840xf32, #tpu.memory_space<hbm>>
    tpu.wait_indirect_dma semaphore(%arg22 : memref<!tpu.dma_semaphore, #tpu.memory_space<semaphore_mem>>) src(%dma_wait3A_2326 : memref<3491840xf32, #tpu.memory_space<hbm>>) dst(%dma_wait3A_2321 : memref<128xf32, #tpu.memory_space<vmem>>)
    %dma_wait3A_2327 = arith.constant 9 : i32
    %dma_wait3A_2328 = arith.constant 1152 : i32
    %dma_wait3A_2329 = tpu.memref_slice %arg19[%dma_wait3A_2328] : memref<1408xf32, #tpu.memory_space<vmem>> -> memref<128xf32, #tpu.memory_space<vmem>>
    %dma_wait3A_2330 = arith.constant 0 : i32
    %dma_wait3A_2331 = tpu.memref_slice %arg18[%dma_wait3A_2327, %dma_wait3A_2330] : memref<11x128xi32, #tpu.memory_space<vmem>> -> memref<1x128xi32, #tpu.memory_space<vmem>>
    %dma_wait3A_2332 = tpu.memref_squeeze %dma_wait3A_2331 : memref<1x128xi32, #tpu.memory_space<vmem>> -> memref<128xi32, #tpu.memory_space<vmem>>
    %dma_wait3A_2333 = arith.constant 0 : i32
    %dma_wait3A_2334 = tpu.memref_slice %arg2[%dma_wait3A_2333] : memref<3491840xf32, #tpu.memory_space<hbm>> -> memref<3491840xf32, #tpu.memory_space<hbm>>
    tpu.wait_indirect_dma semaphore(%arg22 : memref<!tpu.dma_semaphore, #tpu.memory_space<semaphore_mem>>) src(%dma_wait3A_2334 : memref<3491840xf32, #tpu.memory_space<hbm>>) dst(%dma_wait3A_2329 : memref<128xf32, #tpu.memory_space<vmem>>)
    %dma_wait3A_2335 = arith.constant 10 : i32
    %dma_wait3A_2336 = arith.constant 1280 : i32
    %dma_wait3A_2337 = tpu.memref_slice %arg19[%dma_wait3A_2336] : memref<1408xf32, #tpu.memory_space<vmem>> -> memref<128xf32, #tpu.memory_space<vmem>>
    %dma_wait3A_2338 = arith.constant 0 : i32
    %dma_wait3A_2339 = tpu.memref_slice %arg18[%dma_wait3A_2335, %dma_wait3A_2338] : memref<11x128xi32, #tpu.memory_space<vmem>> -> memref<1x128xi32, #tpu.memory_space<vmem>>
    %dma_wait3A_2340 = tpu.memref_squeeze %dma_wait3A_2339 : memref<1x128xi32, #tpu.memory_space<vmem>> -> memref<128xi32, #tpu.memory_space<vmem>>
    %dma_wait3A_2341 = arith.constant 0 : i32
    %dma_wait3A_2342 = tpu.memref_slice %arg2[%dma_wait3A_2341] : memref<3491840xf32, #tpu.memory_space<hbm>> -> memref<3491840xf32, #tpu.memory_space<hbm>>
    tpu.wait_indirect_dma semaphore(%arg22 : memref<!tpu.dma_semaphore, #tpu.memory_space<semaphore_mem>>) src(%dma_wait3A_2342 : memref<3491840xf32, #tpu.memory_space<hbm>>) dst(%dma_wait3A_2337 : memref<128xf32, #tpu.memory_space<vmem>>)
    %broadcast_in_dim3A_2343 = arith.constant 0.000000e+00 : f32
    %broadcast_in_dim3A_2344 = vector.broadcast %broadcast_in_dim3A_2343 : f32 to vector<16xf32>
    %scan3A = arith.constant 0 : i32
    %scan3A_2345 = arith.constant 86 : i32
    %scan3A_2346 = arith.addi %scan3A, %scan3A_2345 : i32
    %scan3A_2347 = arith.constant 1 : i32
    %scan3A_2348:4 = scf.for %scan3A_2368 = %scan3A to %scan3A_2346 step %scan3A_2347 iter_args(%scan3A_2369 = %broadcast_in_dim3A_2344, %scan3A_2370 = %broadcast_in_dim3A_2344, %scan3A_2371 = %broadcast_in_dim3A_2344, %scan3A_2372 = %broadcast_in_dim3A_2344) -> (vector<16xf32>, vector<16xf32>, vector<16xf32>, vector<16xf32>)  : i32 {
      %mul3A_2373 = arith.constant 16 : i32
      %mul3A_2374 = arith.muli %scan3A_2368, %mul3A_2373 : i32
      %get3A_2375 = arith.index_cast %mul3A_2374 : i32 to index
      %get3A_2376 = tpu.vector_load %arg16[%get3A_2375] {strides = array<i32>} : memref<1376xf32, #tpu.memory_space<vmem>>, vector<16xf32>,
      %get3A_2377 = vector.shape_cast %get3A_2376 : vector<16xf32> to vector<16xf32>
      %get3A_2378 = arith.index_cast %mul3A_2374 : i32 to index
      %get3A_2379 = tpu.vector_load %arg17[%get3A_2378] {strides = array<i32>} : memref<1376xf32, #tpu.memory_space<vmem>>, vector<16xf32>,
      %get3A_2380 = vector.shape_cast %get3A_2379 : vector<16xf32> to vector<16xf32>
      %add3A_2381 = arith.constant 0 : i32
      %add3A_2382 = arith.addi %add3A_2381, %mul3A_2374 : i32
      %get3A_2383 = arith.index_cast %add3A_2382 : i32 to index
      %get3A_2384 = tpu.vector_load %arg11[%get3A_2383] {strides = array<i32>} : memref<11008xf32, #tpu.memory_space<vmem>>, vector<16xf32>,
      %get3A_2385 = vector.shape_cast %get3A_2384 : vector<16xf32> to vector<16xf32>
      %mul3A_2386 = arith.constant 6.400000e+01 : f32
      %mul3A_2387 = vector.broadcast %mul3A_2386 : f32 to vector<16xf32>
      %mul3A_2388 = arith.mulf %get3A_2385, %mul3A_2387 : vector<16xf32>
      %add3A_2389 = arith.constant 1376 : i32
      %add3A_2390 = arith.addi %add3A_2389, %mul3A_2374 : i32
      %get3A_2391 = arith.index_cast %add3A_2390 : i32 to index
      %get3A_2392 = tpu.vector_load %arg11[%get3A_2391] {strides = array<i32>} : memref<11008xf32, #tpu.memory_space<vmem>>, vector<16xf32>,
      %get3A_2393 = vector.shape_cast %get3A_2392 : vector<16xf32> to vector<16xf32>
      %mul3A_2394 = arith.constant 6.400000e+01 : f32
      %mul3A_2395 = vector.broadcast %mul3A_2394 : f32 to vector<16xf32>
      %mul3A_2396 = arith.mulf %get3A_2393, %mul3A_2395 : vector<16xf32>
      %add3A_2397 = arith.constant 2752 : i32
      %add3A_2398 = arith.addi %add3A_2397, %mul3A_2374 : i32
      %get3A_2399 = arith.index_cast %add3A_2398 : i32 to index
      %get3A_2400 = tpu.vector_load %arg11[%get3A_2399] {strides = array<i32>} : memref<11008xf32, #tpu.memory_space<vmem>>, vector<16xf32>,
      %get3A_2401 = vector.shape_cast %get3A_2400 : vector<16xf32> to vector<16xf32>
      %mul3A_2402 = arith.constant 6.400000e+01 : f32
      %mul3A_2403 = vector.broadcast %mul3A_2402 : f32 to vector<16xf32>
      %mul3A_2404 = arith.mulf %get3A_2401, %mul3A_2403 : vector<16xf32>
      %add3A_2405 = arith.constant 4128 : i32
      %add3A_2406 = arith.addi %add3A_2405, %mul3A_2374 : i32
      %get3A_2407 = arith.index_cast %add3A_2406 : i32 to index
      %get3A_2408 = tpu.vector_load %arg11[%get3A_2407] {strides = array<i32>} : memref<11008xf32, #tpu.memory_space<vmem>>, vector<16xf32>,
      %get3A_2409 = vector.shape_cast %get3A_2408 : vector<16xf32> to vector<16xf32>
      %mul3A_2410 = arith.constant 6.400000e+01 : f32
      %mul3A_2411 = vector.broadcast %mul3A_2410 : f32 to vector<16xf32>
      %mul3A_2412 = arith.mulf %get3A_2409, %mul3A_2411 : vector<16xf32>
      %add3A_2413 = arith.constant 5504 : i32
      %add3A_2414 = arith.addi %add3A_2413, %mul3A_2374 : i32
      %get3A_2415 = arith.index_cast %add3A_2414 : i32 to index
      %get3A_2416 = tpu.vector_load %arg11[%get3A_2415] {strides = array<i32>} : memref<11008xf32, #tpu.memory_space<vmem>>, vector<16xf32>,
      %get3A_2417 = vector.shape_cast %get3A_2416 : vector<16xf32> to vector<16xf32>
      %mul3A_2418 = arith.constant 6.400000e+01 : f32
      %mul3A_2419 = vector.broadcast %mul3A_2418 : f32 to vector<16xf32>
      %mul3A_2420 = arith.mulf %get3A_2417, %mul3A_2419 : vector<16xf32>
      %add3A_2421 = arith.constant 6880 : i32
      %add3A_2422 = arith.addi %add3A_2421, %mul3A_2374 : i32
      %get3A_2423 = arith.index_cast %add3A_2422 : i32 to index
      %get3A_2424 = tpu.vector_load %arg11[%get3A_2423] {strides = array<i32>} : memref<11008xf32, #tpu.memory_space<vmem>>, vector<16xf32>,
      %get3A_2425 = vector.shape_cast %get3A_2424 : vector<16xf32> to vector<16xf32>
      %mul3A_2426 = arith.constant 6.400000e+01 : f32
      %mul3A_2427 = vector.broadcast %mul3A_2426 : f32 to vector<16xf32>
      %mul3A_2428 = arith.mulf %get3A_2425, %mul3A_2427 : vector<16xf32>
      %add3A_2429 = arith.constant 8256 : i32
      %add3A_2430 = arith.addi %add3A_2429, %mul3A_2374 : i32
      %get3A_2431 = arith.index_cast %add3A_2430 : i32 to index
      %get3A_2432 = tpu.vector_load %arg11[%get3A_2431] {strides = array<i32>} : memref<11008xf32, #tpu.memory_space<vmem>>, vector<16xf32>,
      %get3A_2433 = vector.shape_cast %get3A_2432 : vector<16xf32> to vector<16xf32>
      %mul3A_2434 = arith.constant 6.400000e+01 : f32
      %mul3A_2435 = vector.broadcast %mul3A_2434 : f32 to vector<16xf32>
      %mul3A_2436 = arith.mulf %get3A_2433, %mul3A_2435 : vector<16xf32>
      %add3A_2437 = arith.constant 9632 : i32
      %add3A_2438 = arith.addi %add3A_2437, %mul3A_2374 : i32
      %get3A_2439 = arith.index_cast %add3A_2438 : i32 to index
      %get3A_2440 = tpu.vector_load %arg11[%get3A_2439] {strides = array<i32>} : memref<11008xf32, #tpu.memory_space<vmem>>, vector<16xf32>,
      %get3A_2441 = vector.shape_cast %get3A_2440 : vector<16xf32> to vector<16xf32>
      %mul3A_2442 = arith.constant 6.400000e+01 : f32
      %mul3A_2443 = vector.broadcast %mul3A_2442 : f32 to vector<16xf32>
      %mul3A_2444 = arith.mulf %get3A_2441, %mul3A_2443 : vector<16xf32>
      %sub3A_2445 = arith.subf %get3A_2377, %mul3A_2388 : vector<16xf32>
      %sub3A_2446 = arith.subf %get3A_2380, %mul3A_2396 : vector<16xf32>
      %add3A_2447 = arith.addf %get3A_2377, %mul3A_2404 : vector<16xf32>
      %add3A_2448 = arith.addf %get3A_2380, %mul3A_2412 : vector<16xf32>
      %sub3A_2449 = arith.subf %get3A_2377, %mul3A_2420 : vector<16xf32>
      %sub3A_2450 = arith.subf %get3A_2380, %mul3A_2428 : vector<16xf32>
      %add3A_2451 = arith.addf %get3A_2377, %mul3A_2436 : vector<16xf32>
      %add3A_2452 = arith.addf %get3A_2380, %mul3A_2444 : vector<16xf32>
      %sub3A_2453 = arith.subf %add3A_2448, %sub3A_2446 : vector<16xf32>
      %add3A_2454 = arith.constant 1.000000e+00 : f32
      %add3A_2455 = vector.broadcast %add3A_2454 : f32 to vector<16xf32>
      %add3A_2456 = arith.addf %sub3A_2453, %add3A_2455 : vector<16xf32>
      %sub3A_2457 = arith.subf %add3A_2447, %sub3A_2445 : vector<16xf32>
      %add3A_2458 = arith.constant 1.000000e+00 : f32
      %add3A_2459 = vector.broadcast %add3A_2458 : f32 to vector<16xf32>
      %add3A_2460 = arith.addf %sub3A_2457, %add3A_2459 : vector<16xf32>
      %mul3A_2461 = arith.mulf %add3A_2456, %add3A_2460 : vector<16xf32>
      %sub3A_2462 = arith.subf %add3A_2452, %sub3A_2450 : vector<16xf32>
      %add3A_2463 = arith.constant 1.000000e+00 : f32
      %add3A_2464 = vector.broadcast %add3A_2463 : f32 to vector<16xf32>
      %add3A_2465 = arith.addf %sub3A_2462, %add3A_2464 : vector<16xf32>
      %sub3A_2466 = arith.subf %add3A_2451, %sub3A_2449 : vector<16xf32>
      %add3A_2467 = arith.constant 1.000000e+00 : f32
      %add3A_2468 = vector.broadcast %add3A_2467 : f32 to vector<16xf32>
      %add3A_2469 = arith.addf %sub3A_2466, %add3A_2468 : vector<16xf32>
      %mul3A_2470 = arith.mulf %add3A_2465, %add3A_2469 : vector<16xf32>
      %max3A = arith.maximumf %sub3A_2445, %sub3A_2449 : vector<16xf32>
      %min3A_2471 = arith.minimumf %add3A_2447, %add3A_2451 : vector<16xf32>
      %max3A_2472 = arith.maximumf %sub3A_2446, %sub3A_2450 : vector<16xf32>
      %min3A_2473 = arith.minimumf %add3A_2448, %add3A_2452 : vector<16xf32>
      %sub3A_2474 = arith.subf %min3A_2471, %max3A : vector<16xf32>
      %add3A_2475 = arith.constant 1.000000e+00 : f32
      %add3A_2476 = vector.broadcast %add3A_2475 : f32 to vector<16xf32>
      %add3A_2477 = arith.addf %sub3A_2474, %add3A_2476 : vector<16xf32>
      %sub3A_2478 = arith.subf %min3A_2473, %max3A_2472 : vector<16xf32>
      %add3A_2479 = arith.constant 1.000000e+00 : f32
      %add3A_2480 = vector.broadcast %add3A_2479 : f32 to vector<16xf32>
      %add3A_2481 = arith.addf %sub3A_2478, %add3A_2480 : vector<16xf32>
      %mul3A_2482 = arith.mulf %add3A_2477, %add3A_2481 : vector<16xf32>
      %add3A_2483 = arith.addf %mul3A_2461, %mul3A_2470 : vector<16xf32>
      %sub3A_2484 = arith.subf %add3A_2483, %mul3A_2482 : vector<16xf32>
      %lt3A_2485 = arith.cmpf olt, %max3A, %min3A_2471 : vector<16xf32>
      %lt3A_2486 = arith.cmpf olt, %max3A_2472, %min3A_2473 : vector<16xf32>
      %and3A_2487 = arith.andi %lt3A_2485, %lt3A_2486 : vector<16xi1>
      %gt3A = arith.constant 0.000000e+00 : f32
      %gt3A_2488 = vector.broadcast %gt3A : f32 to vector<16xf32>
      %gt3A_2489 = arith.cmpf ogt, %sub3A_2484, %gt3A_2488 : vector<16xf32>
      %and3A_2490 = arith.andi %and3A_2487, %gt3A_2489 : vector<16xi1>
      %gt3A_2491 = arith.constant 0.000000e+00 : f32
      %gt3A_2492 = vector.broadcast %gt3A_2491 : f32 to vector<16xf32>
      %gt3A_2493 = arith.cmpf ogt, %mul3A_2482, %gt3A_2492 : vector<16xf32>
      %and3A_2494 = arith.andi %and3A_2490, %gt3A_2493 : vector<16xi1>
      %jit3A_2495 = arith.constant 1.000000e+00 : f32
      %broadcast_in_dim3A_2496 = vector.broadcast %jit3A_2495 : f32 to vector<16xf32>
      %select_n3A_2497 = arith.select %and3A_2494, %sub3A_2484, %broadcast_in_dim3A_2496 : vector<16xi1>, vector<16xf32>
      %div3A_2498 = arith.divf %mul3A_2482, %select_n3A_2497 : vector<16xf32>
      %jit3A_2499 = arith.constant 1.000000e+00 : f32
      %broadcast_in_dim3A_2500 = vector.broadcast %jit3A_2499 : f32 to vector<16xf32>
      %select_n3A_2501 = arith.select %and3A_2494, %div3A_2498, %broadcast_in_dim3A_2500 : vector<16xi1>, vector<16xf32>
      %bitcast_convert_type3A = tpu.bitcast %select_n3A_2501 : vector<16xf32> -> vector<16xi32>
      %shift_right_arithmetic3A = arith.constant 23 : i32
      %shift_right_arithmetic3A_2502 = vector.broadcast %shift_right_arithmetic3A : i32 to vector<16xi32>
      %shift_right_arithmetic3A_2503 = arith.shrsi %bitcast_convert_type3A, %shift_right_arithmetic3A_2502 : vector<16xi32>
      %sub3A_2504 = arith.constant 127 : i32
      %sub3A_2505 = vector.broadcast %sub3A_2504 : i32 to vector<16xi32>
      %sub3A_2506 = arith.subi %shift_right_arithmetic3A_2503, %sub3A_2505 : vector<16xi32>
      %convert_element_type3A = arith.sitofp %sub3A_2506 : vector<16xi32> to vector<16xf32>
      %and3A_2507 = arith.constant 8388607 : i32
      %and3A_2508 = vector.broadcast %and3A_2507 : i32 to vector<16xi32>
      %and3A_2509 = arith.andi %bitcast_convert_type3A, %and3A_2508 : vector<16xi32>
      %or3A = arith.constant 1065353216 : i32
      %or3A_2510 = vector.broadcast %or3A : i32 to vector<16xi32>
      %or3A_2511 = arith.ori %and3A_2509, %or3A_2510 : vector<16xi32>
      %bitcast_convert_type3A_2512 = tpu.bitcast %or3A_2511 : vector<16xi32> -> vector<16xf32>
      %sub3A_2513 = arith.constant 1.000000e+00 : f32
      %sub3A_2514 = vector.broadcast %sub3A_2513 : f32 to vector<16xf32>
      %sub3A_2515 = arith.subf %bitcast_convert_type3A_2512, %sub3A_2514 : vector<16xf32>
      %add3A_2516 = arith.constant 1.000000e+00 : f32
      %add3A_2517 = vector.broadcast %add3A_2516 : f32 to vector<16xf32>
      %add3A_2518 = arith.addf %bitcast_convert_type3A_2512, %add3A_2517 : vector<16xf32>
      %div3A_2519 = arith.divf %sub3A_2515, %add3A_2518 : vector<16xf32>
      %mul3A_2520 = arith.mulf %div3A_2519, %div3A_2519 : vector<16xf32>
      %mul3A_2521 = arith.constant 0.285714298 : f32
      %mul3A_2522 = vector.broadcast %mul3A_2521 : f32 to vector<16xf32>
      %mul3A_2523 = arith.mulf %mul3A_2520, %mul3A_2522 : vector<16xf32>
      %add3A_2524 = arith.constant 4.000000e-01 : f32
      %add3A_2525 = vector.broadcast %add3A_2524 : f32 to vector<16xf32>
      %add3A_2526 = arith.addf %add3A_2525, %mul3A_2523 : vector<16xf32>
      %mul3A_2527 = arith.mulf %mul3A_2520, %add3A_2526 : vector<16xf32>
      %add3A_2528 = arith.constant 0.666666686 : f32
      %add3A_2529 = vector.broadcast %add3A_2528 : f32 to vector<16xf32>
      %add3A_2530 = arith.addf %add3A_2529, %mul3A_2527 : vector<16xf32>
      %mul3A_2531 = arith.mulf %mul3A_2520, %add3A_2530 : vector<16xf32>
      %add3A_2532 = arith.constant 2.000000e+00 : f32
      %add3A_2533 = vector.broadcast %add3A_2532 : f32 to vector<16xf32>
      %add3A_2534 = arith.addf %add3A_2533, %mul3A_2531 : vector<16xf32>
      %mul3A_2535 = arith.mulf %div3A_2519, %add3A_2534 : vector<16xf32>
      %mul3A_2536 = arith.constant 0.693147182 : f32
      %mul3A_2537 = vector.broadcast %mul3A_2536 : f32 to vector<16xf32>
      %mul3A_2538 = arith.mulf %convert_element_type3A, %mul3A_2537 : vector<16xf32>
      %add3A_2539 = arith.addf %mul3A_2538, %mul3A_2535 : vector<16xf32>
      %neg3A = arith.constant 0.000000e+00 : f32
      %neg3A_2540 = vector.broadcast %neg3A : f32 to vector<16xf32>
      %neg3A_2541 = arith.subf %neg3A_2540, %add3A_2539 : vector<16xf32>
      %jit3A_2542 = arith.constant 0.000000e+00 : f32
      %broadcast_in_dim3A_2543 = vector.broadcast %jit3A_2542 : f32 to vector<16xf32>
      %select_n3A_2544 = arith.select %and3A_2494, %neg3A_2541, %broadcast_in_dim3A_2543 : vector<16xi1>, vector<16xf32>
      %get3A_2545 = arith.index_cast %mul3A_2374 : i32 to index
      %get3A_2546 = tpu.vector_load %arg15[%get3A_2545] {strides = array<i32>} : memref<1376xf32, #tpu.memory_space<vmem>>, vector<16xf32>,
      %get3A_2547 = vector.shape_cast %get3A_2546 : vector<16xf32> to vector<16xf32>
      %eq3A_2548 = arith.constant 1.000000e+00 : f32
      %eq3A_2549 = vector.broadcast %eq3A_2548 : f32 to vector<16xf32>
      %eq3A_2550 = arith.cmpf oeq, %get3A_2547, %eq3A_2549 : vector<16xf32>
      %jit3A_2551 = arith.constant 1.000000e+00 : f32
      %jit3A_2552 = arith.constant 0.000000e+00 : f32
      %broadcast_in_dim3A_2553 = vector.broadcast %jit3A_2551 : f32 to vector<16xf32>
      %broadcast_in_dim3A_2554 = vector.broadcast %jit3A_2552 : f32 to vector<16xf32>
      %select_n3A_2555 = arith.select %eq3A_2550, %broadcast_in_dim3A_2553, %broadcast_in_dim3A_2554 : vector<16xi1>, vector<16xf32>
      %get3A_2556 = arith.index_cast %mul3A_2374 : i32 to index
      %get3A_2557 = tpu.vector_load %arg12[%get3A_2556] {strides = array<i32>} : memref<1376xf32, #tpu.memory_space<vmem>>, vector<16xf32>,
      %get3A_2558 = vector.shape_cast %get3A_2557 : vector<16xf32> to vector<16xf32>
      %jit3A_2559 = arith.constant 1.000000e-07 : f32
      %jit3A_2560 = arith.constant 0.99999988 : f32
      %max3A_2561 = vector.broadcast %jit3A_2559 : f32 to vector<16xf32>
      %max3A_2562 = arith.maximumf %max3A_2561, %get3A_2558 : vector<16xf32>
      %min3A_2563 = vector.broadcast %jit3A_2560 : f32 to vector<16xf32>
      %min3A_2564 = arith.minimumf %min3A_2563, %max3A_2562 : vector<16xf32>
      %get3A_2565 = arith.index_cast %mul3A_2374 : i32 to index
      %get3A_2566 = tpu.vector_load %arg13[%get3A_2565] {strides = array<i32>} : memref<1376xf32, #tpu.memory_space<vmem>>, vector<16xf32>,
      %get3A_2567 = vector.shape_cast %get3A_2566 : vector<16xf32> to vector<16xf32>
      %bitcast_convert_type3A_2568 = tpu.bitcast %min3A_2564 : vector<16xf32> -> vector<16xi32>
      %shift_right_arithmetic3A_2569 = arith.constant 23 : i32
      %shift_right_arithmetic3A_2570 = vector.broadcast %shift_right_arithmetic3A_2569 : i32 to vector<16xi32>
      %shift_right_arithmetic3A_2571 = arith.shrsi %bitcast_convert_type3A_2568, %shift_right_arithmetic3A_2570 : vector<16xi32>
      %sub3A_2572 = arith.constant 127 : i32
      %sub3A_2573 = vector.broadcast %sub3A_2572 : i32 to vector<16xi32>
      %sub3A_2574 = arith.subi %shift_right_arithmetic3A_2571, %sub3A_2573 : vector<16xi32>
      %convert_element_type3A_2575 = arith.sitofp %sub3A_2574 : vector<16xi32> to vector<16xf32>
      %and3A_2576 = arith.constant 8388607 : i32
      %and3A_2577 = vector.broadcast %and3A_2576 : i32 to vector<16xi32>
      %and3A_2578 = arith.andi %bitcast_convert_type3A_2568, %and3A_2577 : vector<16xi32>
      %or3A_2579 = arith.constant 1065353216 : i32
      %or3A_2580 = vector.broadcast %or3A_2579 : i32 to vector<16xi32>
      %or3A_2581 = arith.ori %and3A_2578, %or3A_2580 : vector<16xi32>
      %bitcast_convert_type3A_2582 = tpu.bitcast %or3A_2581 : vector<16xi32> -> vector<16xf32>
      %sub3A_2583 = arith.constant 1.000000e+00 : f32
      %sub3A_2584 = vector.broadcast %sub3A_2583 : f32 to vector<16xf32>
      %sub3A_2585 = arith.subf %bitcast_convert_type3A_2582, %sub3A_2584 : vector<16xf32>
      %add3A_2586 = arith.constant 1.000000e+00 : f32
      %add3A_2587 = vector.broadcast %add3A_2586 : f32 to vector<16xf32>
      %add3A_2588 = arith.addf %bitcast_convert_type3A_2582, %add3A_2587 : vector<16xf32>
      %div3A_2589 = arith.divf %sub3A_2585, %add3A_2588 : vector<16xf32>
      %mul3A_2590 = arith.mulf %div3A_2589, %div3A_2589 : vector<16xf32>
      %mul3A_2591 = arith.constant 0.285714298 : f32
      %mul3A_2592 = vector.broadcast %mul3A_2591 : f32 to vector<16xf32>
      %mul3A_2593 = arith.mulf %mul3A_2590, %mul3A_2592 : vector<16xf32>
      %add3A_2594 = arith.constant 4.000000e-01 : f32
      %add3A_2595 = vector.broadcast %add3A_2594 : f32 to vector<16xf32>
      %add3A_2596 = arith.addf %add3A_2595, %mul3A_2593 : vector<16xf32>
      %mul3A_2597 = arith.mulf %mul3A_2590, %add3A_2596 : vector<16xf32>
      %add3A_2598 = arith.constant 0.666666686 : f32
      %add3A_2599 = vector.broadcast %add3A_2598 : f32 to vector<16xf32>
      %add3A_2600 = arith.addf %add3A_2599, %mul3A_2597 : vector<16xf32>
      %mul3A_2601 = arith.mulf %mul3A_2590, %add3A_2600 : vector<16xf32>
      %add3A_2602 = arith.constant 2.000000e+00 : f32
      %add3A_2603 = vector.broadcast %add3A_2602 : f32 to vector<16xf32>
      %add3A_2604 = arith.addf %add3A_2603, %mul3A_2601 : vector<16xf32>
      %mul3A_2605 = arith.mulf %div3A_2589, %add3A_2604 : vector<16xf32>
      %mul3A_2606 = arith.constant 0.693147182 : f32
      %mul3A_2607 = vector.broadcast %mul3A_2606 : f32 to vector<16xf32>
      %mul3A_2608 = arith.mulf %convert_element_type3A_2575, %mul3A_2607 : vector<16xf32>
      %add3A_2609 = arith.addf %mul3A_2608, %mul3A_2605 : vector<16xf32>
      %mul3A_2610 = arith.mulf %get3A_2567, %add3A_2609 : vector<16xf32>
      %sub3A_2611 = arith.constant 1.000000e+00 : f32
      %sub3A_2612 = vector.broadcast %sub3A_2611 : f32 to vector<16xf32>
      %sub3A_2613 = arith.subf %sub3A_2612, %get3A_2567 : vector<16xf32>
      %sub3A_2614 = arith.constant 1.000000e+00 : f32
      %sub3A_2615 = vector.broadcast %sub3A_2614 : f32 to vector<16xf32>
      %sub3A_2616 = arith.subf %sub3A_2615, %min3A_2564 : vector<16xf32>
      %bitcast_convert_type3A_2617 = tpu.bitcast %sub3A_2616 : vector<16xf32> -> vector<16xi32>
      %shift_right_arithmetic3A_2618 = arith.constant 23 : i32
      %shift_right_arithmetic3A_2619 = vector.broadcast %shift_right_arithmetic3A_2618 : i32 to vector<16xi32>
      %shift_right_arithmetic3A_2620 = arith.shrsi %bitcast_convert_type3A_2617, %shift_right_arithmetic3A_2619 : vector<16xi32>
      %sub3A_2621 = arith.constant 127 : i32
      %sub3A_2622 = vector.broadcast %sub3A_2621 : i32 to vector<16xi32>
      %sub3A_2623 = arith.subi %shift_right_arithmetic3A_2620, %sub3A_2622 : vector<16xi32>
      %convert_element_type3A_2624 = arith.sitofp %sub3A_2623 : vector<16xi32> to vector<16xf32>
      %and3A_2625 = arith.constant 8388607 : i32
      %and3A_2626 = vector.broadcast %and3A_2625 : i32 to vector<16xi32>
      %and3A_2627 = arith.andi %bitcast_convert_type3A_2617, %and3A_2626 : vector<16xi32>
      %or3A_2628 = arith.constant 1065353216 : i32
      %or3A_2629 = vector.broadcast %or3A_2628 : i32 to vector<16xi32>
      %or3A_2630 = arith.ori %and3A_2627, %or3A_2629 : vector<16xi32>
      %bitcast_convert_type3A_2631 = tpu.bitcast %or3A_2630 : vector<16xi32> -> vector<16xf32>
      %sub3A_2632 = arith.constant 1.000000e+00 : f32
      %sub3A_2633 = vector.broadcast %sub3A_2632 : f32 to vector<16xf32>
      %sub3A_2634 = arith.subf %bitcast_convert_type3A_2631, %sub3A_2633 : vector<16xf32>
      %add3A_2635 = arith.constant 1.000000e+00 : f32
      %add3A_2636 = vector.broadcast %add3A_2635 : f32 to vector<16xf32>
      %add3A_2637 = arith.addf %bitcast_convert_type3A_2631, %add3A_2636 : vector<16xf32>
      %div3A_2638 = arith.divf %sub3A_2634, %add3A_2637 : vector<16xf32>
      %mul3A_2639 = arith.mulf %div3A_2638, %div3A_2638 : vector<16xf32>
      %mul3A_2640 = arith.constant 0.285714298 : f32
      %mul3A_2641 = vector.broadcast %mul3A_2640 : f32 to vector<16xf32>
      %mul3A_2642 = arith.mulf %mul3A_2639, %mul3A_2641 : vector<16xf32>
      %add3A_2643 = arith.constant 4.000000e-01 : f32
      %add3A_2644 = vector.broadcast %add3A_2643 : f32 to vector<16xf32>
      %add3A_2645 = arith.addf %add3A_2644, %mul3A_2642 : vector<16xf32>
      %mul3A_2646 = arith.mulf %mul3A_2639, %add3A_2645 : vector<16xf32>
      %add3A_2647 = arith.constant 0.666666686 : f32
      %add3A_2648 = vector.broadcast %add3A_2647 : f32 to vector<16xf32>
      %add3A_2649 = arith.addf %add3A_2648, %mul3A_2646 : vector<16xf32>
      %mul3A_2650 = arith.mulf %mul3A_2639, %add3A_2649 : vector<16xf32>
      %add3A_2651 = arith.constant 2.000000e+00 : f32
      %add3A_2652 = vector.broadcast %add3A_2651 : f32 to vector<16xf32>
      %add3A_2653 = arith.addf %add3A_2652, %mul3A_2650 : vector<16xf32>
      %mul3A_2654 = arith.mulf %div3A_2638, %add3A_2653 : vector<16xf32>
      %mul3A_2655 = arith.constant 0.693147182 : f32
      %mul3A_2656 = vector.broadcast %mul3A_2655 : f32 to vector<16xf32>
      %mul3A_2657 = arith.mulf %convert_element_type3A_2624, %mul3A_2656 : vector<16xf32>
      %add3A_2658 = arith.addf %mul3A_2657, %mul3A_2654 : vector<16xf32>
      %mul3A_2659 = arith.mulf %sub3A_2613, %add3A_2658 : vector<16xf32>
      %add3A_2660 = arith.addf %mul3A_2610, %mul3A_2659 : vector<16xf32>
      %neg3A_2661 = arith.constant 0.000000e+00 : f32
      %neg3A_2662 = vector.broadcast %neg3A_2661 : f32 to vector<16xf32>
      %neg3A_2663 = arith.subf %neg3A_2662, %add3A_2660 : vector<16xf32>
      %get3A_2664 = arith.index_cast %mul3A_2374 : i32 to index
      %get3A_2665 = tpu.vector_load %arg19[%get3A_2664] {strides = array<i32>} : memref<1408xf32, #tpu.memory_space<vmem>>, vector<16xf32>,
      %get3A_2666 = vector.shape_cast %get3A_2665 : vector<16xf32> to vector<16xf32>
      %jit3A_2667 = arith.constant 9.99999993E-9 : f32
      %jit3A_2668 = arith.constant 1.000000e+00 : f32
      %max3A_2669 = vector.broadcast %jit3A_2667 : f32 to vector<16xf32>
      %max3A_2670 = arith.maximumf %max3A_2669, %get3A_2666 : vector<16xf32>
      %min3A_2671 = vector.broadcast %jit3A_2668 : f32 to vector<16xf32>
      %min3A_2672 = arith.minimumf %min3A_2671, %max3A_2670 : vector<16xf32>
      %sub3A_2673 = arith.constant 1.000000e+00 : f32
      %sub3A_2674 = vector.broadcast %sub3A_2673 : f32 to vector<16xf32>
      %sub3A_2675 = arith.subf %sub3A_2674, %min3A_2672 : vector<16xf32>
      %mul3A_2676 = arith.constant -2.500000e-01 : f32
      %mul3A_2677 = vector.broadcast %mul3A_2676 : f32 to vector<16xf32>
      %mul3A_2678 = arith.mulf %mul3A_2677, %sub3A_2675 : vector<16xf32>
      %mul3A_2679 = arith.mulf %mul3A_2678, %sub3A_2675 : vector<16xf32>
      %bitcast_convert_type3A_2680 = tpu.bitcast %min3A_2672 : vector<16xf32> -> vector<16xi32>
      %shift_right_arithmetic3A_2681 = arith.constant 23 : i32
      %shift_right_arithmetic3A_2682 = vector.broadcast %shift_right_arithmetic3A_2681 : i32 to vector<16xi32>
      %shift_right_arithmetic3A_2683 = arith.shrsi %bitcast_convert_type3A_2680, %shift_right_arithmetic3A_2682 : vector<16xi32>
      %sub3A_2684 = arith.constant 127 : i32
      %sub3A_2685 = vector.broadcast %sub3A_2684 : i32 to vector<16xi32>
      %sub3A_2686 = arith.subi %shift_right_arithmetic3A_2683, %sub3A_2685 : vector<16xi32>
      %convert_element_type3A_2687 = arith.sitofp %sub3A_2686 : vector<16xi32> to vector<16xf32>
      %and3A_2688 = arith.constant 8388607 : i32
      %and3A_2689 = vector.broadcast %and3A_2688 : i32 to vector<16xi32>
      %and3A_2690 = arith.andi %bitcast_convert_type3A_2680, %and3A_2689 : vector<16xi32>
      %or3A_2691 = arith.constant 1065353216 : i32
      %or3A_2692 = vector.broadcast %or3A_2691 : i32 to vector<16xi32>
      %or3A_2693 = arith.ori %and3A_2690, %or3A_2692 : vector<16xi32>
      %bitcast_convert_type3A_2694 = tpu.bitcast %or3A_2693 : vector<16xi32> -> vector<16xf32>
      %sub3A_2695 = arith.constant 1.000000e+00 : f32
      %sub3A_2696 = vector.broadcast %sub3A_2695 : f32 to vector<16xf32>
      %sub3A_2697 = arith.subf %bitcast_convert_type3A_2694, %sub3A_2696 : vector<16xf32>
      %add3A_2698 = arith.constant 1.000000e+00 : f32
      %add3A_2699 = vector.broadcast %add3A_2698 : f32 to vector<16xf32>
      %add3A_2700 = arith.addf %bitcast_convert_type3A_2694, %add3A_2699 : vector<16xf32>
      %div3A_2701 = arith.divf %sub3A_2697, %add3A_2700 : vector<16xf32>
      %mul3A_2702 = arith.mulf %div3A_2701, %div3A_2701 : vector<16xf32>
      %mul3A_2703 = arith.constant 0.285714298 : f32
      %mul3A_2704 = vector.broadcast %mul3A_2703 : f32 to vector<16xf32>
      %mul3A_2705 = arith.mulf %mul3A_2702, %mul3A_2704 : vector<16xf32>
      %add3A_2706 = arith.constant 4.000000e-01 : f32
      %add3A_2707 = vector.broadcast %add3A_2706 : f32 to vector<16xf32>
      %add3A_2708 = arith.addf %add3A_2707, %mul3A_2705 : vector<16xf32>
      %mul3A_2709 = arith.mulf %mul3A_2702, %add3A_2708 : vector<16xf32>
      %add3A_2710 = arith.constant 0.666666686 : f32
      %add3A_2711 = vector.broadcast %add3A_2710 : f32 to vector<16xf32>
      %add3A_2712 = arith.addf %add3A_2711, %mul3A_2709 : vector<16xf32>
      %mul3A_2713 = arith.mulf %mul3A_2702, %add3A_2712 : vector<16xf32>
      %add3A_2714 = arith.constant 2.000000e+00 : f32
      %add3A_2715 = vector.broadcast %add3A_2714 : f32 to vector<16xf32>
      %add3A_2716 = arith.addf %add3A_2715, %mul3A_2713 : vector<16xf32>
      %mul3A_2717 = arith.mulf %div3A_2701, %add3A_2716 : vector<16xf32>
      %mul3A_2718 = arith.constant 0.693147182 : f32
      %mul3A_2719 = vector.broadcast %mul3A_2718 : f32 to vector<16xf32>
      %mul3A_2720 = arith.mulf %convert_element_type3A_2687, %mul3A_2719 : vector<16xf32>
      %add3A_2721 = arith.addf %mul3A_2720, %mul3A_2717 : vector<16xf32>
      %mul3A_2722 = arith.mulf %mul3A_2679, %add3A_2721 : vector<16xf32>
      %mul3A_2723 = arith.constant -7.500000e-01 : f32
      %mul3A_2724 = vector.broadcast %mul3A_2723 : f32 to vector<16xf32>
      %mul3A_2725 = arith.mulf %mul3A_2724, %min3A_2672 : vector<16xf32>
      %mul3A_2726 = arith.mulf %mul3A_2725, %min3A_2672 : vector<16xf32>
      %bitcast_convert_type3A_2727 = tpu.bitcast %sub3A_2675 : vector<16xf32> -> vector<16xi32>
      %shift_right_arithmetic3A_2728 = arith.constant 23 : i32
      %shift_right_arithmetic3A_2729 = vector.broadcast %shift_right_arithmetic3A_2728 : i32 to vector<16xi32>
      %shift_right_arithmetic3A_2730 = arith.shrsi %bitcast_convert_type3A_2727, %shift_right_arithmetic3A_2729 : vector<16xi32>
      %sub3A_2731 = arith.constant 127 : i32
      %sub3A_2732 = vector.broadcast %sub3A_2731 : i32 to vector<16xi32>
      %sub3A_2733 = arith.subi %shift_right_arithmetic3A_2730, %sub3A_2732 : vector<16xi32>
      %convert_element_type3A_2734 = arith.sitofp %sub3A_2733 : vector<16xi32> to vector<16xf32>
      %and3A_2735 = arith.constant 8388607 : i32
      %and3A_2736 = vector.broadcast %and3A_2735 : i32 to vector<16xi32>
      %and3A_2737 = arith.andi %bitcast_convert_type3A_2727, %and3A_2736 : vector<16xi32>
      %or3A_2738 = arith.constant 1065353216 : i32
      %or3A_2739 = vector.broadcast %or3A_2738 : i32 to vector<16xi32>
      %or3A_2740 = arith.ori %and3A_2737, %or3A_2739 : vector<16xi32>
      %bitcast_convert_type3A_2741 = tpu.bitcast %or3A_2740 : vector<16xi32> -> vector<16xf32>
      %sub3A_2742 = arith.constant 1.000000e+00 : f32
      %sub3A_2743 = vector.broadcast %sub3A_2742 : f32 to vector<16xf32>
      %sub3A_2744 = arith.subf %bitcast_convert_type3A_2741, %sub3A_2743 : vector<16xf32>
      %add3A_2745 = arith.constant 1.000000e+00 : f32
      %add3A_2746 = vector.broadcast %add3A_2745 : f32 to vector<16xf32>
      %add3A_2747 = arith.addf %bitcast_convert_type3A_2741, %add3A_2746 : vector<16xf32>
      %div3A_2748 = arith.divf %sub3A_2744, %add3A_2747 : vector<16xf32>
      %mul3A_2749 = arith.mulf %div3A_2748, %div3A_2748 : vector<16xf32>
      %mul3A_2750 = arith.constant 0.285714298 : f32
      %mul3A_2751 = vector.broadcast %mul3A_2750 : f32 to vector<16xf32>
      %mul3A_2752 = arith.mulf %mul3A_2749, %mul3A_2751 : vector<16xf32>
      %add3A_2753 = arith.constant 4.000000e-01 : f32
      %add3A_2754 = vector.broadcast %add3A_2753 : f32 to vector<16xf32>
      %add3A_2755 = arith.addf %add3A_2754, %mul3A_2752 : vector<16xf32>
      %mul3A_2756 = arith.mulf %mul3A_2749, %add3A_2755 : vector<16xf32>
      %add3A_2757 = arith.constant 0.666666686 : f32
      %add3A_2758 = vector.broadcast %add3A_2757 : f32 to vector<16xf32>
      %add3A_2759 = arith.addf %add3A_2758, %mul3A_2756 : vector<16xf32>
      %mul3A_2760 = arith.mulf %mul3A_2749, %add3A_2759 : vector<16xf32>
      %add3A_2761 = arith.constant 2.000000e+00 : f32
      %add3A_2762 = vector.broadcast %add3A_2761 : f32 to vector<16xf32>
      %add3A_2763 = arith.addf %add3A_2762, %mul3A_2760 : vector<16xf32>
      %mul3A_2764 = arith.mulf %div3A_2748, %add3A_2763 : vector<16xf32>
      %mul3A_2765 = arith.constant 0.693147182 : f32
      %mul3A_2766 = vector.broadcast %mul3A_2765 : f32 to vector<16xf32>
      %mul3A_2767 = arith.mulf %convert_element_type3A_2734, %mul3A_2766 : vector<16xf32>
      %add3A_2768 = arith.addf %mul3A_2767, %mul3A_2764 : vector<16xf32>
      %mul3A_2769 = arith.mulf %mul3A_2726, %add3A_2768 : vector<16xf32>
      %get3A_2770 = arith.index_cast %mul3A_2374 : i32 to index
      %get3A_2771 = tpu.vector_load %arg14[%get3A_2770] {strides = array<i32>} : memref<1376xi32, #tpu.memory_space<vmem>>, vector<16xi32>,
      %get3A_2772 = vector.shape_cast %get3A_2771 : vector<16xi32> to vector<16xi32>
      %lt3A_2773 = arith.constant 80 : i32
      %lt3A_2774 = vector.broadcast %lt3A_2773 : i32 to vector<16xi32>
      %lt3A_2775 = arith.cmpi slt, %get3A_2772, %lt3A_2774 : vector<16xi32>
      %sub3A_2776 = arith.subf %mul3A_2722, %mul3A_2769 : vector<16xf32>
      %jit3A_2777 = arith.constant 0.000000e+00 : f32
      %broadcast_in_dim3A_2778 = vector.broadcast %jit3A_2777 : f32 to vector<16xf32>
      %select_n3A_2779 = arith.select %lt3A_2775, %sub3A_2776, %broadcast_in_dim3A_2778 : vector<16xi1>, vector<16xf32>
      %mul3A_2780 = arith.mulf %select_n3A_2544, %select_n3A_2555 : vector<16xf32>
      %add3A_2781 = arith.addf %scan3A_2369, %mul3A_2780 : vector<16xf32>
      %mul3A_2782 = arith.mulf %neg3A_2663, %select_n3A_2555 : vector<16xf32>
      %add3A_2783 = arith.addf %scan3A_2370, %mul3A_2782 : vector<16xf32>
      %add3A_2784 = arith.addf %scan3A_2371, %select_n3A_2555 : vector<16xf32>
      %add3A_2785 = arith.addf %scan3A_2372, %select_n3A_2779 : vector<16xf32>
      scf.yield %add3A_2781, %add3A_2783, %add3A_2784, %add3A_2785 : vector<16xf32>, vector<16xf32>, vector<16xf32>, vector<16xf32>
    }
    %scan3A_2349 = arith.constant 86 : i32
    %swap3A_2350 = arith.constant 0 : index
    %swap3A_2351 = tpu.vector_load %arg20[%swap3A_2350] {strides = array<i32>} : memref<64xf32, #tpu.memory_space<vmem>>, vector<16xf32>,
    %swap3A_2352 = vector.shape_cast %swap3A_2351 : vector<16xf32> to vector<16xf32>
    %swap3A_2353 = vector.shape_cast %scan3A_2348#0 : vector<16xf32> to vector<16xf32>
    tpu.vector_store %arg20[%swap3A_2350], %swap3A_2353 {strides = array<i32>} : memref<64xf32, #tpu.memory_space<vmem>>, vector<16xf32>,
    %swap3A_2354 = arith.constant 16 : index
    %swap3A_2355 = tpu.vector_load %arg20[%swap3A_2354] {strides = array<i32>} : memref<64xf32, #tpu.memory_space<vmem>>, vector<16xf32>,
    %swap3A_2356 = vector.shape_cast %swap3A_2355 : vector<16xf32> to vector<16xf32>
    %swap3A_2357 = vector.shape_cast %scan3A_2348#1 : vector<16xf32> to vector<16xf32>
    tpu.vector_store %arg20[%swap3A_2354], %swap3A_2357 {strides = array<i32>} : memref<64xf32, #tpu.memory_space<vmem>>, vector<16xf32>,
    %swap3A_2358 = arith.constant 32 : index
    %swap3A_2359 = tpu.vector_load %arg20[%swap3A_2358] {strides = array<i32>} : memref<64xf32, #tpu.memory_space<vmem>>, vector<16xf32>,
    %swap3A_2360 = vector.shape_cast %swap3A_2359 : vector<16xf32> to vector<16xf32>
    %swap3A_2361 = vector.shape_cast %scan3A_2348#2 : vector<16xf32> to vector<16xf32>
    tpu.vector_store %arg20[%swap3A_2358], %swap3A_2361 {strides = array<i32>} : memref<64xf32, #tpu.memory_space<vmem>>, vector<16xf32>,
    %swap3A_2362 = arith.constant 48 : index
    %swap3A_2363 = tpu.vector_load %arg20[%swap3A_2362] {strides = array<i32>} : memref<64xf32, #tpu.memory_space<vmem>>, vector<16xf32>,
    %swap3A_2364 = vector.shape_cast %swap3A_2363 : vector<16xf32> to vector<16xf32>
    %swap3A_2365 = vector.shape_cast %scan3A_2348#3 : vector<16xf32> to vector<16xf32>
    tpu.vector_store %arg20[%swap3A_2362], %swap3A_2365 {strides = array<i32>} : memref<64xf32, #tpu.memory_space<vmem>>, vector<16xf32>,
    %mul3A_2366 = arith.constant 64 : i32
    %mul3A_2367 = arith.muli %add3A, %mul3A_2366 : i32
    "tpu.region"() ({
      %run_scoped3A = tpu.sem_alloc : memref<!tpu.dma_semaphore, #tpu.memory_space<semaphore_mem>>
      %dma_start3A_2368 = tpu.memref_slice %arg10[%mul3A_2367] : memref<2048xf32, #tpu.memory_space<hbm>> -> memref<64xf32, #tpu.memory_space<hbm>>
      %dma_start3A_2369 = tpu.memref_slice %arg10[%mul3A_2367] : memref<2048xf32, #tpu.memory_space<hbm>> -> memref<64xf32, #tpu.memory_space<hbm>>
      tpu.enqueue_dma source(%arg20 : memref<64xf32, #tpu.memory_space<vmem>>) target(%dma_start3A_2369 : memref<64xf32, #tpu.memory_space<hbm>>) target_semaphore(%run_scoped3A : memref<!tpu.dma_semaphore, #tpu.memory_space<semaphore_mem>>)
      %dma_wait3A_2370 = tpu.memref_slice %arg10[%mul3A_2367] : memref<2048xf32, #tpu.memory_space<hbm>> -> memref<64xf32, #tpu.memory_space<hbm>>
      %dma_wait3A_2371 = tpu.memref_slice %arg10[%mul3A_2367] : memref<2048xf32, #tpu.memory_space<hbm>> -> memref<64xf32, #tpu.memory_space<hbm>>
      tpu.wait_dma2 semaphore(%run_scoped3A : memref<!tpu.dma_semaphore, #tpu.memory_space<semaphore_mem>>) src(%arg20 : memref<64xf32, #tpu.memory_space<vmem>>) dst(%dma_wait3A_2371 : memref<64xf32, #tpu.memory_space<hbm>>)
      tpu.yield
    }) : () -> ()
    return
  }
}

module attributes {stable_mosaic.version = 14 : i64} {
  func.func @_neg_body(%arg0: i32, %arg1: memref<1x3410x128xf32, #tpu.memory_space<vmem>>, %arg2: memref<1x8xf32, #tpu.memory_space<smem>>) attributes {dimension_semantics = [#tpu.dimension_semantics<arbitrary>], iteration_bounds = array<i64: 8>, scalar_prefetch = 0 : i64, scratch_operands = 0 : i64, tpu.core_type = #tpu.core_type<tc>, window_params = [{transform_indices = @transform_0, window_bounds = array<i64: 1, 3410, 128>}, {transform_indices = @transform_1, window_bounds = array<i64: 1, 8>}]} {
    %get3A = arith.constant 0 : index
    %get3A_0 = arith.constant 0 : index
    %get3A_1 = arith.constant 0 : index
    %get3A_2 = vector.load %arg1[%get3A, %get3A_0, %get3A_1] : memref<1x3410x128xf32, #tpu.memory_space<vmem>>, vector<1x3410x128xf32>
    %get3A_3 = vector.shape_cast %get3A_2 : vector<1x3410x128xf32> to vector<3410x128xf32>
    %jit3A = arith.constant 9.99999993E-9 : f32
    %jit3A_4 = arith.constant 1.000000e+00 : f32
    %max3A = vector.broadcast %jit3A : f32 to vector<3410x128xf32>
    %max3A_5 = arith.maximumf %max3A, %get3A_3 : vector<3410x128xf32>
    %min3A = vector.broadcast %jit3A_4 : f32 to vector<3410x128xf32>
    %min3A_6 = arith.minimumf %min3A, %max3A_5 : vector<3410x128xf32>
    %mul3A = arith.constant -7.500000e-01 : f32
    %mul3A_7 = vector.broadcast %mul3A : f32 to vector<3410x128xf32>
    %mul3A_8 = arith.mulf %mul3A_7, %min3A_6 : vector<3410x128xf32>
    %mul3A_9 = arith.mulf %mul3A_8, %min3A_6 : vector<3410x128xf32>
    %sub3A = arith.constant 1.000000e+00 : f32
    %sub3A_10 = vector.broadcast %sub3A : f32 to vector<3410x128xf32>
    %sub3A_11 = arith.subf %sub3A_10, %min3A_6 : vector<3410x128xf32>
    %log3A = math.log %sub3A_11 : vector<3410x128xf32>
    %mul3A_12 = arith.mulf %mul3A_9, %log3A : vector<3410x128xf32>
    %reduce_sum3A = vector.shape_cast %mul3A_12 : vector<3410x128xf32> to vector<1x3410x128xf32>
    %reduce_sum3A_13 = arith.constant dense<0.000000e+00> : vector<1xf32>
    %reduce_sum3A_14 = vector.multi_reduction <add>, %reduce_sum3A, %reduce_sum3A_13 [1, 2] : vector<1x3410x128xf32> to vector<1xf32>
    %reduce_sum3A_15 = vector.shape_cast %reduce_sum3A_14 : vector<1xf32> to vector<1x1x1xf32>
    %reduce_sum3A_16 = vector.extract %reduce_sum3A_15[0, 0, 0] : f32 from vector<1x1x1xf32>
    %swap3A = arith.constant 0 : index
    %swap3A_17 = arith.index_cast %arg0 : i32 to index
    %swap3A_18 = memref.load %arg2[%swap3A, %swap3A_17] : memref<1x8xf32, #tpu.memory_space<smem>>
    memref.store %reduce_sum3A_16, %arg2[%swap3A, %swap3A_17] : memref<1x8xf32, #tpu.memory_space<smem>>
    return
  }
  func.func @transform_0(%arg0: i32) -> (i32, i32, i32) {
    %c0_i32 = arith.constant 0 : i32
    %c0_i32_0 = arith.constant 0 : i32
    %c0_i32_1 = arith.constant 0 : i32
    return %arg0, %c0_i32, %c0_i32_0 : i32, i32, i32
  }
  func.func @transform_1(%arg0: i32) -> (i32, i32) {
    %c0_i32 = arith.constant 0 : i32
    %c0_i32_0 = arith.constant 0 : i32
    %c0_i32_1 = arith.constant 0 : i32
    return %c0_i32, %c0_i32_0 : i32, i32
  }
}

</mosaic_0001>

<sc_bundles>
// kernel: kernel.4.cloned.1.call-start
scs
__scs_entry_jumppad:
0x0: {  	(pc) =	sbr.rel $0x88, $3  }
0x1: {  	(tag) =	ssettag $0x0;
	lr =	simm.s32 $0x1  }
0x2: {  	[smem:$0x3F9A] =	sst lr;
	_ =	strace $0xD0000000  }
0x3: {  	_ = 	snop  }
0x4: {  	_ = 	snop  }
0x5: {  	_ = 	snop  }
0x6: {  	_ = 	snop  }
0x7: {  	_ = 	snop  }
__scs_overlays_trampoline_lowered:
0x8: {  	[smem:$0x3FA9] =	sst s0  }
0x9: {  	[smem:$0x3FAA] =	sst s1  }
0xa: {  	[smem:$0x3FAB] =	sst s2  }
0xb: {  	[smem:$0x3FAC] =	sst s3  }
0xc: {  	[smem:$0x3FAD] =	sst s4  }
0xd: {  	[smem:$0x3FAE] =	sst s5  }
0xe: {  	[smem:$0x3FAF] =	sst s6  }
0xf: {  	[smem:$0x3FB0] =	sst s7  }
0x10: {  	[smem:$0x3FB1] =	sst s8  }
0x11: {  	[smem:$0x3FB2] =	sst s9;
	s0 =	simm.s32 @!p0 $0x0  }
0x12: {  	s1 =	sld [smem:$0x3F98];
	s0 =	simm.s32 @p0 $0x1  }
0x13: {  	[smem:$0x3FB3] =	sst s0;
	s0 =	simm.s32 @!p1 $0x0  }
0x14: {  	s2 =	sld [smem:$0x3F97];
	s0 =	simm.s32 @p1 $0x1  }
0x15: {  	[smem:$0x3FB4] =	sst s0;
	s0 =	simm.s32 @!p2 $0x0  }
0x16: {  	s3 =	sld [smem:$0x3FDB];
	s0 =	simm.s32 @p2 $0x1  }
0x17: {  	s4 =	simm.s32 $0x1BF5;
	[smem:$0x3FB6] =	sst s0  }
0x18: {  	s0 =	sld [smem:$0x3F99];
	_ =	swait.ge [sflag:s4], $0x0  }
0x19: {  	s7 =	sld [smem:$0x3F9A]  }
0x1a: {  	s8 =	sadd.s32 $0xFFFFE003, lr  }
0x1b: {  	s9 =	sadd.s32 $0xFFFFFEF7, lr;
	s5 =	simm.s32 $0xFFFFFFFF;
	p2 =	slt.u32 s8, $0xFFFFF086  }
0x1c: {  	p1 =	slt.u32 s9, $0xF7A;
	s5 =	simm.s32 @!p2 $0x0  }
0x1d: {  	s5 =	simm.s32 @p1 $0x1;
	p0 =	seq.s32 s7, s2  }
0x1e: {  	s7 =	smul.u32 @!p0 $0xF7A, s2;
	p2 =	seq.s32 @!p0 s5, $0x0  }
0x1f: {  	s9 =	smul.u32 $0xF7A, s1;
	s8 =	simm.s32 @!p0 $0x1BF5;
	p2 =	por !p2, p0  }
0x20: {  	[sflag:s8] =	ssyncset.s32 @!p0 $0xFFFFF086;
	s6 =	sadd.s32 @!p0 s3, s7;
	s7 =	simm.s32 @!p0 $0x108  }
0x21: {  	s3 =	sadd.s32 s3, s9;
	s6 =	sadd.s32 @!p0 $0x88, s6;
	s7 =	simm.s32 @p2 $0x1082  }
0x22: {  	[simem:s7], [sflag:s8] =	dma.local @!p0 [hbm:s6], $0xF7A  }
0x23: {  	s9 =	sor.u32 $0xD0000000, s2;
	s6 =	simm.s32 $0x108;
	_ =	swait.ge @!p0 [sflag:s8], $0x0  }
0x24: {  	s3 =	sadd.s32 $0x88, s3;
	s6 =	simm.s32 @!p1 $0x1082;
	[sflag:s4] =	ssyncset.s32 $0xFFFFF086  }
0x25: {  	[simem:s6], [sflag:s4] =	dma.local [hbm:s3], $0xF7A  }
0x26: {  	[smem:$0x3F9A] =	sst s1;
	(tag) =	ssettag s2;
	_ =	strace s9  }
0x27: {  	s1 =	sld [smem:$0x3FAA]  }
0x28: {  	s2 =	sld [smem:$0x3FAB]  }
0x29: {  	s4 =	sld [smem:$0x3FAD]  }
0x2a: {  	p0 =	seq.s32 s5, $0x0;
	s5 =	sld [smem:$0x3FAE]  }
0x2b: {  	s6 =	sld [smem:$0x3FAF]  }
0x2c: {  	s7 =	sld [smem:$0x3FB0]  }
0x2d: {  	s3 =	simm.s32 $0x108;
	s8 =	sld [smem:$0x3FB1]  }
0x2e: {  	s3 =	simm.s32 @!p0 $0x1082;
	s9 =	sld [smem:$0x3FB2]  }
0x2f: {  	lr =	sadd.s32 s0, s3;
	s0 =	sld [smem:$0x3FA9]  }
0x30: {  	s3 =	sld [smem:$0x3FAC]  }
0x31: {  	[smem:$0x3FB5] =	sst s10  }
0x32: {  	s10 =	sld [smem:$0x3FB3];
	_ =	sdelay $0x3  }
0x33: {  	p0 =	seq.s32 s10, $0x1;
	s10 =	sld [smem:$0x3FB5];
	_ =	sdelay $0x3  }
0x34: {  	[smem:$0x3FB5] =	sst s10  }
0x35: {  	s10 =	sld [smem:$0x3FB4];
	_ =	sdelay $0x3  }
0x36: {  	p1 =	seq.s32 s10, $0x1;
	s10 =	sld [smem:$0x3FB5];
	_ =	sdelay $0x3  }
0x37: {  	[smem:$0x3FB5] =	sst s10  }
0x38: {  	s10 =	sld [smem:$0x3FB6]  }
0x39: {  	_ = 	snop;
	(pc) =	sbr.ind lr, $3  }
0x3a: {  	_ = 	snop  }
0x3b: {  	_ = 	snop  }
0x3c: {  	p2 =	seq.s32 s10, $0x1;
	s10 =	sld [smem:$0x3FB5]  }
0x3d: {  	_ =	shalt  }
0x3e: {  	_ =	shalt  }
0x3f: {  	_ =	shalt  }
0x40: {  	_ =	shalt  }
0x41: {  	_ =	shalt  }
0x42: {  	_ =	shalt  }
0x43: {  	_ =	shalt  }
0x44: {  	_ =	shalt  }
0x45: {  	_ =	shalt  }
0x46: {  	_ =	shalt  }
0x47: {  	_ =	shalt  }
0x48: {  	_ =	shalt  }
0x49: {  	_ =	shalt  }
0x4a: {  	_ =	shalt  }
0x4b: {  	_ =	shalt  }
0x4c: {  	_ =	shalt  }
0x4d: {  	_ =	shalt  }
0x4e: {  	_ =	shalt  }
0x4f: {  	_ =	shalt  }
0x50: {  	_ =	shalt  }
0x51: {  	_ =	shalt  }
0x52: {  	_ =	shalt  }
0x53: {  	_ =	shalt  }
0x54: {  	_ =	shalt  }
0x55: {  	_ =	shalt  }
0x56: {  	_ =	shalt  }
0x57: {  	_ =	shalt  }
0x58: {  	_ =	shalt  }
0x59: {  	_ =	shalt  }
0x5a: {  	_ =	shalt  }
0x5b: {  	_ =	shalt  }
0x5c: {  	_ =	shalt  }
0x5d: {  	_ =	shalt  }
0x5e: {  	_ =	shalt  }
0x5f: {  	_ =	shalt  }
0x60: {  	_ =	shalt  }
0x61: {  	_ =	shalt  }
0x62: {  	_ =	shalt  }
0x63: {  	_ =	shalt  }
0x64: {  	_ =	shalt  }
0x65: {  	_ =	shalt  }
0x66: {  	_ =	shalt  }
0x67: {  	_ =	shalt  }
0x68: {  	_ =	shalt  }
0x69: {  	_ =	shalt  }
0x6a: {  	_ =	shalt  }
0x6b: {  	_ =	shalt  }
0x6c: {  	_ =	shalt  }
0x6d: {  	_ =	shalt  }
0x6e: {  	_ =	shalt  }
0x6f: {  	_ =	shalt  }
0x70: {  	_ =	shalt  }
0x71: {  	_ =	shalt  }
0x72: {  	_ =	shalt  }
0x73: {  	_ =	shalt  }
0x74: {  	_ =	shalt  }
0x75: {  	_ =	shalt  }
0x76: {  	_ =	shalt  }
0x77: {  	_ =	shalt  }
0x78: {  	_ =	shalt  }
0x79: {  	_ =	shalt  }
0x7a: {  	_ =	shalt  }
0x7b: {  	_ =	shalt  }
0x7c: {  	_ =	shalt  }
0x7d: {  	_ =	shalt  }
0x7e: {  	_ =	shalt  }
0x7f: {  	_ =	shalt  }
0x80: {  	_ =	shalt  }
0x81: {  	_ =	shalt  }
0x82: {  	_ =	shalt  }
0x83: {  	_ =	shalt  }
0x84: {  	_ =	shalt  }
0x85: {  	_ =	shalt  }
0x86: {  	_ =	shalt  }
0x87: {  	_ =	shalt  }
.Lfunc_end0:
.L_simem_size_0:
called_computation_lowered:
.L_overlay_start_0:
0x88: {  	s2 =	sld [smem:$0x3FD9]  }
0x89: {  	s3 =	sld [smem:$0x3FFE];
	_ =	sdelay $0x1  }
0x8a: {  	s1 =	srdreg.scid  }
0x8b: {  	s0 =	sand.u32 $0x1, s1  }
0x8c: {  	s16 =	sshll.u32 s0, $0xA;
	s2 =	sadd.s32 s3, s2  }
0x8d: {  	s2 =	sadd.s32 s2, s16  }
0x8e: {  	[smem:$0x3FC1] =	sst s2  }
0x8f: {  	_ = 	snop  }
0x90: {  	(tm) =	ssettm $0x1  }
0x91: {  	s17 =	sld [smem:$0x3FFB];
	_ =	sdelay $0x3  }
0x92: {  	_ =	strace s17  }
0x93: {  	s2 =	sld [smem:$0x3FFC];
	_ =	sdelay $0x3  }
0x94: {  	_ =	strace s2  }
0x95: {  	s2 =	sld [smem:$0x3FFD];
	_ =	sdelay $0x3  }
0x96: {  	_ =	strace s2  }
0x97: {  	_ =	strace $0x8FFFFFFF  }
0x98: {  	s18 =	sld [smem:$0x3FDB];
	_ =	sdelay $0x1  }
0x99: {  	s19 =	simm.s32 $_scs_section_size  }
0x9a: {  	s4 =	simm.s32 $_size__tile_overlayer_lowered;
	s5 =	simm.s32 $_tile_overlayer_lowered  }
0x9b: {  	s22 =	simm.s32 $0x1BFF;
	s21 =	sshll.u32 s5, $0x1;
	s2 =	sadd.s32 s19, s18  }
0x9c: {  	s6 =	simm.s32 $0x0;
	s20 =	sshll.u32 s4, $0x1;
	s4 =	sadd.s32 s21, s2  }
0x9d: {  	[timem:s6], [sflag:s22] =	dma.local [hbm:s4], s20  }
0x9e: {  	_ =	swait.ge [sflag:s22], s20  }
0x9f: {  	s3 =	ssub.s32 $0x0, s20;
	[sflag:s22] =	ssyncset.done $0x0  }
0xa0: {  	[sflag:s22] =	ssyncadd.s32 s3;
	_ =	sdelay $0x1  }
0xa1: {  	s23 =	simm.s32 $0x1B8B  }
0xa2: {  	_ =	swait.ge [sflag:s23], $0x1  }
0xa3: {  	[sflag:s23] =	ssyncset.done $0x0  }
0xa4: {  	s25 =	simm.s32 $0x1B8E;
	s24 =	sld [smem:$0x3FFE];
	[sflag:s23] =	ssyncadd.s32 $0xFFFFFFFF  }
0xa5: {  	s26 =	simm.s32 $execute0_lowered;
	[smem:$0x3FD2] =	sst s25  }
0xa6: {  	s4 =	sshll.u32 s26, $0x1;
	_ =	strace $0x80000046;
	[dreg:$0x1] =	wrdreg $0xFFFFFFFF  }
0xa7: {  	s28 =	simm.s32 $_size_execute0_lowered;
	s2 =	sadd.s32 s2, s4;
	[dreg:$0x0] =	wrdreg $0x0  }
0xa8: {  	s4 =	sshll.u32 s28, $0x1;
	[dreg:$0x2] =	wrdreg s2  }
0xa9: {  	[dreg:$0x3] =	wrdreg s4  }
0xaa: {  	[dreg:$0x4] =	wrdreg $0xC0  }
0xab: {  	_ =	task [dreg:s6], $0x5FFFF  }
0xac: {  	[dreg:$0x1] =	wrdreg $0xFFFFFFFF  }
0xad: {  	[dreg:$0x0] =	wrdreg $0x60  }
0xae: {  	[dreg:$0x2] =	wrdreg s24  }
0xaf: {  	[dreg:$0x3] =	wrdreg $0x9  }
0xb0: {  	_ =	task.clear_ibuf [dreg:s6], $0x4FFFF;
	_ =	strace $0x90000046  }
0xb1: {  	s29 =	simm.s32 $0x9;
	_ =	strace $0x80000048  }
0xb2: {  	_ =	swait.ge [sflag:s29], $0x1  }
0xb3: {  	[sflag:s29] =	ssyncadd.s32 $0xFFFFFFFF  }
0xb4: {  	_ =	strace $0x90000048  }
0xb5: {  	_ =	sfence  }
0xb6: {  	s30 =	sld [smem:$0x0];
	_ =	sdelay $0x2  }
0xb7: {  	s31 =	sshll.u32 s1, $0xD;
	s1 =	sshrl.u32 s1, $0x2  }
0xb8: {  	s3 =	sand.u32 $0x4000, s31;
	s1 =	sadd.s32 s1, s30  }
0xb9: {  	s0 =	sor.u32 s3, s0;
	s1 =	sshll.u32 s1, $0x11  }
0xba: {  	s0 =	sor.u32 s1, s0  }
0xbb: {  	s0 =	sadd.s32 $0x8F2B, s0  }
0xbc: {  	[sflag:s0] =	ssyncadd.remote.s32 $0x1  }
0xbd: {  	_ =	sfence.sel $0xFFFF  }
0xbe: {  	[dreg:$0x0] =	wrdreg $0xFFFFFFFF;
	(pc) =	sbr.abs _section_cstart, $3  }
0xbf: {  	[dreg:$0x1] =	wrdreg $0xFFFFFFFF  }
0xc0: {  	_ =	task.clear_ibuf [dreg:s6], $0x2FFFF;
	_ =	strace $0x9FFFFFFF  }
0xc1: {  	(tm) =	ssettm $0x7FFFFFFF  }
tec
execute0_lowered:
.L_overlay_start_1:
0x0: {  	(tag) =	ssettag $0x1  }
0x1: {  	s0 =	srdreg.scid  }
0x2: {  	s5 =	sand.u32 $0x1, s0  }
0x3: {  	s2 =	stileid.u32;
	s0 =	sshll.u32 s5, $0x4  }
0x4: {  	s9 =	sand.u32 $0x3, s2;
	s1 =	sor.u32 s2, s0  }
0x5: {  	p1 =	sne.s32 s9, $0x0;
	p0 =	seq.s32 s1, $0x0  }
0x6: {  	p0 =	por !p1, !p0  }
0x7: {  	s2 =	simm.s32 $0x1;
	p0 =	por !p0, !p0  }
0x8: {  	s3 =	sshrl.u32 s1, $0x2;
	s2 =	simm.s32 @!p0 $0x0  }
0x9: {  	s6 =	smul.u32 $0x560, s9;
	s3 =	ssub.s32 s3, s2  }
0xa: {  	s10 =	smul.u32 $0x1550, s3;
	_ =	sdelay $0x1  }
0xb: {  	v10 =	vlaneseq.u32;
	s0 =	sadd.s32 s6, s10  }
0xc: {  	v0 =	vor.u32 s0, v10  }
0xd: {  	vm0 =	vlt.s32 v0, $0xAA7F  }
0xe: {  	v0 =	vnsel vm0, $0xAA7F, v0  }
0xf: {  	v0 =	vmul.u32 $0x50, v0  }
0x10: {  	s12 =	sadd.s32 $0x20, s0  }
0x11: {  	[tilespmem:$0x1FC30] =	vst v0;
	v0 =	vor.u32 s12, v10  }
0x12: {  	vm4 =	vlt.s32 v0, $0xAA7F  }
0x13: {  	s13 =	sadd.s32 $0x30, s0;
	v0 =	vnsel vm4, $0xAA7F, v0  }
0x14: {  	v2 =	vor.u32 s13, v10;
	v0 =	vmul.u32 $0x50, v0  }
0x15: {  	vm5 =	vlt.s32 v2, $0xAA7F  }
0x16: {  	[tilespmem:$0x1FC50] =	vst v0;
	v0 =	vnsel vm5, $0xAA7F, v2  }
0x17: {  	v0 =	vmul.u32 $0x50, v0  }
0x18: {  	s15 =	sadd.s32 $0x50, s0  }
0x19: {  	[tilespmem:$0x1FC60] =	vst v0;
	v0 =	vor.u32 s15, v10  }
0x1a: {  	vm7 =	vlt.s32 v0, $0xAA7F  }
0x1b: {  	s16 =	sadd.s32 $0x60, s0;
	v0 =	vnsel vm7, $0xAA7F, v0  }
0x1c: {  	v2 =	vor.u32 s16, v10;
	v0 =	vmul.u32 $0x50, v0  }
0x1d: {  	vm8 =	vlt.s32 v2, $0xAA7F  }
0x1e: {  	[tilespmem:$0x1FC80] =	vst v0;
	v0 =	vnsel vm8, $0xAA7F, v2  }
0x1f: {  	v0 =	vmul.u32 $0x50, v0  }
0x20: {  	s18 =	sadd.s32 $0x80, s0  }
0x21: {  	[tilespmem:$0x1FC90] =	vst v0;
	v0 =	vor.u32 s18, v10  }
0x22: {  	vm10 =	vlt.s32 v0, $0xAA7F  }
0x23: {  	s19 =	sadd.s32 $0x90, s0;
	v0 =	vnsel vm10, $0xAA7F, v0  }
0x24: {  	v2 =	vor.u32 s19, v10;
	v0 =	vmul.u32 $0x50, v0  }
0x25: {  	vm11 =	vlt.s32 v2, $0xAA7F  }
0x26: {  	[tilespmem:$0x1FCB0] =	vst v0;
	v0 =	vnsel vm11, $0xAA7F, v2  }
0x27: {  	v0 =	vmul.u32 $0x50, v0  }
0x28: {  	s21 =	sadd.s32 $0xB0, s0  }
0x29: {  	[tilespmem:$0x1FCC0] =	vst v0;
	v0 =	vor.u32 s21, v10  }
0x2a: {  	vm13 =	vlt.s32 v0, $0xAA7F  }
0x2b: {  	s22 =	sadd.s32 $0xC0, s0;
	v0 =	vnsel vm13, $0xAA7F, v0  }
0x2c: {  	v2 =	vor.u32 s22, v10;
	v0 =	vmul.u32 $0x50, v0  }
0x2d: {  	vm14 =	vlt.s32 v2, $0xAA7F  }
0x2e: {  	[tilespmem:$0x1FCE0] =	vst v0;
	v0 =	vnsel vm14, $0xAA7F, v2  }
0x2f: {  	v0 =	vmul.u32 $0x50, v0  }
0x30: {  	s24 =	sadd.s32 $0xE0, s0  }
0x31: {  	[tilespmem:$0x1FCF0] =	vst v0;
	v0 =	vor.u32 s24, v10  }
0x32: {  	vm4 =	vlt.s32 v0, $0xAA7F  }
0x33: {  	s25 =	sadd.s32 $0xF0, s0;
	v0 =	vnsel vm4, $0xAA7F, v0  }
0x34: {  	v2 =	vor.u32 s25, v10;
	v0 =	vmul.u32 $0x50, v0  }
0x35: {  	vm5 =	vlt.s32 v2, $0xAA7F  }
0x36: {  	[tilespmem:$0x1FD10] =	vst v0;
	v0 =	vnsel vm5, $0xAA7F, v2  }
0x37: {  	s11 =	sadd.s32 $0x10, s0;
	v0 =	vmul.u32 $0x50, v0  }
0x38: {  	s28 =	sadd.s32 $0x110, s0;
	v1 =	vor.u32 s11, v10  }
0x39: {  	vm15 =	vlt.s32 v1, $0xAA7F;
	[tilespmem:$0x1FD20] =	vst v0;
	v0 =	vor.u32 s28, v10  }
0x3a: {  	v1 =	vnsel vm15, $0xAA7F, v1;
	vm7 =	vlt.s32 v0, $0xAA7F  }
0x3b: {  	s29 =	sadd.s32 $0x120, s0;
	v1 =	vmul.u32 $0x50, v1;
	v0 =	vnsel vm7, $0xAA7F, v0  }
0x3c: {  	v2 =	vor.u32 s29, v10;
	v0 =	vmul.u32 $0x50, v0  }
0x3d: {  	s14 =	sadd.s32 $0x40, s0;
	[tilespmem:$0x1FC40] =	vst v1;
	vm8 =	vlt.s32 v2, $0xAA7F  }
0x3e: {  	v1 =	vor.u32 s14, v10;
	[tilespmem:$0x1FD40] =	vst v0;
	v0 =	vnsel vm8, $0xAA7F, v2  }
0x3f: {  	vm6 =	vlt.s32 v1, $0xAA7F;
	v0 =	vmul.u32 $0x50, v0  }
0x40: {  	s31 =	sadd.s32 $0x140, s0;
	v1 =	vnsel vm6, $0xAA7F, v1  }
0x41: {  	v1 =	vmul.u32 $0x50, v1;
	[tilespmem:$0x1FD50] =	vst v0;
	v0 =	vor.u32 s31, v10  }
0x42: {  	s17 =	sadd.s32 $0x70, s0;
	vm10 =	vlt.s32 v0, $0xAA7F  }
0x43: {  	s4 =	sadd.s32 $0x150, s0;
	[tilespmem:$0x1FC70] =	vst v1;
	v1 =	vor.u32 s17, v10;
	v0 =	vnsel vm10, $0xAA7F, v0  }
0x44: {  	vm9 =	vlt.s32 v1, $0xAA7F;
	v2 =	vor.u32 s4, v10;
	v0 =	vmul.u32 $0x50, v0  }
0x45: {  	v1 =	vnsel vm9, $0xAA7F, v1;
	vm11 =	vlt.s32 v2, $0xAA7F  }
0x46: {  	v1 =	vmul.u32 $0x50, v1;
	[tilespmem:$0x1FD70] =	vst v0;
	v0 =	vnsel vm11, $0xAA7F, v2  }
0x47: {  	s20 =	sadd.s32 $0xA0, s0;
	v0 =	vmul.u32 $0x50, v0  }
0x48: {  	s8 =	sadd.s32 $0x170, s0;
	[tilespmem:$0x1FCA0] =	vst v1;
	v1 =	vor.u32 s20, v10  }
0x49: {  	vm12 =	vlt.s32 v1, $0xAA7F;
	[tilespmem:$0x1FD80] =	vst v0;
	v0 =	vor.u32 s8, v10  }
0x4a: {  	v1 =	vnsel vm12, $0xAA7F, v1;
	vm13 =	vlt.s32 v0, $0xAA7F  }
0x4b: {  	s9 =	sadd.s32 $0x180, s0;
	v1 =	vmul.u32 $0x50, v1;
	v0 =	vnsel vm13, $0xAA7F, v0  }
0x4c: {  	v2 =	vor.u32 s9, v10;
	v0 =	vmul.u32 $0x50, v0  }
0x4d: {  	s23 =	sadd.s32 $0xD0, s0;
	[tilespmem:$0x1FCD0] =	vst v1;
	vm14 =	vlt.s32 v2, $0xAA7F  }
0x4e: {  	v1 =	vor.u32 s23, v10;
	[tilespmem:$0x1FDA0] =	vst v0;
	v0 =	vnsel vm14, $0xAA7F, v2  }
0x4f: {  	vm15 =	vlt.s32 v1, $0xAA7F;
	v0 =	vmul.u32 $0x50, v0  }
0x50: {  	s11 =	sadd.s32 $0x1A0, s0;
	v1 =	vnsel vm15, $0xAA7F, v1  }
0x51: {  	v1 =	vmul.u32 $0x50, v1;
	[tilespmem:$0x1FDB0] =	vst v0;
	v0 =	vor.u32 s11, v10  }
0x52: {  	s26 =	sadd.s32 $0x100, s0;
	vm4 =	vlt.s32 v0, $0xAA7F  }
0x53: {  	s12 =	sadd.s32 $0x1B0, s0;
	[tilespmem:$0x1FD00] =	vst v1;
	v1 =	vor.u32 s26, v10;
	v0 =	vnsel vm4, $0xAA7F, v0  }
0x54: {  	vm6 =	vlt.s32 v1, $0xAA7F;
	v2 =	vor.u32 s12, v10;
	v0 =	vmul.u32 $0x50, v0  }
0x55: {  	v1 =	vnsel vm6, $0xAA7F, v1;
	vm5 =	vlt.s32 v2, $0xAA7F  }
0x56: {  	v1 =	vmul.u32 $0x50, v1;
	[tilespmem:$0x1FDD0] =	vst v0;
	v0 =	vnsel vm5, $0xAA7F, v2  }
0x57: {  	s30 =	sadd.s32 $0x130, s0;
	v0 =	vmul.u32 $0x50, v0  }
0x58: {  	s14 =	sadd.s32 $0x1D0, s0;
	[tilespmem:$0x1FD30] =	vst v1;
	v1 =	vor.u32 s30, v10  }
0x59: {  	vm9 =	vlt.s32 v1, $0xAA7F;
	[tilespmem:$0x1FDE0] =	vst v0;
	v0 =	vor.u32 s14, v10  }
0x5a: {  	v1 =	vnsel vm9, $0xAA7F, v1;
	vm7 =	vlt.s32 v0, $0xAA7F  }
0x5b: {  	s15 =	sadd.s32 $0x1E0, s0;
	v1 =	vmul.u32 $0x50, v1;
	v0 =	vnsel vm7, $0xAA7F, v0  }
0x5c: {  	v2 =	vor.u32 s15, v10;
	v0 =	vmul.u32 $0x50, v0  }
0x5d: {  	s7 =	sadd.s32 $0x160, s0;
	[tilespmem:$0x1FD60] =	vst v1;
	vm8 =	vlt.s32 v2, $0xAA7F  }
0x5e: {  	v1 =	vor.u32 s7, v10;
	[tilespmem:$0x1FE00] =	vst v0;
	v0 =	vnsel vm8, $0xAA7F, v2  }
0x5f: {  	vm12 =	vlt.s32 v1, $0xAA7F;
	v0 =	vmul.u32 $0x50, v0  }
0x60: {  	s17 =	sadd.s32 $0x200, s0;
	v1 =	vnsel vm12, $0xAA7F, v1  }
0x61: {  	v1 =	vmul.u32 $0x50, v1;
	[tilespmem:$0x1FE10] =	vst v0;
	v0 =	vor.u32 s17, v10  }
0x62: {  	s10 =	sadd.s32 $0x190, s0;
	vm10 =	vlt.s32 v0, $0xAA7F  }
0x63: {  	s18 =	sadd.s32 $0x210, s0;
	[tilespmem:$0x1FD90] =	vst v1;
	v1 =	vor.u32 s10, v10;
	v0 =	vnsel vm10, $0xAA7F, v0  }
0x64: {  	vm15 =	vlt.s32 v1, $0xAA7F;
	v2 =	vor.u32 s18, v10;
	v0 =	vmul.u32 $0x50, v0  }
0x65: {  	v1 =	vnsel vm15, $0xAA7F, v1;
	vm11 =	vlt.s32 v2, $0xAA7F  }
0x66: {  	v1 =	vmul.u32 $0x50, v1;
	[tilespmem:$0x1FE30] =	vst v0;
	v0 =	vnsel vm11, $0xAA7F, v2  }
0x67: {  	s13 =	sadd.s32 $0x1C0, s0;
	v0 =	vmul.u32 $0x50, v0  }
0x68: {  	s20 =	sadd.s32 $0x230, s0;
	[tilespmem:$0x1FDC0] =	vst v1;
	v1 =	vor.u32 s13, v10  }
0x69: {  	vm6 =	vlt.s32 v1, $0xAA7F;
	[tilespmem:$0x1FE40] =	vst v0;
	v0 =	vor.u32 s20, v10  }
0x6a: {  	v1 =	vnsel vm6, $0xAA7F, v1;
	vm13 =	vlt.s32 v0, $0xAA7F  }
0x6b: {  	s21 =	sadd.s32 $0x240, s0;
	v1 =	vmul.u32 $0x50, v1;
	v0 =	vnsel vm13, $0xAA7F, v0  }
0x6c: {  	v2 =	vor.u32 s21, v10;
	v0 =	vmul.u32 $0x50, v0  }
0x6d: {  	s16 =	sadd.s32 $0x1F0, s0;
	[tilespmem:$0x1FDF0] =	vst v1;
	vm14 =	vlt.s32 v2, $0xAA7F  }
0x6e: {  	v1 =	vor.u32 s16, v10;
	[tilespmem:$0x1FE60] =	vst v0;
	v0 =	vnsel vm14, $0xAA7F, v2  }
0x6f: {  	vm9 =	vlt.s32 v1, $0xAA7F;
	v0 =	vmul.u32 $0x50, v0  }
0x70: {  	s23 =	sadd.s32 $0x260, s0;
	v1 =	vnsel vm9, $0xAA7F, v1  }
0x71: {  	v1 =	vmul.u32 $0x50, v1;
	[tilespmem:$0x1FE70] =	vst v0;
	v0 =	vor.u32 s23, v10  }
0x72: {  	s19 =	sadd.s32 $0x220, s0;
	vm4 =	vlt.s32 v0, $0xAA7F  }
0x73: {  	s24 =	sadd.s32 $0x270, s0;
	[tilespmem:$0x1FE20] =	vst v1;
	v1 =	vor.u32 s19, v10;
	v0 =	vnsel vm4, $0xAA7F, v0  }
0x74: {  	vm12 =	vlt.s32 v1, $0xAA7F;
	v2 =	vor.u32 s24, v10;
	v0 =	vmul.u32 $0x50, v0  }
0x75: {  	v1 =	vnsel vm12, $0xAA7F, v1;
	vm5 =	vlt.s32 v2, $0xAA7F  }
0x76: {  	v1 =	vmul.u32 $0x50, v1;
	[tilespmem:$0x1FE90] =	vst v0;
	v0 =	vnsel vm5, $0xAA7F, v2  }
0x77: {  	s22 =	sadd.s32 $0x250, s0;
	v0 =	vmul.u32 $0x50, v0  }
0x78: {  	s26 =	sadd.s32 $0x290, s0;
	[tilespmem:$0x1FE50] =	vst v1;
	v1 =	vor.u32 s22, v10  }
0x79: {  	vm15 =	vlt.s32 v1, $0xAA7F;
	[tilespmem:$0x1FEA0] =	vst v0;
	v0 =	vor.u32 s26, v10  }
0x7a: {  	v1 =	vnsel vm15, $0xAA7F, v1;
	vm7 =	vlt.s32 v0, $0xAA7F  }
0x7b: {  	s28 =	sadd.s32 $0x2A0, s0;
	v1 =	vmul.u32 $0x50, v1;
	v0 =	vnsel vm7, $0xAA7F, v0  }
0x7c: {  	v2 =	vor.u32 s28, v10;
	v0 =	vmul.u32 $0x50, v0  }
0x7d: {  	s25 =	sadd.s32 $0x280, s0;
	[tilespmem:$0x1FE80] =	vst v1;
	vm8 =	vlt.s32 v2, $0xAA7F  }
0x7e: {  	v1 =	vor.u32 s25, v10;
	[tilespmem:$0x1FEC0] =	vst v0;
	v0 =	vnsel vm8, $0xAA7F, v2  }
0x7f: {  	vm6 =	vlt.s32 v1, $0xAA7F;
	v0 =	vmul.u32 $0x50, v0  }
0x80: {  	s30 =	sadd.s32 $0x2C0, s0;
	v1 =	vnsel vm6, $0xAA7F, v1  }
0x81: {  	v1 =	vmul.u32 $0x50, v1;
	[tilespmem:$0x1FED0] =	vst v0;
	v0 =	vor.u32 s30, v10  }
0x82: {  	s29 =	sadd.s32 $0x2B0, s0;
	vm10 =	vlt.s32 v0, $0xAA7F  }
0x83: {  	s31 =	sadd.s32 $0x2D0, s0;
	[tilespmem:$0x1FEB0] =	vst v1;
	v1 =	vor.u32 s29, v10;
	v0 =	vnsel vm10, $0xAA7F, v0  }
0x84: {  	vm9 =	vlt.s32 v1, $0xAA7F;
	v2 =	vor.u32 s31, v10;
	v0 =	vmul.u32 $0x50, v0  }
0x85: {  	v1 =	vnsel vm9, $0xAA7F, v1;
	vm11 =	vlt.s32 v2, $0xAA7F  }
0x86: {  	v1 =	vmul.u32 $0x50, v1;
	[tilespmem:$0x1FEF0] =	vst v0;
	v0 =	vnsel vm11, $0xAA7F, v2  }
0x87: {  	s4 =	sadd.s32 $0x2E0, s0;
	v0 =	vmul.u32 $0x50, v0  }
0x88: {  	s7 =	sadd.s32 $0x2F0, s0;
	[tilespmem:$0x1FEE0] =	vst v1;
	v1 =	vor.u32 s4, v10  }
0x89: {  	vm12 =	vlt.s32 v1, $0xAA7F;
	[tilespmem:$0x1FF00] =	vst v0;
	v0 =	vor.u32 s7, v10  }
0x8a: {  	v1 =	vnsel vm12, $0xAA7F, v1;
	vm13 =	vlt.s32 v0, $0xAA7F  }
0x8b: {  	s8 =	sadd.s32 $0x300, s0;
	v1 =	vmul.u32 $0x50, v1;
	v0 =	vnsel vm13, $0xAA7F, v0  }
0x8c: {  	v2 =	vor.u32 s8, v10;
	v0 =	vmul.u32 $0x50, v0  }
0x8d: {  	s9 =	sadd.s32 $0x310, s0;
	[tilespmem:$0x1FF10] =	vst v1;
	vm14 =	vlt.s32 v2, $0xAA7F  }
0x8e: {  	v1 =	vor.u32 s9, v10;
	[tilespmem:$0x1FF20] =	vst v0;
	v0 =	vnsel vm14, $0xAA7F, v2  }
0x8f: {  	vm15 =	vlt.s32 v1, $0xAA7F;
	v0 =	vmul.u32 $0x50, v0  }
0x90: {  	s10 =	sadd.s32 $0x320, s0;
	v1 =	vnsel vm15, $0xAA7F, v1  }
0x91: {  	v1 =	vmul.u32 $0x50, v1;
	[tilespmem:$0x1FF30] =	vst v0;
	v0 =	vor.u32 s10, v10  }
0x92: {  	s12 =	sadd.s32 $0x340, s0;
	vm4 =	vlt.s32 v0, $0xAA7F  }
0x93: {  	s11 =	sadd.s32 $0x330, s0;
	[tilespmem:$0x1FF40] =	vst v1;
	v1 =	vor.u32 s12, v10;
	v0 =	vnsel vm4, $0xAA7F, v0  }
0x94: {  	vm6 =	vlt.s32 v1, $0xAA7F;
	v2 =	vor.u32 s11, v10;
	v0 =	vmul.u32 $0x50, v0  }
0x95: {  	v1 =	vnsel vm6, $0xAA7F, v1;
	vm5 =	vlt.s32 v2, $0xAA7F  }
0x96: {  	v1 =	vmul.u32 $0x50, v1;
	[tilespmem:$0x1FF50] =	vst v0;
	v0 =	vnsel vm5, $0xAA7F, v2  }
0x97: {  	s15 =	sadd.s32 $0x370, s0;
	v0 =	vmul.u32 $0x50, v0  }
0x98: {  	s13 =	sadd.s32 $0x350, s0;
	[tilespmem:$0x1FF70] =	vst v1;
	v1 =	vor.u32 s15, v10  }
0x99: {  	vm9 =	vlt.s32 v1, $0xAA7F;
	[tilespmem:$0x1FF60] =	vst v0;
	v0 =	vor.u32 s13, v10  }
0x9a: {  	v1 =	vnsel vm9, $0xAA7F, v1;
	vm7 =	vlt.s32 v0, $0xAA7F  }
0x9b: {  	s14 =	sadd.s32 $0x360, s0;
	v1 =	vmul.u32 $0x50, v1;
	v0 =	vnsel vm7, $0xAA7F, v0  }
0x9c: {  	v2 =	vor.u32 s14, v10;
	v0 =	vmul.u32 $0x50, v0  }
0x9d: {  	s4 =	sadd.s32 $0x3A0, s0;
	[tilespmem:$0x1FFA0] =	vst v1;
	vm8 =	vlt.s32 v2, $0xAA7F  }
0x9e: {  	s1 =	sshll.u32 s1, $0x3;
	s2 =	simm.s32 $0x0;
	v1 =	vor.u32 s4, v10;
	[tilespmem:$0x1FF80] =	vst v0;
	v0 =	vnsel vm8, $0xAA7F, v2  }
0x9f: {  	[smem:$0x7FF] =	sst s2;
	s16 =	sadd.s32 $0x380, s0;
	s29 =	sadd.s32 $0x420, s0;
	vm12 =	vlt.s32 v1, $0xAA7F;
	v0 =	vmul.u32 $0x50, v0  }
0xa0: {  	v23 =	vimm.f32 $0.0e+00;
	s19 =	sadd.s32 $0x3C0, s0;
	v3 =	vor.u32 s29, v10;
	s29 =	sadd.s32 $0x510, s0;
	s9 =	sadd.s32 $0x3D0, s0;
	v1 =	vnsel vm12, $0xAA7F, v1  }
0xa1: {  	v18 =	vor.u32 s29, v10;
	v1 =	vmul.u32 $0x50, v1;
	s8 =	smul.u32 $0x1580, s3;
	s11 =	sadd.s32 $0x440, s0;
	s14 =	sadd.s32 $0x450, s0;
	[tilespmem:$0x1FF90] =	vst v0;
	v0 =	vor.u32 s16, v10  }
0xa2: {  	s18 =	sadd.s32 $0x3B0, s0;
	s7 =	rddreg [dreg:$0x0];
	v4 =	vor.u32 s11, v10;
	v5 =	vor.u32 s14, v10;
	s14 =	sadd.s32 $0x470, s0;
	vm10 =	vlt.s32 v0, $0xAA7F  }
0xa3: {  	s17 =	sadd.s32 $0x390, s0;
	s3 =	sadd.s32 $0xAB600, s7;
	v7 =	vor.u32 s14, v10;
	s13 =	sadd.s32 s6, s8;
	v0 =	vnsel vm10, $0xAA7F, v0;
	vm10 =	vlt.s32 v4, $0xAA7F  }
0xa4: {  	s1 =	sadd.s32 s1, s7;
	s6 =	sshrl.u32 s6, $0x3;
	s21 =	sshrl.u32 s13, $0x3;
	v2 =	vor.u32 s17, v10;
	v0 =	vmul.u32 $0x50, v0;
	v4 =	vnsel vm10, $0xAA7F, v4  }
0xa5: {  	s26 =	sadd.s32 $0xAC00, s13;
	s28 =	sadd.s32 $0x15800, s13;
	s31 =	sadd.s32 $0x20400, s13;
	vm8 =	vlt.s32 v3, $0xAA7F;
	vm11 =	vlt.s32 v2, $0xAA7F;
	v4 =	vmul.u32 $0x50, v4  }
0xa6: {  	s10 =	sadd.s32 $0x2B000, s13;
	s15 =	sadd.s32 s21, s7;
	s17 =	sadd.s32 $0x35C00, s13;
	[tilespmem:$0x1FFB0] =	vst v0;
	v0 =	vnsel vm11, $0xAA7F, v2;
	v2 =	vor.u32 s19, v10;
	vm11 =	vlt.s32 v5, $0xAA7F  }
0xa7: {  	s16 =	sadd.s32 $0x116000, s7;
	s19 =	sshrl.u32 s17, $0x3;
	s17 =	sadd.s32 $0x480, s0;
	v0 =	vmul.u32 $0x50, v0;
	vm14 =	vlt.s32 v2, $0xAA7F;
	v5 =	vnsel vm11, $0xAA7F, v5  }
0xa8: {  	s12 =	sshrl.u32 s10, $0x3;
	s10 =	sadd.s32 s16, s19;
	s19 =	sadd.s32 $0x490, s0;
	v8 =	vor.u32 s17, v10;
	vm11 =	vlt.s32 v18, $0xAA7F;
	v5 =	vmul.u32 $0x50, v5  }
0xa9: {  	v9 =	vor.u32 s19, v10;
	v18 =	vnsel vm11, $0xAA7F, v18;
	[tilespmem:$0x1FFC0] =	vst v0;
	v0 =	vor.u32 s18, v10;
	s18 =	sadd.s32 s6, s7;
	s6 =	sshrl.u32 s26, $0x3;
	s26 =	sadd.s32 $0x4F0, s0  }
0xaa: {  	s7 =	sshrl.u32 s28, $0x3;
	s28 =	sadd.s32 $0x500, s0;
	_ =	strace $0x80000047;
	vm13 =	vlt.s32 v0, $0xAA7F;
	[tilespmem:$0x1FFD0] =	vst v1;
	v1 =	vor.u32 s9, v10;
	v16 =	vor.u32 s26, v10  }
0xab: {  	s9 =	sshrl.u32 s31, $0x3;
	v17 =	vor.u32 s28, v10;
	s31 =	sadd.s32 $0x540, s0;
	v0 =	vnsel vm13, $0xAA7F, v0;
	vm15 =	vlt.s32 v1, $0xAA7F  }
0xac: {  	s8 =	sadd.s32 s16, s9;
	s9 =	sadd.s32 s16, s12;
	s12 =	sadd.s32 $0x460, s0;
	vm13 =	vlt.s32 v7, $0xAA7F;
	v21 =	vor.u32 s31, v10;
	vm10 =	vlt.s32 v17, $0xAA7F  }
0xad: {  	v0 =	vmul.u32 $0x50, v0;
	v1 =	vnsel vm15, $0xAA7F, v1;
	v6 =	vor.u32 s12, v10  }
0xae: {  	s24 =	sadd.s32 $0x400, s0;
	v7 =	vnsel vm13, $0xAA7F, v7;
	vm15 =	vlt.s32 v9, $0xAA7F;
	v17 =	vnsel vm10, $0xAA7F, v17  }
0xaf: {  	v61 =	vmul.u32 $0x50, v1;
	v1 =	vor.u32 s24, v10;
	vm12 =	vlt.s32 v6, $0xAA7F  }
0xb0: {  	s22 =	sadd.s32 $0x3F0, s0;
	v7 =	vmul.u32 $0x50, v7;
	v9 =	vnsel vm15, $0xAA7F, v9;
	[tilespmem:$0x1FFE0] =	vst v0;
	v0 =	vnsel vm14, $0xAA7F, v2  }
0xb1: {  	v2 =	vor.u32 s22, v10;
	vm6 =	vlt.s32 v1, $0xAA7F;
	v6 =	vnsel vm12, $0xAA7F, v6  }
0xb2: {  	s5 =	ssub.s32 $0x2, s5;
	s24 =	sadd.s32 $0x4A0, s0;
	vm14 =	vlt.s32 v8, $0xAA7F;
	v9 =	vmul.u32 $0x50, v9;
	v0 =	vmul.u32 $0x50, v0  }
0xb3: {  	s20 =	sadd.s32 $0x3E0, s0;
	s23 =	sshrl.u32 s5, $0x1;
	v11 =	vor.u32 s24, v10;
	s24 =	sadd.s32 $0x520, s0;
	vm5 =	vlt.s32 v2, $0xAA7F;
	v6 =	vmul.u32 $0x50, v6  }
0xb4: {  	s22 =	sadd.s32 $0x4B400, s13;
	v8 =	vnsel vm14, $0xAA7F, v8;
	v19 =	vor.u32 s24, v10;
	[tilespmem:$0x1FFF0] =	vst v0;
	v0 =	vor.u32 s20, v10;
	s20 =	ssub.s32 s5, s23  }
0xb5: {  	vm14 =	vlt.s32 v21, $0xAA7F;
	v8 =	vmul.u32 $0x50, v8;
	vm12 =	vlt.s32 v19, $0xAA7F;
	s5 =	sadd.s32 s16, s21;
	s21 =	sadd.s32 $0x40800, s13;
	s23 =	sshrl.u32 s22, $0x3  }
0xb6: {  	v21 =	vnsel vm14, $0xAA7F, v21;
	s22 =	sadd.s32 $0x4C0, s0;
	v19 =	vnsel vm12, $0xAA7F, v19;
	vm4 =	vlt.s32 v0, $0xAA7F;
	s11 =	sshrl.u32 s21, $0x3;
	s21 =	sadd.s32 $0x4B0, s0  }
0xb7: {  	s25 =	sadd.s32 $0x410, s0;
	s6 =	sadd.s32 s16, s6;
	s7 =	sadd.s32 s16, s7;
	v13 =	vor.u32 s22, v10;
	v0 =	vnsel vm4, $0xAA7F, v0;
	v12 =	vor.u32 s21, v10  }
0xb8: {  	s11 =	sadd.s32 s16, s11;
	s16 =	sadd.s32 s16, s23;
	s23 =	sadd.s32 $0x4D0, s0;
	vm4 =	vlt.s32 v11, $0xAA7F;
	v62 =	vmul.u32 $0x50, v0;
	v0 =	vnsel vm5, $0xAA7F, v2  }
0xb9: {  	v2 =	vor.u32 s25, v10;
	v14 =	vor.u32 s23, v10;
	v11 =	vnsel vm4, $0xAA7F, v11  }
0xba: {  	s25 =	sadd.s32 $0x4E0, s0;
	vm5 =	vlt.s32 v12, $0xAA7F;
	v63 =	vmul.u32 $0x50, v0;
	v0 =	vnsel vm6, $0xAA7F, v1  }
0xbb: {  	vm7 =	vlt.s32 v2, $0xAA7F;
	v15 =	vor.u32 s25, v10;
	v12 =	vnsel vm5, $0xAA7F, v12  }
0xbc: {  	s30 =	sadd.s32 $0x430, s0;
	vm6 =	vlt.s32 v13, $0xAA7F;
	v0 =	vmul.u32 $0x50, v0;
	v1 =	vnsel vm7, $0xAA7F, v2  }
0xbd: {  	v2 =	vnsel vm8, $0xAA7F, v3;
	v3 =	vor.u32 s30, v10;
	v13 =	vnsel vm6, $0xAA7F, v13  }
0xbe: {  	s30 =	sadd.s32 $0x530, s0;
	vm7 =	vlt.s32 v14, $0xAA7F;
	vm8 =	vlt.s32 v15, $0xAA7F;
	v1 =	vmul.u32 $0x50, v1  }
0xbf: {  	s0 =	sadd.s32 $0x550, s0;
	v2 =	vmul.u32 $0x50, v2;
	vm9 =	vlt.s32 v3, $0xAA7F;
	v20 =	vor.u32 s30, v10  }
0xc0: {  	v22 =	vor.u32 s0, v10;
	v10 =	vmul.u32 $0x50, v11;
	v11 =	vmul.u32 $0x50, v12  }
0xc1: {  	v14 =	vnsel vm7, $0xAA7F, v14;
	v12 =	vmul.u32 $0x50, v13;
	v15 =	vnsel vm8, $0xAA7F, v15  }
0xc2: {  	s14 =	sadd.s32 $0x124E00, s15;
	s19 =	sadd.s32 $0x126C00, s1;
	v3 =	vnsel vm9, $0xAA7F, v3;
	vm9 =	vlt.s32 v16, $0xAA7F;
	v13 =	vmul.u32 $0x50, v14  }
0xc3: {  	s17 =	sadd.s32 $0x126400, s18;
	s18 =	sadd.s32 $0x126800, s18;
	v14 =	vmul.u32 $0x50, v15;
	vm13 =	vlt.s32 v20, $0xAA7F;
	v16 =	vnsel vm9, $0xAA7F, v16  }
0xc4: {  	s4 =	simm.s32 $0x1;
	s12 =	sadd.s32 $0x122200, s15;
	s24 =	simm.s32 $0x5980;
	vm15 =	vlt.s32 v22, $0xAA7F;
	v20 =	vnsel vm13, $0xAA7F, v20;
	v15 =	vmul.u32 $0x50, v16  }
0xc5: {  	s26 =	simm.s32 $0x0;
	s13 =	sadd.s32 $0x123800, s15;
	s15 =	sadd.s32 $0x120C00, s15;
	v16 =	vmul.u32 $0x50, v17;
	v17 =	vmul.u32 $0x50, v18;
	v18 =	vmul.u32 $0x50, v19  }
0xc6: {  	s20 =	smax.u32 s20, $0x1;
	s22 =	simm.s32 $0x80;
	s21 =	simm.s32 $0x5900;
	v19 =	vmul.u32 $0x50, v20;
	v20 =	vmul.u32 $0x50, v21;
	v21 =	vnsel vm15, $0xAA7F, v22  }
0xc7: {  	s23 =	simm.s32 $0x2;
	s25 =	simm.s32 $0x3;
	s0 =	simm.s32 $0x5100;
	v3 =	vmul.u32 $0x50, v3;
	v22 =	vimm.s32 $0x0;
	v21 =	vmul.u32 $0x50, v21  }
.LBB2_1:
0xc8: {  	[tilespmem:s2], [sflag:$0x1] =	stream.linear.gather [hbm4b:s5+s2], $0x560, $0x38;
	[tilespmem:$0x5A00] =	vst v63  }
0xc9: {  	s1 =	simm.s32 $0x560  }
0xca: {  	[tilespmem:s1], [sflag:$0x1] =	stream.linear.gather [hbm4b:s6+s2], $0x560, $0x38;
	[tilespmem:$0x5A00] =	vst v63  }
0xcb: {  	s1 =	simm.s32 $0xAC0  }
0xcc: {  	[tilespmem:s1], [sflag:$0x1] =	stream.linear.gather [hbm4b:s7+s2], $0x560, $0x38;
	[tilespmem:$0x5A00] =	vst v63  }
0xcd: {  	s1 =	simm.s32 $0x1020  }
0xce: {  	[tilespmem:s1], [sflag:$0x1] =	stream.linear.gather [hbm4b:s8+s2], $0x560, $0x38;
	[tilespmem:$0x5A00] =	vst v63  }
0xcf: {  	s1 =	simm.s32 $0x1580  }
0xd0: {  	[tilespmem:s1], [sflag:$0x1] =	stream.linear.gather [hbm4b:s9+s2], $0x560, $0x38;
	[tilespmem:$0x5A00] =	vst v63  }
0xd1: {  	s1 =	simm.s32 $0x1AE0  }
0xd2: {  	[tilespmem:s1], [sflag:$0x1] =	stream.linear.gather [hbm4b:s10+s2], $0x560, $0x38;
	[tilespmem:$0x5A00] =	vst v63  }
0xd3: {  	s1 =	simm.s32 $0x2040  }
0xd4: {  	[tilespmem:s1], [sflag:$0x1] =	stream.linear.gather [hbm4b:s11+s2], $0x560, $0x38;
	[tilespmem:$0x5A00] =	vst v63  }
0xd5: {  	s1 =	simm.s32 $0x25A0  }
0xd6: {  	[tilespmem:s1], [sflag:$0x1] =	stream.linear.gather [hbm4b:s16+s2], $0x560, $0x38;
	[tilespmem:$0x5A00] =	vst v63  }
0xd7: {  	s1 =	simm.s32 $0x2B00  }
0xd8: {  	[tilespmem:s1], [sflag:$0x1] =	stream.linear.gather [hbm4b:s12+s2], $0x560, $0x38;
	[tilespmem:$0x5A00] =	vst v63  }
0xd9: {  	s1 =	simm.s32 $0x3080  }
0xda: {  	[tilespmem:s1], [sflag:$0x1] =	stream.linear.gather [hbm4b:s13+s2], $0x560, $0x38;
	[tilespmem:$0x5A00] =	vst v63  }
0xdb: {  	s1 =	simm.s32 $0x3600  }
0xdc: {  	[tilespmem:s1], [sflag:$0x1] =	stream.linear.gather [hbm4b:s14+s2], $0x560, $0x38;
	[tilespmem:$0x5A00] =	vst v63  }
0xdd: {  	s1 =	simm.s32 $0x3B80  }
0xde: {  	[tilespmem:s1], [sflag:$0x1] =	stream.linear.gather [hbm4b:s15+s2], $0x560, $0x38;
	[tilespmem:$0x5A00] =	vst v63  }
0xdf: {  	s1 =	simm.s32 $0x4100  }
0xe0: {  	[tilespmem:s1], [sflag:$0x1] =	stream.linear.gather [hbm4b:s17+s2], $0x560, $0x38;
	[tilespmem:$0x5A00] =	vst v63  }
0xe1: {  	s1 =	simm.s32 $0x4680  }
0xe2: {  	[tilespmem:s1], [sflag:$0x1] =	stream.linear.gather [hbm4b:s18+s2], $0x560, $0x38;
	[tilespmem:$0x5A00] =	vst v63  }
0xe3: {  	_ =	swait.ge [sflag:s4], $0x560  }
0xe4: {  	[sflag:s4] =	ssyncset.done $0x0  }
0xe5: {  	[sflag:s4] =	ssyncadd.s32 $0xFFFFFAA0  }
0xe6: {  	_ =	swait.ge [sflag:s4], $0x560  }
0xe7: {  	[sflag:s4] =	ssyncset.done $0x0  }
0xe8: {  	[sflag:s4] =	ssyncadd.s32 $0xFFFFFAA0  }
0xe9: {  	_ =	swait.ge [sflag:s4], $0x560  }
0xea: {  	[sflag:s4] =	ssyncset.done $0x0  }
0xeb: {  	[sflag:s4] =	ssyncadd.s32 $0xFFFFFAA0  }
0xec: {  	_ =	swait.ge [sflag:s4], $0x560  }
0xed: {  	[sflag:s4] =	ssyncset.done $0x0  }
0xee: {  	[sflag:s4] =	ssyncadd.s32 $0xFFFFFAA0  }
0xef: {  	_ =	swait.ge [sflag:s4], $0x560  }
0xf0: {  	[sflag:s4] =	ssyncset.done $0x0  }
0xf1: {  	[sflag:s4] =	ssyncadd.s32 $0xFFFFFAA0  }
0xf2: {  	_ =	swait.ge [sflag:s4], $0x560  }
0xf3: {  	[sflag:s4] =	ssyncset.done $0x0  }
0xf4: {  	[sflag:s4] =	ssyncadd.s32 $0xFFFFFAA0  }
0xf5: {  	_ =	swait.ge [sflag:s4], $0x560  }
0xf6: {  	[sflag:s4] =	ssyncset.done $0x0  }
0xf7: {  	[sflag:s4] =	ssyncadd.s32 $0xFFFFFAA0  }
0xf8: {  	_ =	swait.ge [sflag:s4], $0x560  }
0xf9: {  	[sflag:s4] =	ssyncset.done $0x0  }
0xfa: {  	[sflag:s4] =	ssyncadd.s32 $0xFFFFFAA0  }
0xfb: {  	_ =	swait.ge [sflag:s4], $0x560  }
0xfc: {  	[sflag:s4] =	ssyncset.done $0x0  }
0xfd: {  	[sflag:s4] =	ssyncadd.s32 $0xFFFFFAA0  }
0xfe: {  	_ =	swait.ge [sflag:s4], $0x560  }
0xff: {  	[sflag:s4] =	ssyncset.done $0x0  }
0x100: {  	[sflag:s4] =	ssyncadd.s32 $0xFFFFFAA0  }
0x101: {  	_ =	swait.ge [sflag:s4], $0x560  }
0x102: {  	[sflag:s4] =	ssyncset.done $0x0  }
0x103: {  	[sflag:s4] =	ssyncadd.s32 $0xFFFFFAA0  }
0x104: {  	_ =	swait.ge [sflag:s4], $0x560  }
0x105: {  	[sflag:s4] =	ssyncset.done $0x0  }
0x106: {  	[sflag:s4] =	ssyncadd.s32 $0xFFFFFAA0  }
0x107: {  	_ =	swait.ge [sflag:s4], $0x560  }
0x108: {  	[sflag:s4] =	ssyncset.done $0x0  }
0x109: {  	[sflag:s4] =	ssyncadd.s32 $0xFFFFFAA0  }
0x10a: {  	_ =	swait.ge [sflag:s4], $0x560  }
0x10b: {  	[sflag:s4] =	ssyncset.done $0x0  }
0x10c: {  	[sflag:s4] =	ssyncadd.s32 $0xFFFFFAA0  }
0x10d: {  	v24 =	vld [tilespmem:$0x3600];
	_ =	sdelay $0x1  }
0x10e: {  	v31 =	vld [tilespmem:$0x1FC30];
	_ =	sdelay $0x2  }
0x10f: {  	vm0 =	vlt.s32 v24, $0x4F  }
0x110: {  	v25 =	vld [tilespmem:$0x3610];
	v24 =	vnsel vm0, $0x4F, v24  }
0x111: {  	v24 =	vadd.s32 v31, v24  }
0x112: {  	[tilespmem:$0x4C00] =	vst v24;
	v24 =	vld [tilespmem:$0x1FC40];
	_ =	sdelay $0x2  }
0x113: {  	vm0 =	vlt.s32 v25, $0x4F  }
0x114: {  	v26 =	vld [tilespmem:$0x3620];
	v25 =	vnsel vm0, $0x4F, v25  }
0x115: {  	v24 =	vadd.s32 v24, v25  }
0x116: {  	[tilespmem:$0x4C10] =	vst v24;
	v24 =	vld [tilespmem:$0x1FC50];
	_ =	sdelay $0x2  }
0x117: {  	vm0 =	vlt.s32 v26, $0x4F  }
0x118: {  	v27 =	vld [tilespmem:$0x3630];
	v25 =	vnsel vm0, $0x4F, v26  }
0x119: {  	v24 =	vadd.s32 v24, v25  }
0x11a: {  	[tilespmem:$0x4C20] =	vst v24;
	v24 =	vld [tilespmem:$0x1FC60];
	_ =	sdelay $0x2  }
0x11b: {  	vm0 =	vlt.s32 v27, $0x4F  }
0x11c: {  	v28 =	vld [tilespmem:$0x3640];
	v25 =	vnsel vm0, $0x4F, v27  }
0x11d: {  	v24 =	vadd.s32 v24, v25  }
0x11e: {  	[tilespmem:$0x4C30] =	vst v24;
	v24 =	vld [tilespmem:$0x1FC70];
	_ =	sdelay $0x2  }
0x11f: {  	vm0 =	vlt.s32 v28, $0x4F  }
0x120: {  	v29 =	vld [tilespmem:$0x3650];
	v25 =	vnsel vm0, $0x4F, v28  }
0x121: {  	v24 =	vadd.s32 v24, v25  }
0x122: {  	[tilespmem:$0x4C40] =	vst v24;
	v24 =	vld [tilespmem:$0x1FC80];
	_ =	sdelay $0x2  }
0x123: {  	vm0 =	vlt.s32 v29, $0x4F  }
0x124: {  	v30 =	vld [tilespmem:$0x3660];
	v25 =	vnsel vm0, $0x4F, v29  }
0x125: {  	v24 =	vadd.s32 v24, v25  }
0x126: {  	[tilespmem:$0x4C50] =	vst v24;
	v24 =	vld [tilespmem:$0x1FC90];
	_ =	sdelay $0x2  }
0x127: {  	vm0 =	vlt.s32 v30, $0x4F  }
0x128: {  	v31 =	vld [tilespmem:$0x3670];
	v25 =	vnsel vm0, $0x4F, v30  }
0x129: {  	v24 =	vadd.s32 v24, v25  }
0x12a: {  	[tilespmem:$0x4C60] =	vst v24;
	v24 =	vld [tilespmem:$0x1FCA0];
	_ =	sdelay $0x2  }
0x12b: {  	vm0 =	vlt.s32 v31, $0x4F  }
0x12c: {  	v26 =	vld [tilespmem:$0x3680];
	v25 =	vnsel vm0, $0x4F, v31  }
0x12d: {  	v24 =	vadd.s32 v24, v25  }
0x12e: {  	[tilespmem:$0x4C70] =	vst v24;
	v24 =	vld [tilespmem:$0x1FCB0];
	_ =	sdelay $0x2  }
0x12f: {  	vm0 =	vlt.s32 v26, $0x4F  }
0x130: {  	v27 =	vld [tilespmem:$0x3690];
	v25 =	vnsel vm0, $0x4F, v26  }
0x131: {  	v24 =	vadd.s32 v24, v25  }
0x132: {  	[tilespmem:$0x4C80] =	vst v24;
	v24 =	vld [tilespmem:$0x1FCC0];
	_ =	sdelay $0x2  }
0x133: {  	vm0 =	vlt.s32 v27, $0x4F  }
0x134: {  	v28 =	vld [tilespmem:$0x36A0];
	v25 =	vnsel vm0, $0x4F, v27  }
0x135: {  	v24 =	vadd.s32 v24, v25  }
0x136: {  	[tilespmem:$0x4C90] =	vst v24;
	v24 =	vld [tilespmem:$0x1FCD0];
	_ =	sdelay $0x2  }
0x137: {  	vm0 =	vlt.s32 v28, $0x4F  }
0x138: {  	v29 =	vld [tilespmem:$0x36B0];
	v25 =	vnsel vm0, $0x4F, v28  }
0x139: {  	v24 =	vadd.s32 v24, v25  }
0x13a: {  	[tilespmem:$0x4CA0] =	vst v24;
	v24 =	vld [tilespmem:$0x1FCE0];
	_ =	sdelay $0x2  }
0x13b: {  	vm0 =	vlt.s32 v29, $0x4F  }
0x13c: {  	v30 =	vld [tilespmem:$0x36C0];
	v25 =	vnsel vm0, $0x4F, v29  }
0x13d: {  	v24 =	vadd.s32 v24, v25  }
0x13e: {  	[tilespmem:$0x4CB0] =	vst v24;
	v24 =	vld [tilespmem:$0x1FCF0];
	_ =	sdelay $0x2  }
0x13f: {  	vm0 =	vlt.s32 v30, $0x4F  }
0x140: {  	v31 =	vld [tilespmem:$0x36D0];
	v25 =	vnsel vm0, $0x4F, v30  }
0x141: {  	v24 =	vadd.s32 v24, v25  }
0x142: {  	[tilespmem:$0x4CC0] =	vst v24;
	v24 =	vld [tilespmem:$0x1FD00];
	_ =	sdelay $0x2  }
0x143: {  	vm0 =	vlt.s32 v31, $0x4F  }
0x144: {  	v26 =	vld [tilespmem:$0x36E0];
	v25 =	vnsel vm0, $0x4F, v31  }
0x145: {  	v24 =	vadd.s32 v24, v25  }
0x146: {  	[tilespmem:$0x4CD0] =	vst v24;
	v24 =	vld [tilespmem:$0x1FD10];
	_ =	sdelay $0x2  }
0x147: {  	vm0 =	vlt.s32 v26, $0x4F  }
0x148: {  	v27 =	vld [tilespmem:$0x36F0];
	v25 =	vnsel vm0, $0x4F, v26  }
0x149: {  	v24 =	vadd.s32 v24, v25  }
0x14a: {  	[tilespmem:$0x4CE0] =	vst v24;
	v24 =	vld [tilespmem:$0x1FD20];
	_ =	sdelay $0x2  }
0x14b: {  	vm0 =	vlt.s32 v27, $0x4F  }
0x14c: {  	v28 =	vld [tilespmem:$0x3700];
	v25 =	vnsel vm0, $0x4F, v27  }
0x14d: {  	v24 =	vadd.s32 v24, v25  }
0x14e: {  	[tilespmem:$0x4CF0] =	vst v24;
	v24 =	vld [tilespmem:$0x1FD30];
	_ =	sdelay $0x2  }
0x14f: {  	vm0 =	vlt.s32 v28, $0x4F  }
0x150: {  	v29 =	vld [tilespmem:$0x3710];
	v25 =	vnsel vm0, $0x4F, v28  }
0x151: {  	v24 =	vadd.s32 v24, v25  }
0x152: {  	[tilespmem:$0x4D00] =	vst v24;
	v24 =	vld [tilespmem:$0x1FD40];
	_ =	sdelay $0x2  }
0x153: {  	vm0 =	vlt.s32 v29, $0x4F  }
0x154: {  	v30 =	vld [tilespmem:$0x3720];
	v25 =	vnsel vm0, $0x4F, v29  }
0x155: {  	v24 =	vadd.s32 v24, v25  }
0x156: {  	[tilespmem:$0x4D10] =	vst v24;
	v24 =	vld [tilespmem:$0x1FD50];
	_ =	sdelay $0x2  }
0x157: {  	vm0 =	vlt.s32 v30, $0x4F  }
0x158: {  	v31 =	vld [tilespmem:$0x3730];
	v25 =	vnsel vm0, $0x4F, v30  }
0x159: {  	v24 =	vadd.s32 v24, v25  }
0x15a: {  	[tilespmem:$0x4D20] =	vst v24;
	v24 =	vld [tilespmem:$0x1FD60];
	_ =	sdelay $0x2  }
0x15b: {  	vm0 =	vlt.s32 v31, $0x4F  }
0x15c: {  	v26 =	vld [tilespmem:$0x3740];
	v25 =	vnsel vm0, $0x4F, v31  }
0x15d: {  	v24 =	vadd.s32 v24, v25  }
0x15e: {  	[tilespmem:$0x4D30] =	vst v24;
	v24 =	vld [tilespmem:$0x1FD70];
	_ =	sdelay $0x2  }
0x15f: {  	vm0 =	vlt.s32 v26, $0x4F  }
0x160: {  	v27 =	vld [tilespmem:$0x3750];
	v25 =	vnsel vm0, $0x4F, v26  }
0x161: {  	v24 =	vadd.s32 v24, v25  }
0x162: {  	[tilespmem:$0x4D40] =	vst v24;
	v24 =	vld [tilespmem:$0x1FD80];
	_ =	sdelay $0x2  }
0x163: {  	vm0 =	vlt.s32 v27, $0x4F  }
0x164: {  	v28 =	vld [tilespmem:$0x3760];
	v25 =	vnsel vm0, $0x4F, v27  }
0x165: {  	v24 =	vadd.s32 v24, v25  }
0x166: {  	[tilespmem:$0x4D50] =	vst v24;
	v24 =	vld [tilespmem:$0x1FD90];
	_ =	sdelay $0x2  }
0x167: {  	vm0 =	vlt.s32 v28, $0x4F  }
0x168: {  	v29 =	vld [tilespmem:$0x3770];
	v25 =	vnsel vm0, $0x4F, v28  }
0x169: {  	v24 =	vadd.s32 v24, v25  }
0x16a: {  	[tilespmem:$0x4D60] =	vst v24;
	v24 =	vld [tilespmem:$0x1FDA0];
	_ =	sdelay $0x2  }
0x16b: {  	vm0 =	vlt.s32 v29, $0x4F  }
0x16c: {  	v30 =	vld [tilespmem:$0x3780];
	v25 =	vnsel vm0, $0x4F, v29  }
0x16d: {  	v24 =	vadd.s32 v24, v25  }
0x16e: {  	[tilespmem:$0x4D70] =	vst v24;
	v24 =	vld [tilespmem:$0x1FDB0];
	_ =	sdelay $0x2  }
0x16f: {  	vm0 =	vlt.s32 v30, $0x4F  }
0x170: {  	v31 =	vld [tilespmem:$0x3790];
	v25 =	vnsel vm0, $0x4F, v30  }
0x171: {  	v24 =	vadd.s32 v24, v25  }
0x172: {  	[tilespmem:$0x4D80] =	vst v24;
	v24 =	vld [tilespmem:$0x1FDC0];
	_ =	sdelay $0x2  }
0x173: {  	vm0 =	vlt.s32 v31, $0x4F  }
0x174: {  	v26 =	vld [tilespmem:$0x37A0];
	v25 =	vnsel vm0, $0x4F, v31  }
0x175: {  	v24 =	vadd.s32 v24, v25  }
0x176: {  	[tilespmem:$0x4D90] =	vst v24;
	v24 =	vld [tilespmem:$0x1FDD0];
	_ =	sdelay $0x2  }
0x177: {  	vm0 =	vlt.s32 v26, $0x4F  }
0x178: {  	v27 =	vld [tilespmem:$0x37B0];
	v25 =	vnsel vm0, $0x4F, v26  }
0x179: {  	v24 =	vadd.s32 v24, v25  }
0x17a: {  	[tilespmem:$0x4DA0] =	vst v24;
	v24 =	vld [tilespmem:$0x1FDE0];
	_ =	sdelay $0x2  }
0x17b: {  	vm0 =	vlt.s32 v27, $0x4F  }
0x17c: {  	v28 =	vld [tilespmem:$0x37C0];
	v25 =	vnsel vm0, $0x4F, v27  }
0x17d: {  	v24 =	vadd.s32 v24, v25  }
0x17e: {  	[tilespmem:$0x4DB0] =	vst v24;
	v24 =	vld [tilespmem:$0x1FDF0];
	_ =	sdelay $0x2  }
0x17f: {  	vm0 =	vlt.s32 v28, $0x4F  }
0x180: {  	v29 =	vld [tilespmem:$0x37D0];
	v25 =	vnsel vm0, $0x4F, v28  }
0x181: {  	v24 =	vadd.s32 v24, v25  }
0x182: {  	[tilespmem:$0x4DC0] =	vst v24;
	v24 =	vld [tilespmem:$0x1FE00];
	_ =	sdelay $0x2  }
0x183: {  	vm0 =	vlt.s32 v29, $0x4F  }
0x184: {  	v30 =	vld [tilespmem:$0x37E0];
	v25 =	vnsel vm0, $0x4F, v29  }
0x185: {  	v24 =	vadd.s32 v24, v25  }
0x186: {  	[tilespmem:$0x4DD0] =	vst v24;
	v24 =	vld [tilespmem:$0x1FE10];
	_ =	sdelay $0x2  }
0x187: {  	vm0 =	vlt.s32 v30, $0x4F  }
0x188: {  	v31 =	vld [tilespmem:$0x37F0];
	v25 =	vnsel vm0, $0x4F, v30  }
0x189: {  	v24 =	vadd.s32 v24, v25  }
0x18a: {  	[tilespmem:$0x4DE0] =	vst v24;
	v24 =	vld [tilespmem:$0x1FE20];
	_ =	sdelay $0x2  }
0x18b: {  	vm0 =	vlt.s32 v31, $0x4F  }
0x18c: {  	v26 =	vld [tilespmem:$0x3800];
	v25 =	vnsel vm0, $0x4F, v31  }
0x18d: {  	v24 =	vadd.s32 v24, v25  }
0x18e: {  	[tilespmem:$0x4DF0] =	vst v24;
	v24 =	vld [tilespmem:$0x1FE30];
	_ =	sdelay $0x2  }
0x18f: {  	vm0 =	vlt.s32 v26, $0x4F  }
0x190: {  	v27 =	vld [tilespmem:$0x3810];
	v25 =	vnsel vm0, $0x4F, v26  }
0x191: {  	v24 =	vadd.s32 v24, v25  }
0x192: {  	[tilespmem:$0x4E00] =	vst v24;
	v24 =	vld [tilespmem:$0x1FE40];
	_ =	sdelay $0x2  }
0x193: {  	vm0 =	vlt.s32 v27, $0x4F  }
0x194: {  	v28 =	vld [tilespmem:$0x3820];
	v25 =	vnsel vm0, $0x4F, v27  }
0x195: {  	v24 =	vadd.s32 v24, v25  }
0x196: {  	[tilespmem:$0x4E10] =	vst v24;
	v24 =	vld [tilespmem:$0x1FE50];
	_ =	sdelay $0x2  }
0x197: {  	vm0 =	vlt.s32 v28, $0x4F  }
0x198: {  	v29 =	vld [tilespmem:$0x3830];
	v25 =	vnsel vm0, $0x4F, v28  }
0x199: {  	v24 =	vadd.s32 v24, v25  }
0x19a: {  	[tilespmem:$0x4E20] =	vst v24;
	v24 =	vld [tilespmem:$0x1FE60];
	_ =	sdelay $0x2  }
0x19b: {  	vm0 =	vlt.s32 v29, $0x4F  }
0x19c: {  	v30 =	vld [tilespmem:$0x3840];
	v25 =	vnsel vm0, $0x4F, v29  }
0x19d: {  	v24 =	vadd.s32 v24, v25  }
0x19e: {  	[tilespmem:$0x4E30] =	vst v24;
	v24 =	vld [tilespmem:$0x1FE70];
	_ =	sdelay $0x2  }
0x19f: {  	vm0 =	vlt.s32 v30, $0x4F  }
0x1a0: {  	v31 =	vld [tilespmem:$0x3850];
	v25 =	vnsel vm0, $0x4F, v30  }
0x1a1: {  	v24 =	vadd.s32 v24, v25  }
0x1a2: {  	[tilespmem:$0x4E40] =	vst v24;
	v24 =	vld [tilespmem:$0x1FE80];
	_ =	sdelay $0x2  }
0x1a3: {  	vm0 =	vlt.s32 v31, $0x4F  }
0x1a4: {  	v26 =	vld [tilespmem:$0x3860];
	v25 =	vnsel vm0, $0x4F, v31  }
0x1a5: {  	v24 =	vadd.s32 v24, v25  }
0x1a6: {  	[tilespmem:$0x4E50] =	vst v24;
	v24 =	vld [tilespmem:$0x1FE90];
	_ =	sdelay $0x2  }
0x1a7: {  	vm0 =	vlt.s32 v26, $0x4F  }
0x1a8: {  	v27 =	vld [tilespmem:$0x3870];
	v25 =	vnsel vm0, $0x4F, v26  }
0x1a9: {  	v24 =	vadd.s32 v24, v25  }
0x1aa: {  	[tilespmem:$0x4E60] =	vst v24;
	v24 =	vld [tilespmem:$0x1FEA0];
	_ =	sdelay $0x2  }
0x1ab: {  	vm0 =	vlt.s32 v27, $0x4F  }
0x1ac: {  	v28 =	vld [tilespmem:$0x3880];
	v25 =	vnsel vm0, $0x4F, v27  }
0x1ad: {  	v24 =	vadd.s32 v24, v25  }
0x1ae: {  	[tilespmem:$0x4E70] =	vst v24;
	v24 =	vld [tilespmem:$0x1FEB0];
	_ =	sdelay $0x2  }
0x1af: {  	vm0 =	vlt.s32 v28, $0x4F  }
0x1b0: {  	v29 =	vld [tilespmem:$0x3890];
	v25 =	vnsel vm0, $0x4F, v28  }
0x1b1: {  	v24 =	vadd.s32 v24, v25  }
0x1b2: {  	[tilespmem:$0x4E80] =	vst v24;
	v24 =	vld [tilespmem:$0x1FEC0];
	_ =	sdelay $0x2  }
0x1b3: {  	vm0 =	vlt.s32 v29, $0x4F  }
0x1b4: {  	v30 =	vld [tilespmem:$0x38A0];
	v25 =	vnsel vm0, $0x4F, v29  }
0x1b5: {  	v24 =	vadd.s32 v24, v25  }
0x1b6: {  	[tilespmem:$0x4E90] =	vst v24;
	v24 =	vld [tilespmem:$0x1FED0];
	_ =	sdelay $0x2  }
0x1b7: {  	vm0 =	vlt.s32 v30, $0x4F  }
0x1b8: {  	v31 =	vld [tilespmem:$0x38B0];
	v25 =	vnsel vm0, $0x4F, v30  }
0x1b9: {  	v24 =	vadd.s32 v24, v25  }
0x1ba: {  	[tilespmem:$0x4EA0] =	vst v24;
	v24 =	vld [tilespmem:$0x1FEE0];
	_ =	sdelay $0x2  }
0x1bb: {  	vm0 =	vlt.s32 v31, $0x4F  }
0x1bc: {  	v26 =	vld [tilespmem:$0x38C0];
	v25 =	vnsel vm0, $0x4F, v31  }
0x1bd: {  	v24 =	vadd.s32 v24, v25  }
0x1be: {  	[tilespmem:$0x4EB0] =	vst v24;
	v24 =	vld [tilespmem:$0x1FEF0];
	_ =	sdelay $0x2  }
0x1bf: {  	vm0 =	vlt.s32 v26, $0x4F  }
0x1c0: {  	v27 =	vld [tilespmem:$0x38D0];
	v25 =	vnsel vm0, $0x4F, v26  }
0x1c1: {  	v24 =	vadd.s32 v24, v25  }
0x1c2: {  	[tilespmem:$0x4EC0] =	vst v24;
	v24 =	vld [tilespmem:$0x1FF00];
	_ =	sdelay $0x2  }
0x1c3: {  	vm0 =	vlt.s32 v27, $0x4F  }
0x1c4: {  	v28 =	vld [tilespmem:$0x38E0];
	v25 =	vnsel vm0, $0x4F, v27  }
0x1c5: {  	v24 =	vadd.s32 v24, v25  }
0x1c6: {  	[tilespmem:$0x4ED0] =	vst v24;
	v24 =	vld [tilespmem:$0x1FF10];
	_ =	sdelay $0x2  }
0x1c7: {  	vm0 =	vlt.s32 v28, $0x4F  }
0x1c8: {  	v29 =	vld [tilespmem:$0x38F0];
	v25 =	vnsel vm0, $0x4F, v28  }
0x1c9: {  	v24 =	vadd.s32 v24, v25  }
0x1ca: {  	[tilespmem:$0x4EE0] =	vst v24;
	v24 =	vld [tilespmem:$0x1FF20];
	_ =	sdelay $0x2  }
0x1cb: {  	vm0 =	vlt.s32 v29, $0x4F  }
0x1cc: {  	v30 =	vld [tilespmem:$0x3900];
	v25 =	vnsel vm0, $0x4F, v29  }
0x1cd: {  	v24 =	vadd.s32 v24, v25  }
0x1ce: {  	[tilespmem:$0x4EF0] =	vst v24;
	v24 =	vld [tilespmem:$0x1FF30];
	_ =	sdelay $0x2  }
0x1cf: {  	vm0 =	vlt.s32 v30, $0x4F  }
0x1d0: {  	v31 =	vld [tilespmem:$0x3910];
	v25 =	vnsel vm0, $0x4F, v30  }
0x1d1: {  	v24 =	vadd.s32 v24, v25  }
0x1d2: {  	[tilespmem:$0x4F00] =	vst v24;
	v24 =	vld [tilespmem:$0x1FF40];
	_ =	sdelay $0x2  }
0x1d3: {  	vm0 =	vlt.s32 v31, $0x4F  }
0x1d4: {  	v26 =	vld [tilespmem:$0x3920];
	v25 =	vnsel vm0, $0x4F, v31  }
0x1d5: {  	v24 =	vadd.s32 v24, v25  }
0x1d6: {  	[tilespmem:$0x4F10] =	vst v24;
	v24 =	vld [tilespmem:$0x1FF50];
	_ =	sdelay $0x2  }
0x1d7: {  	vm0 =	vlt.s32 v26, $0x4F  }
0x1d8: {  	v27 =	vld [tilespmem:$0x3930];
	v25 =	vnsel vm0, $0x4F, v26  }
0x1d9: {  	v24 =	vadd.s32 v24, v25  }
0x1da: {  	[tilespmem:$0x4F20] =	vst v24;
	v24 =	vld [tilespmem:$0x1FF60];
	_ =	sdelay $0x2  }
0x1db: {  	vm0 =	vlt.s32 v27, $0x4F  }
0x1dc: {  	v28 =	vld [tilespmem:$0x3940];
	v25 =	vnsel vm0, $0x4F, v27  }
0x1dd: {  	v24 =	vadd.s32 v24, v25  }
0x1de: {  	[tilespmem:$0x4F30] =	vst v24;
	v24 =	vld [tilespmem:$0x1FF70];
	_ =	sdelay $0x2  }
0x1df: {  	vm0 =	vlt.s32 v28, $0x4F  }
0x1e0: {  	v29 =	vld [tilespmem:$0x3950];
	v25 =	vnsel vm0, $0x4F, v28  }
0x1e1: {  	v24 =	vadd.s32 v24, v25  }
0x1e2: {  	[tilespmem:$0x4F40] =	vst v24;
	v24 =	vld [tilespmem:$0x1FF80];
	_ =	sdelay $0x2  }
0x1e3: {  	vm0 =	vlt.s32 v29, $0x4F  }
0x1e4: {  	v30 =	vld [tilespmem:$0x3960];
	v25 =	vnsel vm0, $0x4F, v29  }
0x1e5: {  	v24 =	vadd.s32 v24, v25  }
0x1e6: {  	[tilespmem:$0x4F50] =	vst v24;
	v24 =	vld [tilespmem:$0x1FF90];
	_ =	sdelay $0x2  }
0x1e7: {  	vm0 =	vlt.s32 v30, $0x4F  }
0x1e8: {  	v31 =	vld [tilespmem:$0x3970];
	v25 =	vnsel vm0, $0x4F, v30  }
0x1e9: {  	v24 =	vadd.s32 v24, v25  }
0x1ea: {  	[tilespmem:$0x4F60] =	vst v24;
	v24 =	vld [tilespmem:$0x1FFA0];
	_ =	sdelay $0x2  }
0x1eb: {  	vm0 =	vlt.s32 v31, $0x4F  }
0x1ec: {  	v26 =	vld [tilespmem:$0x3980];
	v25 =	vnsel vm0, $0x4F, v31  }
0x1ed: {  	v24 =	vadd.s32 v24, v25  }
0x1ee: {  	[tilespmem:$0x4F70] =	vst v24;
	v24 =	vld [tilespmem:$0x1FFB0];
	_ =	sdelay $0x2  }
0x1ef: {  	vm0 =	vlt.s32 v26, $0x4F  }
0x1f0: {  	v27 =	vld [tilespmem:$0x3990];
	v25 =	vnsel vm0, $0x4F, v26  }
0x1f1: {  	v24 =	vadd.s32 v24, v25  }
0x1f2: {  	[tilespmem:$0x4F80] =	vst v24;
	v24 =	vld [tilespmem:$0x1FFC0];
	_ =	sdelay $0x2  }
0x1f3: {  	vm0 =	vlt.s32 v27, $0x4F  }
0x1f4: {  	v28 =	vld [tilespmem:$0x39A0];
	v25 =	vnsel vm0, $0x4F, v27  }
0x1f5: {  	v24 =	vadd.s32 v24, v25  }
0x1f6: {  	[tilespmem:$0x4F90] =	vst v24;
	v24 =	vld [tilespmem:$0x1FFD0];
	_ =	sdelay $0x2  }
0x1f7: {  	vm0 =	vlt.s32 v28, $0x4F  }
0x1f8: {  	v29 =	vld [tilespmem:$0x39B0];
	v25 =	vnsel vm0, $0x4F, v28  }
0x1f9: {  	v24 =	vadd.s32 v24, v25  }
0x1fa: {  	[tilespmem:$0x4FA0] =	vst v24;
	v24 =	vld [tilespmem:$0x1FFE0];
	_ =	sdelay $0x2  }
0x1fb: {  	v30 =	vld [tilespmem:$0x39C0];
	vm0 =	vlt.s32 v29, $0x4F  }
0x1fc: {  	v31 =	vld [tilespmem:$0x39D0];
	v25 =	vnsel vm0, $0x4F, v29  }
0x1fd: {  	v26 =	vld [tilespmem:$0x39E0];
	v24 =	vadd.s32 v24, v25  }
0x1fe: {  	[tilespmem:$0x4FB0] =	vst v24;
	v24 =	vld [tilespmem:$0x1FFF0]  }
0x1ff: {  	v27 =	vld [tilespmem:$0x39F0]  }
0x200: {  	v28 =	vld [tilespmem:$0x3A00]  }
0x201: {  	vm0 =	vlt.s32 v30, $0x4F;
	v29 =	vld [tilespmem:$0x3A10]  }
0x202: {  	[tilespmem:$0x5160] =	vst v22;
	v25 =	vnsel vm0, $0x4F, v30;
	vm0 =	vlt.s32 v31, $0x4F;
	v30 =	vld [tilespmem:$0x3A20]  }
0x203: {  	[tilespmem:$0x5170] =	vst v22;
	v24 =	vadd.s32 v24, v25;
	v25 =	vnsel vm0, $0x4F, v31;
	vm0 =	vlt.s32 v26, $0x4F;
	v31 =	vld [tilespmem:$0x3A30]  }
0x204: {  	[tilespmem:$0x4FC0] =	vst v24;
	v24 =	vadd.s32 v61, v25;
	v25 =	vnsel vm0, $0x4F, v26;
	vm0 =	vlt.s32 v27, $0x4F;
	v26 =	vld [tilespmem:$0x3A40]  }
0x205: {  	[tilespmem:$0x4FD0] =	vst v24;
	v24 =	vadd.s32 v62, v25;
	v25 =	vnsel vm0, $0x4F, v27;
	vm0 =	vlt.s32 v28, $0x4F;
	v27 =	vld [tilespmem:$0x3A50]  }
0x206: {  	[tilespmem:$0x4FE0] =	vst v24;
	v24 =	vadd.s32 v63, v25;
	v25 =	vnsel vm0, $0x4F, v28;
	vm0 =	vlt.s32 v29, $0x4F;
	v28 =	vld [tilespmem:$0x3A60]  }
0x207: {  	[tilespmem:$0x4FF0] =	vst v24;
	v24 =	vadd.s32 v0, v25;
	v25 =	vnsel vm0, $0x4F, v29;
	vm0 =	vlt.s32 v30, $0x4F;
	v29 =	vld [tilespmem:$0x3A70]  }
0x208: {  	[tilespmem:$0x5000] =	vst v24;
	v24 =	vadd.s32 v1, v25;
	v25 =	vnsel vm0, $0x4F, v30;
	vm0 =	vlt.s32 v31, $0x4F;
	v30 =	vld [tilespmem:$0x3A80]  }
0x209: {  	[tilespmem:$0x5010] =	vst v24;
	v24 =	vadd.s32 v2, v25;
	v25 =	vnsel vm0, $0x4F, v31;
	vm0 =	vlt.s32 v26, $0x4F;
	v31 =	vld [tilespmem:$0x3A90]  }
0x20a: {  	[tilespmem:$0x5020] =	vst v24;
	v24 =	vadd.s32 v3, v25;
	v25 =	vnsel vm0, $0x4F, v26;
	vm0 =	vlt.s32 v27, $0x4F;
	v26 =	vld [tilespmem:$0x3AA0]  }
0x20b: {  	[tilespmem:$0x5030] =	vst v24;
	v24 =	vadd.s32 v4, v25;
	v25 =	vnsel vm0, $0x4F, v27;
	vm0 =	vlt.s32 v28, $0x4F;
	v27 =	vld [tilespmem:$0x3AB0]  }
0x20c: {  	[tilespmem:$0x5040] =	vst v24;
	v24 =	vadd.s32 v5, v25;
	v25 =	vnsel vm0, $0x4F, v28;
	vm0 =	vlt.s32 v29, $0x4F;
	v28 =	vld [tilespmem:$0x3AC0]  }
0x20d: {  	[tilespmem:$0x5050] =	vst v24;
	v24 =	vadd.s32 v6, v25;
	v25 =	vnsel vm0, $0x4F, v29;
	vm0 =	vlt.s32 v30, $0x4F;
	v29 =	vld [tilespmem:$0x3AD0]  }
0x20e: {  	[tilespmem:$0x5060] =	vst v24;
	v24 =	vadd.s32 v7, v25;
	v25 =	vnsel vm0, $0x4F, v30;
	vm0 =	vlt.s32 v31, $0x4F;
	v30 =	vld [tilespmem:$0x3AE0]  }
0x20f: {  	[tilespmem:$0x5070] =	vst v24;
	v24 =	vadd.s32 v8, v25;
	v25 =	vnsel vm0, $0x4F, v31;
	vm0 =	vlt.s32 v26, $0x4F;
	v31 =	vld [tilespmem:$0x3AF0]  }
0x210: {  	[tilespmem:$0x5080] =	vst v24;
	v24 =	vadd.s32 v9, v25;
	v25 =	vnsel vm0, $0x4F, v26;
	vm0 =	vlt.s32 v27, $0x4F;
	v26 =	vld [tilespmem:$0x3B00]  }
0x211: {  	[tilespmem:$0x5090] =	vst v24;
	v24 =	vadd.s32 v10, v25;
	v25 =	vnsel vm0, $0x4F, v27;
	vm0 =	vlt.s32 v28, $0x4F;
	v27 =	vld [tilespmem:$0x3B10]  }
0x212: {  	[tilespmem:$0x50A0] =	vst v24;
	v24 =	vadd.s32 v11, v25;
	v25 =	vnsel vm0, $0x4F, v28;
	vm0 =	vlt.s32 v29, $0x4F;
	v28 =	vld [tilespmem:$0x3B20]  }
0x213: {  	[tilespmem:$0x50B0] =	vst v24;
	v24 =	vadd.s32 v12, v25;
	v25 =	vnsel vm0, $0x4F, v29;
	vm0 =	vlt.s32 v30, $0x4F;
	v29 =	vld [tilespmem:$0x3B30]  }
0x214: {  	[tilespmem:$0x50C0] =	vst v24;
	v24 =	vadd.s32 v13, v25;
	v25 =	vnsel vm0, $0x4F, v30;
	vm0 =	vlt.s32 v31, $0x4F;
	v30 =	vld [tilespmem:$0x3B40]  }
0x215: {  	[tilespmem:$0x50D0] =	vst v24;
	v24 =	vadd.s32 v14, v25;
	v25 =	vnsel vm0, $0x4F, v31;
	vm0 =	vlt.s32 v26, $0x4F;
	v31 =	vld [tilespmem:$0x3B50]  }
0x216: {  	[tilespmem:$0x50E0] =	vst v24;
	v24 =	vadd.s32 v15, v25;
	v25 =	vnsel vm0, $0x4F, v26;
	vm0 =	vlt.s32 v27, $0x4F  }
0x217: {  	[tilespmem:$0x50F0] =	vst v24;
	v24 =	vadd.s32 v16, v25;
	v25 =	vnsel vm0, $0x4F, v27;
	vm0 =	vlt.s32 v28, $0x4F  }
0x218: {  	[tilespmem:$0x5100] =	vst v24;
	v24 =	vadd.s32 v17, v25;
	v25 =	vnsel vm0, $0x4F, v28;
	vm0 =	vlt.s32 v29, $0x4F  }
0x219: {  	[tilespmem:$0x5110] =	vst v24;
	v24 =	vadd.s32 v18, v25;
	v25 =	vnsel vm0, $0x4F, v29;
	vm0 =	vlt.s32 v30, $0x4F  }
0x21a: {  	[tilespmem:$0x5120] =	vst v24;
	v24 =	vadd.s32 v19, v25;
	v25 =	vnsel vm0, $0x4F, v30;
	vm0 =	vlt.s32 v31, $0x4F  }
0x21b: {  	[tilespmem:$0x5130] =	vst v24;
	v24 =	vadd.s32 v20, v25;
	v25 =	vnsel vm0, $0x4F, v31  }
0x21c: {  	[tilespmem:$0x5140] =	vst v24;
	v24 =	vadd.s32 v21, v25  }
0x21d: {  	s28 =	simm.s32 $0x5400;
	s1 =	simm.s32 $0x4C00;
	[tilespmem:$0x5150] =	vst v24  }
0x21e: {  	[tilespmem:s28], [sflag:$0x2] =	stream.indirect.gather [hbm4b:s3+s22], $0x1, s1, s22, $0xb8;
	[tilespmem:$0x5A00] =	vst v63  }
0x21f: {  	s1 =	simm.s32 $0x4C80;
	s28 =	simm.s32 $0x5480  }
0x220: {  	[tilespmem:s28], [sflag:$0x2] =	stream.indirect.gather [hbm4b:s3+s22], $0x1, s1, s22, $0xb8;
	[tilespmem:$0x5A00] =	vst v63  }
0x221: {  	s1 =	simm.s32 $0x4D00;
	s28 =	simm.s32 $0x5500  }
0x222: {  	[tilespmem:s28], [sflag:$0x2] =	stream.indirect.gather [hbm4b:s3+s22], $0x1, s1, s22, $0xb8;
	[tilespmem:$0x5A00] =	vst v63  }
0x223: {  	s1 =	simm.s32 $0x4D80;
	s28 =	simm.s32 $0x5580  }
0x224: {  	[tilespmem:s28], [sflag:$0x2] =	stream.indirect.gather [hbm4b:s3+s22], $0x1, s1, s22, $0xb8;
	[tilespmem:$0x5A00] =	vst v63  }
0x225: {  	s1 =	simm.s32 $0x4E00;
	s28 =	simm.s32 $0x5600  }
0x226: {  	[tilespmem:s28], [sflag:$0x2] =	stream.indirect.gather [hbm4b:s3+s22], $0x1, s1, s22, $0xb8;
	[tilespmem:$0x5A00] =	vst v63  }
0x227: {  	s1 =	simm.s32 $0x4E80;
	s28 =	simm.s32 $0x5680  }
0x228: {  	[tilespmem:s28], [sflag:$0x2] =	stream.indirect.gather [hbm4b:s3+s22], $0x1, s1, s22, $0xb8;
	[tilespmem:$0x5A00] =	vst v63  }
0x229: {  	s1 =	simm.s32 $0x4F00;
	s28 =	simm.s32 $0x5700  }
0x22a: {  	[tilespmem:s28], [sflag:$0x2] =	stream.indirect.gather [hbm4b:s3+s22], $0x1, s1, s22, $0xb8;
	[tilespmem:$0x5A00] =	vst v63  }
0x22b: {  	s1 =	simm.s32 $0x4F80;
	s28 =	simm.s32 $0x5780  }
0x22c: {  	[tilespmem:s28], [sflag:$0x2] =	stream.indirect.gather [hbm4b:s3+s22], $0x1, s1, s22, $0xb8;
	[tilespmem:$0x5A00] =	vst v63  }
0x22d: {  	s1 =	simm.s32 $0x5000;
	s28 =	simm.s32 $0x5800  }
0x22e: {  	[tilespmem:s28], [sflag:$0x2] =	stream.indirect.gather [hbm4b:s3+s22], $0x1, s1, s22, $0xb8;
	[tilespmem:$0x5A00] =	vst v63  }
0x22f: {  	s1 =	simm.s32 $0x5080;
	s28 =	simm.s32 $0x5880  }
0x230: {  	[tilespmem:s28], [sflag:$0x2] =	stream.indirect.gather [hbm4b:s3+s22], $0x1, s1, s22, $0xb8;
	[tilespmem:$0x5A00] =	vst v63  }
0x231: {  	_ = 	snop  }
0x232: {  	[tilespmem:s21], [sflag:$0x2] =	stream.indirect.gather [hbm4b:s3+s22], $0x1, s0, s22, $0xb8;
	[tilespmem:$0x5A00] =	vst v63  }
0x233: {  	_ =	swait.ge [sflag:s23], $0x80  }
0x234: {  	[sflag:s23] =	ssyncset.done $0x0  }
0x235: {  	[sflag:s23] =	ssyncadd.s32 $0xFFFFFF80  }
0x236: {  	_ =	swait.ge [sflag:s23], $0x80  }
0x237: {  	[sflag:s23] =	ssyncset.done $0x0  }
0x238: {  	[sflag:s23] =	ssyncadd.s32 $0xFFFFFF80  }
0x239: {  	_ =	swait.ge [sflag:s23], $0x80  }
0x23a: {  	[sflag:s23] =	ssyncset.done $0x0  }
0x23b: {  	[sflag:s23] =	ssyncadd.s32 $0xFFFFFF80  }
0x23c: {  	_ =	swait.ge [sflag:s23], $0x80  }
0x23d: {  	[sflag:s23] =	ssyncset.done $0x0  }
0x23e: {  	[sflag:s23] =	ssyncadd.s32 $0xFFFFFF80  }
0x23f: {  	_ =	swait.ge [sflag:s23], $0x80  }
0x240: {  	[sflag:s23] =	ssyncset.done $0x0  }
0x241: {  	[sflag:s23] =	ssyncadd.s32 $0xFFFFFF80  }
0x242: {  	_ =	swait.ge [sflag:s23], $0x80  }
0x243: {  	[sflag:s23] =	ssyncset.done $0x0  }
0x244: {  	[sflag:s23] =	ssyncadd.s32 $0xFFFFFF80  }
0x245: {  	_ =	swait.ge [sflag:s23], $0x80  }
0x246: {  	[sflag:s23] =	ssyncset.done $0x0  }
0x247: {  	[sflag:s23] =	ssyncadd.s32 $0xFFFFFF80  }
0x248: {  	_ =	swait.ge [sflag:s23], $0x80  }
0x249: {  	[sflag:s23] =	ssyncset.done $0x0  }
0x24a: {  	[sflag:s23] =	ssyncadd.s32 $0xFFFFFF80  }
0x24b: {  	_ =	swait.ge [sflag:s23], $0x80  }
0x24c: {  	[sflag:s23] =	ssyncset.done $0x0  }
0x24d: {  	[sflag:s23] =	ssyncadd.s32 $0xFFFFFF80  }
0x24e: {  	_ =	swait.ge [sflag:s23], $0x80  }
0x24f: {  	[sflag:s23] =	ssyncset.done $0x0  }
0x250: {  	[sflag:s23] =	ssyncadd.s32 $0xFFFFFF80  }
0x251: {  	_ =	swait.ge [sflag:s23], $0x80  }
0x252: {  	[sflag:s23] =	ssyncset.done $0x0  }
0x253: {  	s29 =	simm.s32 $0x0;
	[sflag:s23] =	ssyncadd.s32 $0xFFFFFF80  }
0x254: {  	v24 =	vld [tilespmem:s29+$0x4100]  }
0x255: {  	v25 =	vld [tilespmem:s29+$0x0]  }
0x256: {  	v26 =	vld [tilespmem:s29+$0x560]  }
0x257: {  	v27 =	vld [tilespmem:s29+$0xAC0]  }
0x258: {  	v28 =	vld [tilespmem:s29+$0x1020]  }
0x259: {  	v29 =	vld [tilespmem:s29+$0x1AE0]  }
0x25a: {  	v30 =	vld [tilespmem:s29+$0x2040]  }
0x25b: {  	v31 =	vld [tilespmem:s29+$0x25A0]  }
0x25c: {  	s28 =	sand.u32 $0x7F0, s2;
	v32 =	vld [tilespmem:s29+$0x4680]  }
0x25d: {  	v33 =	vld [tilespmem:s28+$0x1580]  }
0x25e: {  	v25 =	vmul.f32 $6.400000000e+01, v25;
	v26 =	vmul.f32 $6.400000000e+01, v26  }
0x25f: {  	v27 =	vmul.f32 $6.400000000e+01, v27;
	v28 =	vmul.f32 $6.400000000e+01, v28  }
0x260: {  	v29 =	vmul.f32 $6.400000000e+01, v29;
	v30 =	vmul.f32 $6.400000000e+01, v30;
	v25 =	vsub.f32 v24, v25  }
0x261: {  	v31 =	vmul.f32 $6.400000000e+01, v31;
	v26 =	vsub.f32 v32, v26;
	v27 =	vadd.f32 v27, v24  }
0x262: {  	v33 =	vmul.f32 $6.400000000e+01, v33;
	v29 =	vsub.f32 v32, v29;
	v28 =	vadd.f32 v28, v32  }
0x263: {  	v31 =	vadd.f32 v31, v32;
	v30 =	vadd.f32 v30, v24  }
0x264: {  	v24 =	vsub.f32 v24, v33;
	v45 =	vmax.f32 v26, v29;
	v26 =	vsub.f32 v28, v26  }
0x265: {  	v28 =	vmin.f32 v28, v31;
	v46 =	vsub.f32 v27, v25;
	v27 =	vmin.f32 v27, v30  }
0x266: {  	v29 =	vsub.f32 v31, v29;
	v25 =	vmax.f32 v25, v24;
	v24 =	vsub.f32 v30, v24  }
0x267: {  	v34 =	vld [tilespmem:s29+$0x2B00];
	v31 =	vsub.f32 v28, v45;
	v30 =	vsub.f32 v27, v25  }
0x268: {  	v26 =	vadd.f32 $1.000000000e+00, v26;
	v33 =	vadd.f32 $1.000000000e+00, v46  }
0x269: {  	v29 =	vadd.f32 $1.000000000e+00, v29;
	v24 =	vadd.f32 $1.000000000e+00, v24  }
0x26a: {  	v31 =	vadd.f32 $1.000000000e+00, v31  }
0x26b: {  	v35 =	vld [tilespmem:s29+$0x5400];
	v26 =	vmul.f32 v26, v33;
	v24 =	vmul.f32 v29, v24;
	v29 =	vadd.f32 $1.000000000e+00, v30  }
0x26c: {  	v30 =	vmax.f32 v34, $1.000000010e-07  }
0x26d: {  	v30 =	vmin.f32 v30, $9.999998800e-01;
	v29 =	vmul.f32 v31, v29;
	v24 =	vadd.f32 v24, v26  }
0x26e: {  	v26 =	vsub.f32 $1.000000000e+00, v30  }
0x26f: {  	vm0 =	vlt.f32 v25, v27;
	vm1 =	vlt.f32 v45, v28;
	v24 =	vsub.f32 v24, v29  }
0x270: {  	vm0 =	vmand vm0, vm1;
	v31 =	vmax.f32 v35, $9.999999930e-09;
	v47 =	vand.u32 $0x7FFFFF, v26  }
0x271: {  	s28 =	simm.s32 $0x10;
	v28 =	vmin.f32 v31, $1.000000000e+00;
	v25 =	vor.u32 $0x3F800000, v47;
	vm1 =	vgt.f32 v24, $0.0e+00  }
0x272: {  	s30 =	simm.s32 $0x10;
	v39 =	vld [tilespmem:s28+$0x0];
	v27 =	vadd.f32 $1.000000000e+00, v25;
	vm0 =	vmand vm0, vm1;
	vm1 =	vgt.f32 v29, $0.0e+00  }
0x273: {  	s30 =	sand.u32 $0x7F0, s30;
	v40 =	vld [tilespmem:s28+$0xAC0];
	v33 =	vsub.f32 $1.000000000e+00, v28;
	vm1 =	vmand vm1, vm0  }
0x274: {  	v57 =	vld [tilespmem:s30+$0x1580];
	(erf) = vrcp.f32 v27;
	v27 =	vand.u32 $0x7FFFFF, v30;
	v24 =	vnsel vm1, $0x3F800000, v24  }
0x275: {  	v45 =	vld [tilespmem:s28+$0x2040];
	(erf) = vrcp.f32 v24;
	v24 =	vor.u32 $0x3F800000, v27;
	v27 =	vand.u32 $0x7FFFFF, v33  }
0x276: {  	v48 =	vand.u32 $0x7FFFFF, v28;
	v31 =	vadd.f32 $1.000000000e+00, v24;
	v27 =	vor.u32 $0x3F800000, v27  }
0x277: {  	v39 =	vmul.f32 $6.400000000e+01, v39;
	v32 =	vor.u32 $0x3F800000, v48;
	v49 =	vadd.f32 $1.000000000e+00, v27  }
0x278: {  	v40 =	vmul.f32 $6.400000000e+01, v40;
	v50 =	vadd.f32 $1.000000000e+00, v32;
	(erf) = vrcp.f32 v31  }
0x279: {  	v34 =	vmul.f32 $6.400000000e+01, v57;
	v36 =	vshra.s32 v33, $0x17;
	(erf) = vrcp.f32 v49  }
0x27a: {  	v45 =	vmul.f32 $6.400000000e+01, v45;
	v47 =	vld [tilespmem:s28+$0x25A0];
	v36 =	vadd.s32 $0xFFFFFF81, v36;
	(erf) = vrcp.f32 v50  }
0x27b: {  	v52 =	vld [tilespmem:s28+$0x4100];
	v46 =	vmul.f32 $-2.500000000e-01, v33;
	v36 =	vcvt.s32.f32 v36;
	v51 =	vadd.f32 $-1.000000000e+00, v27  }
0x27c: {  	v31 =	vadd.f32 $-1.000000000e+00, v24;
	v24 =	vshra.s32 v26, $0x17;
	v26 =	vshra.s32 v30, $0x17  }
0x27d: {  	v27 =	vshra.s32 v28, $0x17;
	v24 =	vadd.s32 $0xFFFFFF81, v24;
	v26 =	vadd.s32 $0xFFFFFF81, v26  }
0x27e: {  	v37 =	vadd.s32 $0xFFFFFF81, v27;
	v24 =	vcvt.s32.f32 v24;
	v26 =	vcvt.s32.f32 v26  }
0x27f: {  	v55 =	vld [tilespmem:s28+$0x1AE0];
	v25 =	vadd.f32 $-1.000000000e+00, v25;
	v47 =	vmul.f32 $6.400000000e+01, v47;
	v37 =	vcvt.s32.f32 v37;
	v30 =	vpop (erf)  }
0x280: {  	v39 =	vsub.f32 v52, v39;
	v27 =	vmul.f32 $6.931471820e-01, v24;
	v24 =	vmul.f32 $6.931471820e-01, v26;
	v38 =	vpop (erf)  }
0x281: {  	v53 =	vld [tilespmem:s28+$0x560];
	v40 =	vadd.f32 v40, v52;
	v41 =	vmul.f32 v30, v25;
	v29 =	vmul.f32 v38, v29;
	v30 =	vpop (erf)  }
0x282: {  	v32 =	vadd.f32 $-1.000000000e+00, v32;
	v26 =	vmul.f32 $6.931471820e-01, v37;
	v43 =	vmul.f32 v30, v31;
	v30 =	vpop (erf)  }
0x283: {  	v44 =	vmul.f32 v41, v41;
	v42 =	vnsel vm1, $0x3F800000, v29;
	v29 =	vld [tilespmem:s28+$0x1020];
	v31 =	vmul.f32 v30, v51;
	v30 =	vpop (erf)  }
0x284: {  	v34 =	vsub.f32 v52, v34;
	v37 =	vmul.f32 $6.400000000e+01, v55;
	v32 =	vmul.f32 v30, v32;
	v30 =	vld [tilespmem:s28+$0x4680]  }
0x285: {  	v45 =	vadd.f32 v45, v52;
	v25 =	vmul.f32 $6.931471820e-01, v36;
	v49 =	vmul.f32 $2.857142980e-01, v44  }
0x286: {  	v38 =	vmul.f32 $6.400000000e+01, v53;
	v54 =	vand.u32 $0x7FFFFF, v42;
	v42 =	vshra.s32 v42, $0x17  }
0x287: {  	v36 =	vor.u32 $0x3F800000, v54;
	v49 =	vadd.f32 $4.000000060e-01, v49;
	v42 =	vadd.s32 $0xFFFFFF81, v42  }
0x288: {  	v56 =	vadd.f32 $1.000000000e+00, v36;
	v48 =	vmul.f32 v43, v43;
	v29 =	vmul.f32 $6.400000000e+01, v29  }
0x289: {  	v36 =	vadd.f32 $-1.000000000e+00, v36;
	v42 =	vcvt.s32.f32 v42;
	v38 =	vsub.f32 v30, v38  }
0x28a: {  	(erf) = vrcp.f32 v56;
	v37 =	vsub.f32 v30, v37;
	v29 =	vadd.f32 v29, v30  }
0x28b: {  	v50 =	vmul.f32 v31, v31;
	v57 =	vmul.f32 v49, v44;
	v47 =	vadd.f32 v47, v30  }
0x28c: {  	v60 =	vmul.f32 $2.857142980e-01, v48;
	v35 =	vmax.f32 v38, v37;
	v38 =	vsub.f32 v29, v38  }
0x28d: {  	v51 =	vmin.f32 v29, v47;
	v29 =	vsub.f32 v40, v39;
	v40 =	vmin.f32 v40, v45  }
0x28e: {  	v30 =	vld [tilespmem:s29+$0x3080];
	v37 =	vsub.f32 v47, v37;
	v39 =	vmax.f32 v39, v34;
	v34 =	vsub.f32 v45, v34  }
0x28f: {  	v53 =	vmul.f32 $2.857142980e-01, v50;
	v58 =	vsub.f32 v51, v35;
	v59 =	vsub.f32 v40, v39  }
0x290: {  	vm0 =	vlt.f32 v39, v40;
	v38 =	vadd.f32 $1.000000000e+00, v38;
	v29 =	vadd.f32 $1.000000000e+00, v29  }
0x291: {  	vm2 =	vlt.f32 v35, v51;
	v37 =	vadd.f32 $1.000000000e+00, v37;
	v34 =	vadd.f32 $1.000000000e+00, v34  }
0x292: {  	vm0 =	vmand vm0, vm2;
	v47 =	vadd.f32 $1.000000000e+00, v58;
	v54 =	vadd.f32 $1.000000000e+00, v59  }
0x293: {  	v45 =	vsub.f32 $1.000000000e+00, v30;
	v52 =	vpop (erf);
	v29 =	vmul.f32 v38, v29;
	v34 =	vmul.f32 v37, v34  }
0x294: {  	v58 =	vadd.f32 $4.000000060e-01, v53;
	v37 =	vmul.f32 v32, v32;
	v36 =	vmul.f32 v52, v36  }
0x295: {  	v38 =	vmul.f32 v47, v54;
	v47 =	vmul.f32 $7.500000000e-01, v28;
	v52 =	vadd.f32 $4.000000060e-01, v60  }
0x296: {  	v54 =	vmul.f32 v58, v50;
	v34 =	vadd.f32 v34, v29;
	v56 =	vmul.f32 $2.857142980e-01, v37  }
0x297: {  	v29 =	vmul.f32 v46, v33;
	v46 =	vadd.f32 $6.666666860e-01, v57;
	v33 =	vmul.f32 v36, v36  }
0x298: {  	v55 =	vld [tilespmem:s29+$0x3600];
	v60 =	vmul.f32 v52, v48;
	v34 =	vsub.f32 v34, v38;
	v40 =	vadd.f32 $4.000000060e-01, v56  }
0x299: {  	v44 =	vmul.f32 v46, v44;
	v46 =	vmul.f32 v47, v28;
	v28 =	vadd.f32 $6.666666860e-01, v54  }
0x29a: {  	v57 =	vld [tilespmem:s28+$0x5400];
	v59 =	vmul.f32 $2.857142980e-01, v33;
	v51 =	vadd.f32 $6.666666860e-01, v60;
	vm2 =	vgt.f32 v34, $0.0e+00  }
0x29b: {  	v40 =	vmul.f32 v40, v37;
	v44 =	vadd.f32 $2.000000000e+00, v44;
	v28 =	vmul.f32 v28, v50  }
0x29c: {  	v35 =	vadd.f32 $4.000000060e-01, v59;
	vm0 =	vmand vm0, vm2;
	vm2 =	vgt.f32 v38, $0.0e+00  }
0x29d: {  	v50 =	vmul.f32 $6.931471820e-01, v42;
	vm0 =	vmand vm2, vm0;
	vm2 =	vlt.s32 v55, $0x50;
	v55 =	vld [tilespmem:s28+$0x2B00]  }
0x29e: {  	v56 =	vmul.f32 v51, v48;
	v40 =	vadd.f32 $6.666666860e-01, v40;
	v35 =	vmul.f32 v35, v33  }
0x29f: {  	v51 =	vmax.f32 v57, $9.999999930e-09;
	v60 =	vmul.f32 v44, v41;
	v28 =	vadd.f32 $2.000000000e+00, v28  }
0x2a0: {  	v58 =	vadd.f32 $2.000000000e+00, v56;
	v37 =	vmul.f32 v40, v37;
	v35 =	vadd.f32 $6.666666860e-01, v35  }
0x2a1: {  	v34 =	vnsel vm0, $0x3F800000, v34;
	v27 =	vadd.f32 v60, v27;
	v28 =	vmul.f32 v28, v31  }
0x2a2: {  	v37 =	vadd.f32 $2.000000000e+00, v37;
	v33 =	vmul.f32 v35, v33;
	v59 =	vmax.f32 v55, $1.000000010e-07  }
0x2a3: {  	v25 =	vadd.f32 v28, v25;
	v35 =	vmul.f32 v58, v43;
	v39 =	vmin.f32 v59, $9.999998800e-01  }
0x2a4: {  	v31 =	vmul.f32 v37, v32;
	v33 =	vadd.f32 $2.000000000e+00, v33;
	v41 =	vsub.f32 $1.000000000e+00, v39  }
0x2a5: {  	v54 =	vand.u32 $0x7FFFFF, v39;
	v24 =	vadd.f32 v35, v24;
	v35 =	vmul.f32 v27, v45  }
0x2a6: {  	v39 =	vshra.s32 v39, $0x17;
	v43 =	vor.u32 $0x3F800000, v54;
	v31 =	vadd.f32 v31, v26  }
0x2a7: {  	v33 =	vmul.f32 v33, v36;
	v52 =	vand.u32 $0x7FFFFF, v41;
	v36 =	vmin.f32 v51, $1.000000000e+00  }
0x2a8: {  	v58 =	vadd.f32 $1.000000000e+00, v43;
	v53 =	vor.u32 $0x3F800000, v52;
	v44 =	vsub.f32 $1.000000000e+00, v36  }
0x2a9: {  	v39 =	vadd.s32 $0xFFFFFF81, v39;
	v28 =	vadd.f32 $-1.000000000e+00, v43;
	v55 =	vadd.f32 $1.000000000e+00, v53  }
0x2aa: {  	v39 =	vcvt.s32.f32 v39;
	v30 =	vmul.f32 v24, v30;
	v57 =	vand.u32 $0x7FFFFF, v44  }
0x2ab: {  	v59 =	vand.u32 $0x7FFFFF, v36;
	(erf) = vrcp.f32 v55;
	v49 =	vor.u32 $0x3F800000, v57  }
0x2ac: {  	v52 =	vshra.s32 v41, $0x17;
	(erf) = vrcp.f32 v34;
	v60 =	vadd.f32 $1.000000000e+00, v49  }
0x2ad: {  	v56 =	vld [tilespmem:s29+$0x3B80];
	v29 =	vmul.f32 v31, v29;
	v34 =	vor.u32 $0x3F800000, v59;
	(erf) = vrcp.f32 v58  }
0x2ae: {  	v33 =	vadd.f32 v33, v50;
	v50 =	vadd.f32 $1.000000000e+00, v34;
	(erf) = vrcp.f32 v60  }
0x2af: {  	v26 =	vadd.f32 $-1.000000000e+00, v53;
	v37 =	vadd.s32 $0xFFFFFF81, v52;
	v30 =	vadd.f32 v35, v30  }
0x2b0: {  	v52 =	vmul.f32 $6.931471820e-01, v39;
	v33 =	vsub.f32 $0.0e+00, v33;
	(erf) = vrcp.f32 v50  }
0x2b1: {  	v55 =	vcvt.s32.f32 v37;
	v57 =	vmul.f32 $-2.500000000e-01, v44;
	v30 =	vsub.f32 $0.0e+00, v30  }
0x2b2: {  	v51 =	vadd.f32 $-1.000000000e+00, v49;
	v33 =	vnsel vm1, $0x0, v33;
	vm1 =	veq.f32 v56, $1.000000000e+00  }
0x2b3: {  	v59 =	vmul.f32 $7.500000000e-01, v36;
	v45 =	vmul.f32 $6.931471820e-01, v55;
	v32 =	vsel vm1, $0x3F800000, v23  }
0x2b4: {  	v34 =	vadd.f32 $-1.000000000e+00, v34;
	v24 =	vmul.f32 v57, v44;
	v33 =	vmul.f32 v33, v32;
	v53 =	vpop (erf)  }
0x2b5: {  	v58 =	vshra.s32 v36, $0x17;
	v30 =	vmul.f32 v30, v32;
	v54 =	vpop (erf);
	v42 =	vmul.f32 v53, v26  }
0x2b6: {  	v27 =	vadd.f32 v33, v23;
	v26 =	vmul.f32 v54, v38;
	v38 =	vshra.s32 v44, $0x17;
	v56 =	vpop (erf)  }
0x2b7: {  	v41 =	vmul.f32 v56, v28;
	v43 =	vmul.f32 v42, v42;
	v28 =	vpop (erf);
	v38 =	vadd.s32 $0xFFFFFF81, v38  }
0x2b8: {  	v37 =	vnsel vm0, $0x3F800000, v26;
	v33 =	vmul.f32 v28, v51;
	v51 =	vadd.s32 $0xFFFFFF81, v58  }
0x2b9: {  	v28 =	vpop (erf);
	v38 =	vcvt.s32.f32 v38;
	v26 =	vand.u32 $0x7FFFFF, v37;
	v40 =	vmul.f32 v41, v41  }
0x2ba: {  	v49 =	vmul.f32 v28, v34;
	v47 =	vor.u32 $0x3F800000, v26;
	v26 =	vmul.f32 $2.857142980e-01, v43  }
0x2bb: {  	v56 =	vld [tilespmem:s28+$0x3600];
	v53 =	vcvt.s32.f32 v51;
	v34 =	vmul.f32 v33, v33  }
0x2bc: {  	v28 =	vadd.f32 $1.000000000e+00, v47;
	v50 =	vmul.f32 $2.857142980e-01, v40;
	v26 =	vadd.f32 $4.000000060e-01, v26  }
0x2bd: {  	vm2 =	vmmov vm2;
	v54 =	vmul.f32 v49, v49;
	v57 =	vmul.f32 $2.857142980e-01, v34  }
0x2be: {  	v31 =	vadd.f32 $-1.000000000e+00, v47;
	(erf) = vrcp.f32 v28;
	v60 =	vmul.f32 v26, v43  }
0x2bf: {  	v50 =	vadd.f32 $4.000000060e-01, v50;
	v26 =	vmul.f32 v59, v36;
	v59 =	vmul.f32 $2.857142980e-01, v54  }
0x2c0: {  	s29 =	simm.s32 $0x20;
	vm1 =	vlt.s32 v56, $0x50;
	v28 =	vld [tilespmem:s28+$0x3080];
	v36 =	vadd.f32 $4.000000060e-01, v57;
	v58 =	vadd.f32 $6.666666860e-01, v60  }
0x2c1: {  	v60 =	vmul.f32 v50, v40;
	v35 =	vadd.f32 $4.000000060e-01, v59;
	v50 =	vmul.f32 $6.931471820e-01, v53;
	v53 =	vld [tilespmem:s29+$0x1020]  }
0x2c2: {  	v56 =	vmul.f32 v25, v46;
	v25 =	vadd.f32 v32, v23;
	v36 =	vmul.f32 v36, v34  }
0x2c3: {  	v46 =	vld [tilespmem:s29+$0x0];
	v43 =	vmul.f32 v58, v43;
	v55 =	vadd.f32 $6.666666860e-01, v60;
	v35 =	vmul.f32 v35, v54  }
0x2c4: {  	v44 =	vmul.f32 $6.931471820e-01, v38;
	v29 =	vadd.f32 v56, v29;
	v36 =	vadd.f32 $6.666666860e-01, v36  }
0x2c5: {  	v38 =	vmul.f32 v55, v40;
	v40 =	vld [tilespmem:s29+$0x4100];
	v35 =	vadd.f32 $6.666666860e-01, v35;
	v57 =	vadd.f32 $2.000000000e+00, v43  }
0x2c6: {  	v51 =	vld [tilespmem:s29+$0xAC0];
	v48 =	vsub.f32 $1.000000000e+00, v28;
	v34 =	vmul.f32 v36, v34;
	v47 =	vmul.f32 $6.400000000e+01, v53  }
0x2c7: {  	v43 =	vld [tilespmem:s29+$0x560];
	v58 =	vadd.f32 $2.000000000e+00, v38;
	v35 =	vmul.f32 v35, v54;
	v36 =	vmul.f32 v57, v42;
	v59 =	vpop (erf)  }
0x2c8: {  	v55 =	vld [tilespmem:s29+$0x25A0];
	v34 =	vadd.f32 $2.000000000e+00, v34;
	v38 =	vmul.f32 v59, v31;
	v59 =	vmul.f32 $6.400000000e+01, v46  }
0x2c9: {  	v57 =	vld [tilespmem:s29+$0x2040];
	v31 =	vmul.f32 v58, v41;
	v35 =	vadd.f32 $2.000000000e+00, v35;
	v36 =	vadd.f32 v36, v45  }
0x2ca: {  	s30 =	simm.s32 $0x20;
	v41 =	vld [tilespmem:s29+$0x1AE0];
	v60 =	vmul.f32 v34, v33;
	v39 =	vmul.f32 v38, v38;
	v45 =	vsub.f32 v40, v59  }
0x2cb: {  	s31 =	sand.u32 $0x7F0, s30;
	v42 =	vld [tilespmem:s29+$0x4680];
	v34 =	vadd.f32 v31, v52;
	v58 =	vmul.f32 v35, v49;
	v33 =	vmul.f32 v36, v48  }
0x2cc: {  	v46 =	vld [tilespmem:s31+$0x1580];
	v31 =	vadd.f32 v60, v44;
	v36 =	vnsel vm2, $0x0, v29;
	v49 =	vmul.f32 $6.400000000e+01, v43  }
0x2cd: {  	v43 =	vld [tilespmem:s29+$0x2B00];
	v29 =	vadd.f32 v30, v23;
	v30 =	vimm.f32 $0.0e+00;
	v60 =	vmul.f32 $2.857142980e-01, v39  }
0x2ce: {  	v35 =	vld [tilespmem:s29+$0x3080];
	v52 =	vmul.f32 $6.400000000e+01, v57;
	v32 =	vadd.f32 v58, v50;
	v50 =	vmul.f32 $6.400000000e+01, v51  }
0x2cf: {  	s31 =	simm.s32 $0xC0;
	v51 =	vmul.f32 $6.400000000e+01, v55;
	v48 =	vmul.f32 $6.400000000e+01, v41;
	v41 =	vld [tilespmem:s29+$0x5400];
	v44 =	vadd.f32 $4.000000060e-01, v60  }
.LBB2_2:
0x2d0: {  	v49 =	vsub.f32 v42, v49  }
0x2d1: {  	p0 =	sne.s32 s31, $0x1540;
	v50 =	vadd.f32 v50, v40;
	v53 =	vld [tilespmem:s29+$0x3600];
	v44 =	vmul.f32 v44, v39;
	vm2 =	vmmov vm1  }
0x2d2: {  	v47 =	vadd.f32 v47, v42;
	v46 =	vmul.f32 $6.400000000e+01, v46;
	v52 =	vadd.f32 v52, v40  }
0x2d3: {  	v48 =	vsub.f32 v42, v48;
	v43 =	vmax.f32 v43, $1.000000010e-07;
	v44 =	vadd.f32 $6.666666860e-01, v44  }
0x2d4: {  	v42 =	vadd.f32 v51, v42;
	v40 =	vsub.f32 v40, v46;
	v46 =	vmin.f32 v50, v52  }
0x2d5: {  	v37 =	vshra.s32 v37, $0x17;
	v51 =	vmax.f32 v49, v48;
	v39 =	vmul.f32 v44, v39  }
0x2d6: {  	v37 =	vadd.s32 $0xFFFFFF81, v37;
	v44 =	vsub.f32 v47, v49;
	v47 =	vmin.f32 v47, v42  }
0x2d7: {  	v37 =	vcvt.s32.f32 v37;
	v49 =	vsub.f32 v50, v45;
	v39 =	vadd.f32 $2.000000000e+00, v39  }
0x2d8: {  	v42 =	vsub.f32 v42, v48;
	v45 =	vmax.f32 v45, v40;
	v48 =	vsub.f32 v47, v51;
	v50 =	vld [tilespmem:s28+$0x3B80];
	s28 =	smov.u32 s29  }
0x2d9: {  	v37 =	vmul.f32 $6.931471820e-01, v37;
	v40 =	vsub.f32 v52, v40;
	v38 =	vmul.f32 v39, v38  }
0x2da: {  	v43 =	vmin.f32 v43, $9.999998800e-01;
	v39 =	vadd.f32 $1.000000000e+00, v44;
	v44 =	vsub.f32 v46, v45  }
0x2db: {  	v41 =	vmax.f32 v41, $9.999999930e-09;
	v49 =	vadd.f32 $1.000000000e+00, v49;
	v37 =	vadd.f32 v38, v37  }
0x2dc: {  	v40 =	vadd.f32 $1.000000000e+00, v40;
	v38 =	vadd.f32 $1.000000000e+00, v42;
	v42 =	vand.u32 $0x7FFFFF, v43  }
0x2dd: {  	v48 =	vadd.f32 $1.000000000e+00, v48;
	v37 =	vsub.f32 $0.0e+00, v37;
	vm1 =	veq.f32 v50, $1.000000000e+00  }
0x2de: {  	v49 =	vmul.f32 v39, v49;
	v38 =	vmul.f32 v38, v40;
	v40 =	vadd.f32 $1.000000000e+00, v44  }
0x2df: {  	v44 =	vsub.f32 $1.000000000e+00, v43;
	v39 =	vsel vm1, $0x3F800000, v23;
	v37 =	vnsel vm0, $0x0, v37  }
0x2e0: {  	v40 =	vmul.f32 v48, v40;
	v38 =	vadd.f32 v38, v49;
	v37 =	vmul.f32 v37, v39  }
0x2e1: {  	v41 =	vmin.f32 v41, $1.000000000e+00;
	v42 =	vor.u32 $0x3F800000, v42;
	v48 =	vand.u32 $0x7FFFFF, v44  }
0x2e2: {  	v48 =	vor.u32 $0x3F800000, v48;
	v38 =	vsub.f32 v38, v40;
	v27 =	vadd.f32 v37, v27  }
0x2e3: {  	vm1 =	vlt.f32 v51, v47;
	vm0 =	vlt.f32 v45, v46;
	v45 =	vsub.f32 $1.000000000e+00, v41  }
0x2e4: {  	vm0 =	vmand vm0, vm1;
	v37 =	vadd.f32 $1.000000000e+00, v48;
	vm1 =	vgt.f32 v38, $0.0e+00  }
0x2e5: {  	v46 =	vadd.f32 $1.000000000e+00, v42;
	vm0 =	vmand vm0, vm1;
	vm1 =	vgt.f32 v40, $0.0e+00  }
0x2e6: {  	v47 =	vand.u32 $0x7FFFFF, v41;
	v49 =	vand.u32 $0x7FFFFF, v45;
	vm0 =	vmand vm1, vm0  }
0x2e7: {  	v49 =	vor.u32 $0x3F800000, v49;
	v38 =	vnsel vm0, $0x3F800000, v38;
	(erf) = vrcp.f32 v37  }
0x2e8: {  	v37 =	vor.u32 $0x3F800000, v47;
	v47 =	vadd.f32 $1.000000000e+00, v49;
	(erf) = vrcp.f32 v38  }
0x2e9: {  	v38 =	vadd.f32 $-1.000000000e+00, v48;
	v48 =	vadd.f32 $1.000000000e+00, v37;
	(erf) = vrcp.f32 v46  }
0x2ea: {  	v42 =	vadd.f32 $-1.000000000e+00, v42;
	v46 =	vadd.f32 $-1.000000000e+00, v49;
	(erf) = vrcp.f32 v47  }
0x2eb: {  	v44 =	vshra.s32 v44, $0x17;
	v47 =	vadd.f32 $-1.000000000e+00, v37;
	(erf) = vrcp.f32 v48  }
0x2ec: {  	v37 =	vshra.s32 v43, $0x17;
	v43 =	vadd.s32 $0xFFFFFF81, v44;
	v44 =	vshra.s32 v45, $0x17  }
0x2ed: {  	v37 =	vadd.s32 $0xFFFFFF81, v37;
	v43 =	vcvt.s32.f32 v43;
	v48 =	vshra.s32 v41, $0x17  }
0x2ee: {  	v44 =	vadd.s32 $0xFFFFFF81, v44;
	v37 =	vcvt.s32.f32 v37;
	v51 =	vadd.s32 $0xFFFFFF81, v48  }
0x2ef: {  	v49 =	vsub.f32 $1.000000000e+00, v35;
	v44 =	vcvt.s32.f32 v44;
	v43 =	vmul.f32 $6.931471820e-01, v43  }
0x2f0: {  	vm1 =	vlt.s32 v53, $0x50;
	v51 =	vcvt.s32.f32 v51;
	v50 =	vmul.f32 $6.931471820e-01, v37;
	v48 =	vpop (erf)  }
0x2f1: {  	v30 =	vadd.f32 v36, v30;
	v44 =	vmul.f32 $6.931471820e-01, v44;
	v38 =	vmul.f32 v48, v38;
	v48 =	vpop (erf)  }
0x2f2: {  	v25 =	vadd.f32 v39, v25;
	v36 =	vmul.f32 v48, v40;
	v48 =	vmul.f32 $6.931471820e-01, v51;
	v37 =	vpop (erf)  }
0x2f3: {  	v42 =	vmul.f32 v37, v42;
	v51 =	vmul.f32 v38, v38;
	v40 =	vpop (erf)  }
0x2f4: {  	v37 =	vnsel vm0, $0x3F800000, v36;
	v36 =	vmul.f32 $-2.500000000e-01, v45;
	v46 =	vmul.f32 v40, v46;
	v40 =	vpop (erf)  }
0x2f5: {  	v52 =	vand.u32 $0x7FFFFF, v37;
	v53 =	vmul.f32 v42, v42;
	v47 =	vmul.f32 v40, v47  }
0x2f6: {  	v40 =	vmul.f32 $2.857142980e-01, v51;
	v52 =	vor.u32 $0x3F800000, v52;
	v54 =	vmul.f32 v46, v46  }
0x2f7: {  	v55 =	vadd.f32 $1.000000000e+00, v52;
	v56 =	vmul.f32 $2.857142980e-01, v53;
	v57 =	vmul.f32 v47, v47  }
0x2f8: {  	v58 =	vmul.f32 $7.500000000e-01, v41;
	v40 =	vadd.f32 $4.000000060e-01, v40;
	v59 =	vmul.f32 $2.857142980e-01, v54  }
0x2f9: {  	v56 =	vadd.f32 $4.000000060e-01, v56;
	v60 =	vmul.f32 $2.857142980e-01, v57;
	(erf) = vrcp.f32 v55  }
0x2fa: {  	v34 =	vmul.f32 v34, v28;
	v28 =	vmovc v35;
	v40 =	vmul.f32 v40, v51;
	v55 =	vadd.f32 $4.000000060e-01, v59  }
0x2fb: {  	v36 =	vmul.f32 v36, v45;
	v35 =	vmul.f32 v56, v53;
	v45 =	vadd.f32 $4.000000060e-01, v60  }
0x2fc: {  	v41 =	vmul.f32 v58, v41;
	v56 =	vadd.f32 $6.666666860e-01, v40;
	v55 =	vmul.f32 v55, v54  }
0x2fd: {  	v33 =	vadd.f32 v33, v34;
	s29 =	sshra.s32 s31, $0x2;
	v35 =	vadd.f32 $6.666666860e-01, v35;
	v45 =	vmul.f32 v45, v57  }
0x2fe: {  	v31 =	vmul.f32 v31, v26;
	v26 =	vmovc v41;
	v34 =	vmul.f32 v56, v51;
	v40 =	vld [tilespmem:s29+$0x4100];
	v51 =	vadd.f32 $6.666666860e-01, v55  }
0x2ff: {  	v32 =	vmul.f32 v32, v24;
	v24 =	vmovc v36;
	v41 =	vld [tilespmem:s29+$0x0];
	v35 =	vmul.f32 v35, v53;
	v45 =	vadd.f32 $6.666666860e-01, v45  }
0x300: {  	v33 =	vsub.f32 $0.0e+00, v33;
	v34 =	vadd.f32 $2.000000000e+00, v34;
	v53 =	vld [tilespmem:s29+$0x560];
	v36 =	vmul.f32 v51, v54  }
0x301: {  	v52 =	vadd.f32 $-1.000000000e+00, v52;
	v51 =	vld [tilespmem:s29+$0xAC0];
	v35 =	vadd.f32 $2.000000000e+00, v35;
	v45 =	vmul.f32 v45, v57  }
0x302: {  	v32 =	vadd.f32 v31, v32;
	v34 =	vmul.f32 v34, v38;
	v54 =	vld [tilespmem:s29+$0x1020];
	v36 =	vadd.f32 $2.000000000e+00, v36;
	v38 =	vpop (erf)  }
0x303: {  	v55 =	vld [tilespmem:s29+$0x1AE0];
	v38 =	vmul.f32 v38, v52;
	v31 =	vmul.f32 v35, v42;
	v35 =	vadd.f32 $2.000000000e+00, v45  }
0x304: {  	v43 =	vadd.f32 v34, v43;
	v52 =	vmul.f32 v33, v39;
	v45 =	vld [tilespmem:s29+$0x2040];
	v36 =	vmul.f32 v36, v46  }
0x305: {  	s30 =	sadd.s32 $0x10, s30;
	v56 =	vld [tilespmem:s29+$0x25A0];
	v39 =	vmul.f32 v38, v38;
	v34 =	vadd.f32 v31, v50;
	v35 =	vmul.f32 v35, v47  }
.Ltmp0:
0x306: {  	s1 =	sand.u32 $0x7F0, s30;
	v33 =	vmul.f32 v43, v49;
	v42 =	vld [tilespmem:s29+$0x4680];
	v31 =	vadd.f32 v36, v44;
	v36 =	vnsel vm2, $0x0, v32;
	(pc) =	sbr.rel @p0 .LBB2_2-.Ltmp0, $4  }
0x307: {  	v57 =	vmul.f32 $6.400000000e+01, v41;
	v46 =	vld [tilespmem:s1+$0x1580];
	v44 =	vmul.f32 $2.857142980e-01, v39;
	v32 =	vadd.f32 v35, v48  }
0x308: {  	v49 =	vmul.f32 $6.400000000e+01, v53;
	v29 =	vadd.f32 v52, v29;
	v50 =	vmul.f32 $6.400000000e+01, v51;
	v43 =	vld [tilespmem:s29+$0x2B00]  }
0x309: {  	v47 =	vmul.f32 $6.400000000e+01, v54;
	v48 =	vmul.f32 $6.400000000e+01, v55;
	v41 =	vld [tilespmem:s29+$0x5400];
	v44 =	vadd.f32 $4.000000060e-01, v44  }
0x30a: {  	s31 =	sadd.s32 $0x40, s31;
	v52 =	vmul.f32 $6.400000000e+01, v45;
	v45 =	vsub.f32 v40, v57;
	v51 =	vmul.f32 $6.400000000e+01, v56;
	v35 =	vld [tilespmem:s29+$0x3080]  }
0x30b: {  	v49 =	vsub.f32 v42, v49  }
0x30c: {  	v48 =	vsub.f32 v42, v48;
	v47 =	vadd.f32 v47, v42  }
0x30d: {  	v50 =	vadd.f32 v50, v40;
	v46 =	vmul.f32 $6.400000000e+01, v46;
	v59 =	vadd.f32 v51, v42  }
0x30e: {  	v51 =	vadd.f32 v52, v40;
	v56 =	vmax.f32 v49, v48;
	v49 =	vsub.f32 v47, v49  }
0x30f: {  	v57 =	vsub.f32 v50, v45;
	v60 =	vsub.f32 v40, v46;
	v47 =	vmin.f32 v47, v59  }
0x310: {  	v42 =	vsub.f32 v59, v48;
	v58 =	vsub.f32 v47, v56  }
0x311: {  	v50 =	vmin.f32 v50, v51;
	v49 =	vadd.f32 $1.000000000e+00, v49;
	v40 =	vsub.f32 v51, v60  }
0x312: {  	v52 =	vadd.f32 $1.000000000e+00, v57;
	v59 =	vmax.f32 v45, v60;
	v42 =	vadd.f32 $1.000000000e+00, v42  }
0x313: {  	v60 =	vsub.f32 v50, v59;
	v40 =	vadd.f32 $1.000000000e+00, v40  }
0x314: {  	v48 =	vadd.f32 $1.000000000e+00, v58  }
0x315: {  	v49 =	vmul.f32 v49, v52;
	v52 =	vadd.f32 $1.000000000e+00, v60;
	v40 =	vmul.f32 v42, v40  }
0x316: {  	v43 =	vmax.f32 v43, $1.000000010e-07  }
0x317: {  	v43 =	vmin.f32 v43, $9.999998800e-01;
	v42 =	vmul.f32 v48, v52;
	v40 =	vadd.f32 v40, v49  }
0x318: {  	v48 =	vsub.f32 $1.000000000e+00, v43  }
0x319: {  	v40 =	vsub.f32 v40, v42  }
0x31a: {  	vm3 =	vlt.f32 v56, v47;
	vm2 =	vlt.f32 v59, v50;
	v53 =	vand.u32 $0x7FFFFF, v48  }
0x31b: {  	vm2 =	vmand vm2, vm3;
	v45 =	vor.u32 $0x3F800000, v53;
	vm9 =	vgt.f32 v40, $0.0e+00  }
0x31c: {  	vm10 =	vgt.f32 v42, $0.0e+00;
	v54 =	vadd.f32 $1.000000000e+00, v45;
	vm2 =	vmand vm2, vm9  }
0x31d: {  	vm2 =	vmand vm10, vm2  }
0x31e: {  	v44 =	vmul.f32 v44, v39;
	(erf) = vrcp.f32 v54;
	v40 =	vnsel vm2, $0x3F800000, v40  }
0x31f: {  	(erf) = vrcp.f32 v40  }
0x320: {  	v55 =	vadd.f32 $6.666666860e-01, v44;
	_ =	sdelay $0x1  }
0x321: {  	v56 =	vmul.f32 v55, v39  }
0x322: {  	v37 =	vshra.s32 v37, $0x17;
	v46 =	vld [tilespmem:s28+$0x3B80]  }
0x323: {  	v28 =	vmul.f32 v34, v28;
	v37 =	vadd.s32 $0xFFFFFF81, v37;
	v39 =	vadd.f32 $2.000000000e+00, v56  }
0x324: {  	v26 =	vmul.f32 v31, v26;
	v37 =	vcvt.s32.f32 v37;
	v57 =	vmax.f32 v41, $9.999999930e-09  }
0x325: {  	v58 =	vand.u32 $0x7FFFFF, v43;
	v38 =	vmul.f32 v39, v38;
	v39 =	vmin.f32 v57, $1.000000000e+00  }
0x326: {  	v24 =	vmul.f32 v32, v24;
	v41 =	vor.u32 $0x3F800000, v58;
	v44 =	vsub.f32 $1.000000000e+00, v39;
	v40 =	vpop (erf)  }
0x327: {  	v37 =	vmul.f32 $6.931471820e-01, v37;
	v60 =	vadd.f32 $1.000000000e+00, v41;
	vm11 =	veq.f32 v46, $1.000000000e+00;
	v59 =	vpop (erf)  }
0x328: {  	v41 =	vadd.f32 $-1.000000000e+00, v41;
	v55 =	vand.u32 $0x7FFFFF, v44;
	v42 =	vmul.f32 v59, v42  }
0x329: {  	v56 =	vand.u32 $0x7FFFFF, v39;
	v46 =	vsel vm11, $0x3F800000, v23;
	v47 =	vor.u32 $0x3F800000, v55  }
0x32a: {  	v37 =	vadd.f32 v38, v37;
	v57 =	vadd.f32 $1.000000000e+00, v47;
	v42 =	vnsel vm2, $0x3F800000, v42  }
0x32b: {  	v49 =	vor.u32 $0x3F800000, v56;
	(erf) = vrcp.f32 v60;
	v58 =	vand.u32 $0x7FFFFF, v42  }
0x32c: {  	(erf) = vrcp.f32 v57;
	v59 =	vadd.f32 $1.000000000e+00, v49;
	v60 =	vor.u32 $0x3F800000, v58  }
0x32d: {  	v43 =	vshra.s32 v43, $0x17;
	v56 =	vshra.s32 v44, $0x17;
	v55 =	vadd.f32 $1.000000000e+00, v60  }
0x32e: {  	v43 =	vadd.s32 $0xFFFFFF81, v43;
	v37 =	vsub.f32 $0.0e+00, v37;
	(erf) = vrcp.f32 v59  }
0x32f: {  	v48 =	vshra.s32 v48, $0x17;
	v50 =	vadd.s32 $0xFFFFFF81, v56;
	(erf) = vrcp.f32 v55  }
0x330: {  	v43 =	vcvt.s32.f32 v43;
	v48 =	vadd.s32 $0xFFFFFF81, v48;
	v50 =	vcvt.s32.f32 v50  }
0x331: {  	v37 =	vnsel vm0, $0x0, v37;
	v45 =	vadd.f32 $-1.000000000e+00, v45;
	v48 =	vcvt.s32.f32 v48  }
0x332: {  	v43 =	vmul.f32 $6.931471820e-01, v43;
	v37 =	vmul.f32 v37, v46;
	v57 =	vshra.s32 v39, $0x17  }
0x333: {  	v50 =	vmul.f32 $6.931471820e-01, v50;
	v40 =	vmul.f32 v40, v45;
	v51 =	vadd.s32 $0xFFFFFF81, v57  }
0x334: {  	v47 =	vadd.f32 $-1.000000000e+00, v47;
	v53 =	vld [tilespmem:s29+$0x3600];
	v48 =	vmul.f32 $6.931471820e-01, v48;
	v51 =	vcvt.s32.f32 v51;
	v58 =	vpop (erf)  }
0x335: {  	v45 =	vmul.f32 v40, v40;
	v41 =	vmul.f32 v58, v41;
	v59 =	vpop (erf)  }
0x336: {  	v27 =	vadd.f32 v37, v27;
	v51 =	vmul.f32 $6.931471820e-01, v51;
	v47 =	vmul.f32 v59, v47  }
0x337: {  	v38 =	vadd.f32 $-1.000000000e+00, v60;
	v55 =	vmul.f32 $-2.500000000e-01, v44;
	v56 =	vmul.f32 v41, v41;
	v54 =	vpop (erf)  }
0x338: {  	v49 =	vadd.f32 $-1.000000000e+00, v49;
	v58 =	vmul.f32 $7.500000000e-01, v39;
	v37 =	vmul.f32 v47, v47;
	v60 =	vpop (erf)  }
0x339: {  	vm13 =	vlt.s32 v53, $0x50;
	v53 =	vmul.f32 $2.857142980e-01, v56;
	v38 =	vmul.f32 v60, v38  }
0x33a: {  	vm12 =	vmmov vm1;
	v49 =	vmul.f32 v54, v49;
	v60 =	vmul.f32 $2.857142980e-01, v45  }
0x33b: {  	v44 =	vmul.f32 v55, v44;
	v53 =	vadd.f32 $4.000000060e-01, v53;
	v54 =	vmul.f32 v38, v38  }
0x33c: {  	v57 =	vmul.f32 v49, v49;
	v52 =	vadd.f32 $4.000000060e-01, v60;
	v60 =	vmul.f32 $2.857142980e-01, v37  }
0x33d: {  	v30 =	vadd.f32 v36, v30;
	v53 =	vmul.f32 v53, v56;
	v59 =	vmul.f32 $2.857142980e-01, v54  }
0x33e: {  	v34 =	vmul.f32 $2.857142980e-01, v57;
	v52 =	vmul.f32 v52, v45;
	v60 =	vadd.f32 $4.000000060e-01, v60  }
0x33f: {  	v39 =	vmul.f32 v58, v39;
	v53 =	vadd.f32 $6.666666860e-01, v53;
	v55 =	vadd.f32 $4.000000060e-01, v59  }
0x340: {  	v34 =	vadd.f32 $4.000000060e-01, v34;
	v52 =	vadd.f32 $6.666666860e-01, v52;
	v58 =	vmul.f32 v60, v37  }
0x341: {  	v28 =	vadd.f32 v33, v28;
	v60 =	vmul.f32 v53, v56;
	v55 =	vmul.f32 v55, v54  }
0x342: {  	v24 =	vadd.f32 v26, v24;
	v34 =	vmul.f32 v34, v57;
	v36 =	vmul.f32 v52, v45  }
0x343: {  	v42 =	vshra.s32 v42, $0x17;
	v45 =	vadd.f32 $2.000000000e+00, v60;
	v55 =	vadd.f32 $6.666666860e-01, v55  }
0x344: {  	v42 =	vadd.s32 $0xFFFFFF81, v42;
	v34 =	vadd.f32 $6.666666860e-01, v34;
	v36 =	vadd.f32 $2.000000000e+00, v36  }
0x345: {  	v58 =	vadd.f32 $6.666666860e-01, v58;
	v60 =	vmul.f32 v45, v41;
	v56 =	vmul.f32 v55, v54  }
0x346: {  	v59 =	vsub.f32 $1.000000000e+00, v35;
	v34 =	vmul.f32 v34, v57;
	v36 =	vmul.f32 v36, v40  }
0x347: {  	v37 =	vmul.f32 v58, v37;
	v55 =	vadd.f32 v60, v43;
	v52 =	vadd.f32 $2.000000000e+00, v56  }
0x348: {  	v42 =	vcvt.s32.f32 v42;
	v34 =	vadd.f32 $2.000000000e+00, v34;
	v36 =	vadd.f32 v36, v48  }
0x349: {  	v54 =	vld [tilespmem:s29+$0x3B80];
	v56 =	vadd.f32 $2.000000000e+00, v37;
	v31 =	vmul.f32 v55, v35;
	v45 =	vmul.f32 v52, v38  }
0x34a: {  	v28 =	vsub.f32 $0.0e+00, v28;
	v52 =	vmul.f32 $6.931471820e-01, v42;
	v36 =	vmul.f32 v36, v59  }
0x34b: {  	v25 =	vadd.f32 v46, v25;
	v34 =	vmul.f32 v34, v49;
	v32 =	vmul.f32 v56, v47  }
0x34c: {  	v24 =	vnsel vm12, $0x0, v24;
	v33 =	vadd.f32 v45, v52;
	v31 =	vadd.f32 v36, v31  }
0x34d: {  	v28 =	vmul.f32 v28, v46;
	v34 =	vadd.f32 v34, v51;
	v32 =	vadd.f32 v32, v50  }
0x34e: {  	vm14 =	veq.f32 v54, $1.000000000e+00;
	v33 =	vsub.f32 $0.0e+00, v33;
	v31 =	vsub.f32 $0.0e+00, v31  }
0x34f: {  	v59 =	vmul.f32 v34, v44;
	v57 =	vsel vm14, $0x3F800000, v23;
	v58 =	vmul.f32 v32, v39  }
0x350: {  	v28 =	vadd.f32 v28, v29;
	v33 =	vnsel vm2, $0x0, v33;
	v60 =	vmul.f32 v31, v57  }
0x351: {  	v25 =	vadd.f32 v57, v25;
	v26 =	vadd.f32 v58, v59;
	v33 =	vmul.f32 v33, v57  }
0x352: {  	v24 =	vadd.f32 v24, v30;
	vm15 =	vmmov vm13;
	v28 =	vadd.f32 v60, v28  }
0x353: {  	[tilespmem:$0x59A0] =	vst v25;
	v26 =	vnsel vm15, $0x0, v26;
	v27 =	vadd.f32 v33, v27  }
0x354: {  	s26 =	sadd.s32 $0x1, s26;
	v24 =	vadd.f32 v26, v24;
	[tilespmem:$0x5990] =	vst v28  }
0x355: {  	p0 =	sne.s32 s26, s20;
	[tilespmem:$0x5980] =	vst v27  }
.Ltmp1:
0x356: {  	[tilespmem:$0x59B0] =	vst v24;
	(pc) =	sbr.rel @p0 .LBB2_1-.Ltmp1, $4  }
0x357: {  	[hbm4b:s19+s2] =	stream.linear.scatter [tilespmem:s24], [sflag:$0x3], $0x40, $0x38;
	[tilespmem:$0x5A00] =	vst v63  }
0x358: {  	_ =	swait.ge [sflag:s25], $0x40  }
0x359: {  	[sflag:s25] =	ssyncset.done $0x0  }
0x35a: {  	[sflag:s25] =	ssyncadd.s32 $0xFFFFFFC0  }
0x35b: {  	_ =	sfence.sel $0x180000  }
0x35c: {  	[bflag:$0x0] =	sbarrier.arrive $0xFFFF  }
0x35d: {  	_ =	strace $0x90000047  }
0x35e: {  	s0 =	stileid.u32;
	[bflag:$0x2] =	sbarrier.arrive $0xFFFF  }
0x35f: {  	p0 =	sne.s32 s0, $0x0;
	s0 =	rddreg [dreg:$0x1]  }
0x360: {  	s0 =	sadd.s32 @!p0 $0x100000, s0  }
0x361: {  	[sflag:s0] =	ssyncadd.tile.s32 @!p0 $0x1;
	_ =	shalt  }
.Lfunc_end2:
_tile_overlayer_lowered:
.L_overlay_start_2:
0x362: {  	(tag) =	ssettag $0x2  }
0x363: {  	s0 =	rddreg [dreg:$0x0];
	s2 =	stileid.u32  }
0x364: {  	s1 =	rddreg [dreg:$0x1];
	p0 =	sne.s32 s2, $0x0  }
0x365: {  	s3 =	rddreg [dreg:$0x2];
	[bflag:$0x3] =	sbarrier.arrive $0xFFFF;
	s2 =	simm.s32 @!p0 $0x1C03  }
0x366: {  	[timem:s3], [sflag:s2] =	dma.local @!p0 [hbm:s0], s1  }
0x367: {  	s0 =	simm.s32 @!p0 $0x3  }
0x368: {  	_ =	swait.ge @!p0 [sflag:s0], s1  }
0x369: {  	s1 =	ssub.s32 @!p0 $0x0, s1;
	[sflag:s0] =	ssyncset.done @!p0 $0x0  }
0x36a: {  	[sflag:s0] =	ssyncadd.s32 @!p0 s1  }
0x36b: {  	[bflag:$0x3] =	sbarrier.arrive $0xFFFF  }
0x36c: {  	_ =	shalt  }

</sc_bundles>
